<compile_context>
chip_gen: v7x
topology: tpu7x:2x2x1
jax: 0.10.2.dev20260603
libtpu: 0.0.44.dev20260713+nightly
codegen_flags: <defaults>
</compile_context>

<pallas_src>
import functools

import jax
import jax.numpy as jnp
from jax import lax
from jax.experimental import pallas as pl
from jax.experimental.pallas import tpu as pltpu
from jax.experimental.pallas import tpu_sc as plsc

N = 10000
E = 320000
NPAD = 10240
NCORES = 2
NSUB = 16
ROWS_PER_TILE = NPAD // NSUB
CHUNK = 256
G = 40
EPAD = NCORES * NSUB * G * CHUNK
STAGE_R = 128


def _make_agg(D):
    mesh = plsc.VectorSubcoreMesh(core_axis_name="c", subcore_axis_name="s")

    @functools.partial(
        pl.kernel,
        out_type=jax.ShapeDtypeStruct((NCORES, NPAD, D), jnp.float32),
        mesh=mesh,
        scratch_types=[
            pltpu.VMEM((3, CHUNK), jnp.int32),
            pltpu.VMEM((3, CHUNK), jnp.int32),
            pltpu.VMEM((2, CHUNK, D), jnp.float32),
            pltpu.VMEM((STAGE_R, D), jnp.float32),
            pltpu.VMEM_SHARED((NPAD, D), jnp.float32),
            pltpu.VMEM_SHARED((NPAD, D), jnp.float32),
            pltpu.SemaphoreType.DMA,
            pltpu.SemaphoreType.DMA,
        ],
        compiler_params=pltpu.CompilerParams(use_tc_tiling_on_sc=False),
    )
    def agg(g_hbm, src_hbm, dst_hbm, zeros_hbm, out_hbm,
            sidx, didx, rows, stage, gspm, acc, gsem, isem):
        cid = lax.axis_index("c")
        sid = lax.axis_index("s")
        rlo = sid * ROWS_PER_TILE
        pltpu.sync_copy(zeros_hbm, stage)
        for k in range(ROWS_PER_TILE // STAGE_R):
            pltpu.sync_copy(stage, acc.at[pl.ds(rlo + k * STAGE_R, STAGE_R)])
        for k in range(ROWS_PER_TILE // STAGE_R):
            lo = rlo + k * STAGE_R
            pltpu.sync_copy(g_hbm.at[pl.ds(lo, STAGE_R)], stage)
            pltpu.sync_copy(stage, gspm.at[pl.ds(lo, STAGE_R)])
        plsc.subcore_barrier()

        def fire_idx(c):
            k = lax.rem(c, 3)
            pltpu.async_copy(src_hbm.at[cid, sid, c], sidx.at[k], isem)
            pltpu.async_copy(dst_hbm.at[cid, sid, c], didx.at[k], isem)

        def wait_idx(c):
            k = lax.rem(c, 3)
            pltpu.make_async_copy(src_hbm.at[cid, sid, c], sidx.at[k], isem).wait()
            pltpu.make_async_copy(dst_hbm.at[cid, sid, c], didx.at[k], isem).wait()

        def fire_gather(c, p):
            pltpu.async_copy(gspm.at[sidx.at[lax.rem(c, 3)]], rows.at[p], gsem)

        def wait_gather(c, p):
            pltpu.make_async_copy(
                gspm.at[sidx.at[lax.rem(c, 3)]], rows.at[p], gsem).wait()

        pltpu.sync_copy(src_hbm.at[cid, sid, 0], sidx.at[0])
        pltpu.sync_copy(dst_hbm.at[cid, sid, 0], didx.at[0])
        fire_idx(1)
        fire_gather(0, 0)

        def chunk_body(c, carry):
            p = lax.rem(c, 2)
            q = 1 - p

            @pl.when(c + 1 < G)
            def _next_gather():
                wait_idx(c + 1)
                @pl.when(c + 2 < G)
                def _prefetch_idx():
                    fire_idx(c + 2)
                fire_gather(c + 1, q)

            wait_gather(c, p)
            pltpu.sync_copy(rows.at[p], acc.at[didx.at[lax.rem(c, 3)]], add=True)
            return carry

        lax.fori_loop(0, G, chunk_body, 0)
        plsc.subcore_barrier()
        for k in range(ROWS_PER_TILE // STAGE_R):
            lo = rlo + k * STAGE_R
            pltpu.sync_copy(acc.at[pl.ds(lo, STAGE_R)], stage)
            pltpu.sync_copy(stage, out_hbm.at[cid, pl.ds(lo, STAGE_R)])

    return agg


_agg64 = _make_agg(64)
_agg32 = _make_agg(32)

_DEG_D = 16


def _make_deg():
    mesh = plsc.VectorSubcoreMesh(core_axis_name="c", subcore_axis_name="s")

    @functools.partial(
        pl.kernel,
        out_type=jax.ShapeDtypeStruct((NCORES, NPAD, _DEG_D), jnp.float32),
        mesh=mesh,
        scratch_types=[
            pltpu.VMEM((2, CHUNK), jnp.int32),
            pltpu.VMEM((CHUNK, _DEG_D), jnp.float32),
            pltpu.VMEM((STAGE_R, _DEG_D), jnp.float32),
            pltpu.VMEM_SHARED((NPAD, _DEG_D), jnp.float32),
            pltpu.SemaphoreType.DMA,
        ],
        compiler_params=pltpu.CompilerParams(use_tc_tiling_on_sc=False),
    )
    def deg(dst_hbm, zeros_hbm, ones_hbm, out_hbm, didx, ones_v, stage, acc, ssem):
        cid = lax.axis_index("c")
        sid = lax.axis_index("s")
        rlo = sid * ROWS_PER_TILE
        pltpu.sync_copy(zeros_hbm, stage)
        for k in range(ROWS_PER_TILE // STAGE_R):
            pltpu.sync_copy(stage, acc.at[pl.ds(rlo + k * STAGE_R, STAGE_R)])
        plsc.subcore_barrier()
        pltpu.sync_copy(ones_hbm, ones_v)
        pltpu.sync_copy(dst_hbm.at[cid, sid, 0], didx.at[0])

        def fire_scatters(p):
            pltpu.async_copy(ones_v, acc.at[didx.at[p]], ssem, add=True)

        def wait_scatters(p):
            pltpu.make_async_copy(ones_v, acc.at[didx.at[p]], ssem).wait()

        def chunk_body(c, carry):
            p = lax.rem(c, 2)
            q = 1 - p

            @pl.when(c >= 1)
            def _drain_prev_scatter():
                wait_scatters(q)

            @pl.when(c + 1 < G)
            def _prefetch():
                pltpu.sync_copy(dst_hbm.at[cid, sid, c + 1], didx.at[q])

            fire_scatters(p)
            return carry

        lax.fori_loop(0, G, chunk_body, 0)
        wait_scatters(1)
        plsc.subcore_barrier()
        for k in range(ROWS_PER_TILE // STAGE_R):
            lo = rlo + k * STAGE_R
            pltpu.sync_copy(acc.at[pl.ds(lo, STAGE_R)], stage)
            pltpu.sync_copy(stage, out_hbm.at[cid, pl.ds(lo, STAGE_R)])

    return deg


_deg_kernel = _make_deg()


def _dinv_from(deg_ref):
    d = deg_ref[0, :, 0:1] + deg_ref[1, :, 0:1] + 1.0
    return lax.rsqrt(jnp.maximum(d, 1e-12))


def _prep_body(deg_ref, x_ref, w_ref, o_ref):
    dinv = _dinv_from(deg_ref)
    h = jnp.dot(x_ref[...], w_ref[...], preferred_element_type=jnp.float32)
    o_ref[...] = h * dinv


def _combine_body(deg_ref, s_ref, g_ref, b_ref, w_ref, o_ref):
    dinv = _dinv_from(deg_ref)
    s = s_ref[0] + s_ref[1] + g_ref[...]
    xn = jnp.maximum(dinv * s + b_ref[...], 0.0)
    o_ref[...] = jnp.dot(xn, w_ref[...], preferred_element_type=jnp.float32) * dinv


def _final_body(deg_ref, s_ref, g_ref, b_ref, wp_ref, bp_ref, o_ref):
    dinv = _dinv_from(deg_ref)
    s = s_ref[0] + s_ref[1] + g_ref[...]
    xn = jnp.maximum(dinv * s + b_ref[...], 0.0)
    o_ref[...] = jnp.dot(xn, wp_ref[...], preferred_element_type=jnp.float32) + bp_ref[...]


def _tc_call(body, out_dim):
    return pl.pallas_call(body, out_shape=jax.ShapeDtypeStruct((NPAD, out_dim), jnp.float32))


def kernel(x, edge_index, W1, b1, W2, b2, W3, b3, Wp, bp):
    src = edge_index[0].astype(jnp.int32)
    dst = edge_index[1].astype(jnp.int32)
    pad = EPAD - E
    srcp = jnp.concatenate([src, jnp.zeros((pad,), jnp.int32)])
    dstp = jnp.concatenate([dst, jnp.full((pad,), N, jnp.int32)])
    src_r = srcp.reshape(NCORES, NSUB, G, CHUNK)
    dst_r = dstp.reshape(NCORES, NSUB, G, CHUNK)

    xp = jnp.zeros((NPAD, x.shape[1]), x.dtype).at[:N].set(x)

    zeros64 = jnp.zeros((STAGE_R, 64), jnp.float32)
    zeros32 = jnp.zeros((STAGE_R, 32), jnp.float32)
    zeros16 = jnp.zeros((STAGE_R, _DEG_D), jnp.float32)
    ones16 = jnp.ones((CHUNK, _DEG_D), jnp.float32)

    degP = _deg_kernel(dst_r, zeros16, ones16)

    g1 = _tc_call(_prep_body, 64)(degP, xp, W1)
    S1 = _agg64(g1, src_r, dst_r, zeros64)
    g2 = _tc_call(_combine_body, 64)(degP, S1, g1, b1.reshape(1, -1), W2)
    S2 = _agg64(g2, src_r, dst_r, zeros64)
    g3 = _tc_call(_combine_body, 32)(degP, S2, g2, b2.reshape(1, -1), W3)
    S3 = _agg32(g3, src_r, dst_r, zeros32)
    y = _tc_call(_final_body, 1)(degP, S3, g3, b3.reshape(1, -1), Wp, bp.reshape(1, 1))
    return y[:N]

# --- scband reference (transcript-rebuilt; emitter-appended) ---
"""Pipeline reference for scband-turbine-gnn-90022514524788 (READ-ONLY COPY).

The authoritative reference and input builder live on the scoring server;
editing this copy changes nothing except your own understanding.
"""

import jax, jax.numpy as jnp
import numpy as np


def gcn_conv(x, edge_index, W, b):
    # Faithful PyG GCNConv: add self-loops, symmetric normalization, linear transform, scatter-add.
    N = x.shape[0]
    src = edge_index[0]
    dst = edge_index[1]
    loop = jnp.arange(N, dtype=src.dtype)
    src = jnp.concatenate([src, loop])
    dst = jnp.concatenate([dst, loop])
    deg = jax.ops.segment_sum(jnp.ones(src.shape[0], dtype=x.dtype), dst, num_segments=N)
    dinv = jax.lax.rsqrt(jnp.maximum(deg, 1e-12))
    norm = dinv[src] * dinv[dst]
    h = x @ W
    msg = h[src] * norm[:, None]
    out = jax.ops.segment_sum(msg, dst, num_segments=N)
    return out + b


def setup_inputs(seed: int = 0) -> dict:
    key = jax.random.key(seed)
    ks = jax.random.split(key, 12)
    N, d_in, hid = 10000, 128, 64
    E = 320000
    x = jax.random.normal(ks[0], (N, d_in), dtype=jnp.float32)
    edge_index = jax.random.randint(ks[1], (2, E), 0, N, dtype=jnp.int64)
    W1 = jax.random.normal(ks[2], (d_in, hid), dtype=jnp.float32) / np.sqrt(d_in)
    b1 = jnp.zeros((hid,), dtype=jnp.float32)
    W2 = jax.random.normal(ks[3], (hid, hid), dtype=jnp.float32) / np.sqrt(hid)
    b2 = jnp.zeros((hid,), dtype=jnp.float32)
    W3 = jax.random.normal(ks[4], (hid, 32), dtype=jnp.float32) / np.sqrt(hid)
    b3 = jnp.zeros((32,), dtype=jnp.float32)
    Wp = jax.random.normal(ks[5], (32, 1), dtype=jnp.float32) / np.sqrt(32)
    bp = jnp.zeros((1,), dtype=jnp.float32)
    return {"x": x, "edge_index": edge_index, "W1": W1, "b1": b1, "W2": W2, "b2": b2, "W3": W3, "b3": b3, "Wp": Wp, "bp": bp}


def reference(x, edge_index, W1, b1, W2, b2, W3, b3, Wp, bp):
    # dropout(p=0.1) is identity in eval mode
    h = jax.nn.relu(gcn_conv(x, edge_index, W1, b1))
    h = jax.nn.relu(gcn_conv(h, edge_index, W2, b2))
    h = jax.nn.relu(gcn_conv(h, edge_index, W3, b3))
    return h @ Wp + bp

if __name__ == "__main__":
    import jax
    _d = setup_inputs()
    print(jax.jit(kernel)(*tuple(_d.values())))

</pallas_src>

<mosaic_0001>
#map = affine_map<(d0, d1) -> (0, 0)>
#map1 = affine_map<(d0, d1) -> (0, 0, 0, 0)>
#map2 = affine_map<(d0, d1) -> (0, 0, 0)>
module attributes {stable_mosaic.version = 14 : i64} {
  func.func @agg(%arg0: i32, %arg1: i32, %arg2: memref<10240x64xf32, #tpu.memory_space<hbm>>, %arg3: memref<2x16x40x256xi32, #tpu.memory_space<hbm>>, %arg4: memref<2x16x40x256xi32, #tpu.memory_space<hbm>>, %arg5: memref<128x64xf32, #tpu.memory_space<hbm>>, %arg6: memref<2x10240x64xf32, #tpu.memory_space<hbm>>, %arg7: memref<3x256xi32, #tpu.memory_space<vmem>>, %arg8: memref<3x256xi32, #tpu.memory_space<vmem>>, %arg9: memref<2x256x64xf32, #tpu.memory_space<vmem>>, %arg10: memref<128x64xf32, #tpu.memory_space<vmem>>, %arg11: memref<10240x64xf32, #tpu.memory_space<vmem_shared>>, %arg12: memref<10240x64xf32, #tpu.memory_space<vmem_shared>>, %arg13: memref<!tpu.dma_semaphore, #tpu.memory_space<semaphore_mem>>, %arg14: memref<!tpu.dma_semaphore, #tpu.memory_space<semaphore_mem>>) attributes {dimension_semantics = [#tpu.dimension_semantics<core_parallel>, #tpu.dimension_semantics<subcore_parallel>], iteration_bounds = array<i64: 2, 16>, scalar_prefetch = 0 : i64, scratch_operands = 8 : i64, tpu.core_type = #tpu.core_type<sc_vector_subcore>, window_params = [{transform_indices = #map}, {transform_indices = #map1}, {transform_indices = #map1}, {transform_indices = #map}, {transform_indices = #map2}]} {
    %mul3A = arith.constant 640 : i32
    %mul3A_0 = arith.muli %arg1, %mul3A : i32
    "tpu.region"() ({
      %run_scoped3A_80 = tpu.sem_alloc : memref<!tpu.dma_semaphore, #tpu.memory_space<semaphore_mem>>
      tpu.enqueue_dma source(%arg5 : memref<128x64xf32, #tpu.memory_space<hbm>>) target(%arg10 : memref<128x64xf32, #tpu.memory_space<vmem>>) target_semaphore(%run_scoped3A_80 : memref<!tpu.dma_semaphore, #tpu.memory_space<semaphore_mem>>)
      tpu.wait_dma2 semaphore(%run_scoped3A_80 : memref<!tpu.dma_semaphore, #tpu.memory_space<semaphore_mem>>) src(%arg5 : memref<128x64xf32, #tpu.memory_space<hbm>>) dst(%arg10 : memref<128x64xf32, #tpu.memory_space<vmem>>)
      tpu.yield
    }) : () -> ()
    %add3A = arith.constant 0 : i32
    %add3A_1 = arith.addi %mul3A_0, %add3A : i32
    "tpu.region"() ({
      %run_scoped3A_80 = tpu.sem_alloc : memref<!tpu.dma_semaphore, #tpu.memory_space<semaphore_mem>>
      %dma_start3A_81 = arith.constant 0 : i32
      %dma_start3A_82 = tpu.memref_slice %arg12[%add3A_1, %dma_start3A_81] : memref<10240x64xf32, #tpu.memory_space<vmem_shared>> -> memref<128x64xf32, #tpu.memory_space<vmem_shared>>
      %dma_start3A_83 = arith.constant 0 : i32
      %dma_start3A_84 = tpu.memref_slice %arg12[%add3A_1, %dma_start3A_83] : memref<10240x64xf32, #tpu.memory_space<vmem_shared>> -> memref<128x64xf32, #tpu.memory_space<vmem_shared>>
      tpu.enqueue_dma source(%arg10 : memref<128x64xf32, #tpu.memory_space<vmem>>) target(%dma_start3A_84 : memref<128x64xf32, #tpu.memory_space<vmem_shared>>) target_semaphore(%run_scoped3A_80 : memref<!tpu.dma_semaphore, #tpu.memory_space<semaphore_mem>>)
      %dma_wait3A = arith.constant 0 : i32
      %dma_wait3A_85 = tpu.memref_slice %arg12[%add3A_1, %dma_wait3A] : memref<10240x64xf32, #tpu.memory_space<vmem_shared>> -> memref<128x64xf32, #tpu.memory_space<vmem_shared>>
      %dma_wait3A_86 = arith.constant 0 : i32
      %dma_wait3A_87 = tpu.memref_slice %arg12[%add3A_1, %dma_wait3A_86] : memref<10240x64xf32, #tpu.memory_space<vmem_shared>> -> memref<128x64xf32, #tpu.memory_space<vmem_shared>>
      tpu.wait_dma2 semaphore(%run_scoped3A_80 : memref<!tpu.dma_semaphore, #tpu.memory_space<semaphore_mem>>) src(%arg10 : memref<128x64xf32, #tpu.memory_space<vmem>>) dst(%dma_wait3A_87 : memref<128x64xf32, #tpu.memory_space<vmem_shared>>)
      tpu.yield
    }) : () -> ()
    %add3A_2 = arith.constant 128 : i32
    %add3A_3 = arith.addi %mul3A_0, %add3A_2 : i32
    "tpu.region"() ({
      %run_scoped3A_80 = tpu.sem_alloc : memref<!tpu.dma_semaphore, #tpu.memory_space<semaphore_mem>>
      %dma_start3A_81 = arith.constant 0 : i32
      %dma_start3A_82 = tpu.memref_slice %arg12[%add3A_3, %dma_start3A_81] : memref<10240x64xf32, #tpu.memory_space<vmem_shared>> -> memref<128x64xf32, #tpu.memory_space<vmem_shared>>
      %dma_start3A_83 = arith.constant 0 : i32
      %dma_start3A_84 = tpu.memref_slice %arg12[%add3A_3, %dma_start3A_83] : memref<10240x64xf32, #tpu.memory_space<vmem_shared>> -> memref<128x64xf32, #tpu.memory_space<vmem_shared>>
      tpu.enqueue_dma source(%arg10 : memref<128x64xf32, #tpu.memory_space<vmem>>) target(%dma_start3A_84 : memref<128x64xf32, #tpu.memory_space<vmem_shared>>) target_semaphore(%run_scoped3A_80 : memref<!tpu.dma_semaphore, #tpu.memory_space<semaphore_mem>>)
      %dma_wait3A = arith.constant 0 : i32
      %dma_wait3A_85 = tpu.memref_slice %arg12[%add3A_3, %dma_wait3A] : memref<10240x64xf32, #tpu.memory_space<vmem_shared>> -> memref<128x64xf32, #tpu.memory_space<vmem_shared>>
      %dma_wait3A_86 = arith.constant 0 : i32
      %dma_wait3A_87 = tpu.memref_slice %arg12[%add3A_3, %dma_wait3A_86] : memref<10240x64xf32, #tpu.memory_space<vmem_shared>> -> memref<128x64xf32, #tpu.memory_space<vmem_shared>>
      tpu.wait_dma2 semaphore(%run_scoped3A_80 : memref<!tpu.dma_semaphore, #tpu.memory_space<semaphore_mem>>) src(%arg10 : memref<128x64xf32, #tpu.memory_space<vmem>>) dst(%dma_wait3A_87 : memref<128x64xf32, #tpu.memory_space<vmem_shared>>)
      tpu.yield
    }) : () -> ()
    %add3A_4 = arith.constant 256 : i32
    %add3A_5 = arith.addi %mul3A_0, %add3A_4 : i32
    "tpu.region"() ({
      %run_scoped3A_80 = tpu.sem_alloc : memref<!tpu.dma_semaphore, #tpu.memory_space<semaphore_mem>>
      %dma_start3A_81 = arith.constant 0 : i32
      %dma_start3A_82 = tpu.memref_slice %arg12[%add3A_5, %dma_start3A_81] : memref<10240x64xf32, #tpu.memory_space<vmem_shared>> -> memref<128x64xf32, #tpu.memory_space<vmem_shared>>
      %dma_start3A_83 = arith.constant 0 : i32
      %dma_start3A_84 = tpu.memref_slice %arg12[%add3A_5, %dma_start3A_83] : memref<10240x64xf32, #tpu.memory_space<vmem_shared>> -> memref<128x64xf32, #tpu.memory_space<vmem_shared>>
      tpu.enqueue_dma source(%arg10 : memref<128x64xf32, #tpu.memory_space<vmem>>) target(%dma_start3A_84 : memref<128x64xf32, #tpu.memory_space<vmem_shared>>) target_semaphore(%run_scoped3A_80 : memref<!tpu.dma_semaphore, #tpu.memory_space<semaphore_mem>>)
      %dma_wait3A = arith.constant 0 : i32
      %dma_wait3A_85 = tpu.memref_slice %arg12[%add3A_5, %dma_wait3A] : memref<10240x64xf32, #tpu.memory_space<vmem_shared>> -> memref<128x64xf32, #tpu.memory_space<vmem_shared>>
      %dma_wait3A_86 = arith.constant 0 : i32
      %dma_wait3A_87 = tpu.memref_slice %arg12[%add3A_5, %dma_wait3A_86] : memref<10240x64xf32, #tpu.memory_space<vmem_shared>> -> memref<128x64xf32, #tpu.memory_space<vmem_shared>>
      tpu.wait_dma2 semaphore(%run_scoped3A_80 : memref<!tpu.dma_semaphore, #tpu.memory_space<semaphore_mem>>) src(%arg10 : memref<128x64xf32, #tpu.memory_space<vmem>>) dst(%dma_wait3A_87 : memref<128x64xf32, #tpu.memory_space<vmem_shared>>)
      tpu.yield
    }) : () -> ()
    %add3A_6 = arith.constant 384 : i32
    %add3A_7 = arith.addi %mul3A_0, %add3A_6 : i32
    "tpu.region"() ({
      %run_scoped3A_80 = tpu.sem_alloc : memref<!tpu.dma_semaphore, #tpu.memory_space<semaphore_mem>>
      %dma_start3A_81 = arith.constant 0 : i32
      %dma_start3A_82 = tpu.memref_slice %arg12[%add3A_7, %dma_start3A_81] : memref<10240x64xf32, #tpu.memory_space<vmem_shared>> -> memref<128x64xf32, #tpu.memory_space<vmem_shared>>
      %dma_start3A_83 = arith.constant 0 : i32
      %dma_start3A_84 = tpu.memref_slice %arg12[%add3A_7, %dma_start3A_83] : memref<10240x64xf32, #tpu.memory_space<vmem_shared>> -> memref<128x64xf32, #tpu.memory_space<vmem_shared>>
      tpu.enqueue_dma source(%arg10 : memref<128x64xf32, #tpu.memory_space<vmem>>) target(%dma_start3A_84 : memref<128x64xf32, #tpu.memory_space<vmem_shared>>) target_semaphore(%run_scoped3A_80 : memref<!tpu.dma_semaphore, #tpu.memory_space<semaphore_mem>>)
      %dma_wait3A = arith.constant 0 : i32
      %dma_wait3A_85 = tpu.memref_slice %arg12[%add3A_7, %dma_wait3A] : memref<10240x64xf32, #tpu.memory_space<vmem_shared>> -> memref<128x64xf32, #tpu.memory_space<vmem_shared>>
      %dma_wait3A_86 = arith.constant 0 : i32
      %dma_wait3A_87 = tpu.memref_slice %arg12[%add3A_7, %dma_wait3A_86] : memref<10240x64xf32, #tpu.memory_space<vmem_shared>> -> memref<128x64xf32, #tpu.memory_space<vmem_shared>>
      tpu.wait_dma2 semaphore(%run_scoped3A_80 : memref<!tpu.dma_semaphore, #tpu.memory_space<semaphore_mem>>) src(%arg10 : memref<128x64xf32, #tpu.memory_space<vmem>>) dst(%dma_wait3A_87 : memref<128x64xf32, #tpu.memory_space<vmem_shared>>)
      tpu.yield
    }) : () -> ()
    %add3A_8 = arith.constant 512 : i32
    %add3A_9 = arith.addi %mul3A_0, %add3A_8 : i32
    "tpu.region"() ({
      %run_scoped3A_80 = tpu.sem_alloc : memref<!tpu.dma_semaphore, #tpu.memory_space<semaphore_mem>>
      %dma_start3A_81 = arith.constant 0 : i32
      %dma_start3A_82 = tpu.memref_slice %arg12[%add3A_9, %dma_start3A_81] : memref<10240x64xf32, #tpu.memory_space<vmem_shared>> -> memref<128x64xf32, #tpu.memory_space<vmem_shared>>
      %dma_start3A_83 = arith.constant 0 : i32
      %dma_start3A_84 = tpu.memref_slice %arg12[%add3A_9, %dma_start3A_83] : memref<10240x64xf32, #tpu.memory_space<vmem_shared>> -> memref<128x64xf32, #tpu.memory_space<vmem_shared>>
      tpu.enqueue_dma source(%arg10 : memref<128x64xf32, #tpu.memory_space<vmem>>) target(%dma_start3A_84 : memref<128x64xf32, #tpu.memory_space<vmem_shared>>) target_semaphore(%run_scoped3A_80 : memref<!tpu.dma_semaphore, #tpu.memory_space<semaphore_mem>>)
      %dma_wait3A = arith.constant 0 : i32
      %dma_wait3A_85 = tpu.memref_slice %arg12[%add3A_9, %dma_wait3A] : memref<10240x64xf32, #tpu.memory_space<vmem_shared>> -> memref<128x64xf32, #tpu.memory_space<vmem_shared>>
      %dma_wait3A_86 = arith.constant 0 : i32
      %dma_wait3A_87 = tpu.memref_slice %arg12[%add3A_9, %dma_wait3A_86] : memref<10240x64xf32, #tpu.memory_space<vmem_shared>> -> memref<128x64xf32, #tpu.memory_space<vmem_shared>>
      tpu.wait_dma2 semaphore(%run_scoped3A_80 : memref<!tpu.dma_semaphore, #tpu.memory_space<semaphore_mem>>) src(%arg10 : memref<128x64xf32, #tpu.memory_space<vmem>>) dst(%dma_wait3A_87 : memref<128x64xf32, #tpu.memory_space<vmem_shared>>)
      tpu.yield
    }) : () -> ()
    %add3A_10 = arith.constant 0 : i32
    %add3A_11 = arith.addi %mul3A_0, %add3A_10 : i32
    "tpu.region"() ({
      %run_scoped3A_80 = tpu.sem_alloc : memref<!tpu.dma_semaphore, #tpu.memory_space<semaphore_mem>>
      %dma_start3A_81 = arith.constant 0 : i32
      %dma_start3A_82 = tpu.memref_slice %arg2[%add3A_11, %dma_start3A_81] : memref<10240x64xf32, #tpu.memory_space<hbm>> -> memref<128x64xf32, #tpu.memory_space<hbm>>
      %dma_start3A_83 = arith.constant 0 : i32
      %dma_start3A_84 = tpu.memref_slice %arg2[%add3A_11, %dma_start3A_83] : memref<10240x64xf32, #tpu.memory_space<hbm>> -> memref<128x64xf32, #tpu.memory_space<hbm>>
      tpu.enqueue_dma source(%dma_start3A_84 : memref<128x64xf32, #tpu.memory_space<hbm>>) target(%arg10 : memref<128x64xf32, #tpu.memory_space<vmem>>) target_semaphore(%run_scoped3A_80 : memref<!tpu.dma_semaphore, #tpu.memory_space<semaphore_mem>>)
      %dma_wait3A = arith.constant 0 : i32
      %dma_wait3A_85 = tpu.memref_slice %arg2[%add3A_11, %dma_wait3A] : memref<10240x64xf32, #tpu.memory_space<hbm>> -> memref<128x64xf32, #tpu.memory_space<hbm>>
      %dma_wait3A_86 = arith.constant 0 : i32
      %dma_wait3A_87 = tpu.memref_slice %arg2[%add3A_11, %dma_wait3A_86] : memref<10240x64xf32, #tpu.memory_space<hbm>> -> memref<128x64xf32, #tpu.memory_space<hbm>>
      tpu.wait_dma2 semaphore(%run_scoped3A_80 : memref<!tpu.dma_semaphore, #tpu.memory_space<semaphore_mem>>) src(%dma_wait3A_87 : memref<128x64xf32, #tpu.memory_space<hbm>>) dst(%arg10 : memref<128x64xf32, #tpu.memory_space<vmem>>)
      tpu.yield
    }) : () -> ()
    "tpu.region"() ({
      %run_scoped3A_80 = tpu.sem_alloc : memref<!tpu.dma_semaphore, #tpu.memory_space<semaphore_mem>>
      %dma_start3A_81 = arith.constant 0 : i32
      %dma_start3A_82 = tpu.memref_slice %arg11[%add3A_11, %dma_start3A_81] : memref<10240x64xf32, #tpu.memory_space<vmem_shared>> -> memref<128x64xf32, #tpu.memory_space<vmem_shared>>
      %dma_start3A_83 = arith.constant 0 : i32
      %dma_start3A_84 = tpu.memref_slice %arg11[%add3A_11, %dma_start3A_83] : memref<10240x64xf32, #tpu.memory_space<vmem_shared>> -> memref<128x64xf32, #tpu.memory_space<vmem_shared>>
      tpu.enqueue_dma source(%arg10 : memref<128x64xf32, #tpu.memory_space<vmem>>) target(%dma_start3A_84 : memref<128x64xf32, #tpu.memory_space<vmem_shared>>) target_semaphore(%run_scoped3A_80 : memref<!tpu.dma_semaphore, #tpu.memory_space<semaphore_mem>>)
      %dma_wait3A = arith.constant 0 : i32
      %dma_wait3A_85 = tpu.memref_slice %arg11[%add3A_11, %dma_wait3A] : memref<10240x64xf32, #tpu.memory_space<vmem_shared>> -> memref<128x64xf32, #tpu.memory_space<vmem_shared>>
      %dma_wait3A_86 = arith.constant 0 : i32
      %dma_wait3A_87 = tpu.memref_slice %arg11[%add3A_11, %dma_wait3A_86] : memref<10240x64xf32, #tpu.memory_space<vmem_shared>> -> memref<128x64xf32, #tpu.memory_space<vmem_shared>>
      tpu.wait_dma2 semaphore(%run_scoped3A_80 : memref<!tpu.dma_semaphore, #tpu.memory_space<semaphore_mem>>) src(%arg10 : memref<128x64xf32, #tpu.memory_space<vmem>>) dst(%dma_wait3A_87 : memref<128x64xf32, #tpu.memory_space<vmem_shared>>)
      tpu.yield
    }) : () -> ()
    %add3A_12 = arith.constant 128 : i32
    %add3A_13 = arith.addi %mul3A_0, %add3A_12 : i32
    "tpu.region"() ({
      %run_scoped3A_80 = tpu.sem_alloc : memref<!tpu.dma_semaphore, #tpu.memory_space<semaphore_mem>>
      %dma_start3A_81 = arith.constant 0 : i32
      %dma_start3A_82 = tpu.memref_slice %arg2[%add3A_13, %dma_start3A_81] : memref<10240x64xf32, #tpu.memory_space<hbm>> -> memref<128x64xf32, #tpu.memory_space<hbm>>
      %dma_start3A_83 = arith.constant 0 : i32
      %dma_start3A_84 = tpu.memref_slice %arg2[%add3A_13, %dma_start3A_83] : memref<10240x64xf32, #tpu.memory_space<hbm>> -> memref<128x64xf32, #tpu.memory_space<hbm>>
      tpu.enqueue_dma source(%dma_start3A_84 : memref<128x64xf32, #tpu.memory_space<hbm>>) target(%arg10 : memref<128x64xf32, #tpu.memory_space<vmem>>) target_semaphore(%run_scoped3A_80 : memref<!tpu.dma_semaphore, #tpu.memory_space<semaphore_mem>>)
      %dma_wait3A = arith.constant 0 : i32
      %dma_wait3A_85 = tpu.memref_slice %arg2[%add3A_13, %dma_wait3A] : memref<10240x64xf32, #tpu.memory_space<hbm>> -> memref<128x64xf32, #tpu.memory_space<hbm>>
      %dma_wait3A_86 = arith.constant 0 : i32
      %dma_wait3A_87 = tpu.memref_slice %arg2[%add3A_13, %dma_wait3A_86] : memref<10240x64xf32, #tpu.memory_space<hbm>> -> memref<128x64xf32, #tpu.memory_space<hbm>>
      tpu.wait_dma2 semaphore(%run_scoped3A_80 : memref<!tpu.dma_semaphore, #tpu.memory_space<semaphore_mem>>) src(%dma_wait3A_87 : memref<128x64xf32, #tpu.memory_space<hbm>>) dst(%arg10 : memref<128x64xf32, #tpu.memory_space<vmem>>)
      tpu.yield
    }) : () -> ()
    "tpu.region"() ({
      %run_scoped3A_80 = tpu.sem_alloc : memref<!tpu.dma_semaphore, #tpu.memory_space<semaphore_mem>>
      %dma_start3A_81 = arith.constant 0 : i32
      %dma_start3A_82 = tpu.memref_slice %arg11[%add3A_13, %dma_start3A_81] : memref<10240x64xf32, #tpu.memory_space<vmem_shared>> -> memref<128x64xf32, #tpu.memory_space<vmem_shared>>
      %dma_start3A_83 = arith.constant 0 : i32
      %dma_start3A_84 = tpu.memref_slice %arg11[%add3A_13, %dma_start3A_83] : memref<10240x64xf32, #tpu.memory_space<vmem_shared>> -> memref<128x64xf32, #tpu.memory_space<vmem_shared>>
      tpu.enqueue_dma source(%arg10 : memref<128x64xf32, #tpu.memory_space<vmem>>) target(%dma_start3A_84 : memref<128x64xf32, #tpu.memory_space<vmem_shared>>) target_semaphore(%run_scoped3A_80 : memref<!tpu.dma_semaphore, #tpu.memory_space<semaphore_mem>>)
      %dma_wait3A = arith.constant 0 : i32
      %dma_wait3A_85 = tpu.memref_slice %arg11[%add3A_13, %dma_wait3A] : memref<10240x64xf32, #tpu.memory_space<vmem_shared>> -> memref<128x64xf32, #tpu.memory_space<vmem_shared>>
      %dma_wait3A_86 = arith.constant 0 : i32
      %dma_wait3A_87 = tpu.memref_slice %arg11[%add3A_13, %dma_wait3A_86] : memref<10240x64xf32, #tpu.memory_space<vmem_shared>> -> memref<128x64xf32, #tpu.memory_space<vmem_shared>>
      tpu.wait_dma2 semaphore(%run_scoped3A_80 : memref<!tpu.dma_semaphore, #tpu.memory_space<semaphore_mem>>) src(%arg10 : memref<128x64xf32, #tpu.memory_space<vmem>>) dst(%dma_wait3A_87 : memref<128x64xf32, #tpu.memory_space<vmem_shared>>)
      tpu.yield
    }) : () -> ()
    %add3A_14 = arith.constant 256 : i32
    %add3A_15 = arith.addi %mul3A_0, %add3A_14 : i32
    "tpu.region"() ({
      %run_scoped3A_80 = tpu.sem_alloc : memref<!tpu.dma_semaphore, #tpu.memory_space<semaphore_mem>>
      %dma_start3A_81 = arith.constant 0 : i32
      %dma_start3A_82 = tpu.memref_slice %arg2[%add3A_15, %dma_start3A_81] : memref<10240x64xf32, #tpu.memory_space<hbm>> -> memref<128x64xf32, #tpu.memory_space<hbm>>
      %dma_start3A_83 = arith.constant 0 : i32
      %dma_start3A_84 = tpu.memref_slice %arg2[%add3A_15, %dma_start3A_83] : memref<10240x64xf32, #tpu.memory_space<hbm>> -> memref<128x64xf32, #tpu.memory_space<hbm>>
      tpu.enqueue_dma source(%dma_start3A_84 : memref<128x64xf32, #tpu.memory_space<hbm>>) target(%arg10 : memref<128x64xf32, #tpu.memory_space<vmem>>) target_semaphore(%run_scoped3A_80 : memref<!tpu.dma_semaphore, #tpu.memory_space<semaphore_mem>>)
      %dma_wait3A = arith.constant 0 : i32
      %dma_wait3A_85 = tpu.memref_slice %arg2[%add3A_15, %dma_wait3A] : memref<10240x64xf32, #tpu.memory_space<hbm>> -> memref<128x64xf32, #tpu.memory_space<hbm>>
      %dma_wait3A_86 = arith.constant 0 : i32
      %dma_wait3A_87 = tpu.memref_slice %arg2[%add3A_15, %dma_wait3A_86] : memref<10240x64xf32, #tpu.memory_space<hbm>> -> memref<128x64xf32, #tpu.memory_space<hbm>>
      tpu.wait_dma2 semaphore(%run_scoped3A_80 : memref<!tpu.dma_semaphore, #tpu.memory_space<semaphore_mem>>) src(%dma_wait3A_87 : memref<128x64xf32, #tpu.memory_space<hbm>>) dst(%arg10 : memref<128x64xf32, #tpu.memory_space<vmem>>)
      tpu.yield
    }) : () -> ()
    "tpu.region"() ({
      %run_scoped3A_80 = tpu.sem_alloc : memref<!tpu.dma_semaphore, #tpu.memory_space<semaphore_mem>>
      %dma_start3A_81 = arith.constant 0 : i32
      %dma_start3A_82 = tpu.memref_slice %arg11[%add3A_15, %dma_start3A_81] : memref<10240x64xf32, #tpu.memory_space<vmem_shared>> -> memref<128x64xf32, #tpu.memory_space<vmem_shared>>
      %dma_start3A_83 = arith.constant 0 : i32
      %dma_start3A_84 = tpu.memref_slice %arg11[%add3A_15, %dma_start3A_83] : memref<10240x64xf32, #tpu.memory_space<vmem_shared>> -> memref<128x64xf32, #tpu.memory_space<vmem_shared>>
      tpu.enqueue_dma source(%arg10 : memref<128x64xf32, #tpu.memory_space<vmem>>) target(%dma_start3A_84 : memref<128x64xf32, #tpu.memory_space<vmem_shared>>) target_semaphore(%run_scoped3A_80 : memref<!tpu.dma_semaphore, #tpu.memory_space<semaphore_mem>>)
      %dma_wait3A = arith.constant 0 : i32
      %dma_wait3A_85 = tpu.memref_slice %arg11[%add3A_15, %dma_wait3A] : memref<10240x64xf32, #tpu.memory_space<vmem_shared>> -> memref<128x64xf32, #tpu.memory_space<vmem_shared>>
      %dma_wait3A_86 = arith.constant 0 : i32
      %dma_wait3A_87 = tpu.memref_slice %arg11[%add3A_15, %dma_wait3A_86] : memref<10240x64xf32, #tpu.memory_space<vmem_shared>> -> memref<128x64xf32, #tpu.memory_space<vmem_shared>>
      tpu.wait_dma2 semaphore(%run_scoped3A_80 : memref<!tpu.dma_semaphore, #tpu.memory_space<semaphore_mem>>) src(%arg10 : memref<128x64xf32, #tpu.memory_space<vmem>>) dst(%dma_wait3A_87 : memref<128x64xf32, #tpu.memory_space<vmem_shared>>)
      tpu.yield
    }) : () -> ()
    %add3A_16 = arith.constant 384 : i32
    %add3A_17 = arith.addi %mul3A_0, %add3A_16 : i32
    "tpu.region"() ({
      %run_scoped3A_80 = tpu.sem_alloc : memref<!tpu.dma_semaphore, #tpu.memory_space<semaphore_mem>>
      %dma_start3A_81 = arith.constant 0 : i32
      %dma_start3A_82 = tpu.memref_slice %arg2[%add3A_17, %dma_start3A_81] : memref<10240x64xf32, #tpu.memory_space<hbm>> -> memref<128x64xf32, #tpu.memory_space<hbm>>
      %dma_start3A_83 = arith.constant 0 : i32
      %dma_start3A_84 = tpu.memref_slice %arg2[%add3A_17, %dma_start3A_83] : memref<10240x64xf32, #tpu.memory_space<hbm>> -> memref<128x64xf32, #tpu.memory_space<hbm>>
      tpu.enqueue_dma source(%dma_start3A_84 : memref<128x64xf32, #tpu.memory_space<hbm>>) target(%arg10 : memref<128x64xf32, #tpu.memory_space<vmem>>) target_semaphore(%run_scoped3A_80 : memref<!tpu.dma_semaphore, #tpu.memory_space<semaphore_mem>>)
      %dma_wait3A = arith.constant 0 : i32
      %dma_wait3A_85 = tpu.memref_slice %arg2[%add3A_17, %dma_wait3A] : memref<10240x64xf32, #tpu.memory_space<hbm>> -> memref<128x64xf32, #tpu.memory_space<hbm>>
      %dma_wait3A_86 = arith.constant 0 : i32
      %dma_wait3A_87 = tpu.memref_slice %arg2[%add3A_17, %dma_wait3A_86] : memref<10240x64xf32, #tpu.memory_space<hbm>> -> memref<128x64xf32, #tpu.memory_space<hbm>>
      tpu.wait_dma2 semaphore(%run_scoped3A_80 : memref<!tpu.dma_semaphore, #tpu.memory_space<semaphore_mem>>) src(%dma_wait3A_87 : memref<128x64xf32, #tpu.memory_space<hbm>>) dst(%arg10 : memref<128x64xf32, #tpu.memory_space<vmem>>)
      tpu.yield
    }) : () -> ()
    "tpu.region"() ({
      %run_scoped3A_80 = tpu.sem_alloc : memref<!tpu.dma_semaphore, #tpu.memory_space<semaphore_mem>>
      %dma_start3A_81 = arith.constant 0 : i32
      %dma_start3A_82 = tpu.memref_slice %arg11[%add3A_17, %dma_start3A_81] : memref<10240x64xf32, #tpu.memory_space<vmem_shared>> -> memref<128x64xf32, #tpu.memory_space<vmem_shared>>
      %dma_start3A_83 = arith.constant 0 : i32
      %dma_start3A_84 = tpu.memref_slice %arg11[%add3A_17, %dma_start3A_83] : memref<10240x64xf32, #tpu.memory_space<vmem_shared>> -> memref<128x64xf32, #tpu.memory_space<vmem_shared>>
      tpu.enqueue_dma source(%arg10 : memref<128x64xf32, #tpu.memory_space<vmem>>) target(%dma_start3A_84 : memref<128x64xf32, #tpu.memory_space<vmem_shared>>) target_semaphore(%run_scoped3A_80 : memref<!tpu.dma_semaphore, #tpu.memory_space<semaphore_mem>>)
      %dma_wait3A = arith.constant 0 : i32
      %dma_wait3A_85 = tpu.memref_slice %arg11[%add3A_17, %dma_wait3A] : memref<10240x64xf32, #tpu.memory_space<vmem_shared>> -> memref<128x64xf32, #tpu.memory_space<vmem_shared>>
      %dma_wait3A_86 = arith.constant 0 : i32
      %dma_wait3A_87 = tpu.memref_slice %arg11[%add3A_17, %dma_wait3A_86] : memref<10240x64xf32, #tpu.memory_space<vmem_shared>> -> memref<128x64xf32, #tpu.memory_space<vmem_shared>>
      tpu.wait_dma2 semaphore(%run_scoped3A_80 : memref<!tpu.dma_semaphore, #tpu.memory_space<semaphore_mem>>) src(%arg10 : memref<128x64xf32, #tpu.memory_space<vmem>>) dst(%dma_wait3A_87 : memref<128x64xf32, #tpu.memory_space<vmem_shared>>)
      tpu.yield
    }) : () -> ()
    %add3A_18 = arith.constant 512 : i32
    %add3A_19 = arith.addi %mul3A_0, %add3A_18 : i32
    "tpu.region"() ({
      %run_scoped3A_80 = tpu.sem_alloc : memref<!tpu.dma_semaphore, #tpu.memory_space<semaphore_mem>>
      %dma_start3A_81 = arith.constant 0 : i32
      %dma_start3A_82 = tpu.memref_slice %arg2[%add3A_19, %dma_start3A_81] : memref<10240x64xf32, #tpu.memory_space<hbm>> -> memref<128x64xf32, #tpu.memory_space<hbm>>
      %dma_start3A_83 = arith.constant 0 : i32
      %dma_start3A_84 = tpu.memref_slice %arg2[%add3A_19, %dma_start3A_83] : memref<10240x64xf32, #tpu.memory_space<hbm>> -> memref<128x64xf32, #tpu.memory_space<hbm>>
      tpu.enqueue_dma source(%dma_start3A_84 : memref<128x64xf32, #tpu.memory_space<hbm>>) target(%arg10 : memref<128x64xf32, #tpu.memory_space<vmem>>) target_semaphore(%run_scoped3A_80 : memref<!tpu.dma_semaphore, #tpu.memory_space<semaphore_mem>>)
      %dma_wait3A = arith.constant 0 : i32
      %dma_wait3A_85 = tpu.memref_slice %arg2[%add3A_19, %dma_wait3A] : memref<10240x64xf32, #tpu.memory_space<hbm>> -> memref<128x64xf32, #tpu.memory_space<hbm>>
      %dma_wait3A_86 = arith.constant 0 : i32
      %dma_wait3A_87 = tpu.memref_slice %arg2[%add3A_19, %dma_wait3A_86] : memref<10240x64xf32, #tpu.memory_space<hbm>> -> memref<128x64xf32, #tpu.memory_space<hbm>>
      tpu.wait_dma2 semaphore(%run_scoped3A_80 : memref<!tpu.dma_semaphore, #tpu.memory_space<semaphore_mem>>) src(%dma_wait3A_87 : memref<128x64xf32, #tpu.memory_space<hbm>>) dst(%arg10 : memref<128x64xf32, #tpu.memory_space<vmem>>)
      tpu.yield
    }) : () -> ()
    "tpu.region"() ({
      %run_scoped3A_80 = tpu.sem_alloc : memref<!tpu.dma_semaphore, #tpu.memory_space<semaphore_mem>>
      %dma_start3A_81 = arith.constant 0 : i32
      %dma_start3A_82 = tpu.memref_slice %arg11[%add3A_19, %dma_start3A_81] : memref<10240x64xf32, #tpu.memory_space<vmem_shared>> -> memref<128x64xf32, #tpu.memory_space<vmem_shared>>
      %dma_start3A_83 = arith.constant 0 : i32
      %dma_start3A_84 = tpu.memref_slice %arg11[%add3A_19, %dma_start3A_83] : memref<10240x64xf32, #tpu.memory_space<vmem_shared>> -> memref<128x64xf32, #tpu.memory_space<vmem_shared>>
      tpu.enqueue_dma source(%arg10 : memref<128x64xf32, #tpu.memory_space<vmem>>) target(%dma_start3A_84 : memref<128x64xf32, #tpu.memory_space<vmem_shared>>) target_semaphore(%run_scoped3A_80 : memref<!tpu.dma_semaphore, #tpu.memory_space<semaphore_mem>>)
      %dma_wait3A = arith.constant 0 : i32
      %dma_wait3A_85 = tpu.memref_slice %arg11[%add3A_19, %dma_wait3A] : memref<10240x64xf32, #tpu.memory_space<vmem_shared>> -> memref<128x64xf32, #tpu.memory_space<vmem_shared>>
      %dma_wait3A_86 = arith.constant 0 : i32
      %dma_wait3A_87 = tpu.memref_slice %arg11[%add3A_19, %dma_wait3A_86] : memref<10240x64xf32, #tpu.memory_space<vmem_shared>> -> memref<128x64xf32, #tpu.memory_space<vmem_shared>>
      tpu.wait_dma2 semaphore(%run_scoped3A_80 : memref<!tpu.dma_semaphore, #tpu.memory_space<semaphore_mem>>) src(%arg10 : memref<128x64xf32, #tpu.memory_space<vmem>>) dst(%dma_wait3A_87 : memref<128x64xf32, #tpu.memory_space<vmem_shared>>)
      tpu.yield
    }) : () -> ()
    %barrier3A = arith.constant 0 : index
    tpu.barrier barrier_id(%barrier3A)
    %run_scoped3A = arith.constant 0 : i32
    %run_scoped3A_20 = arith.constant 0 : i32
    "tpu.region"() ({
      %run_scoped3A_80 = tpu.sem_alloc : memref<!tpu.dma_semaphore, #tpu.memory_space<semaphore_mem>>
      %dma_start3A_81 = arith.constant 0 : i32
      %dma_start3A_82 = tpu.memref_slice %arg7[%run_scoped3A_20, %dma_start3A_81] : memref<3x256xi32, #tpu.memory_space<vmem>> -> memref<1x256xi32, #tpu.memory_space<vmem>>
      %dma_start3A_83 = tpu.memref_squeeze %dma_start3A_82 : memref<1x256xi32, #tpu.memory_space<vmem>> -> memref<256xi32, #tpu.memory_space<vmem>>
      %dma_start3A_84 = arith.constant 0 : i32
      %dma_start3A_85 = tpu.memref_slice %arg3[%arg0, %arg1, %run_scoped3A, %dma_start3A_84] : memref<2x16x40x256xi32, #tpu.memory_space<hbm>> -> memref<1x1x1x256xi32, #tpu.memory_space<hbm>>
      %dma_start3A_86 = tpu.memref_squeeze %dma_start3A_85 : memref<1x1x1x256xi32, #tpu.memory_space<hbm>> -> memref<256xi32, #tpu.memory_space<hbm>>
      %dma_start3A_87 = arith.constant 0 : i32
      %dma_start3A_88 = tpu.memref_slice %arg7[%run_scoped3A_20, %dma_start3A_87] : memref<3x256xi32, #tpu.memory_space<vmem>> -> memref<1x256xi32, #tpu.memory_space<vmem>>
      %dma_start3A_89 = tpu.memref_squeeze %dma_start3A_88 : memref<1x256xi32, #tpu.memory_space<vmem>> -> memref<256xi32, #tpu.memory_space<vmem>>
      %dma_start3A_90 = arith.constant 0 : i32
      %dma_start3A_91 = tpu.memref_slice %arg3[%arg0, %arg1, %run_scoped3A, %dma_start3A_90] : memref<2x16x40x256xi32, #tpu.memory_space<hbm>> -> memref<1x1x1x256xi32, #tpu.memory_space<hbm>>
      %dma_start3A_92 = tpu.memref_squeeze %dma_start3A_91 : memref<1x1x1x256xi32, #tpu.memory_space<hbm>> -> memref<256xi32, #tpu.memory_space<hbm>>
      tpu.enqueue_dma source(%dma_start3A_92 : memref<256xi32, #tpu.memory_space<hbm>>) target(%dma_start3A_89 : memref<256xi32, #tpu.memory_space<vmem>>) target_semaphore(%run_scoped3A_80 : memref<!tpu.dma_semaphore, #tpu.memory_space<semaphore_mem>>)
      %dma_wait3A = arith.constant 0 : i32
      %dma_wait3A_93 = tpu.memref_slice %arg7[%run_scoped3A_20, %dma_wait3A] : memref<3x256xi32, #tpu.memory_space<vmem>> -> memref<1x256xi32, #tpu.memory_space<vmem>>
      %dma_wait3A_94 = tpu.memref_squeeze %dma_wait3A_93 : memref<1x256xi32, #tpu.memory_space<vmem>> -> memref<256xi32, #tpu.memory_space<vmem>>
      %dma_wait3A_95 = arith.constant 0 : i32
      %dma_wait3A_96 = tpu.memref_slice %arg3[%arg0, %arg1, %run_scoped3A, %dma_wait3A_95] : memref<2x16x40x256xi32, #tpu.memory_space<hbm>> -> memref<1x1x1x256xi32, #tpu.memory_space<hbm>>
      %dma_wait3A_97 = tpu.memref_squeeze %dma_wait3A_96 : memref<1x1x1x256xi32, #tpu.memory_space<hbm>> -> memref<256xi32, #tpu.memory_space<hbm>>
      %dma_wait3A_98 = arith.constant 0 : i32
      %dma_wait3A_99 = tpu.memref_slice %arg7[%run_scoped3A_20, %dma_wait3A_98] : memref<3x256xi32, #tpu.memory_space<vmem>> -> memref<1x256xi32, #tpu.memory_space<vmem>>
      %dma_wait3A_100 = tpu.memref_squeeze %dma_wait3A_99 : memref<1x256xi32, #tpu.memory_space<vmem>> -> memref<256xi32, #tpu.memory_space<vmem>>
      %dma_wait3A_101 = arith.constant 0 : i32
      %dma_wait3A_102 = tpu.memref_slice %arg3[%arg0, %arg1, %run_scoped3A, %dma_wait3A_101] : memref<2x16x40x256xi32, #tpu.memory_space<hbm>> -> memref<1x1x1x256xi32, #tpu.memory_space<hbm>>
      %dma_wait3A_103 = tpu.memref_squeeze %dma_wait3A_102 : memref<1x1x1x256xi32, #tpu.memory_space<hbm>> -> memref<256xi32, #tpu.memory_space<hbm>>
      tpu.wait_dma2 semaphore(%run_scoped3A_80 : memref<!tpu.dma_semaphore, #tpu.memory_space<semaphore_mem>>) src(%dma_wait3A_103 : memref<256xi32, #tpu.memory_space<hbm>>) dst(%dma_wait3A_100 : memref<256xi32, #tpu.memory_space<vmem>>)
      tpu.yield
    }) : () -> ()
    %run_scoped3A_21 = arith.constant 0 : i32
    %run_scoped3A_22 = arith.constant 0 : i32
    "tpu.region"() ({
      %run_scoped3A_80 = tpu.sem_alloc : memref<!tpu.dma_semaphore, #tpu.memory_space<semaphore_mem>>
      %dma_start3A_81 = arith.constant 0 : i32
      %dma_start3A_82 = tpu.memref_slice %arg8[%run_scoped3A_22, %dma_start3A_81] : memref<3x256xi32, #tpu.memory_space<vmem>> -> memref<1x256xi32, #tpu.memory_space<vmem>>
      %dma_start3A_83 = tpu.memref_squeeze %dma_start3A_82 : memref<1x256xi32, #tpu.memory_space<vmem>> -> memref<256xi32, #tpu.memory_space<vmem>>
      %dma_start3A_84 = arith.constant 0 : i32
      %dma_start3A_85 = tpu.memref_slice %arg4[%arg0, %arg1, %run_scoped3A_21, %dma_start3A_84] : memref<2x16x40x256xi32, #tpu.memory_space<hbm>> -> memref<1x1x1x256xi32, #tpu.memory_space<hbm>>
      %dma_start3A_86 = tpu.memref_squeeze %dma_start3A_85 : memref<1x1x1x256xi32, #tpu.memory_space<hbm>> -> memref<256xi32, #tpu.memory_space<hbm>>
      %dma_start3A_87 = arith.constant 0 : i32
      %dma_start3A_88 = tpu.memref_slice %arg8[%run_scoped3A_22, %dma_start3A_87] : memref<3x256xi32, #tpu.memory_space<vmem>> -> memref<1x256xi32, #tpu.memory_space<vmem>>
      %dma_start3A_89 = tpu.memref_squeeze %dma_start3A_88 : memref<1x256xi32, #tpu.memory_space<vmem>> -> memref<256xi32, #tpu.memory_space<vmem>>
      %dma_start3A_90 = arith.constant 0 : i32
      %dma_start3A_91 = tpu.memref_slice %arg4[%arg0, %arg1, %run_scoped3A_21, %dma_start3A_90] : memref<2x16x40x256xi32, #tpu.memory_space<hbm>> -> memref<1x1x1x256xi32, #tpu.memory_space<hbm>>
      %dma_start3A_92 = tpu.memref_squeeze %dma_start3A_91 : memref<1x1x1x256xi32, #tpu.memory_space<hbm>> -> memref<256xi32, #tpu.memory_space<hbm>>
      tpu.enqueue_dma source(%dma_start3A_92 : memref<256xi32, #tpu.memory_space<hbm>>) target(%dma_start3A_89 : memref<256xi32, #tpu.memory_space<vmem>>) target_semaphore(%run_scoped3A_80 : memref<!tpu.dma_semaphore, #tpu.memory_space<semaphore_mem>>)
      %dma_wait3A = arith.constant 0 : i32
      %dma_wait3A_93 = tpu.memref_slice %arg8[%run_scoped3A_22, %dma_wait3A] : memref<3x256xi32, #tpu.memory_space<vmem>> -> memref<1x256xi32, #tpu.memory_space<vmem>>
      %dma_wait3A_94 = tpu.memref_squeeze %dma_wait3A_93 : memref<1x256xi32, #tpu.memory_space<vmem>> -> memref<256xi32, #tpu.memory_space<vmem>>
      %dma_wait3A_95 = arith.constant 0 : i32
      %dma_wait3A_96 = tpu.memref_slice %arg4[%arg0, %arg1, %run_scoped3A_21, %dma_wait3A_95] : memref<2x16x40x256xi32, #tpu.memory_space<hbm>> -> memref<1x1x1x256xi32, #tpu.memory_space<hbm>>
      %dma_wait3A_97 = tpu.memref_squeeze %dma_wait3A_96 : memref<1x1x1x256xi32, #tpu.memory_space<hbm>> -> memref<256xi32, #tpu.memory_space<hbm>>
      %dma_wait3A_98 = arith.constant 0 : i32
      %dma_wait3A_99 = tpu.memref_slice %arg8[%run_scoped3A_22, %dma_wait3A_98] : memref<3x256xi32, #tpu.memory_space<vmem>> -> memref<1x256xi32, #tpu.memory_space<vmem>>
      %dma_wait3A_100 = tpu.memref_squeeze %dma_wait3A_99 : memref<1x256xi32, #tpu.memory_space<vmem>> -> memref<256xi32, #tpu.memory_space<vmem>>
      %dma_wait3A_101 = arith.constant 0 : i32
      %dma_wait3A_102 = tpu.memref_slice %arg4[%arg0, %arg1, %run_scoped3A_21, %dma_wait3A_101] : memref<2x16x40x256xi32, #tpu.memory_space<hbm>> -> memref<1x1x1x256xi32, #tpu.memory_space<hbm>>
      %dma_wait3A_103 = tpu.memref_squeeze %dma_wait3A_102 : memref<1x1x1x256xi32, #tpu.memory_space<hbm>> -> memref<256xi32, #tpu.memory_space<hbm>>
      tpu.wait_dma2 semaphore(%run_scoped3A_80 : memref<!tpu.dma_semaphore, #tpu.memory_space<semaphore_mem>>) src(%dma_wait3A_103 : memref<256xi32, #tpu.memory_space<hbm>>) dst(%dma_wait3A_100 : memref<256xi32, #tpu.memory_space<vmem>>)
      tpu.yield
    }) : () -> ()
    %rem3A = arith.constant 1 : i32
    %rem3A_23 = arith.constant 3 : i32
    %rem3A_24 = arith.remsi %rem3A, %rem3A_23 : i32
    %dma_start3A = arith.constant 1 : i32
    %dma_start3A_25 = arith.constant 0 : i32
    %dma_start3A_26 = tpu.memref_slice %arg7[%rem3A_24, %dma_start3A_25] : memref<3x256xi32, #tpu.memory_space<vmem>> -> memref<1x256xi32, #tpu.memory_space<vmem>>
    %dma_start3A_27 = tpu.memref_squeeze %dma_start3A_26 : memref<1x256xi32, #tpu.memory_space<vmem>> -> memref<256xi32, #tpu.memory_space<vmem>>
    %dma_start3A_28 = arith.constant 0 : i32
    %dma_start3A_29 = tpu.memref_slice %arg3[%arg0, %arg1, %dma_start3A, %dma_start3A_28] : memref<2x16x40x256xi32, #tpu.memory_space<hbm>> -> memref<1x1x1x256xi32, #tpu.memory_space<hbm>>
    %dma_start3A_30 = tpu.memref_squeeze %dma_start3A_29 : memref<1x1x1x256xi32, #tpu.memory_space<hbm>> -> memref<256xi32, #tpu.memory_space<hbm>>
    %dma_start3A_31 = arith.constant 0 : i32
    %dma_start3A_32 = tpu.memref_slice %arg7[%rem3A_24, %dma_start3A_31] : memref<3x256xi32, #tpu.memory_space<vmem>> -> memref<1x256xi32, #tpu.memory_space<vmem>>
    %dma_start3A_33 = tpu.memref_squeeze %dma_start3A_32 : memref<1x256xi32, #tpu.memory_space<vmem>> -> memref<256xi32, #tpu.memory_space<vmem>>
    %dma_start3A_34 = arith.constant 0 : i32
    %dma_start3A_35 = tpu.memref_slice %arg3[%arg0, %arg1, %dma_start3A, %dma_start3A_34] : memref<2x16x40x256xi32, #tpu.memory_space<hbm>> -> memref<1x1x1x256xi32, #tpu.memory_space<hbm>>
    %dma_start3A_36 = tpu.memref_squeeze %dma_start3A_35 : memref<1x1x1x256xi32, #tpu.memory_space<hbm>> -> memref<256xi32, #tpu.memory_space<hbm>>
    tpu.enqueue_dma source(%dma_start3A_36 : memref<256xi32, #tpu.memory_space<hbm>>) target(%dma_start3A_33 : memref<256xi32, #tpu.memory_space<vmem>>) target_semaphore(%arg14 : memref<!tpu.dma_semaphore, #tpu.memory_space<semaphore_mem>>)
    %dma_start3A_37 = arith.constant 1 : i32
    %dma_start3A_38 = arith.constant 0 : i32
    %dma_start3A_39 = tpu.memref_slice %arg8[%rem3A_24, %dma_start3A_38] : memref<3x256xi32, #tpu.memory_space<vmem>> -> memref<1x256xi32, #tpu.memory_space<vmem>>
    %dma_start3A_40 = tpu.memref_squeeze %dma_start3A_39 : memref<1x256xi32, #tpu.memory_space<vmem>> -> memref<256xi32, #tpu.memory_space<vmem>>
    %dma_start3A_41 = arith.constant 0 : i32
    %dma_start3A_42 = tpu.memref_slice %arg4[%arg0, %arg1, %dma_start3A_37, %dma_start3A_41] : memref<2x16x40x256xi32, #tpu.memory_space<hbm>> -> memref<1x1x1x256xi32, #tpu.memory_space<hbm>>
    %dma_start3A_43 = tpu.memref_squeeze %dma_start3A_42 : memref<1x1x1x256xi32, #tpu.memory_space<hbm>> -> memref<256xi32, #tpu.memory_space<hbm>>
    %dma_start3A_44 = arith.constant 0 : i32
    %dma_start3A_45 = tpu.memref_slice %arg8[%rem3A_24, %dma_start3A_44] : memref<3x256xi32, #tpu.memory_space<vmem>> -> memref<1x256xi32, #tpu.memory_space<vmem>>
    %dma_start3A_46 = tpu.memref_squeeze %dma_start3A_45 : memref<1x256xi32, #tpu.memory_space<vmem>> -> memref<256xi32, #tpu.memory_space<vmem>>
    %dma_start3A_47 = arith.constant 0 : i32
    %dma_start3A_48 = tpu.memref_slice %arg4[%arg0, %arg1, %dma_start3A_37, %dma_start3A_47] : memref<2x16x40x256xi32, #tpu.memory_space<hbm>> -> memref<1x1x1x256xi32, #tpu.memory_space<hbm>>
    %dma_start3A_49 = tpu.memref_squeeze %dma_start3A_48 : memref<1x1x1x256xi32, #tpu.memory_space<hbm>> -> memref<256xi32, #tpu.memory_space<hbm>>
    tpu.enqueue_dma source(%dma_start3A_49 : memref<256xi32, #tpu.memory_space<hbm>>) target(%dma_start3A_46 : memref<256xi32, #tpu.memory_space<vmem>>) target_semaphore(%arg14 : memref<!tpu.dma_semaphore, #tpu.memory_space<semaphore_mem>>)
    %rem3A_50 = arith.constant 0 : i32
    %rem3A_51 = arith.constant 3 : i32
    %rem3A_52 = arith.remsi %rem3A_50, %rem3A_51 : i32
    %dma_start3A_53 = arith.constant 0 : i32
    %dma_start3A_54 = arith.constant 0 : i32
    %dma_start3A_55 = arith.constant 0 : i32
    %dma_start3A_56 = tpu.memref_slice %arg9[%dma_start3A_53, %dma_start3A_54, %dma_start3A_55] : memref<2x256x64xf32, #tpu.memory_space<vmem>> -> memref<1x256x64xf32, #tpu.memory_space<vmem>>
    %dma_start3A_57 = tpu.memref_squeeze %dma_start3A_56 : memref<1x256x64xf32, #tpu.memory_space<vmem>> -> memref<256x64xf32, #tpu.memory_space<vmem>>
    %dma_start3A_58 = arith.constant 0 : i32
    %dma_start3A_59 = tpu.memref_slice %arg7[%rem3A_52, %dma_start3A_58] : memref<3x256xi32, #tpu.memory_space<vmem>> -> memref<1x256xi32, #tpu.memory_space<vmem>>
    %dma_start3A_60 = tpu.memref_squeeze %dma_start3A_59 : memref<1x256xi32, #tpu.memory_space<vmem>> -> memref<256xi32, #tpu.memory_space<vmem>>
    %dma_start3A_61 = arith.constant 0 : i32
    %dma_start3A_62 = arith.constant 0 : i32
    %dma_start3A_63 = tpu.memref_slice %arg11[%dma_start3A_61, %dma_start3A_62] : memref<10240x64xf32, #tpu.memory_space<vmem_shared>> -> memref<10240x64xf32, #tpu.memory_space<vmem_shared>>
    tpu.enqueue_indirect_dma source(%dma_start3A_63 : memref<10240x64xf32, #tpu.memory_space<vmem_shared>>) target(%dma_start3A_57 : memref<256x64xf32, #tpu.memory_space<vmem>>) offsets(%dma_start3A_60 : memref<256xi32, #tpu.memory_space<vmem>>) semaphore(%arg13 : memref<!tpu.dma_semaphore, #tpu.memory_space<semaphore_mem>>)
    %scan3A = arith.constant 0 : i32
    %scan3A_64 = arith.constant 0 : i32
    %scan3A_65 = arith.constant 40 : i32
    %scan3A_66 = arith.addi %scan3A_64, %scan3A_65 : i32
    %scan3A_67 = arith.constant 1 : i32
    scf.for %scan3A_80 = %scan3A_64 to %scan3A_66 step %scan3A_67  : i32 {
      %rem3A_81 = arith.constant 2 : i32
      %rem3A_82 = arith.remsi %scan3A_80, %rem3A_81 : i32
      %sub3A = arith.constant 1 : i32
      %sub3A_83 = arith.subi %sub3A, %rem3A_82 : i32
      %add3A_84 = arith.constant 1 : i32
      %add3A_85 = arith.addi %scan3A_80, %add3A_84 : i32
      %lt3A = arith.constant 40 : i32
      %lt3A_86 = arith.cmpi slt, %add3A_85, %lt3A : i32
      %convert_element_type3A = arith.extui %lt3A_86 : i1 to i32
      %cond3A = arith.constant 0 : i32
      %cond3A_87 = arith.cmpi ne, %convert_element_type3A, %cond3A : i32
      scf.if %cond3A_87 {
        %add3A_101 = arith.constant 1 : i32
        %add3A_102 = arith.addi %scan3A_80, %add3A_101 : i32
        %rem3A_103 = arith.constant 3 : i32
        %rem3A_104 = arith.remsi %add3A_102, %rem3A_103 : i32
        %dma_wait3A_105 = arith.constant 0 : i32
        %dma_wait3A_106 = tpu.memref_slice %arg7[%rem3A_104, %dma_wait3A_105] : memref<3x256xi32, #tpu.memory_space<vmem>> -> memref<1x256xi32, #tpu.memory_space<vmem>>
        %dma_wait3A_107 = tpu.memref_squeeze %dma_wait3A_106 : memref<1x256xi32, #tpu.memory_space<vmem>> -> memref<256xi32, #tpu.memory_space<vmem>>
        %dma_wait3A_108 = arith.constant 0 : i32
        %dma_wait3A_109 = tpu.memref_slice %arg3[%arg0, %arg1, %add3A_102, %dma_wait3A_108] : memref<2x16x40x256xi32, #tpu.memory_space<hbm>> -> memref<1x1x1x256xi32, #tpu.memory_space<hbm>>
        %dma_wait3A_110 = tpu.memref_squeeze %dma_wait3A_109 : memref<1x1x1x256xi32, #tpu.memory_space<hbm>> -> memref<256xi32, #tpu.memory_space<hbm>>
        %dma_wait3A_111 = arith.constant 0 : i32
        %dma_wait3A_112 = tpu.memref_slice %arg7[%rem3A_104, %dma_wait3A_111] : memref<3x256xi32, #tpu.memory_space<vmem>> -> memref<1x256xi32, #tpu.memory_space<vmem>>
        %dma_wait3A_113 = tpu.memref_squeeze %dma_wait3A_112 : memref<1x256xi32, #tpu.memory_space<vmem>> -> memref<256xi32, #tpu.memory_space<vmem>>
        %dma_wait3A_114 = arith.constant 0 : i32
        %dma_wait3A_115 = tpu.memref_slice %arg3[%arg0, %arg1, %add3A_102, %dma_wait3A_114] : memref<2x16x40x256xi32, #tpu.memory_space<hbm>> -> memref<1x1x1x256xi32, #tpu.memory_space<hbm>>
        %dma_wait3A_116 = tpu.memref_squeeze %dma_wait3A_115 : memref<1x1x1x256xi32, #tpu.memory_space<hbm>> -> memref<256xi32, #tpu.memory_space<hbm>>
        tpu.wait_dma2 semaphore(%arg14 : memref<!tpu.dma_semaphore, #tpu.memory_space<semaphore_mem>>) src(%dma_wait3A_116 : memref<256xi32, #tpu.memory_space<hbm>>) dst(%dma_wait3A_113 : memref<256xi32, #tpu.memory_space<vmem>>)
        %dma_wait3A_117 = arith.constant 0 : i32
        %dma_wait3A_118 = tpu.memref_slice %arg8[%rem3A_104, %dma_wait3A_117] : memref<3x256xi32, #tpu.memory_space<vmem>> -> memref<1x256xi32, #tpu.memory_space<vmem>>
        %dma_wait3A_119 = tpu.memref_squeeze %dma_wait3A_118 : memref<1x256xi32, #tpu.memory_space<vmem>> -> memref<256xi32, #tpu.memory_space<vmem>>
        %dma_wait3A_120 = arith.constant 0 : i32
        %dma_wait3A_121 = tpu.memref_slice %arg4[%arg0, %arg1, %add3A_102, %dma_wait3A_120] : memref<2x16x40x256xi32, #tpu.memory_space<hbm>> -> memref<1x1x1x256xi32, #tpu.memory_space<hbm>>
        %dma_wait3A_122 = tpu.memref_squeeze %dma_wait3A_121 : memref<1x1x1x256xi32, #tpu.memory_space<hbm>> -> memref<256xi32, #tpu.memory_space<hbm>>
        %dma_wait3A_123 = arith.constant 0 : i32
        %dma_wait3A_124 = tpu.memref_slice %arg8[%rem3A_104, %dma_wait3A_123] : memref<3x256xi32, #tpu.memory_space<vmem>> -> memref<1x256xi32, #tpu.memory_space<vmem>>
        %dma_wait3A_125 = tpu.memref_squeeze %dma_wait3A_124 : memref<1x256xi32, #tpu.memory_space<vmem>> -> memref<256xi32, #tpu.memory_space<vmem>>
        %dma_wait3A_126 = arith.constant 0 : i32
        %dma_wait3A_127 = tpu.memref_slice %arg4[%arg0, %arg1, %add3A_102, %dma_wait3A_126] : memref<2x16x40x256xi32, #tpu.memory_space<hbm>> -> memref<1x1x1x256xi32, #tpu.memory_space<hbm>>
        %dma_wait3A_128 = tpu.memref_squeeze %dma_wait3A_127 : memref<1x1x1x256xi32, #tpu.memory_space<hbm>> -> memref<256xi32, #tpu.memory_space<hbm>>
        tpu.wait_dma2 semaphore(%arg14 : memref<!tpu.dma_semaphore, #tpu.memory_space<semaphore_mem>>) src(%dma_wait3A_128 : memref<256xi32, #tpu.memory_space<hbm>>) dst(%dma_wait3A_125 : memref<256xi32, #tpu.memory_space<vmem>>)
        %add3A_129 = arith.constant 2 : i32
        %add3A_130 = arith.addi %scan3A_80, %add3A_129 : i32
        %lt3A_131 = arith.constant 40 : i32
        %lt3A_132 = arith.cmpi slt, %add3A_130, %lt3A_131 : i32
        %convert_element_type3A_133 = arith.extui %lt3A_132 : i1 to i32
        %cond3A_134 = arith.constant 0 : i32
        %cond3A_135 = arith.cmpi ne, %convert_element_type3A_133, %cond3A_134 : i32
        scf.if %cond3A_135 {
          %add3A_150 = arith.constant 2 : i32
          %add3A_151 = arith.addi %scan3A_80, %add3A_150 : i32
          %rem3A_152 = arith.constant 3 : i32
          %rem3A_153 = arith.remsi %add3A_151, %rem3A_152 : i32
          %dma_start3A_154 = arith.constant 0 : i32
          %dma_start3A_155 = tpu.memref_slice %arg7[%rem3A_153, %dma_start3A_154] : memref<3x256xi32, #tpu.memory_space<vmem>> -> memref<1x256xi32, #tpu.memory_space<vmem>>
          %dma_start3A_156 = tpu.memref_squeeze %dma_start3A_155 : memref<1x256xi32, #tpu.memory_space<vmem>> -> memref<256xi32, #tpu.memory_space<vmem>>
          %dma_start3A_157 = arith.constant 0 : i32
          %dma_start3A_158 = tpu.memref_slice %arg3[%arg0, %arg1, %add3A_151, %dma_start3A_157] : memref<2x16x40x256xi32, #tpu.memory_space<hbm>> -> memref<1x1x1x256xi32, #tpu.memory_space<hbm>>
          %dma_start3A_159 = tpu.memref_squeeze %dma_start3A_158 : memref<1x1x1x256xi32, #tpu.memory_space<hbm>> -> memref<256xi32, #tpu.memory_space<hbm>>
          %dma_start3A_160 = arith.constant 0 : i32
          %dma_start3A_161 = tpu.memref_slice %arg7[%rem3A_153, %dma_start3A_160] : memref<3x256xi32, #tpu.memory_space<vmem>> -> memref<1x256xi32, #tpu.memory_space<vmem>>
          %dma_start3A_162 = tpu.memref_squeeze %dma_start3A_161 : memref<1x256xi32, #tpu.memory_space<vmem>> -> memref<256xi32, #tpu.memory_space<vmem>>
          %dma_start3A_163 = arith.constant 0 : i32
          %dma_start3A_164 = tpu.memref_slice %arg3[%arg0, %arg1, %add3A_151, %dma_start3A_163] : memref<2x16x40x256xi32, #tpu.memory_space<hbm>> -> memref<1x1x1x256xi32, #tpu.memory_space<hbm>>
          %dma_start3A_165 = tpu.memref_squeeze %dma_start3A_164 : memref<1x1x1x256xi32, #tpu.memory_space<hbm>> -> memref<256xi32, #tpu.memory_space<hbm>>
          tpu.enqueue_dma source(%dma_start3A_165 : memref<256xi32, #tpu.memory_space<hbm>>) target(%dma_start3A_162 : memref<256xi32, #tpu.memory_space<vmem>>) target_semaphore(%arg14 : memref<!tpu.dma_semaphore, #tpu.memory_space<semaphore_mem>>)
          %dma_start3A_166 = arith.constant 0 : i32
          %dma_start3A_167 = tpu.memref_slice %arg8[%rem3A_153, %dma_start3A_166] : memref<3x256xi32, #tpu.memory_space<vmem>> -> memref<1x256xi32, #tpu.memory_space<vmem>>
          %dma_start3A_168 = tpu.memref_squeeze %dma_start3A_167 : memref<1x256xi32, #tpu.memory_space<vmem>> -> memref<256xi32, #tpu.memory_space<vmem>>
          %dma_start3A_169 = arith.constant 0 : i32
          %dma_start3A_170 = tpu.memref_slice %arg4[%arg0, %arg1, %add3A_151, %dma_start3A_169] : memref<2x16x40x256xi32, #tpu.memory_space<hbm>> -> memref<1x1x1x256xi32, #tpu.memory_space<hbm>>
          %dma_start3A_171 = tpu.memref_squeeze %dma_start3A_170 : memref<1x1x1x256xi32, #tpu.memory_space<hbm>> -> memref<256xi32, #tpu.memory_space<hbm>>
          %dma_start3A_172 = arith.constant 0 : i32
          %dma_start3A_173 = tpu.memref_slice %arg8[%rem3A_153, %dma_start3A_172] : memref<3x256xi32, #tpu.memory_space<vmem>> -> memref<1x256xi32, #tpu.memory_space<vmem>>
          %dma_start3A_174 = tpu.memref_squeeze %dma_start3A_173 : memref<1x256xi32, #tpu.memory_space<vmem>> -> memref<256xi32, #tpu.memory_space<vmem>>
          %dma_start3A_175 = arith.constant 0 : i32
          %dma_start3A_176 = tpu.memref_slice %arg4[%arg0, %arg1, %add3A_151, %dma_start3A_175] : memref<2x16x40x256xi32, #tpu.memory_space<hbm>> -> memref<1x1x1x256xi32, #tpu.memory_space<hbm>>
          %dma_start3A_177 = tpu.memref_squeeze %dma_start3A_176 : memref<1x1x1x256xi32, #tpu.memory_space<hbm>> -> memref<256xi32, #tpu.memory_space<hbm>>
          tpu.enqueue_dma source(%dma_start3A_177 : memref<256xi32, #tpu.memory_space<hbm>>) target(%dma_start3A_174 : memref<256xi32, #tpu.memory_space<vmem>>) target_semaphore(%arg14 : memref<!tpu.dma_semaphore, #tpu.memory_space<semaphore_mem>>)
        } else {
        }
        %add3A_136 = arith.constant 1 : i32
        %add3A_137 = arith.addi %scan3A_80, %add3A_136 : i32
        %rem3A_138 = arith.constant 3 : i32
        %rem3A_139 = arith.remsi %add3A_137, %rem3A_138 : i32
        %dma_start3A_140 = arith.constant 0 : i32
        %dma_start3A_141 = arith.constant 0 : i32
        %dma_start3A_142 = tpu.memref_slice %arg9[%sub3A_83, %dma_start3A_140, %dma_start3A_141] : memref<2x256x64xf32, #tpu.memory_space<vmem>> -> memref<1x256x64xf32, #tpu.memory_space<vmem>>
        %dma_start3A_143 = tpu.memref_squeeze %dma_start3A_142 : memref<1x256x64xf32, #tpu.memory_space<vmem>> -> memref<256x64xf32, #tpu.memory_space<vmem>>
        %dma_start3A_144 = arith.constant 0 : i32
        %dma_start3A_145 = tpu.memref_slice %arg7[%rem3A_139, %dma_start3A_144] : memref<3x256xi32, #tpu.memory_space<vmem>> -> memref<1x256xi32, #tpu.memory_space<vmem>>
        %dma_start3A_146 = tpu.memref_squeeze %dma_start3A_145 : memref<1x256xi32, #tpu.memory_space<vmem>> -> memref<256xi32, #tpu.memory_space<vmem>>
        %dma_start3A_147 = arith.constant 0 : i32
        %dma_start3A_148 = arith.constant 0 : i32
        %dma_start3A_149 = tpu.memref_slice %arg11[%dma_start3A_147, %dma_start3A_148] : memref<10240x64xf32, #tpu.memory_space<vmem_shared>> -> memref<10240x64xf32, #tpu.memory_space<vmem_shared>>
        tpu.enqueue_indirect_dma source(%dma_start3A_149 : memref<10240x64xf32, #tpu.memory_space<vmem_shared>>) target(%dma_start3A_143 : memref<256x64xf32, #tpu.memory_space<vmem>>) offsets(%dma_start3A_146 : memref<256xi32, #tpu.memory_space<vmem>>) semaphore(%arg13 : memref<!tpu.dma_semaphore, #tpu.memory_space<semaphore_mem>>)
      } else {
      }
      %rem3A_88 = arith.constant 3 : i32
      %rem3A_89 = arith.remsi %scan3A_80, %rem3A_88 : i32
      %dma_wait3A = arith.constant 0 : i32
      %dma_wait3A_90 = arith.constant 0 : i32
      %dma_wait3A_91 = tpu.memref_slice %arg9[%rem3A_82, %dma_wait3A, %dma_wait3A_90] : memref<2x256x64xf32, #tpu.memory_space<vmem>> -> memref<1x256x64xf32, #tpu.memory_space<vmem>>
      %dma_wait3A_92 = tpu.memref_squeeze %dma_wait3A_91 : memref<1x256x64xf32, #tpu.memory_space<vmem>> -> memref<256x64xf32, #tpu.memory_space<vmem>>
      %dma_wait3A_93 = arith.constant 0 : i32
      %dma_wait3A_94 = tpu.memref_slice %arg7[%rem3A_89, %dma_wait3A_93] : memref<3x256xi32, #tpu.memory_space<vmem>> -> memref<1x256xi32, #tpu.memory_space<vmem>>
      %dma_wait3A_95 = tpu.memref_squeeze %dma_wait3A_94 : memref<1x256xi32, #tpu.memory_space<vmem>> -> memref<256xi32, #tpu.memory_space<vmem>>
      %dma_wait3A_96 = arith.constant 0 : i32
      %dma_wait3A_97 = arith.constant 0 : i32
      %dma_wait3A_98 = tpu.memref_slice %arg11[%dma_wait3A_96, %dma_wait3A_97] : memref<10240x64xf32, #tpu.memory_space<vmem_shared>> -> memref<10240x64xf32, #tpu.memory_space<vmem_shared>>
      tpu.wait_indirect_dma semaphore(%arg13 : memref<!tpu.dma_semaphore, #tpu.memory_space<semaphore_mem>>) src(%dma_wait3A_98 : memref<10240x64xf32, #tpu.memory_space<vmem_shared>>) dst(%dma_wait3A_92 : memref<256x64xf32, #tpu.memory_space<vmem>>)
      %rem3A_99 = arith.constant 3 : i32
      %rem3A_100 = arith.remsi %scan3A_80, %rem3A_99 : i32
      "tpu.region"() ({
        %run_scoped3A_101 = tpu.sem_alloc : memref<!tpu.dma_semaphore, #tpu.memory_space<semaphore_mem>>
        %dma_start3A_102 = arith.constant 0 : i32
        %dma_start3A_103 = arith.constant 0 : i32
        %dma_start3A_104 = tpu.memref_slice %arg9[%rem3A_82, %dma_start3A_102, %dma_start3A_103] : memref<2x256x64xf32, #tpu.memory_space<vmem>> -> memref<1x256x64xf32, #tpu.memory_space<vmem>>
        %dma_start3A_105 = tpu.memref_squeeze %dma_start3A_104 : memref<1x256x64xf32, #tpu.memory_space<vmem>> -> memref<256x64xf32, #tpu.memory_space<vmem>>
        %dma_start3A_106 = arith.constant 0 : i32
        %dma_start3A_107 = tpu.memref_slice %arg8[%rem3A_100, %dma_start3A_106] : memref<3x256xi32, #tpu.memory_space<vmem>> -> memref<1x256xi32, #tpu.memory_space<vmem>>
        %dma_start3A_108 = tpu.memref_squeeze %dma_start3A_107 : memref<1x256xi32, #tpu.memory_space<vmem>> -> memref<256xi32, #tpu.memory_space<vmem>>
        %dma_start3A_109 = arith.constant 0 : i32
        %dma_start3A_110 = arith.constant 0 : i32
        %dma_start3A_111 = tpu.memref_slice %arg12[%dma_start3A_109, %dma_start3A_110] : memref<10240x64xf32, #tpu.memory_space<vmem_shared>> -> memref<10240x64xf32, #tpu.memory_space<vmem_shared>>
        tpu.enqueue_indirect_dma source(%dma_start3A_105 : memref<256x64xf32, #tpu.memory_space<vmem>>) target(%dma_start3A_111 : memref<10240x64xf32, #tpu.memory_space<vmem_shared>>) offsets(%dma_start3A_108 : memref<256xi32, #tpu.memory_space<vmem>>) semaphore(%run_scoped3A_101 : memref<!tpu.dma_semaphore, #tpu.memory_space<semaphore_mem>>) {add = true}
        %dma_wait3A_112 = arith.constant 0 : i32
        %dma_wait3A_113 = arith.constant 0 : i32
        %dma_wait3A_114 = tpu.memref_slice %arg9[%rem3A_82, %dma_wait3A_112, %dma_wait3A_113] : memref<2x256x64xf32, #tpu.memory_space<vmem>> -> memref<1x256x64xf32, #tpu.memory_space<vmem>>
        %dma_wait3A_115 = tpu.memref_squeeze %dma_wait3A_114 : memref<1x256x64xf32, #tpu.memory_space<vmem>> -> memref<256x64xf32, #tpu.memory_space<vmem>>
        %dma_wait3A_116 = arith.constant 0 : i32
        %dma_wait3A_117 = tpu.memref_slice %arg8[%rem3A_100, %dma_wait3A_116] : memref<3x256xi32, #tpu.memory_space<vmem>> -> memref<1x256xi32, #tpu.memory_space<vmem>>
        %dma_wait3A_118 = tpu.memref_squeeze %dma_wait3A_117 : memref<1x256xi32, #tpu.memory_space<vmem>> -> memref<256xi32, #tpu.memory_space<vmem>>
        %dma_wait3A_119 = arith.constant 0 : i32
        %dma_wait3A_120 = arith.constant 0 : i32
        %dma_wait3A_121 = tpu.memref_slice %arg12[%dma_wait3A_119, %dma_wait3A_120] : memref<10240x64xf32, #tpu.memory_space<vmem_shared>> -> memref<10240x64xf32, #tpu.memory_space<vmem_shared>>
        tpu.wait_indirect_dma semaphore(%run_scoped3A_101 : memref<!tpu.dma_semaphore, #tpu.memory_space<semaphore_mem>>) src(%dma_wait3A_115 : memref<256x64xf32, #tpu.memory_space<vmem>>) dst(%dma_wait3A_121 : memref<10240x64xf32, #tpu.memory_space<vmem_shared>>)
        tpu.yield
      }) : () -> ()
    }
    %scan3A_68 = arith.constant 40 : i32
    %barrier3A_69 = arith.constant 0 : index
    tpu.barrier barrier_id(%barrier3A_69)
    %add3A_70 = arith.constant 0 : i32
    %add3A_71 = arith.addi %mul3A_0, %add3A_70 : i32
    "tpu.region"() ({
      %run_scoped3A_80 = tpu.sem_alloc : memref<!tpu.dma_semaphore, #tpu.memory_space<semaphore_mem>>
      %dma_start3A_81 = arith.constant 0 : i32
      %dma_start3A_82 = tpu.memref_slice %arg12[%add3A_71, %dma_start3A_81] : memref<10240x64xf32, #tpu.memory_space<vmem_shared>> -> memref<128x64xf32, #tpu.memory_space<vmem_shared>>
      %dma_start3A_83 = arith.constant 0 : i32
      %dma_start3A_84 = tpu.memref_slice %arg12[%add3A_71, %dma_start3A_83] : memref<10240x64xf32, #tpu.memory_space<vmem_shared>> -> memref<128x64xf32, #tpu.memory_space<vmem_shared>>
      tpu.enqueue_dma source(%dma_start3A_84 : memref<128x64xf32, #tpu.memory_space<vmem_shared>>) target(%arg10 : memref<128x64xf32, #tpu.memory_space<vmem>>) target_semaphore(%run_scoped3A_80 : memref<!tpu.dma_semaphore, #tpu.memory_space<semaphore_mem>>)
      %dma_wait3A = arith.constant 0 : i32
      %dma_wait3A_85 = tpu.memref_slice %arg12[%add3A_71, %dma_wait3A] : memref<10240x64xf32, #tpu.memory_space<vmem_shared>> -> memref<128x64xf32, #tpu.memory_space<vmem_shared>>
      %dma_wait3A_86 = arith.constant 0 : i32
      %dma_wait3A_87 = tpu.memref_slice %arg12[%add3A_71, %dma_wait3A_86] : memref<10240x64xf32, #tpu.memory_space<vmem_shared>> -> memref<128x64xf32, #tpu.memory_space<vmem_shared>>
      tpu.wait_dma2 semaphore(%run_scoped3A_80 : memref<!tpu.dma_semaphore, #tpu.memory_space<semaphore_mem>>) src(%dma_wait3A_87 : memref<128x64xf32, #tpu.memory_space<vmem_shared>>) dst(%arg10 : memref<128x64xf32, #tpu.memory_space<vmem>>)
      tpu.yield
    }) : () -> ()
    "tpu.region"() ({
      %run_scoped3A_80 = tpu.sem_alloc : memref<!tpu.dma_semaphore, #tpu.memory_space<semaphore_mem>>
      %dma_start3A_81 = arith.constant 0 : i32
      %dma_start3A_82 = tpu.memref_slice %arg6[%arg0, %add3A_71, %dma_start3A_81] : memref<2x10240x64xf32, #tpu.memory_space<hbm>> -> memref<1x128x64xf32, #tpu.memory_space<hbm>>
      %dma_start3A_83 = tpu.memref_squeeze %dma_start3A_82 : memref<1x128x64xf32, #tpu.memory_space<hbm>> -> memref<128x64xf32, #tpu.memory_space<hbm>>
      %dma_start3A_84 = arith.constant 0 : i32
      %dma_start3A_85 = tpu.memref_slice %arg6[%arg0, %add3A_71, %dma_start3A_84] : memref<2x10240x64xf32, #tpu.memory_space<hbm>> -> memref<1x128x64xf32, #tpu.memory_space<hbm>>
      %dma_start3A_86 = tpu.memref_squeeze %dma_start3A_85 : memref<1x128x64xf32, #tpu.memory_space<hbm>> -> memref<128x64xf32, #tpu.memory_space<hbm>>
      tpu.enqueue_dma source(%arg10 : memref<128x64xf32, #tpu.memory_space<vmem>>) target(%dma_start3A_86 : memref<128x64xf32, #tpu.memory_space<hbm>>) target_semaphore(%run_scoped3A_80 : memref<!tpu.dma_semaphore, #tpu.memory_space<semaphore_mem>>)
      %dma_wait3A = arith.constant 0 : i32
      %dma_wait3A_87 = tpu.memref_slice %arg6[%arg0, %add3A_71, %dma_wait3A] : memref<2x10240x64xf32, #tpu.memory_space<hbm>> -> memref<1x128x64xf32, #tpu.memory_space<hbm>>
      %dma_wait3A_88 = tpu.memref_squeeze %dma_wait3A_87 : memref<1x128x64xf32, #tpu.memory_space<hbm>> -> memref<128x64xf32, #tpu.memory_space<hbm>>
      %dma_wait3A_89 = arith.constant 0 : i32
      %dma_wait3A_90 = tpu.memref_slice %arg6[%arg0, %add3A_71, %dma_wait3A_89] : memref<2x10240x64xf32, #tpu.memory_space<hbm>> -> memref<1x128x64xf32, #tpu.memory_space<hbm>>
      %dma_wait3A_91 = tpu.memref_squeeze %dma_wait3A_90 : memref<1x128x64xf32, #tpu.memory_space<hbm>> -> memref<128x64xf32, #tpu.memory_space<hbm>>
      tpu.wait_dma2 semaphore(%run_scoped3A_80 : memref<!tpu.dma_semaphore, #tpu.memory_space<semaphore_mem>>) src(%arg10 : memref<128x64xf32, #tpu.memory_space<vmem>>) dst(%dma_wait3A_91 : memref<128x64xf32, #tpu.memory_space<hbm>>)
      tpu.yield
    }) : () -> ()
    %add3A_72 = arith.constant 128 : i32
    %add3A_73 = arith.addi %mul3A_0, %add3A_72 : i32
    "tpu.region"() ({
      %run_scoped3A_80 = tpu.sem_alloc : memref<!tpu.dma_semaphore, #tpu.memory_space<semaphore_mem>>
      %dma_start3A_81 = arith.constant 0 : i32
      %dma_start3A_82 = tpu.memref_slice %arg12[%add3A_73, %dma_start3A_81] : memref<10240x64xf32, #tpu.memory_space<vmem_shared>> -> memref<128x64xf32, #tpu.memory_space<vmem_shared>>
      %dma_start3A_83 = arith.constant 0 : i32
      %dma_start3A_84 = tpu.memref_slice %arg12[%add3A_73, %dma_start3A_83] : memref<10240x64xf32, #tpu.memory_space<vmem_shared>> -> memref<128x64xf32, #tpu.memory_space<vmem_shared>>
      tpu.enqueue_dma source(%dma_start3A_84 : memref<128x64xf32, #tpu.memory_space<vmem_shared>>) target(%arg10 : memref<128x64xf32, #tpu.memory_space<vmem>>) target_semaphore(%run_scoped3A_80 : memref<!tpu.dma_semaphore, #tpu.memory_space<semaphore_mem>>)
      %dma_wait3A = arith.constant 0 : i32
      %dma_wait3A_85 = tpu.memref_slice %arg12[%add3A_73, %dma_wait3A] : memref<10240x64xf32, #tpu.memory_space<vmem_shared>> -> memref<128x64xf32, #tpu.memory_space<vmem_shared>>
      %dma_wait3A_86 = arith.constant 0 : i32
      %dma_wait3A_87 = tpu.memref_slice %arg12[%add3A_73, %dma_wait3A_86] : memref<10240x64xf32, #tpu.memory_space<vmem_shared>> -> memref<128x64xf32, #tpu.memory_space<vmem_shared>>
      tpu.wait_dma2 semaphore(%run_scoped3A_80 : memref<!tpu.dma_semaphore, #tpu.memory_space<semaphore_mem>>) src(%dma_wait3A_87 : memref<128x64xf32, #tpu.memory_space<vmem_shared>>) dst(%arg10 : memref<128x64xf32, #tpu.memory_space<vmem>>)
      tpu.yield
    }) : () -> ()
    "tpu.region"() ({
      %run_scoped3A_80 = tpu.sem_alloc : memref<!tpu.dma_semaphore, #tpu.memory_space<semaphore_mem>>
      %dma_start3A_81 = arith.constant 0 : i32
      %dma_start3A_82 = tpu.memref_slice %arg6[%arg0, %add3A_73, %dma_start3A_81] : memref<2x10240x64xf32, #tpu.memory_space<hbm>> -> memref<1x128x64xf32, #tpu.memory_space<hbm>>
      %dma_start3A_83 = tpu.memref_squeeze %dma_start3A_82 : memref<1x128x64xf32, #tpu.memory_space<hbm>> -> memref<128x64xf32, #tpu.memory_space<hbm>>
      %dma_start3A_84 = arith.constant 0 : i32
      %dma_start3A_85 = tpu.memref_slice %arg6[%arg0, %add3A_73, %dma_start3A_84] : memref<2x10240x64xf32, #tpu.memory_space<hbm>> -> memref<1x128x64xf32, #tpu.memory_space<hbm>>
      %dma_start3A_86 = tpu.memref_squeeze %dma_start3A_85 : memref<1x128x64xf32, #tpu.memory_space<hbm>> -> memref<128x64xf32, #tpu.memory_space<hbm>>
      tpu.enqueue_dma source(%arg10 : memref<128x64xf32, #tpu.memory_space<vmem>>) target(%dma_start3A_86 : memref<128x64xf32, #tpu.memory_space<hbm>>) target_semaphore(%run_scoped3A_80 : memref<!tpu.dma_semaphore, #tpu.memory_space<semaphore_mem>>)
      %dma_wait3A = arith.constant 0 : i32
      %dma_wait3A_87 = tpu.memref_slice %arg6[%arg0, %add3A_73, %dma_wait3A] : memref<2x10240x64xf32, #tpu.memory_space<hbm>> -> memref<1x128x64xf32, #tpu.memory_space<hbm>>
      %dma_wait3A_88 = tpu.memref_squeeze %dma_wait3A_87 : memref<1x128x64xf32, #tpu.memory_space<hbm>> -> memref<128x64xf32, #tpu.memory_space<hbm>>
      %dma_wait3A_89 = arith.constant 0 : i32
      %dma_wait3A_90 = tpu.memref_slice %arg6[%arg0, %add3A_73, %dma_wait3A_89] : memref<2x10240x64xf32, #tpu.memory_space<hbm>> -> memref<1x128x64xf32, #tpu.memory_space<hbm>>
      %dma_wait3A_91 = tpu.memref_squeeze %dma_wait3A_90 : memref<1x128x64xf32, #tpu.memory_space<hbm>> -> memref<128x64xf32, #tpu.memory_space<hbm>>
      tpu.wait_dma2 semaphore(%run_scoped3A_80 : memref<!tpu.dma_semaphore, #tpu.memory_space<semaphore_mem>>) src(%arg10 : memref<128x64xf32, #tpu.memory_space<vmem>>) dst(%dma_wait3A_91 : memref<128x64xf32, #tpu.memory_space<hbm>>)
      tpu.yield
    }) : () -> ()
    %add3A_74 = arith.constant 256 : i32
    %add3A_75 = arith.addi %mul3A_0, %add3A_74 : i32
    "tpu.region"() ({
      %run_scoped3A_80 = tpu.sem_alloc : memref<!tpu.dma_semaphore, #tpu.memory_space<semaphore_mem>>
      %dma_start3A_81 = arith.constant 0 : i32
      %dma_start3A_82 = tpu.memref_slice %arg12[%add3A_75, %dma_start3A_81] : memref<10240x64xf32, #tpu.memory_space<vmem_shared>> -> memref<128x64xf32, #tpu.memory_space<vmem_shared>>
      %dma_start3A_83 = arith.constant 0 : i32
      %dma_start3A_84 = tpu.memref_slice %arg12[%add3A_75, %dma_start3A_83] : memref<10240x64xf32, #tpu.memory_space<vmem_shared>> -> memref<128x64xf32, #tpu.memory_space<vmem_shared>>
      tpu.enqueue_dma source(%dma_start3A_84 : memref<128x64xf32, #tpu.memory_space<vmem_shared>>) target(%arg10 : memref<128x64xf32, #tpu.memory_space<vmem>>) target_semaphore(%run_scoped3A_80 : memref<!tpu.dma_semaphore, #tpu.memory_space<semaphore_mem>>)
      %dma_wait3A = arith.constant 0 : i32
      %dma_wait3A_85 = tpu.memref_slice %arg12[%add3A_75, %dma_wait3A] : memref<10240x64xf32, #tpu.memory_space<vmem_shared>> -> memref<128x64xf32, #tpu.memory_space<vmem_shared>>
      %dma_wait3A_86 = arith.constant 0 : i32
      %dma_wait3A_87 = tpu.memref_slice %arg12[%add3A_75, %dma_wait3A_86] : memref<10240x64xf32, #tpu.memory_space<vmem_shared>> -> memref<128x64xf32, #tpu.memory_space<vmem_shared>>
      tpu.wait_dma2 semaphore(%run_scoped3A_80 : memref<!tpu.dma_semaphore, #tpu.memory_space<semaphore_mem>>) src(%dma_wait3A_87 : memref<128x64xf32, #tpu.memory_space<vmem_shared>>) dst(%arg10 : memref<128x64xf32, #tpu.memory_space<vmem>>)
      tpu.yield
    }) : () -> ()
    "tpu.region"() ({
      %run_scoped3A_80 = tpu.sem_alloc : memref<!tpu.dma_semaphore, #tpu.memory_space<semaphore_mem>>
      %dma_start3A_81 = arith.constant 0 : i32
      %dma_start3A_82 = tpu.memref_slice %arg6[%arg0, %add3A_75, %dma_start3A_81] : memref<2x10240x64xf32, #tpu.memory_space<hbm>> -> memref<1x128x64xf32, #tpu.memory_space<hbm>>
      %dma_start3A_83 = tpu.memref_squeeze %dma_start3A_82 : memref<1x128x64xf32, #tpu.memory_space<hbm>> -> memref<128x64xf32, #tpu.memory_space<hbm>>
      %dma_start3A_84 = arith.constant 0 : i32
      %dma_start3A_85 = tpu.memref_slice %arg6[%arg0, %add3A_75, %dma_start3A_84] : memref<2x10240x64xf32, #tpu.memory_space<hbm>> -> memref<1x128x64xf32, #tpu.memory_space<hbm>>
      %dma_start3A_86 = tpu.memref_squeeze %dma_start3A_85 : memref<1x128x64xf32, #tpu.memory_space<hbm>> -> memref<128x64xf32, #tpu.memory_space<hbm>>
      tpu.enqueue_dma source(%arg10 : memref<128x64xf32, #tpu.memory_space<vmem>>) target(%dma_start3A_86 : memref<128x64xf32, #tpu.memory_space<hbm>>) target_semaphore(%run_scoped3A_80 : memref<!tpu.dma_semaphore, #tpu.memory_space<semaphore_mem>>)
      %dma_wait3A = arith.constant 0 : i32
      %dma_wait3A_87 = tpu.memref_slice %arg6[%arg0, %add3A_75, %dma_wait3A] : memref<2x10240x64xf32, #tpu.memory_space<hbm>> -> memref<1x128x64xf32, #tpu.memory_space<hbm>>
      %dma_wait3A_88 = tpu.memref_squeeze %dma_wait3A_87 : memref<1x128x64xf32, #tpu.memory_space<hbm>> -> memref<128x64xf32, #tpu.memory_space<hbm>>
      %dma_wait3A_89 = arith.constant 0 : i32
      %dma_wait3A_90 = tpu.memref_slice %arg6[%arg0, %add3A_75, %dma_wait3A_89] : memref<2x10240x64xf32, #tpu.memory_space<hbm>> -> memref<1x128x64xf32, #tpu.memory_space<hbm>>
      %dma_wait3A_91 = tpu.memref_squeeze %dma_wait3A_90 : memref<1x128x64xf32, #tpu.memory_space<hbm>> -> memref<128x64xf32, #tpu.memory_space<hbm>>
      tpu.wait_dma2 semaphore(%run_scoped3A_80 : memref<!tpu.dma_semaphore, #tpu.memory_space<semaphore_mem>>) src(%arg10 : memref<128x64xf32, #tpu.memory_space<vmem>>) dst(%dma_wait3A_91 : memref<128x64xf32, #tpu.memory_space<hbm>>)
      tpu.yield
    }) : () -> ()
    %add3A_76 = arith.constant 384 : i32
    %add3A_77 = arith.addi %mul3A_0, %add3A_76 : i32
    "tpu.region"() ({
      %run_scoped3A_80 = tpu.sem_alloc : memref<!tpu.dma_semaphore, #tpu.memory_space<semaphore_mem>>
      %dma_start3A_81 = arith.constant 0 : i32
      %dma_start3A_82 = tpu.memref_slice %arg12[%add3A_77, %dma_start3A_81] : memref<10240x64xf32, #tpu.memory_space<vmem_shared>> -> memref<128x64xf32, #tpu.memory_space<vmem_shared>>
      %dma_start3A_83 = arith.constant 0 : i32
      %dma_start3A_84 = tpu.memref_slice %arg12[%add3A_77, %dma_start3A_83] : memref<10240x64xf32, #tpu.memory_space<vmem_shared>> -> memref<128x64xf32, #tpu.memory_space<vmem_shared>>
      tpu.enqueue_dma source(%dma_start3A_84 : memref<128x64xf32, #tpu.memory_space<vmem_shared>>) target(%arg10 : memref<128x64xf32, #tpu.memory_space<vmem>>) target_semaphore(%run_scoped3A_80 : memref<!tpu.dma_semaphore, #tpu.memory_space<semaphore_mem>>)
      %dma_wait3A = arith.constant 0 : i32
      %dma_wait3A_85 = tpu.memref_slice %arg12[%add3A_77, %dma_wait3A] : memref<10240x64xf32, #tpu.memory_space<vmem_shared>> -> memref<128x64xf32, #tpu.memory_space<vmem_shared>>
      %dma_wait3A_86 = arith.constant 0 : i32
      %dma_wait3A_87 = tpu.memref_slice %arg12[%add3A_77, %dma_wait3A_86] : memref<10240x64xf32, #tpu.memory_space<vmem_shared>> -> memref<128x64xf32, #tpu.memory_space<vmem_shared>>
      tpu.wait_dma2 semaphore(%run_scoped3A_80 : memref<!tpu.dma_semaphore, #tpu.memory_space<semaphore_mem>>) src(%dma_wait3A_87 : memref<128x64xf32, #tpu.memory_space<vmem_shared>>) dst(%arg10 : memref<128x64xf32, #tpu.memory_space<vmem>>)
      tpu.yield
    }) : () -> ()
    "tpu.region"() ({
      %run_scoped3A_80 = tpu.sem_alloc : memref<!tpu.dma_semaphore, #tpu.memory_space<semaphore_mem>>
      %dma_start3A_81 = arith.constant 0 : i32
      %dma_start3A_82 = tpu.memref_slice %arg6[%arg0, %add3A_77, %dma_start3A_81] : memref<2x10240x64xf32, #tpu.memory_space<hbm>> -> memref<1x128x64xf32, #tpu.memory_space<hbm>>
      %dma_start3A_83 = tpu.memref_squeeze %dma_start3A_82 : memref<1x128x64xf32, #tpu.memory_space<hbm>> -> memref<128x64xf32, #tpu.memory_space<hbm>>
      %dma_start3A_84 = arith.constant 0 : i32
      %dma_start3A_85 = tpu.memref_slice %arg6[%arg0, %add3A_77, %dma_start3A_84] : memref<2x10240x64xf32, #tpu.memory_space<hbm>> -> memref<1x128x64xf32, #tpu.memory_space<hbm>>
      %dma_start3A_86 = tpu.memref_squeeze %dma_start3A_85 : memref<1x128x64xf32, #tpu.memory_space<hbm>> -> memref<128x64xf32, #tpu.memory_space<hbm>>
      tpu.enqueue_dma source(%arg10 : memref<128x64xf32, #tpu.memory_space<vmem>>) target(%dma_start3A_86 : memref<128x64xf32, #tpu.memory_space<hbm>>) target_semaphore(%run_scoped3A_80 : memref<!tpu.dma_semaphore, #tpu.memory_space<semaphore_mem>>)
      %dma_wait3A = arith.constant 0 : i32
      %dma_wait3A_87 = tpu.memref_slice %arg6[%arg0, %add3A_77, %dma_wait3A] : memref<2x10240x64xf32, #tpu.memory_space<hbm>> -> memref<1x128x64xf32, #tpu.memory_space<hbm>>
      %dma_wait3A_88 = tpu.memref_squeeze %dma_wait3A_87 : memref<1x128x64xf32, #tpu.memory_space<hbm>> -> memref<128x64xf32, #tpu.memory_space<hbm>>
      %dma_wait3A_89 = arith.constant 0 : i32
      %dma_wait3A_90 = tpu.memref_slice %arg6[%arg0, %add3A_77, %dma_wait3A_89] : memref<2x10240x64xf32, #tpu.memory_space<hbm>> -> memref<1x128x64xf32, #tpu.memory_space<hbm>>
      %dma_wait3A_91 = tpu.memref_squeeze %dma_wait3A_90 : memref<1x128x64xf32, #tpu.memory_space<hbm>> -> memref<128x64xf32, #tpu.memory_space<hbm>>
      tpu.wait_dma2 semaphore(%run_scoped3A_80 : memref<!tpu.dma_semaphore, #tpu.memory_space<semaphore_mem>>) src(%arg10 : memref<128x64xf32, #tpu.memory_space<vmem>>) dst(%dma_wait3A_91 : memref<128x64xf32, #tpu.memory_space<hbm>>)
      tpu.yield
    }) : () -> ()
    %add3A_78 = arith.constant 512 : i32
    %add3A_79 = arith.addi %mul3A_0, %add3A_78 : i32
    "tpu.region"() ({
      %run_scoped3A_80 = tpu.sem_alloc : memref<!tpu.dma_semaphore, #tpu.memory_space<semaphore_mem>>
      %dma_start3A_81 = arith.constant 0 : i32
      %dma_start3A_82 = tpu.memref_slice %arg12[%add3A_79, %dma_start3A_81] : memref<10240x64xf32, #tpu.memory_space<vmem_shared>> -> memref<128x64xf32, #tpu.memory_space<vmem_shared>>
      %dma_start3A_83 = arith.constant 0 : i32
      %dma_start3A_84 = tpu.memref_slice %arg12[%add3A_79, %dma_start3A_83] : memref<10240x64xf32, #tpu.memory_space<vmem_shared>> -> memref<128x64xf32, #tpu.memory_space<vmem_shared>>
      tpu.enqueue_dma source(%dma_start3A_84 : memref<128x64xf32, #tpu.memory_space<vmem_shared>>) target(%arg10 : memref<128x64xf32, #tpu.memory_space<vmem>>) target_semaphore(%run_scoped3A_80 : memref<!tpu.dma_semaphore, #tpu.memory_space<semaphore_mem>>)
      %dma_wait3A = arith.constant 0 : i32
      %dma_wait3A_85 = tpu.memref_slice %arg12[%add3A_79, %dma_wait3A] : memref<10240x64xf32, #tpu.memory_space<vmem_shared>> -> memref<128x64xf32, #tpu.memory_space<vmem_shared>>
      %dma_wait3A_86 = arith.constant 0 : i32
      %dma_wait3A_87 = tpu.memref_slice %arg12[%add3A_79, %dma_wait3A_86] : memref<10240x64xf32, #tpu.memory_space<vmem_shared>> -> memref<128x64xf32, #tpu.memory_space<vmem_shared>>
      tpu.wait_dma2 semaphore(%run_scoped3A_80 : memref<!tpu.dma_semaphore, #tpu.memory_space<semaphore_mem>>) src(%dma_wait3A_87 : memref<128x64xf32, #tpu.memory_space<vmem_shared>>) dst(%arg10 : memref<128x64xf32, #tpu.memory_space<vmem>>)
      tpu.yield
    }) : () -> ()
    "tpu.region"() ({
      %run_scoped3A_80 = tpu.sem_alloc : memref<!tpu.dma_semaphore, #tpu.memory_space<semaphore_mem>>
      %dma_start3A_81 = arith.constant 0 : i32
      %dma_start3A_82 = tpu.memref_slice %arg6[%arg0, %add3A_79, %dma_start3A_81] : memref<2x10240x64xf32, #tpu.memory_space<hbm>> -> memref<1x128x64xf32, #tpu.memory_space<hbm>>
      %dma_start3A_83 = tpu.memref_squeeze %dma_start3A_82 : memref<1x128x64xf32, #tpu.memory_space<hbm>> -> memref<128x64xf32, #tpu.memory_space<hbm>>
      %dma_start3A_84 = arith.constant 0 : i32
      %dma_start3A_85 = tpu.memref_slice %arg6[%arg0, %add3A_79, %dma_start3A_84] : memref<2x10240x64xf32, #tpu.memory_space<hbm>> -> memref<1x128x64xf32, #tpu.memory_space<hbm>>
      %dma_start3A_86 = tpu.memref_squeeze %dma_start3A_85 : memref<1x128x64xf32, #tpu.memory_space<hbm>> -> memref<128x64xf32, #tpu.memory_space<hbm>>
      tpu.enqueue_dma source(%arg10 : memref<128x64xf32, #tpu.memory_space<vmem>>) target(%dma_start3A_86 : memref<128x64xf32, #tpu.memory_space<hbm>>) target_semaphore(%run_scoped3A_80 : memref<!tpu.dma_semaphore, #tpu.memory_space<semaphore_mem>>)
      %dma_wait3A = arith.constant 0 : i32
      %dma_wait3A_87 = tpu.memref_slice %arg6[%arg0, %add3A_79, %dma_wait3A] : memref<2x10240x64xf32, #tpu.memory_space<hbm>> -> memref<1x128x64xf32, #tpu.memory_space<hbm>>
      %dma_wait3A_88 = tpu.memref_squeeze %dma_wait3A_87 : memref<1x128x64xf32, #tpu.memory_space<hbm>> -> memref<128x64xf32, #tpu.memory_space<hbm>>
      %dma_wait3A_89 = arith.constant 0 : i32
      %dma_wait3A_90 = tpu.memref_slice %arg6[%arg0, %add3A_79, %dma_wait3A_89] : memref<2x10240x64xf32, #tpu.memory_space<hbm>> -> memref<1x128x64xf32, #tpu.memory_space<hbm>>
      %dma_wait3A_91 = tpu.memref_squeeze %dma_wait3A_90 : memref<1x128x64xf32, #tpu.memory_space<hbm>> -> memref<128x64xf32, #tpu.memory_space<hbm>>
      tpu.wait_dma2 semaphore(%run_scoped3A_80 : memref<!tpu.dma_semaphore, #tpu.memory_space<semaphore_mem>>) src(%arg10 : memref<128x64xf32, #tpu.memory_space<vmem>>) dst(%dma_wait3A_91 : memref<128x64xf32, #tpu.memory_space<hbm>>)
      tpu.yield
    }) : () -> ()
    return
  }
}

#map = affine_map<(d0, d1) -> (0, 0)>
#map1 = affine_map<(d0, d1) -> (0, 0, 0, 0)>
#map2 = affine_map<(d0, d1) -> (0, 0, 0)>
module attributes {stable_mosaic.version = 14 : i64} {
  func.func @agg(%arg0: i32, %arg1: i32, %arg2: memref<10240x64xf32, #tpu.memory_space<hbm>>, %arg3: memref<2x16x40x256xi32, #tpu.memory_space<hbm>>, %arg4: memref<2x16x40x256xi32, #tpu.memory_space<hbm>>, %arg5: memref<128x64xf32, #tpu.memory_space<hbm>>, %arg6: memref<2x10240x64xf32, #tpu.memory_space<hbm>>, %arg7: memref<3x256xi32, #tpu.memory_space<vmem>>, %arg8: memref<3x256xi32, #tpu.memory_space<vmem>>, %arg9: memref<2x256x64xf32, #tpu.memory_space<vmem>>, %arg10: memref<128x64xf32, #tpu.memory_space<vmem>>, %arg11: memref<10240x64xf32, #tpu.memory_space<vmem_shared>>, %arg12: memref<10240x64xf32, #tpu.memory_space<vmem_shared>>, %arg13: memref<!tpu.dma_semaphore, #tpu.memory_space<semaphore_mem>>, %arg14: memref<!tpu.dma_semaphore, #tpu.memory_space<semaphore_mem>>) attributes {dimension_semantics = [#tpu.dimension_semantics<core_parallel>, #tpu.dimension_semantics<subcore_parallel>], iteration_bounds = array<i64: 2, 16>, scalar_prefetch = 0 : i64, scratch_operands = 8 : i64, tpu.core_type = #tpu.core_type<sc_vector_subcore>, window_params = [{transform_indices = #map}, {transform_indices = #map1}, {transform_indices = #map1}, {transform_indices = #map}, {transform_indices = #map2}]} {
    %mul3A = arith.constant 640 : i32
    %mul3A_0 = arith.muli %arg1, %mul3A : i32
    "tpu.region"() ({
      %run_scoped3A_80 = tpu.sem_alloc : memref<!tpu.dma_semaphore, #tpu.memory_space<semaphore_mem>>
      tpu.enqueue_dma source(%arg5 : memref<128x64xf32, #tpu.memory_space<hbm>>) target(%arg10 : memref<128x64xf32, #tpu.memory_space<vmem>>) target_semaphore(%run_scoped3A_80 : memref<!tpu.dma_semaphore, #tpu.memory_space<semaphore_mem>>)
      tpu.wait_dma2 semaphore(%run_scoped3A_80 : memref<!tpu.dma_semaphore, #tpu.memory_space<semaphore_mem>>) src(%arg5 : memref<128x64xf32, #tpu.memory_space<hbm>>) dst(%arg10 : memref<128x64xf32, #tpu.memory_space<vmem>>)
      tpu.yield
    }) : () -> ()
    %add3A = arith.constant 0 : i32
    %add3A_1 = arith.addi %mul3A_0, %add3A : i32
    "tpu.region"() ({
      %run_scoped3A_80 = tpu.sem_alloc : memref<!tpu.dma_semaphore, #tpu.memory_space<semaphore_mem>>
      %dma_start3A_81 = arith.constant 0 : i32
      %dma_start3A_82 = tpu.memref_slice %arg12[%add3A_1, %dma_start3A_81] : memref<10240x64xf32, #tpu.memory_space<vmem_shared>> -> memref<128x64xf32, #tpu.memory_space<vmem_shared>>
      %dma_start3A_83 = arith.constant 0 : i32
      %dma_start3A_84 = tpu.memref_slice %arg12[%add3A_1, %dma_start3A_83] : memref<10240x64xf32, #tpu.memory_space<vmem_shared>> -> memref<128x64xf32, #tpu.memory_space<vmem_shared>>
      tpu.enqueue_dma source(%arg10 : memref<128x64xf32, #tpu.memory_space<vmem>>) target(%dma_start3A_84 : memref<128x64xf32, #tpu.memory_space<vmem_shared>>) target_semaphore(%run_scoped3A_80 : memref<!tpu.dma_semaphore, #tpu.memory_space<semaphore_mem>>)
      %dma_wait3A = arith.constant 0 : i32
      %dma_wait3A_85 = tpu.memref_slice %arg12[%add3A_1, %dma_wait3A] : memref<10240x64xf32, #tpu.memory_space<vmem_shared>> -> memref<128x64xf32, #tpu.memory_space<vmem_shared>>
      %dma_wait3A_86 = arith.constant 0 : i32
      %dma_wait3A_87 = tpu.memref_slice %arg12[%add3A_1, %dma_wait3A_86] : memref<10240x64xf32, #tpu.memory_space<vmem_shared>> -> memref<128x64xf32, #tpu.memory_space<vmem_shared>>
      tpu.wait_dma2 semaphore(%run_scoped3A_80 : memref<!tpu.dma_semaphore, #tpu.memory_space<semaphore_mem>>) src(%arg10 : memref<128x64xf32, #tpu.memory_space<vmem>>) dst(%dma_wait3A_87 : memref<128x64xf32, #tpu.memory_space<vmem_shared>>)
      tpu.yield
    }) : () -> ()
    %add3A_2 = arith.constant 128 : i32
    %add3A_3 = arith.addi %mul3A_0, %add3A_2 : i32
    "tpu.region"() ({
      %run_scoped3A_80 = tpu.sem_alloc : memref<!tpu.dma_semaphore, #tpu.memory_space<semaphore_mem>>
      %dma_start3A_81 = arith.constant 0 : i32
      %dma_start3A_82 = tpu.memref_slice %arg12[%add3A_3, %dma_start3A_81] : memref<10240x64xf32, #tpu.memory_space<vmem_shared>> -> memref<128x64xf32, #tpu.memory_space<vmem_shared>>
      %dma_start3A_83 = arith.constant 0 : i32
      %dma_start3A_84 = tpu.memref_slice %arg12[%add3A_3, %dma_start3A_83] : memref<10240x64xf32, #tpu.memory_space<vmem_shared>> -> memref<128x64xf32, #tpu.memory_space<vmem_shared>>
      tpu.enqueue_dma source(%arg10 : memref<128x64xf32, #tpu.memory_space<vmem>>) target(%dma_start3A_84 : memref<128x64xf32, #tpu.memory_space<vmem_shared>>) target_semaphore(%run_scoped3A_80 : memref<!tpu.dma_semaphore, #tpu.memory_space<semaphore_mem>>)
      %dma_wait3A = arith.constant 0 : i32
      %dma_wait3A_85 = tpu.memref_slice %arg12[%add3A_3, %dma_wait3A] : memref<10240x64xf32, #tpu.memory_space<vmem_shared>> -> memref<128x64xf32, #tpu.memory_space<vmem_shared>>
      %dma_wait3A_86 = arith.constant 0 : i32
      %dma_wait3A_87 = tpu.memref_slice %arg12[%add3A_3, %dma_wait3A_86] : memref<10240x64xf32, #tpu.memory_space<vmem_shared>> -> memref<128x64xf32, #tpu.memory_space<vmem_shared>>
      tpu.wait_dma2 semaphore(%run_scoped3A_80 : memref<!tpu.dma_semaphore, #tpu.memory_space<semaphore_mem>>) src(%arg10 : memref<128x64xf32, #tpu.memory_space<vmem>>) dst(%dma_wait3A_87 : memref<128x64xf32, #tpu.memory_space<vmem_shared>>)
      tpu.yield
    }) : () -> ()
    %add3A_4 = arith.constant 256 : i32
    %add3A_5 = arith.addi %mul3A_0, %add3A_4 : i32
    "tpu.region"() ({
      %run_scoped3A_80 = tpu.sem_alloc : memref<!tpu.dma_semaphore, #tpu.memory_space<semaphore_mem>>
      %dma_start3A_81 = arith.constant 0 : i32
      %dma_start3A_82 = tpu.memref_slice %arg12[%add3A_5, %dma_start3A_81] : memref<10240x64xf32, #tpu.memory_space<vmem_shared>> -> memref<128x64xf32, #tpu.memory_space<vmem_shared>>
      %dma_start3A_83 = arith.constant 0 : i32
      %dma_start3A_84 = tpu.memref_slice %arg12[%add3A_5, %dma_start3A_83] : memref<10240x64xf32, #tpu.memory_space<vmem_shared>> -> memref<128x64xf32, #tpu.memory_space<vmem_shared>>
      tpu.enqueue_dma source(%arg10 : memref<128x64xf32, #tpu.memory_space<vmem>>) target(%dma_start3A_84 : memref<128x64xf32, #tpu.memory_space<vmem_shared>>) target_semaphore(%run_scoped3A_80 : memref<!tpu.dma_semaphore, #tpu.memory_space<semaphore_mem>>)
      %dma_wait3A = arith.constant 0 : i32
      %dma_wait3A_85 = tpu.memref_slice %arg12[%add3A_5, %dma_wait3A] : memref<10240x64xf32, #tpu.memory_space<vmem_shared>> -> memref<128x64xf32, #tpu.memory_space<vmem_shared>>
      %dma_wait3A_86 = arith.constant 0 : i32
      %dma_wait3A_87 = tpu.memref_slice %arg12[%add3A_5, %dma_wait3A_86] : memref<10240x64xf32, #tpu.memory_space<vmem_shared>> -> memref<128x64xf32, #tpu.memory_space<vmem_shared>>
      tpu.wait_dma2 semaphore(%run_scoped3A_80 : memref<!tpu.dma_semaphore, #tpu.memory_space<semaphore_mem>>) src(%arg10 : memref<128x64xf32, #tpu.memory_space<vmem>>) dst(%dma_wait3A_87 : memref<128x64xf32, #tpu.memory_space<vmem_shared>>)
      tpu.yield
    }) : () -> ()
    %add3A_6 = arith.constant 384 : i32
    %add3A_7 = arith.addi %mul3A_0, %add3A_6 : i32
    "tpu.region"() ({
      %run_scoped3A_80 = tpu.sem_alloc : memref<!tpu.dma_semaphore, #tpu.memory_space<semaphore_mem>>
      %dma_start3A_81 = arith.constant 0 : i32
      %dma_start3A_82 = tpu.memref_slice %arg12[%add3A_7, %dma_start3A_81] : memref<10240x64xf32, #tpu.memory_space<vmem_shared>> -> memref<128x64xf32, #tpu.memory_space<vmem_shared>>
      %dma_start3A_83 = arith.constant 0 : i32
      %dma_start3A_84 = tpu.memref_slice %arg12[%add3A_7, %dma_start3A_83] : memref<10240x64xf32, #tpu.memory_space<vmem_shared>> -> memref<128x64xf32, #tpu.memory_space<vmem_shared>>
      tpu.enqueue_dma source(%arg10 : memref<128x64xf32, #tpu.memory_space<vmem>>) target(%dma_start3A_84 : memref<128x64xf32, #tpu.memory_space<vmem_shared>>) target_semaphore(%run_scoped3A_80 : memref<!tpu.dma_semaphore, #tpu.memory_space<semaphore_mem>>)
      %dma_wait3A = arith.constant 0 : i32
      %dma_wait3A_85 = tpu.memref_slice %arg12[%add3A_7, %dma_wait3A] : memref<10240x64xf32, #tpu.memory_space<vmem_shared>> -> memref<128x64xf32, #tpu.memory_space<vmem_shared>>
      %dma_wait3A_86 = arith.constant 0 : i32
      %dma_wait3A_87 = tpu.memref_slice %arg12[%add3A_7, %dma_wait3A_86] : memref<10240x64xf32, #tpu.memory_space<vmem_shared>> -> memref<128x64xf32, #tpu.memory_space<vmem_shared>>
      tpu.wait_dma2 semaphore(%run_scoped3A_80 : memref<!tpu.dma_semaphore, #tpu.memory_space<semaphore_mem>>) src(%arg10 : memref<128x64xf32, #tpu.memory_space<vmem>>) dst(%dma_wait3A_87 : memref<128x64xf32, #tpu.memory_space<vmem_shared>>)
      tpu.yield
    }) : () -> ()
    %add3A_8 = arith.constant 512 : i32
    %add3A_9 = arith.addi %mul3A_0, %add3A_8 : i32
    "tpu.region"() ({
      %run_scoped3A_80 = tpu.sem_alloc : memref<!tpu.dma_semaphore, #tpu.memory_space<semaphore_mem>>
      %dma_start3A_81 = arith.constant 0 : i32
      %dma_start3A_82 = tpu.memref_slice %arg12[%add3A_9, %dma_start3A_81] : memref<10240x64xf32, #tpu.memory_space<vmem_shared>> -> memref<128x64xf32, #tpu.memory_space<vmem_shared>>
      %dma_start3A_83 = arith.constant 0 : i32
      %dma_start3A_84 = tpu.memref_slice %arg12[%add3A_9, %dma_start3A_83] : memref<10240x64xf32, #tpu.memory_space<vmem_shared>> -> memref<128x64xf32, #tpu.memory_space<vmem_shared>>
      tpu.enqueue_dma source(%arg10 : memref<128x64xf32, #tpu.memory_space<vmem>>) target(%dma_start3A_84 : memref<128x64xf32, #tpu.memory_space<vmem_shared>>) target_semaphore(%run_scoped3A_80 : memref<!tpu.dma_semaphore, #tpu.memory_space<semaphore_mem>>)
      %dma_wait3A = arith.constant 0 : i32
      %dma_wait3A_85 = tpu.memref_slice %arg12[%add3A_9, %dma_wait3A] : memref<10240x64xf32, #tpu.memory_space<vmem_shared>> -> memref<128x64xf32, #tpu.memory_space<vmem_shared>>
      %dma_wait3A_86 = arith.constant 0 : i32
      %dma_wait3A_87 = tpu.memref_slice %arg12[%add3A_9, %dma_wait3A_86] : memref<10240x64xf32, #tpu.memory_space<vmem_shared>> -> memref<128x64xf32, #tpu.memory_space<vmem_shared>>
      tpu.wait_dma2 semaphore(%run_scoped3A_80 : memref<!tpu.dma_semaphore, #tpu.memory_space<semaphore_mem>>) src(%arg10 : memref<128x64xf32, #tpu.memory_space<vmem>>) dst(%dma_wait3A_87 : memref<128x64xf32, #tpu.memory_space<vmem_shared>>)
      tpu.yield
    }) : () -> ()
    %add3A_10 = arith.constant 0 : i32
    %add3A_11 = arith.addi %mul3A_0, %add3A_10 : i32
    "tpu.region"() ({
      %run_scoped3A_80 = tpu.sem_alloc : memref<!tpu.dma_semaphore, #tpu.memory_space<semaphore_mem>>
      %dma_start3A_81 = arith.constant 0 : i32
      %dma_start3A_82 = tpu.memref_slice %arg2[%add3A_11, %dma_start3A_81] : memref<10240x64xf32, #tpu.memory_space<hbm>> -> memref<128x64xf32, #tpu.memory_space<hbm>>
      %dma_start3A_83 = arith.constant 0 : i32
      %dma_start3A_84 = tpu.memref_slice %arg2[%add3A_11, %dma_start3A_83] : memref<10240x64xf32, #tpu.memory_space<hbm>> -> memref<128x64xf32, #tpu.memory_space<hbm>>
      tpu.enqueue_dma source(%dma_start3A_84 : memref<128x64xf32, #tpu.memory_space<hbm>>) target(%arg10 : memref<128x64xf32, #tpu.memory_space<vmem>>) target_semaphore(%run_scoped3A_80 : memref<!tpu.dma_semaphore, #tpu.memory_space<semaphore_mem>>)
      %dma_wait3A = arith.constant 0 : i32
      %dma_wait3A_85 = tpu.memref_slice %arg2[%add3A_11, %dma_wait3A] : memref<10240x64xf32, #tpu.memory_space<hbm>> -> memref<128x64xf32, #tpu.memory_space<hbm>>
      %dma_wait3A_86 = arith.constant 0 : i32
      %dma_wait3A_87 = tpu.memref_slice %arg2[%add3A_11, %dma_wait3A_86] : memref<10240x64xf32, #tpu.memory_space<hbm>> -> memref<128x64xf32, #tpu.memory_space<hbm>>
      tpu.wait_dma2 semaphore(%run_scoped3A_80 : memref<!tpu.dma_semaphore, #tpu.memory_space<semaphore_mem>>) src(%dma_wait3A_87 : memref<128x64xf32, #tpu.memory_space<hbm>>) dst(%arg10 : memref<128x64xf32, #tpu.memory_space<vmem>>)
      tpu.yield
    }) : () -> ()
    "tpu.region"() ({
      %run_scoped3A_80 = tpu.sem_alloc : memref<!tpu.dma_semaphore, #tpu.memory_space<semaphore_mem>>
      %dma_start3A_81 = arith.constant 0 : i32
      %dma_start3A_82 = tpu.memref_slice %arg11[%add3A_11, %dma_start3A_81] : memref<10240x64xf32, #tpu.memory_space<vmem_shared>> -> memref<128x64xf32, #tpu.memory_space<vmem_shared>>
      %dma_start3A_83 = arith.constant 0 : i32
      %dma_start3A_84 = tpu.memref_slice %arg11[%add3A_11, %dma_start3A_83] : memref<10240x64xf32, #tpu.memory_space<vmem_shared>> -> memref<128x64xf32, #tpu.memory_space<vmem_shared>>
      tpu.enqueue_dma source(%arg10 : memref<128x64xf32, #tpu.memory_space<vmem>>) target(%dma_start3A_84 : memref<128x64xf32, #tpu.memory_space<vmem_shared>>) target_semaphore(%run_scoped3A_80 : memref<!tpu.dma_semaphore, #tpu.memory_space<semaphore_mem>>)
      %dma_wait3A = arith.constant 0 : i32
      %dma_wait3A_85 = tpu.memref_slice %arg11[%add3A_11, %dma_wait3A] : memref<10240x64xf32, #tpu.memory_space<vmem_shared>> -> memref<128x64xf32, #tpu.memory_space<vmem_shared>>
      %dma_wait3A_86 = arith.constant 0 : i32
      %dma_wait3A_87 = tpu.memref_slice %arg11[%add3A_11, %dma_wait3A_86] : memref<10240x64xf32, #tpu.memory_space<vmem_shared>> -> memref<128x64xf32, #tpu.memory_space<vmem_shared>>
      tpu.wait_dma2 semaphore(%run_scoped3A_80 : memref<!tpu.dma_semaphore, #tpu.memory_space<semaphore_mem>>) src(%arg10 : memref<128x64xf32, #tpu.memory_space<vmem>>) dst(%dma_wait3A_87 : memref<128x64xf32, #tpu.memory_space<vmem_shared>>)
      tpu.yield
    }) : () -> ()
    %add3A_12 = arith.constant 128 : i32
    %add3A_13 = arith.addi %mul3A_0, %add3A_12 : i32
    "tpu.region"() ({
      %run_scoped3A_80 = tpu.sem_alloc : memref<!tpu.dma_semaphore, #tpu.memory_space<semaphore_mem>>
      %dma_start3A_81 = arith.constant 0 : i32
      %dma_start3A_82 = tpu.memref_slice %arg2[%add3A_13, %dma_start3A_81] : memref<10240x64xf32, #tpu.memory_space<hbm>> -> memref<128x64xf32, #tpu.memory_space<hbm>>
      %dma_start3A_83 = arith.constant 0 : i32
      %dma_start3A_84 = tpu.memref_slice %arg2[%add3A_13, %dma_start3A_83] : memref<10240x64xf32, #tpu.memory_space<hbm>> -> memref<128x64xf32, #tpu.memory_space<hbm>>
      tpu.enqueue_dma source(%dma_start3A_84 : memref<128x64xf32, #tpu.memory_space<hbm>>) target(%arg10 : memref<128x64xf32, #tpu.memory_space<vmem>>) target_semaphore(%run_scoped3A_80 : memref<!tpu.dma_semaphore, #tpu.memory_space<semaphore_mem>>)
      %dma_wait3A = arith.constant 0 : i32
      %dma_wait3A_85 = tpu.memref_slice %arg2[%add3A_13, %dma_wait3A] : memref<10240x64xf32, #tpu.memory_space<hbm>> -> memref<128x64xf32, #tpu.memory_space<hbm>>
      %dma_wait3A_86 = arith.constant 0 : i32
      %dma_wait3A_87 = tpu.memref_slice %arg2[%add3A_13, %dma_wait3A_86] : memref<10240x64xf32, #tpu.memory_space<hbm>> -> memref<128x64xf32, #tpu.memory_space<hbm>>
      tpu.wait_dma2 semaphore(%run_scoped3A_80 : memref<!tpu.dma_semaphore, #tpu.memory_space<semaphore_mem>>) src(%dma_wait3A_87 : memref<128x64xf32, #tpu.memory_space<hbm>>) dst(%arg10 : memref<128x64xf32, #tpu.memory_space<vmem>>)
      tpu.yield
    }) : () -> ()
    "tpu.region"() ({
      %run_scoped3A_80 = tpu.sem_alloc : memref<!tpu.dma_semaphore, #tpu.memory_space<semaphore_mem>>
      %dma_start3A_81 = arith.constant 0 : i32
      %dma_start3A_82 = tpu.memref_slice %arg11[%add3A_13, %dma_start3A_81] : memref<10240x64xf32, #tpu.memory_space<vmem_shared>> -> memref<128x64xf32, #tpu.memory_space<vmem_shared>>
      %dma_start3A_83 = arith.constant 0 : i32
      %dma_start3A_84 = tpu.memref_slice %arg11[%add3A_13, %dma_start3A_83] : memref<10240x64xf32, #tpu.memory_space<vmem_shared>> -> memref<128x64xf32, #tpu.memory_space<vmem_shared>>
      tpu.enqueue_dma source(%arg10 : memref<128x64xf32, #tpu.memory_space<vmem>>) target(%dma_start3A_84 : memref<128x64xf32, #tpu.memory_space<vmem_shared>>) target_semaphore(%run_scoped3A_80 : memref<!tpu.dma_semaphore, #tpu.memory_space<semaphore_mem>>)
      %dma_wait3A = arith.constant 0 : i32
      %dma_wait3A_85 = tpu.memref_slice %arg11[%add3A_13, %dma_wait3A] : memref<10240x64xf32, #tpu.memory_space<vmem_shared>> -> memref<128x64xf32, #tpu.memory_space<vmem_shared>>
      %dma_wait3A_86 = arith.constant 0 : i32
      %dma_wait3A_87 = tpu.memref_slice %arg11[%add3A_13, %dma_wait3A_86] : memref<10240x64xf32, #tpu.memory_space<vmem_shared>> -> memref<128x64xf32, #tpu.memory_space<vmem_shared>>
      tpu.wait_dma2 semaphore(%run_scoped3A_80 : memref<!tpu.dma_semaphore, #tpu.memory_space<semaphore_mem>>) src(%arg10 : memref<128x64xf32, #tpu.memory_space<vmem>>) dst(%dma_wait3A_87 : memref<128x64xf32, #tpu.memory_space<vmem_shared>>)
      tpu.yield
    }) : () -> ()
    %add3A_14 = arith.constant 256 : i32
    %add3A_15 = arith.addi %mul3A_0, %add3A_14 : i32
    "tpu.region"() ({
      %run_scoped3A_80 = tpu.sem_alloc : memref<!tpu.dma_semaphore, #tpu.memory_space<semaphore_mem>>
      %dma_start3A_81 = arith.constant 0 : i32
      %dma_start3A_82 = tpu.memref_slice %arg2[%add3A_15, %dma_start3A_81] : memref<10240x64xf32, #tpu.memory_space<hbm>> -> memref<128x64xf32, #tpu.memory_space<hbm>>
      %dma_start3A_83 = arith.constant 0 : i32
      %dma_start3A_84 = tpu.memref_slice %arg2[%add3A_15, %dma_start3A_83] : memref<10240x64xf32, #tpu.memory_space<hbm>> -> memref<128x64xf32, #tpu.memory_space<hbm>>
      tpu.enqueue_dma source(%dma_start3A_84 : memref<128x64xf32, #tpu.memory_space<hbm>>) target(%arg10 : memref<128x64xf32, #tpu.memory_space<vmem>>) target_semaphore(%run_scoped3A_80 : memref<!tpu.dma_semaphore, #tpu.memory_space<semaphore_mem>>)
      %dma_wait3A = arith.constant 0 : i32
      %dma_wait3A_85 = tpu.memref_slice %arg2[%add3A_15, %dma_wait3A] : memref<10240x64xf32, #tpu.memory_space<hbm>> -> memref<128x64xf32, #tpu.memory_space<hbm>>
      %dma_wait3A_86 = arith.constant 0 : i32
      %dma_wait3A_87 = tpu.memref_slice %arg2[%add3A_15, %dma_wait3A_86] : memref<10240x64xf32, #tpu.memory_space<hbm>> -> memref<128x64xf32, #tpu.memory_space<hbm>>
      tpu.wait_dma2 semaphore(%run_scoped3A_80 : memref<!tpu.dma_semaphore, #tpu.memory_space<semaphore_mem>>) src(%dma_wait3A_87 : memref<128x64xf32, #tpu.memory_space<hbm>>) dst(%arg10 : memref<128x64xf32, #tpu.memory_space<vmem>>)
      tpu.yield
    }) : () -> ()
    "tpu.region"() ({
      %run_scoped3A_80 = tpu.sem_alloc : memref<!tpu.dma_semaphore, #tpu.memory_space<semaphore_mem>>
      %dma_start3A_81 = arith.constant 0 : i32
      %dma_start3A_82 = tpu.memref_slice %arg11[%add3A_15, %dma_start3A_81] : memref<10240x64xf32, #tpu.memory_space<vmem_shared>> -> memref<128x64xf32, #tpu.memory_space<vmem_shared>>
      %dma_start3A_83 = arith.constant 0 : i32
      %dma_start3A_84 = tpu.memref_slice %arg11[%add3A_15, %dma_start3A_83] : memref<10240x64xf32, #tpu.memory_space<vmem_shared>> -> memref<128x64xf32, #tpu.memory_space<vmem_shared>>
      tpu.enqueue_dma source(%arg10 : memref<128x64xf32, #tpu.memory_space<vmem>>) target(%dma_start3A_84 : memref<128x64xf32, #tpu.memory_space<vmem_shared>>) target_semaphore(%run_scoped3A_80 : memref<!tpu.dma_semaphore, #tpu.memory_space<semaphore_mem>>)
      %dma_wait3A = arith.constant 0 : i32
      %dma_wait3A_85 = tpu.memref_slice %arg11[%add3A_15, %dma_wait3A] : memref<10240x64xf32, #tpu.memory_space<vmem_shared>> -> memref<128x64xf32, #tpu.memory_space<vmem_shared>>
      %dma_wait3A_86 = arith.constant 0 : i32
      %dma_wait3A_87 = tpu.memref_slice %arg11[%add3A_15, %dma_wait3A_86] : memref<10240x64xf32, #tpu.memory_space<vmem_shared>> -> memref<128x64xf32, #tpu.memory_space<vmem_shared>>
      tpu.wait_dma2 semaphore(%run_scoped3A_80 : memref<!tpu.dma_semaphore, #tpu.memory_space<semaphore_mem>>) src(%arg10 : memref<128x64xf32, #tpu.memory_space<vmem>>) dst(%dma_wait3A_87 : memref<128x64xf32, #tpu.memory_space<vmem_shared>>)
      tpu.yield
    }) : () -> ()
    %add3A_16 = arith.constant 384 : i32
    %add3A_17 = arith.addi %mul3A_0, %add3A_16 : i32
    "tpu.region"() ({
      %run_scoped3A_80 = tpu.sem_alloc : memref<!tpu.dma_semaphore, #tpu.memory_space<semaphore_mem>>
      %dma_start3A_81 = arith.constant 0 : i32
      %dma_start3A_82 = tpu.memref_slice %arg2[%add3A_17, %dma_start3A_81] : memref<10240x64xf32, #tpu.memory_space<hbm>> -> memref<128x64xf32, #tpu.memory_space<hbm>>
      %dma_start3A_83 = arith.constant 0 : i32
      %dma_start3A_84 = tpu.memref_slice %arg2[%add3A_17, %dma_start3A_83] : memref<10240x64xf32, #tpu.memory_space<hbm>> -> memref<128x64xf32, #tpu.memory_space<hbm>>
      tpu.enqueue_dma source(%dma_start3A_84 : memref<128x64xf32, #tpu.memory_space<hbm>>) target(%arg10 : memref<128x64xf32, #tpu.memory_space<vmem>>) target_semaphore(%run_scoped3A_80 : memref<!tpu.dma_semaphore, #tpu.memory_space<semaphore_mem>>)
      %dma_wait3A = arith.constant 0 : i32
      %dma_wait3A_85 = tpu.memref_slice %arg2[%add3A_17, %dma_wait3A] : memref<10240x64xf32, #tpu.memory_space<hbm>> -> memref<128x64xf32, #tpu.memory_space<hbm>>
      %dma_wait3A_86 = arith.constant 0 : i32
      %dma_wait3A_87 = tpu.memref_slice %arg2[%add3A_17, %dma_wait3A_86] : memref<10240x64xf32, #tpu.memory_space<hbm>> -> memref<128x64xf32, #tpu.memory_space<hbm>>
      tpu.wait_dma2 semaphore(%run_scoped3A_80 : memref<!tpu.dma_semaphore, #tpu.memory_space<semaphore_mem>>) src(%dma_wait3A_87 : memref<128x64xf32, #tpu.memory_space<hbm>>) dst(%arg10 : memref<128x64xf32, #tpu.memory_space<vmem>>)
      tpu.yield
    }) : () -> ()
    "tpu.region"() ({
      %run_scoped3A_80 = tpu.sem_alloc : memref<!tpu.dma_semaphore, #tpu.memory_space<semaphore_mem>>
      %dma_start3A_81 = arith.constant 0 : i32
      %dma_start3A_82 = tpu.memref_slice %arg11[%add3A_17, %dma_start3A_81] : memref<10240x64xf32, #tpu.memory_space<vmem_shared>> -> memref<128x64xf32, #tpu.memory_space<vmem_shared>>
      %dma_start3A_83 = arith.constant 0 : i32
      %dma_start3A_84 = tpu.memref_slice %arg11[%add3A_17, %dma_start3A_83] : memref<10240x64xf32, #tpu.memory_space<vmem_shared>> -> memref<128x64xf32, #tpu.memory_space<vmem_shared>>
      tpu.enqueue_dma source(%arg10 : memref<128x64xf32, #tpu.memory_space<vmem>>) target(%dma_start3A_84 : memref<128x64xf32, #tpu.memory_space<vmem_shared>>) target_semaphore(%run_scoped3A_80 : memref<!tpu.dma_semaphore, #tpu.memory_space<semaphore_mem>>)
      %dma_wait3A = arith.constant 0 : i32
      %dma_wait3A_85 = tpu.memref_slice %arg11[%add3A_17, %dma_wait3A] : memref<10240x64xf32, #tpu.memory_space<vmem_shared>> -> memref<128x64xf32, #tpu.memory_space<vmem_shared>>
      %dma_wait3A_86 = arith.constant 0 : i32
      %dma_wait3A_87 = tpu.memref_slice %arg11[%add3A_17, %dma_wait3A_86] : memref<10240x64xf32, #tpu.memory_space<vmem_shared>> -> memref<128x64xf32, #tpu.memory_space<vmem_shared>>
      tpu.wait_dma2 semaphore(%run_scoped3A_80 : memref<!tpu.dma_semaphore, #tpu.memory_space<semaphore_mem>>) src(%arg10 : memref<128x64xf32, #tpu.memory_space<vmem>>) dst(%dma_wait3A_87 : memref<128x64xf32, #tpu.memory_space<vmem_shared>>)
      tpu.yield
    }) : () -> ()
    %add3A_18 = arith.constant 512 : i32
    %add3A_19 = arith.addi %mul3A_0, %add3A_18 : i32
    "tpu.region"() ({
      %run_scoped3A_80 = tpu.sem_alloc : memref<!tpu.dma_semaphore, #tpu.memory_space<semaphore_mem>>
      %dma_start3A_81 = arith.constant 0 : i32
      %dma_start3A_82 = tpu.memref_slice %arg2[%add3A_19, %dma_start3A_81] : memref<10240x64xf32, #tpu.memory_space<hbm>> -> memref<128x64xf32, #tpu.memory_space<hbm>>
      %dma_start3A_83 = arith.constant 0 : i32
      %dma_start3A_84 = tpu.memref_slice %arg2[%add3A_19, %dma_start3A_83] : memref<10240x64xf32, #tpu.memory_space<hbm>> -> memref<128x64xf32, #tpu.memory_space<hbm>>
      tpu.enqueue_dma source(%dma_start3A_84 : memref<128x64xf32, #tpu.memory_space<hbm>>) target(%arg10 : memref<128x64xf32, #tpu.memory_space<vmem>>) target_semaphore(%run_scoped3A_80 : memref<!tpu.dma_semaphore, #tpu.memory_space<semaphore_mem>>)
      %dma_wait3A = arith.constant 0 : i32
      %dma_wait3A_85 = tpu.memref_slice %arg2[%add3A_19, %dma_wait3A] : memref<10240x64xf32, #tpu.memory_space<hbm>> -> memref<128x64xf32, #tpu.memory_space<hbm>>
      %dma_wait3A_86 = arith.constant 0 : i32
      %dma_wait3A_87 = tpu.memref_slice %arg2[%add3A_19, %dma_wait3A_86] : memref<10240x64xf32, #tpu.memory_space<hbm>> -> memref<128x64xf32, #tpu.memory_space<hbm>>
      tpu.wait_dma2 semaphore(%run_scoped3A_80 : memref<!tpu.dma_semaphore, #tpu.memory_space<semaphore_mem>>) src(%dma_wait3A_87 : memref<128x64xf32, #tpu.memory_space<hbm>>) dst(%arg10 : memref<128x64xf32, #tpu.memory_space<vmem>>)
      tpu.yield
    }) : () -> ()
    "tpu.region"() ({
      %run_scoped3A_80 = tpu.sem_alloc : memref<!tpu.dma_semaphore, #tpu.memory_space<semaphore_mem>>
      %dma_start3A_81 = arith.constant 0 : i32
      %dma_start3A_82 = tpu.memref_slice %arg11[%add3A_19, %dma_start3A_81] : memref<10240x64xf32, #tpu.memory_space<vmem_shared>> -> memref<128x64xf32, #tpu.memory_space<vmem_shared>>
      %dma_start3A_83 = arith.constant 0 : i32
      %dma_start3A_84 = tpu.memref_slice %arg11[%add3A_19, %dma_start3A_83] : memref<10240x64xf32, #tpu.memory_space<vmem_shared>> -> memref<128x64xf32, #tpu.memory_space<vmem_shared>>
      tpu.enqueue_dma source(%arg10 : memref<128x64xf32, #tpu.memory_space<vmem>>) target(%dma_start3A_84 : memref<128x64xf32, #tpu.memory_space<vmem_shared>>) target_semaphore(%run_scoped3A_80 : memref<!tpu.dma_semaphore, #tpu.memory_space<semaphore_mem>>)
      %dma_wait3A = arith.constant 0 : i32
      %dma_wait3A_85 = tpu.memref_slice %arg11[%add3A_19, %dma_wait3A] : memref<10240x64xf32, #tpu.memory_space<vmem_shared>> -> memref<128x64xf32, #tpu.memory_space<vmem_shared>>
      %dma_wait3A_86 = arith.constant 0 : i32
      %dma_wait3A_87 = tpu.memref_slice %arg11[%add3A_19, %dma_wait3A_86] : memref<10240x64xf32, #tpu.memory_space<vmem_shared>> -> memref<128x64xf32, #tpu.memory_space<vmem_shared>>
      tpu.wait_dma2 semaphore(%run_scoped3A_80 : memref<!tpu.dma_semaphore, #tpu.memory_space<semaphore_mem>>) src(%arg10 : memref<128x64xf32, #tpu.memory_space<vmem>>) dst(%dma_wait3A_87 : memref<128x64xf32, #tpu.memory_space<vmem_shared>>)
      tpu.yield
    }) : () -> ()
    %barrier3A = arith.constant 0 : index
    tpu.barrier barrier_id(%barrier3A)
    %run_scoped3A = arith.constant 0 : i32
    %run_scoped3A_20 = arith.constant 0 : i32
    "tpu.region"() ({
      %run_scoped3A_80 = tpu.sem_alloc : memref<!tpu.dma_semaphore, #tpu.memory_space<semaphore_mem>>
      %dma_start3A_81 = arith.constant 0 : i32
      %dma_start3A_82 = tpu.memref_slice %arg7[%run_scoped3A_20, %dma_start3A_81] : memref<3x256xi32, #tpu.memory_space<vmem>> -> memref<1x256xi32, #tpu.memory_space<vmem>>
      %dma_start3A_83 = tpu.memref_squeeze %dma_start3A_82 : memref<1x256xi32, #tpu.memory_space<vmem>> -> memref<256xi32, #tpu.memory_space<vmem>>
      %dma_start3A_84 = arith.constant 0 : i32
      %dma_start3A_85 = tpu.memref_slice %arg3[%arg0, %arg1, %run_scoped3A, %dma_start3A_84] : memref<2x16x40x256xi32, #tpu.memory_space<hbm>> -> memref<1x1x1x256xi32, #tpu.memory_space<hbm>>
      %dma_start3A_86 = tpu.memref_squeeze %dma_start3A_85 : memref<1x1x1x256xi32, #tpu.memory_space<hbm>> -> memref<256xi32, #tpu.memory_space<hbm>>
      %dma_start3A_87 = arith.constant 0 : i32
      %dma_start3A_88 = tpu.memref_slice %arg7[%run_scoped3A_20, %dma_start3A_87] : memref<3x256xi32, #tpu.memory_space<vmem>> -> memref<1x256xi32, #tpu.memory_space<vmem>>
      %dma_start3A_89 = tpu.memref_squeeze %dma_start3A_88 : memref<1x256xi32, #tpu.memory_space<vmem>> -> memref<256xi32, #tpu.memory_space<vmem>>
      %dma_start3A_90 = arith.constant 0 : i32
      %dma_start3A_91 = tpu.memref_slice %arg3[%arg0, %arg1, %run_scoped3A, %dma_start3A_90] : memref<2x16x40x256xi32, #tpu.memory_space<hbm>> -> memref<1x1x1x256xi32, #tpu.memory_space<hbm>>
      %dma_start3A_92 = tpu.memref_squeeze %dma_start3A_91 : memref<1x1x1x256xi32, #tpu.memory_space<hbm>> -> memref<256xi32, #tpu.memory_space<hbm>>
      tpu.enqueue_dma source(%dma_start3A_92 : memref<256xi32, #tpu.memory_space<hbm>>) target(%dma_start3A_89 : memref<256xi32, #tpu.memory_space<vmem>>) target_semaphore(%run_scoped3A_80 : memref<!tpu.dma_semaphore, #tpu.memory_space<semaphore_mem>>)
      %dma_wait3A = arith.constant 0 : i32
      %dma_wait3A_93 = tpu.memref_slice %arg7[%run_scoped3A_20, %dma_wait3A] : memref<3x256xi32, #tpu.memory_space<vmem>> -> memref<1x256xi32, #tpu.memory_space<vmem>>
      %dma_wait3A_94 = tpu.memref_squeeze %dma_wait3A_93 : memref<1x256xi32, #tpu.memory_space<vmem>> -> memref<256xi32, #tpu.memory_space<vmem>>
      %dma_wait3A_95 = arith.constant 0 : i32
      %dma_wait3A_96 = tpu.memref_slice %arg3[%arg0, %arg1, %run_scoped3A, %dma_wait3A_95] : memref<2x16x40x256xi32, #tpu.memory_space<hbm>> -> memref<1x1x1x256xi32, #tpu.memory_space<hbm>>
      %dma_wait3A_97 = tpu.memref_squeeze %dma_wait3A_96 : memref<1x1x1x256xi32, #tpu.memory_space<hbm>> -> memref<256xi32, #tpu.memory_space<hbm>>
      %dma_wait3A_98 = arith.constant 0 : i32
      %dma_wait3A_99 = tpu.memref_slice %arg7[%run_scoped3A_20, %dma_wait3A_98] : memref<3x256xi32, #tpu.memory_space<vmem>> -> memref<1x256xi32, #tpu.memory_space<vmem>>
      %dma_wait3A_100 = tpu.memref_squeeze %dma_wait3A_99 : memref<1x256xi32, #tpu.memory_space<vmem>> -> memref<256xi32, #tpu.memory_space<vmem>>
      %dma_wait3A_101 = arith.constant 0 : i32
      %dma_wait3A_102 = tpu.memref_slice %arg3[%arg0, %arg1, %run_scoped3A, %dma_wait3A_101] : memref<2x16x40x256xi32, #tpu.memory_space<hbm>> -> memref<1x1x1x256xi32, #tpu.memory_space<hbm>>
      %dma_wait3A_103 = tpu.memref_squeeze %dma_wait3A_102 : memref<1x1x1x256xi32, #tpu.memory_space<hbm>> -> memref<256xi32, #tpu.memory_space<hbm>>
      tpu.wait_dma2 semaphore(%run_scoped3A_80 : memref<!tpu.dma_semaphore, #tpu.memory_space<semaphore_mem>>) src(%dma_wait3A_103 : memref<256xi32, #tpu.memory_space<hbm>>) dst(%dma_wait3A_100 : memref<256xi32, #tpu.memory_space<vmem>>)
      tpu.yield
    }) : () -> ()
    %run_scoped3A_21 = arith.constant 0 : i32
    %run_scoped3A_22 = arith.constant 0 : i32
    "tpu.region"() ({
      %run_scoped3A_80 = tpu.sem_alloc : memref<!tpu.dma_semaphore, #tpu.memory_space<semaphore_mem>>
      %dma_start3A_81 = arith.constant 0 : i32
      %dma_start3A_82 = tpu.memref_slice %arg8[%run_scoped3A_22, %dma_start3A_81] : memref<3x256xi32, #tpu.memory_space<vmem>> -> memref<1x256xi32, #tpu.memory_space<vmem>>
      %dma_start3A_83 = tpu.memref_squeeze %dma_start3A_82 : memref<1x256xi32, #tpu.memory_space<vmem>> -> memref<256xi32, #tpu.memory_space<vmem>>
      %dma_start3A_84 = arith.constant 0 : i32
      %dma_start3A_85 = tpu.memref_slice %arg4[%arg0, %arg1, %run_scoped3A_21, %dma_start3A_84] : memref<2x16x40x256xi32, #tpu.memory_space<hbm>> -> memref<1x1x1x256xi32, #tpu.memory_space<hbm>>
      %dma_start3A_86 = tpu.memref_squeeze %dma_start3A_85 : memref<1x1x1x256xi32, #tpu.memory_space<hbm>> -> memref<256xi32, #tpu.memory_space<hbm>>
      %dma_start3A_87 = arith.constant 0 : i32
      %dma_start3A_88 = tpu.memref_slice %arg8[%run_scoped3A_22, %dma_start3A_87] : memref<3x256xi32, #tpu.memory_space<vmem>> -> memref<1x256xi32, #tpu.memory_space<vmem>>
      %dma_start3A_89 = tpu.memref_squeeze %dma_start3A_88 : memref<1x256xi32, #tpu.memory_space<vmem>> -> memref<256xi32, #tpu.memory_space<vmem>>
      %dma_start3A_90 = arith.constant 0 : i32
      %dma_start3A_91 = tpu.memref_slice %arg4[%arg0, %arg1, %run_scoped3A_21, %dma_start3A_90] : memref<2x16x40x256xi32, #tpu.memory_space<hbm>> -> memref<1x1x1x256xi32, #tpu.memory_space<hbm>>
      %dma_start3A_92 = tpu.memref_squeeze %dma_start3A_91 : memref<1x1x1x256xi32, #tpu.memory_space<hbm>> -> memref<256xi32, #tpu.memory_space<hbm>>
      tpu.enqueue_dma source(%dma_start3A_92 : memref<256xi32, #tpu.memory_space<hbm>>) target(%dma_start3A_89 : memref<256xi32, #tpu.memory_space<vmem>>) target_semaphore(%run_scoped3A_80 : memref<!tpu.dma_semaphore, #tpu.memory_space<semaphore_mem>>)
      %dma_wait3A = arith.constant 0 : i32
      %dma_wait3A_93 = tpu.memref_slice %arg8[%run_scoped3A_22, %dma_wait3A] : memref<3x256xi32, #tpu.memory_space<vmem>> -> memref<1x256xi32, #tpu.memory_space<vmem>>
      %dma_wait3A_94 = tpu.memref_squeeze %dma_wait3A_93 : memref<1x256xi32, #tpu.memory_space<vmem>> -> memref<256xi32, #tpu.memory_space<vmem>>
      %dma_wait3A_95 = arith.constant 0 : i32
      %dma_wait3A_96 = tpu.memref_slice %arg4[%arg0, %arg1, %run_scoped3A_21, %dma_wait3A_95] : memref<2x16x40x256xi32, #tpu.memory_space<hbm>> -> memref<1x1x1x256xi32, #tpu.memory_space<hbm>>
      %dma_wait3A_97 = tpu.memref_squeeze %dma_wait3A_96 : memref<1x1x1x256xi32, #tpu.memory_space<hbm>> -> memref<256xi32, #tpu.memory_space<hbm>>
      %dma_wait3A_98 = arith.constant 0 : i32
      %dma_wait3A_99 = tpu.memref_slice %arg8[%run_scoped3A_22, %dma_wait3A_98] : memref<3x256xi32, #tpu.memory_space<vmem>> -> memref<1x256xi32, #tpu.memory_space<vmem>>
      %dma_wait3A_100 = tpu.memref_squeeze %dma_wait3A_99 : memref<1x256xi32, #tpu.memory_space<vmem>> -> memref<256xi32, #tpu.memory_space<vmem>>
      %dma_wait3A_101 = arith.constant 0 : i32
      %dma_wait3A_102 = tpu.memref_slice %arg4[%arg0, %arg1, %run_scoped3A_21, %dma_wait3A_101] : memref<2x16x40x256xi32, #tpu.memory_space<hbm>> -> memref<1x1x1x256xi32, #tpu.memory_space<hbm>>
      %dma_wait3A_103 = tpu.memref_squeeze %dma_wait3A_102 : memref<1x1x1x256xi32, #tpu.memory_space<hbm>> -> memref<256xi32, #tpu.memory_space<hbm>>
      tpu.wait_dma2 semaphore(%run_scoped3A_80 : memref<!tpu.dma_semaphore, #tpu.memory_space<semaphore_mem>>) src(%dma_wait3A_103 : memref<256xi32, #tpu.memory_space<hbm>>) dst(%dma_wait3A_100 : memref<256xi32, #tpu.memory_space<vmem>>)
      tpu.yield
    }) : () -> ()
    %rem3A = arith.constant 1 : i32
    %rem3A_23 = arith.constant 3 : i32
    %rem3A_24 = arith.remsi %rem3A, %rem3A_23 : i32
    %dma_start3A = arith.constant 1 : i32
    %dma_start3A_25 = arith.constant 0 : i32
    %dma_start3A_26 = tpu.memref_slice %arg7[%rem3A_24, %dma_start3A_25] : memref<3x256xi32, #tpu.memory_space<vmem>> -> memref<1x256xi32, #tpu.memory_space<vmem>>
    %dma_start3A_27 = tpu.memref_squeeze %dma_start3A_26 : memref<1x256xi32, #tpu.memory_space<vmem>> -> memref<256xi32, #tpu.memory_space<vmem>>
    %dma_start3A_28 = arith.constant 0 : i32
    %dma_start3A_29 = tpu.memref_slice %arg3[%arg0, %arg1, %dma_start3A, %dma_start3A_28] : memref<2x16x40x256xi32, #tpu.memory_space<hbm>> -> memref<1x1x1x256xi32, #tpu.memory_space<hbm>>
    %dma_start3A_30 = tpu.memref_squeeze %dma_start3A_29 : memref<1x1x1x256xi32, #tpu.memory_space<hbm>> -> memref<256xi32, #tpu.memory_space<hbm>>
    %dma_start3A_31 = arith.constant 0 : i32
    %dma_start3A_32 = tpu.memref_slice %arg7[%rem3A_24, %dma_start3A_31] : memref<3x256xi32, #tpu.memory_space<vmem>> -> memref<1x256xi32, #tpu.memory_space<vmem>>
    %dma_start3A_33 = tpu.memref_squeeze %dma_start3A_32 : memref<1x256xi32, #tpu.memory_space<vmem>> -> memref<256xi32, #tpu.memory_space<vmem>>
    %dma_start3A_34 = arith.constant 0 : i32
    %dma_start3A_35 = tpu.memref_slice %arg3[%arg0, %arg1, %dma_start3A, %dma_start3A_34] : memref<2x16x40x256xi32, #tpu.memory_space<hbm>> -> memref<1x1x1x256xi32, #tpu.memory_space<hbm>>
    %dma_start3A_36 = tpu.memref_squeeze %dma_start3A_35 : memref<1x1x1x256xi32, #tpu.memory_space<hbm>> -> memref<256xi32, #tpu.memory_space<hbm>>
    tpu.enqueue_dma source(%dma_start3A_36 : memref<256xi32, #tpu.memory_space<hbm>>) target(%dma_start3A_33 : memref<256xi32, #tpu.memory_space<vmem>>) target_semaphore(%arg14 : memref<!tpu.dma_semaphore, #tpu.memory_space<semaphore_mem>>)
    %dma_start3A_37 = arith.constant 1 : i32
    %dma_start3A_38 = arith.constant 0 : i32
    %dma_start3A_39 = tpu.memref_slice %arg8[%rem3A_24, %dma_start3A_38] : memref<3x256xi32, #tpu.memory_space<vmem>> -> memref<1x256xi32, #tpu.memory_space<vmem>>
    %dma_start3A_40 = tpu.memref_squeeze %dma_start3A_39 : memref<1x256xi32, #tpu.memory_space<vmem>> -> memref<256xi32, #tpu.memory_space<vmem>>
    %dma_start3A_41 = arith.constant 0 : i32
    %dma_start3A_42 = tpu.memref_slice %arg4[%arg0, %arg1, %dma_start3A_37, %dma_start3A_41] : memref<2x16x40x256xi32, #tpu.memory_space<hbm>> -> memref<1x1x1x256xi32, #tpu.memory_space<hbm>>
    %dma_start3A_43 = tpu.memref_squeeze %dma_start3A_42 : memref<1x1x1x256xi32, #tpu.memory_space<hbm>> -> memref<256xi32, #tpu.memory_space<hbm>>
    %dma_start3A_44 = arith.constant 0 : i32
    %dma_start3A_45 = tpu.memref_slice %arg8[%rem3A_24, %dma_start3A_44] : memref<3x256xi32, #tpu.memory_space<vmem>> -> memref<1x256xi32, #tpu.memory_space<vmem>>
    %dma_start3A_46 = tpu.memref_squeeze %dma_start3A_45 : memref<1x256xi32, #tpu.memory_space<vmem>> -> memref<256xi32, #tpu.memory_space<vmem>>
    %dma_start3A_47 = arith.constant 0 : i32
    %dma_start3A_48 = tpu.memref_slice %arg4[%arg0, %arg1, %dma_start3A_37, %dma_start3A_47] : memref<2x16x40x256xi32, #tpu.memory_space<hbm>> -> memref<1x1x1x256xi32, #tpu.memory_space<hbm>>
    %dma_start3A_49 = tpu.memref_squeeze %dma_start3A_48 : memref<1x1x1x256xi32, #tpu.memory_space<hbm>> -> memref<256xi32, #tpu.memory_space<hbm>>
    tpu.enqueue_dma source(%dma_start3A_49 : memref<256xi32, #tpu.memory_space<hbm>>) target(%dma_start3A_46 : memref<256xi32, #tpu.memory_space<vmem>>) target_semaphore(%arg14 : memref<!tpu.dma_semaphore, #tpu.memory_space<semaphore_mem>>)
    %rem3A_50 = arith.constant 0 : i32
    %rem3A_51 = arith.constant 3 : i32
    %rem3A_52 = arith.remsi %rem3A_50, %rem3A_51 : i32
    %dma_start3A_53 = arith.constant 0 : i32
    %dma_start3A_54 = arith.constant 0 : i32
    %dma_start3A_55 = arith.constant 0 : i32
    %dma_start3A_56 = tpu.memref_slice %arg9[%dma_start3A_53, %dma_start3A_54, %dma_start3A_55] : memref<2x256x64xf32, #tpu.memory_space<vmem>> -> memref<1x256x64xf32, #tpu.memory_space<vmem>>
    %dma_start3A_57 = tpu.memref_squeeze %dma_start3A_56 : memref<1x256x64xf32, #tpu.memory_space<vmem>> -> memref<256x64xf32, #tpu.memory_space<vmem>>
    %dma_start3A_58 = arith.constant 0 : i32
    %dma_start3A_59 = tpu.memref_slice %arg7[%rem3A_52, %dma_start3A_58] : memref<3x256xi32, #tpu.memory_space<vmem>> -> memref<1x256xi32, #tpu.memory_space<vmem>>
    %dma_start3A_60 = tpu.memref_squeeze %dma_start3A_59 : memref<1x256xi32, #tpu.memory_space<vmem>> -> memref<256xi32, #tpu.memory_space<vmem>>
    %dma_start3A_61 = arith.constant 0 : i32
    %dma_start3A_62 = arith.constant 0 : i32
    %dma_start3A_63 = tpu.memref_slice %arg11[%dma_start3A_61, %dma_start3A_62] : memref<10240x64xf32, #tpu.memory_space<vmem_shared>> -> memref<10240x64xf32, #tpu.memory_space<vmem_shared>>
    tpu.enqueue_indirect_dma source(%dma_start3A_63 : memref<10240x64xf32, #tpu.memory_space<vmem_shared>>) target(%dma_start3A_57 : memref<256x64xf32, #tpu.memory_space<vmem>>) offsets(%dma_start3A_60 : memref<256xi32, #tpu.memory_space<vmem>>) semaphore(%arg13 : memref<!tpu.dma_semaphore, #tpu.memory_space<semaphore_mem>>)
    %scan3A = arith.constant 0 : i32
    %scan3A_64 = arith.constant 0 : i32
    %scan3A_65 = arith.constant 40 : i32
    %scan3A_66 = arith.addi %scan3A_64, %scan3A_65 : i32
    %scan3A_67 = arith.constant 1 : i32
    scf.for %scan3A_80 = %scan3A_64 to %scan3A_66 step %scan3A_67  : i32 {
      %rem3A_81 = arith.constant 2 : i32
      %rem3A_82 = arith.remsi %scan3A_80, %rem3A_81 : i32
      %sub3A = arith.constant 1 : i32
      %sub3A_83 = arith.subi %sub3A, %rem3A_82 : i32
      %add3A_84 = arith.constant 1 : i32
      %add3A_85 = arith.addi %scan3A_80, %add3A_84 : i32
      %lt3A = arith.constant 40 : i32
      %lt3A_86 = arith.cmpi slt, %add3A_85, %lt3A : i32
      %convert_element_type3A = arith.extui %lt3A_86 : i1 to i32
      %cond3A = arith.constant 0 : i32
      %cond3A_87 = arith.cmpi ne, %convert_element_type3A, %cond3A : i32
      scf.if %cond3A_87 {
        %add3A_101 = arith.constant 1 : i32
        %add3A_102 = arith.addi %scan3A_80, %add3A_101 : i32
        %rem3A_103 = arith.constant 3 : i32
        %rem3A_104 = arith.remsi %add3A_102, %rem3A_103 : i32
        %dma_wait3A_105 = arith.constant 0 : i32
        %dma_wait3A_106 = tpu.memref_slice %arg7[%rem3A_104, %dma_wait3A_105] : memref<3x256xi32, #tpu.memory_space<vmem>> -> memref<1x256xi32, #tpu.memory_space<vmem>>
        %dma_wait3A_107 = tpu.memref_squeeze %dma_wait3A_106 : memref<1x256xi32, #tpu.memory_space<vmem>> -> memref<256xi32, #tpu.memory_space<vmem>>
        %dma_wait3A_108 = arith.constant 0 : i32
        %dma_wait3A_109 = tpu.memref_slice %arg3[%arg0, %arg1, %add3A_102, %dma_wait3A_108] : memref<2x16x40x256xi32, #tpu.memory_space<hbm>> -> memref<1x1x1x256xi32, #tpu.memory_space<hbm>>
        %dma_wait3A_110 = tpu.memref_squeeze %dma_wait3A_109 : memref<1x1x1x256xi32, #tpu.memory_space<hbm>> -> memref<256xi32, #tpu.memory_space<hbm>>
        %dma_wait3A_111 = arith.constant 0 : i32
        %dma_wait3A_112 = tpu.memref_slice %arg7[%rem3A_104, %dma_wait3A_111] : memref<3x256xi32, #tpu.memory_space<vmem>> -> memref<1x256xi32, #tpu.memory_space<vmem>>
        %dma_wait3A_113 = tpu.memref_squeeze %dma_wait3A_112 : memref<1x256xi32, #tpu.memory_space<vmem>> -> memref<256xi32, #tpu.memory_space<vmem>>
        %dma_wait3A_114 = arith.constant 0 : i32
        %dma_wait3A_115 = tpu.memref_slice %arg3[%arg0, %arg1, %add3A_102, %dma_wait3A_114] : memref<2x16x40x256xi32, #tpu.memory_space<hbm>> -> memref<1x1x1x256xi32, #tpu.memory_space<hbm>>
        %dma_wait3A_116 = tpu.memref_squeeze %dma_wait3A_115 : memref<1x1x1x256xi32, #tpu.memory_space<hbm>> -> memref<256xi32, #tpu.memory_space<hbm>>
        tpu.wait_dma2 semaphore(%arg14 : memref<!tpu.dma_semaphore, #tpu.memory_space<semaphore_mem>>) src(%dma_wait3A_116 : memref<256xi32, #tpu.memory_space<hbm>>) dst(%dma_wait3A_113 : memref<256xi32, #tpu.memory_space<vmem>>)
        %dma_wait3A_117 = arith.constant 0 : i32
        %dma_wait3A_118 = tpu.memref_slice %arg8[%rem3A_104, %dma_wait3A_117] : memref<3x256xi32, #tpu.memory_space<vmem>> -> memref<1x256xi32, #tpu.memory_space<vmem>>
        %dma_wait3A_119 = tpu.memref_squeeze %dma_wait3A_118 : memref<1x256xi32, #tpu.memory_space<vmem>> -> memref<256xi32, #tpu.memory_space<vmem>>
        %dma_wait3A_120 = arith.constant 0 : i32
        %dma_wait3A_121 = tpu.memref_slice %arg4[%arg0, %arg1, %add3A_102, %dma_wait3A_120] : memref<2x16x40x256xi32, #tpu.memory_space<hbm>> -> memref<1x1x1x256xi32, #tpu.memory_space<hbm>>
        %dma_wait3A_122 = tpu.memref_squeeze %dma_wait3A_121 : memref<1x1x1x256xi32, #tpu.memory_space<hbm>> -> memref<256xi32, #tpu.memory_space<hbm>>
        %dma_wait3A_123 = arith.constant 0 : i32
        %dma_wait3A_124 = tpu.memref_slice %arg8[%rem3A_104, %dma_wait3A_123] : memref<3x256xi32, #tpu.memory_space<vmem>> -> memref<1x256xi32, #tpu.memory_space<vmem>>
        %dma_wait3A_125 = tpu.memref_squeeze %dma_wait3A_124 : memref<1x256xi32, #tpu.memory_space<vmem>> -> memref<256xi32, #tpu.memory_space<vmem>>
        %dma_wait3A_126 = arith.constant 0 : i32
        %dma_wait3A_127 = tpu.memref_slice %arg4[%arg0, %arg1, %add3A_102, %dma_wait3A_126] : memref<2x16x40x256xi32, #tpu.memory_space<hbm>> -> memref<1x1x1x256xi32, #tpu.memory_space<hbm>>
        %dma_wait3A_128 = tpu.memref_squeeze %dma_wait3A_127 : memref<1x1x1x256xi32, #tpu.memory_space<hbm>> -> memref<256xi32, #tpu.memory_space<hbm>>
        tpu.wait_dma2 semaphore(%arg14 : memref<!tpu.dma_semaphore, #tpu.memory_space<semaphore_mem>>) src(%dma_wait3A_128 : memref<256xi32, #tpu.memory_space<hbm>>) dst(%dma_wait3A_125 : memref<256xi32, #tpu.memory_space<vmem>>)
        %add3A_129 = arith.constant 2 : i32
        %add3A_130 = arith.addi %scan3A_80, %add3A_129 : i32
        %lt3A_131 = arith.constant 40 : i32
        %lt3A_132 = arith.cmpi slt, %add3A_130, %lt3A_131 : i32
        %convert_element_type3A_133 = arith.extui %lt3A_132 : i1 to i32
        %cond3A_134 = arith.constant 0 : i32
        %cond3A_135 = arith.cmpi ne, %convert_element_type3A_133, %cond3A_134 : i32
        scf.if %cond3A_135 {
          %add3A_150 = arith.constant 2 : i32
          %add3A_151 = arith.addi %scan3A_80, %add3A_150 : i32
          %rem3A_152 = arith.constant 3 : i32
          %rem3A_153 = arith.remsi %add3A_151, %rem3A_152 : i32
          %dma_start3A_154 = arith.constant 0 : i32
          %dma_start3A_155 = tpu.memref_slice %arg7[%rem3A_153, %dma_start3A_154] : memref<3x256xi32, #tpu.memory_space<vmem>> -> memref<1x256xi32, #tpu.memory_space<vmem>>
          %dma_start3A_156 = tpu.memref_squeeze %dma_start3A_155 : memref<1x256xi32, #tpu.memory_space<vmem>> -> memref<256xi32, #tpu.memory_space<vmem>>
          %dma_start3A_157 = arith.constant 0 : i32
          %dma_start3A_158 = tpu.memref_slice %arg3[%arg0, %arg1, %add3A_151, %dma_start3A_157] : memref<2x16x40x256xi32, #tpu.memory_space<hbm>> -> memref<1x1x1x256xi32, #tpu.memory_space<hbm>>
          %dma_start3A_159 = tpu.memref_squeeze %dma_start3A_158 : memref<1x1x1x256xi32, #tpu.memory_space<hbm>> -> memref<256xi32, #tpu.memory_space<hbm>>
          %dma_start3A_160 = arith.constant 0 : i32
          %dma_start3A_161 = tpu.memref_slice %arg7[%rem3A_153, %dma_start3A_160] : memref<3x256xi32, #tpu.memory_space<vmem>> -> memref<1x256xi32, #tpu.memory_space<vmem>>
          %dma_start3A_162 = tpu.memref_squeeze %dma_start3A_161 : memref<1x256xi32, #tpu.memory_space<vmem>> -> memref<256xi32, #tpu.memory_space<vmem>>
          %dma_start3A_163 = arith.constant 0 : i32
          %dma_start3A_164 = tpu.memref_slice %arg3[%arg0, %arg1, %add3A_151, %dma_start3A_163] : memref<2x16x40x256xi32, #tpu.memory_space<hbm>> -> memref<1x1x1x256xi32, #tpu.memory_space<hbm>>
          %dma_start3A_165 = tpu.memref_squeeze %dma_start3A_164 : memref<1x1x1x256xi32, #tpu.memory_space<hbm>> -> memref<256xi32, #tpu.memory_space<hbm>>
          tpu.enqueue_dma source(%dma_start3A_165 : memref<256xi32, #tpu.memory_space<hbm>>) target(%dma_start3A_162 : memref<256xi32, #tpu.memory_space<vmem>>) target_semaphore(%arg14 : memref<!tpu.dma_semaphore, #tpu.memory_space<semaphore_mem>>)
          %dma_start3A_166 = arith.constant 0 : i32
          %dma_start3A_167 = tpu.memref_slice %arg8[%rem3A_153, %dma_start3A_166] : memref<3x256xi32, #tpu.memory_space<vmem>> -> memref<1x256xi32, #tpu.memory_space<vmem>>
          %dma_start3A_168 = tpu.memref_squeeze %dma_start3A_167 : memref<1x256xi32, #tpu.memory_space<vmem>> -> memref<256xi32, #tpu.memory_space<vmem>>
          %dma_start3A_169 = arith.constant 0 : i32
          %dma_start3A_170 = tpu.memref_slice %arg4[%arg0, %arg1, %add3A_151, %dma_start3A_169] : memref<2x16x40x256xi32, #tpu.memory_space<hbm>> -> memref<1x1x1x256xi32, #tpu.memory_space<hbm>>
          %dma_start3A_171 = tpu.memref_squeeze %dma_start3A_170 : memref<1x1x1x256xi32, #tpu.memory_space<hbm>> -> memref<256xi32, #tpu.memory_space<hbm>>
          %dma_start3A_172 = arith.constant 0 : i32
          %dma_start3A_173 = tpu.memref_slice %arg8[%rem3A_153, %dma_start3A_172] : memref<3x256xi32, #tpu.memory_space<vmem>> -> memref<1x256xi32, #tpu.memory_space<vmem>>
          %dma_start3A_174 = tpu.memref_squeeze %dma_start3A_173 : memref<1x256xi32, #tpu.memory_space<vmem>> -> memref<256xi32, #tpu.memory_space<vmem>>
          %dma_start3A_175 = arith.constant 0 : i32
          %dma_start3A_176 = tpu.memref_slice %arg4[%arg0, %arg1, %add3A_151, %dma_start3A_175] : memref<2x16x40x256xi32, #tpu.memory_space<hbm>> -> memref<1x1x1x256xi32, #tpu.memory_space<hbm>>
          %dma_start3A_177 = tpu.memref_squeeze %dma_start3A_176 : memref<1x1x1x256xi32, #tpu.memory_space<hbm>> -> memref<256xi32, #tpu.memory_space<hbm>>
          tpu.enqueue_dma source(%dma_start3A_177 : memref<256xi32, #tpu.memory_space<hbm>>) target(%dma_start3A_174 : memref<256xi32, #tpu.memory_space<vmem>>) target_semaphore(%arg14 : memref<!tpu.dma_semaphore, #tpu.memory_space<semaphore_mem>>)
        } else {
        }
        %add3A_136 = arith.constant 1 : i32
        %add3A_137 = arith.addi %scan3A_80, %add3A_136 : i32
        %rem3A_138 = arith.constant 3 : i32
        %rem3A_139 = arith.remsi %add3A_137, %rem3A_138 : i32
        %dma_start3A_140 = arith.constant 0 : i32
        %dma_start3A_141 = arith.constant 0 : i32
        %dma_start3A_142 = tpu.memref_slice %arg9[%sub3A_83, %dma_start3A_140, %dma_start3A_141] : memref<2x256x64xf32, #tpu.memory_space<vmem>> -> memref<1x256x64xf32, #tpu.memory_space<vmem>>
        %dma_start3A_143 = tpu.memref_squeeze %dma_start3A_142 : memref<1x256x64xf32, #tpu.memory_space<vmem>> -> memref<256x64xf32, #tpu.memory_space<vmem>>
        %dma_start3A_144 = arith.constant 0 : i32
        %dma_start3A_145 = tpu.memref_slice %arg7[%rem3A_139, %dma_start3A_144] : memref<3x256xi32, #tpu.memory_space<vmem>> -> memref<1x256xi32, #tpu.memory_space<vmem>>
        %dma_start3A_146 = tpu.memref_squeeze %dma_start3A_145 : memref<1x256xi32, #tpu.memory_space<vmem>> -> memref<256xi32, #tpu.memory_space<vmem>>
        %dma_start3A_147 = arith.constant 0 : i32
        %dma_start3A_148 = arith.constant 0 : i32
        %dma_start3A_149 = tpu.memref_slice %arg11[%dma_start3A_147, %dma_start3A_148] : memref<10240x64xf32, #tpu.memory_space<vmem_shared>> -> memref<10240x64xf32, #tpu.memory_space<vmem_shared>>
        tpu.enqueue_indirect_dma source(%dma_start3A_149 : memref<10240x64xf32, #tpu.memory_space<vmem_shared>>) target(%dma_start3A_143 : memref<256x64xf32, #tpu.memory_space<vmem>>) offsets(%dma_start3A_146 : memref<256xi32, #tpu.memory_space<vmem>>) semaphore(%arg13 : memref<!tpu.dma_semaphore, #tpu.memory_space<semaphore_mem>>)
      } else {
      }
      %rem3A_88 = arith.constant 3 : i32
      %rem3A_89 = arith.remsi %scan3A_80, %rem3A_88 : i32
      %dma_wait3A = arith.constant 0 : i32
      %dma_wait3A_90 = arith.constant 0 : i32
      %dma_wait3A_91 = tpu.memref_slice %arg9[%rem3A_82, %dma_wait3A, %dma_wait3A_90] : memref<2x256x64xf32, #tpu.memory_space<vmem>> -> memref<1x256x64xf32, #tpu.memory_space<vmem>>
      %dma_wait3A_92 = tpu.memref_squeeze %dma_wait3A_91 : memref<1x256x64xf32, #tpu.memory_space<vmem>> -> memref<256x64xf32, #tpu.memory_space<vmem>>
      %dma_wait3A_93 = arith.constant 0 : i32
      %dma_wait3A_94 = tpu.memref_slice %arg7[%rem3A_89, %dma_wait3A_93] : memref<3x256xi32, #tpu.memory_space<vmem>> -> memref<1x256xi32, #tpu.memory_space<vmem>>
      %dma_wait3A_95 = tpu.memref_squeeze %dma_wait3A_94 : memref<1x256xi32, #tpu.memory_space<vmem>> -> memref<256xi32, #tpu.memory_space<vmem>>
      %dma_wait3A_96 = arith.constant 0 : i32
      %dma_wait3A_97 = arith.constant 0 : i32
      %dma_wait3A_98 = tpu.memref_slice %arg11[%dma_wait3A_96, %dma_wait3A_97] : memref<10240x64xf32, #tpu.memory_space<vmem_shared>> -> memref<10240x64xf32, #tpu.memory_space<vmem_shared>>
      tpu.wait_indirect_dma semaphore(%arg13 : memref<!tpu.dma_semaphore, #tpu.memory_space<semaphore_mem>>) src(%dma_wait3A_98 : memref<10240x64xf32, #tpu.memory_space<vmem_shared>>) dst(%dma_wait3A_92 : memref<256x64xf32, #tpu.memory_space<vmem>>)
      %rem3A_99 = arith.constant 3 : i32
      %rem3A_100 = arith.remsi %scan3A_80, %rem3A_99 : i32
      "tpu.region"() ({
        %run_scoped3A_101 = tpu.sem_alloc : memref<!tpu.dma_semaphore, #tpu.memory_space<semaphore_mem>>
        %dma_start3A_102 = arith.constant 0 : i32
        %dma_start3A_103 = arith.constant 0 : i32
        %dma_start3A_104 = tpu.memref_slice %arg9[%rem3A_82, %dma_start3A_102, %dma_start3A_103] : memref<2x256x64xf32, #tpu.memory_space<vmem>> -> memref<1x256x64xf32, #tpu.memory_space<vmem>>
        %dma_start3A_105 = tpu.memref_squeeze %dma_start3A_104 : memref<1x256x64xf32, #tpu.memory_space<vmem>> -> memref<256x64xf32, #tpu.memory_space<vmem>>
        %dma_start3A_106 = arith.constant 0 : i32
        %dma_start3A_107 = tpu.memref_slice %arg8[%rem3A_100, %dma_start3A_106] : memref<3x256xi32, #tpu.memory_space<vmem>> -> memref<1x256xi32, #tpu.memory_space<vmem>>
        %dma_start3A_108 = tpu.memref_squeeze %dma_start3A_107 : memref<1x256xi32, #tpu.memory_space<vmem>> -> memref<256xi32, #tpu.memory_space<vmem>>
        %dma_start3A_109 = arith.constant 0 : i32
        %dma_start3A_110 = arith.constant 0 : i32
        %dma_start3A_111 = tpu.memref_slice %arg12[%dma_start3A_109, %dma_start3A_110] : memref<10240x64xf32, #tpu.memory_space<vmem_shared>> -> memref<10240x64xf32, #tpu.memory_space<vmem_shared>>
        tpu.enqueue_indirect_dma source(%dma_start3A_105 : memref<256x64xf32, #tpu.memory_space<vmem>>) target(%dma_start3A_111 : memref<10240x64xf32, #tpu.memory_space<vmem_shared>>) offsets(%dma_start3A_108 : memref<256xi32, #tpu.memory_space<vmem>>) semaphore(%run_scoped3A_101 : memref<!tpu.dma_semaphore, #tpu.memory_space<semaphore_mem>>) {add = true}
        %dma_wait3A_112 = arith.constant 0 : i32
        %dma_wait3A_113 = arith.constant 0 : i32
        %dma_wait3A_114 = tpu.memref_slice %arg9[%rem3A_82, %dma_wait3A_112, %dma_wait3A_113] : memref<2x256x64xf32, #tpu.memory_space<vmem>> -> memref<1x256x64xf32, #tpu.memory_space<vmem>>
        %dma_wait3A_115 = tpu.memref_squeeze %dma_wait3A_114 : memref<1x256x64xf32, #tpu.memory_space<vmem>> -> memref<256x64xf32, #tpu.memory_space<vmem>>
        %dma_wait3A_116 = arith.constant 0 : i32
        %dma_wait3A_117 = tpu.memref_slice %arg8[%rem3A_100, %dma_wait3A_116] : memref<3x256xi32, #tpu.memory_space<vmem>> -> memref<1x256xi32, #tpu.memory_space<vmem>>
        %dma_wait3A_118 = tpu.memref_squeeze %dma_wait3A_117 : memref<1x256xi32, #tpu.memory_space<vmem>> -> memref<256xi32, #tpu.memory_space<vmem>>
        %dma_wait3A_119 = arith.constant 0 : i32
        %dma_wait3A_120 = arith.constant 0 : i32
        %dma_wait3A_121 = tpu.memref_slice %arg12[%dma_wait3A_119, %dma_wait3A_120] : memref<10240x64xf32, #tpu.memory_space<vmem_shared>> -> memref<10240x64xf32, #tpu.memory_space<vmem_shared>>
        tpu.wait_indirect_dma semaphore(%run_scoped3A_101 : memref<!tpu.dma_semaphore, #tpu.memory_space<semaphore_mem>>) src(%dma_wait3A_115 : memref<256x64xf32, #tpu.memory_space<vmem>>) dst(%dma_wait3A_121 : memref<10240x64xf32, #tpu.memory_space<vmem_shared>>)
        tpu.yield
      }) : () -> ()
    }
    %scan3A_68 = arith.constant 40 : i32
    %barrier3A_69 = arith.constant 0 : index
    tpu.barrier barrier_id(%barrier3A_69)
    %add3A_70 = arith.constant 0 : i32
    %add3A_71 = arith.addi %mul3A_0, %add3A_70 : i32
    "tpu.region"() ({
      %run_scoped3A_80 = tpu.sem_alloc : memref<!tpu.dma_semaphore, #tpu.memory_space<semaphore_mem>>
      %dma_start3A_81 = arith.constant 0 : i32
      %dma_start3A_82 = tpu.memref_slice %arg12[%add3A_71, %dma_start3A_81] : memref<10240x64xf32, #tpu.memory_space<vmem_shared>> -> memref<128x64xf32, #tpu.memory_space<vmem_shared>>
      %dma_start3A_83 = arith.constant 0 : i32
      %dma_start3A_84 = tpu.memref_slice %arg12[%add3A_71, %dma_start3A_83] : memref<10240x64xf32, #tpu.memory_space<vmem_shared>> -> memref<128x64xf32, #tpu.memory_space<vmem_shared>>
      tpu.enqueue_dma source(%dma_start3A_84 : memref<128x64xf32, #tpu.memory_space<vmem_shared>>) target(%arg10 : memref<128x64xf32, #tpu.memory_space<vmem>>) target_semaphore(%run_scoped3A_80 : memref<!tpu.dma_semaphore, #tpu.memory_space<semaphore_mem>>)
      %dma_wait3A = arith.constant 0 : i32
      %dma_wait3A_85 = tpu.memref_slice %arg12[%add3A_71, %dma_wait3A] : memref<10240x64xf32, #tpu.memory_space<vmem_shared>> -> memref<128x64xf32, #tpu.memory_space<vmem_shared>>
      %dma_wait3A_86 = arith.constant 0 : i32
      %dma_wait3A_87 = tpu.memref_slice %arg12[%add3A_71, %dma_wait3A_86] : memref<10240x64xf32, #tpu.memory_space<vmem_shared>> -> memref<128x64xf32, #tpu.memory_space<vmem_shared>>
      tpu.wait_dma2 semaphore(%run_scoped3A_80 : memref<!tpu.dma_semaphore, #tpu.memory_space<semaphore_mem>>) src(%dma_wait3A_87 : memref<128x64xf32, #tpu.memory_space<vmem_shared>>) dst(%arg10 : memref<128x64xf32, #tpu.memory_space<vmem>>)
      tpu.yield
    }) : () -> ()
    "tpu.region"() ({
      %run_scoped3A_80 = tpu.sem_alloc : memref<!tpu.dma_semaphore, #tpu.memory_space<semaphore_mem>>
      %dma_start3A_81 = arith.constant 0 : i32
      %dma_start3A_82 = tpu.memref_slice %arg6[%arg0, %add3A_71, %dma_start3A_81] : memref<2x10240x64xf32, #tpu.memory_space<hbm>> -> memref<1x128x64xf32, #tpu.memory_space<hbm>>
      %dma_start3A_83 = tpu.memref_squeeze %dma_start3A_82 : memref<1x128x64xf32, #tpu.memory_space<hbm>> -> memref<128x64xf32, #tpu.memory_space<hbm>>
      %dma_start3A_84 = arith.constant 0 : i32
      %dma_start3A_85 = tpu.memref_slice %arg6[%arg0, %add3A_71, %dma_start3A_84] : memref<2x10240x64xf32, #tpu.memory_space<hbm>> -> memref<1x128x64xf32, #tpu.memory_space<hbm>>
      %dma_start3A_86 = tpu.memref_squeeze %dma_start3A_85 : memref<1x128x64xf32, #tpu.memory_space<hbm>> -> memref<128x64xf32, #tpu.memory_space<hbm>>
      tpu.enqueue_dma source(%arg10 : memref<128x64xf32, #tpu.memory_space<vmem>>) target(%dma_start3A_86 : memref<128x64xf32, #tpu.memory_space<hbm>>) target_semaphore(%run_scoped3A_80 : memref<!tpu.dma_semaphore, #tpu.memory_space<semaphore_mem>>)
      %dma_wait3A = arith.constant 0 : i32
      %dma_wait3A_87 = tpu.memref_slice %arg6[%arg0, %add3A_71, %dma_wait3A] : memref<2x10240x64xf32, #tpu.memory_space<hbm>> -> memref<1x128x64xf32, #tpu.memory_space<hbm>>
      %dma_wait3A_88 = tpu.memref_squeeze %dma_wait3A_87 : memref<1x128x64xf32, #tpu.memory_space<hbm>> -> memref<128x64xf32, #tpu.memory_space<hbm>>
      %dma_wait3A_89 = arith.constant 0 : i32
      %dma_wait3A_90 = tpu.memref_slice %arg6[%arg0, %add3A_71, %dma_wait3A_89] : memref<2x10240x64xf32, #tpu.memory_space<hbm>> -> memref<1x128x64xf32, #tpu.memory_space<hbm>>
      %dma_wait3A_91 = tpu.memref_squeeze %dma_wait3A_90 : memref<1x128x64xf32, #tpu.memory_space<hbm>> -> memref<128x64xf32, #tpu.memory_space<hbm>>
      tpu.wait_dma2 semaphore(%run_scoped3A_80 : memref<!tpu.dma_semaphore, #tpu.memory_space<semaphore_mem>>) src(%arg10 : memref<128x64xf32, #tpu.memory_space<vmem>>) dst(%dma_wait3A_91 : memref<128x64xf32, #tpu.memory_space<hbm>>)
      tpu.yield
    }) : () -> ()
    %add3A_72 = arith.constant 128 : i32
    %add3A_73 = arith.addi %mul3A_0, %add3A_72 : i32
    "tpu.region"() ({
      %run_scoped3A_80 = tpu.sem_alloc : memref<!tpu.dma_semaphore, #tpu.memory_space<semaphore_mem>>
      %dma_start3A_81 = arith.constant 0 : i32
      %dma_start3A_82 = tpu.memref_slice %arg12[%add3A_73, %dma_start3A_81] : memref<10240x64xf32, #tpu.memory_space<vmem_shared>> -> memref<128x64xf32, #tpu.memory_space<vmem_shared>>
      %dma_start3A_83 = arith.constant 0 : i32
      %dma_start3A_84 = tpu.memref_slice %arg12[%add3A_73, %dma_start3A_83] : memref<10240x64xf32, #tpu.memory_space<vmem_shared>> -> memref<128x64xf32, #tpu.memory_space<vmem_shared>>
      tpu.enqueue_dma source(%dma_start3A_84 : memref<128x64xf32, #tpu.memory_space<vmem_shared>>) target(%arg10 : memref<128x64xf32, #tpu.memory_space<vmem>>) target_semaphore(%run_scoped3A_80 : memref<!tpu.dma_semaphore, #tpu.memory_space<semaphore_mem>>)
      %dma_wait3A = arith.constant 0 : i32
      %dma_wait3A_85 = tpu.memref_slice %arg12[%add3A_73, %dma_wait3A] : memref<10240x64xf32, #tpu.memory_space<vmem_shared>> -> memref<128x64xf32, #tpu.memory_space<vmem_shared>>
      %dma_wait3A_86 = arith.constant 0 : i32
      %dma_wait3A_87 = tpu.memref_slice %arg12[%add3A_73, %dma_wait3A_86] : memref<10240x64xf32, #tpu.memory_space<vmem_shared>> -> memref<128x64xf32, #tpu.memory_space<vmem_shared>>
      tpu.wait_dma2 semaphore(%run_scoped3A_80 : memref<!tpu.dma_semaphore, #tpu.memory_space<semaphore_mem>>) src(%dma_wait3A_87 : memref<128x64xf32, #tpu.memory_space<vmem_shared>>) dst(%arg10 : memref<128x64xf32, #tpu.memory_space<vmem>>)
      tpu.yield
    }) : () -> ()
    "tpu.region"() ({
      %run_scoped3A_80 = tpu.sem_alloc : memref<!tpu.dma_semaphore, #tpu.memory_space<semaphore_mem>>
      %dma_start3A_81 = arith.constant 0 : i32
      %dma_start3A_82 = tpu.memref_slice %arg6[%arg0, %add3A_73, %dma_start3A_81] : memref<2x10240x64xf32, #tpu.memory_space<hbm>> -> memref<1x128x64xf32, #tpu.memory_space<hbm>>
      %dma_start3A_83 = tpu.memref_squeeze %dma_start3A_82 : memref<1x128x64xf32, #tpu.memory_space<hbm>> -> memref<128x64xf32, #tpu.memory_space<hbm>>
      %dma_start3A_84 = arith.constant 0 : i32
      %dma_start3A_85 = tpu.memref_slice %arg6[%arg0, %add3A_73, %dma_start3A_84] : memref<2x10240x64xf32, #tpu.memory_space<hbm>> -> memref<1x128x64xf32, #tpu.memory_space<hbm>>
      %dma_start3A_86 = tpu.memref_squeeze %dma_start3A_85 : memref<1x128x64xf32, #tpu.memory_space<hbm>> -> memref<128x64xf32, #tpu.memory_space<hbm>>
      tpu.enqueue_dma source(%arg10 : memref<128x64xf32, #tpu.memory_space<vmem>>) target(%dma_start3A_86 : memref<128x64xf32, #tpu.memory_space<hbm>>) target_semaphore(%run_scoped3A_80 : memref<!tpu.dma_semaphore, #tpu.memory_space<semaphore_mem>>)
      %dma_wait3A = arith.constant 0 : i32
      %dma_wait3A_87 = tpu.memref_slice %arg6[%arg0, %add3A_73, %dma_wait3A] : memref<2x10240x64xf32, #tpu.memory_space<hbm>> -> memref<1x128x64xf32, #tpu.memory_space<hbm>>
      %dma_wait3A_88 = tpu.memref_squeeze %dma_wait3A_87 : memref<1x128x64xf32, #tpu.memory_space<hbm>> -> memref<128x64xf32, #tpu.memory_space<hbm>>
      %dma_wait3A_89 = arith.constant 0 : i32
      %dma_wait3A_90 = tpu.memref_slice %arg6[%arg0, %add3A_73, %dma_wait3A_89] : memref<2x10240x64xf32, #tpu.memory_space<hbm>> -> memref<1x128x64xf32, #tpu.memory_space<hbm>>
      %dma_wait3A_91 = tpu.memref_squeeze %dma_wait3A_90 : memref<1x128x64xf32, #tpu.memory_space<hbm>> -> memref<128x64xf32, #tpu.memory_space<hbm>>
      tpu.wait_dma2 semaphore(%run_scoped3A_80 : memref<!tpu.dma_semaphore, #tpu.memory_space<semaphore_mem>>) src(%arg10 : memref<128x64xf32, #tpu.memory_space<vmem>>) dst(%dma_wait3A_91 : memref<128x64xf32, #tpu.memory_space<hbm>>)
      tpu.yield
    }) : () -> ()
    %add3A_74 = arith.constant 256 : i32
    %add3A_75 = arith.addi %mul3A_0, %add3A_74 : i32
    "tpu.region"() ({
      %run_scoped3A_80 = tpu.sem_alloc : memref<!tpu.dma_semaphore, #tpu.memory_space<semaphore_mem>>
      %dma_start3A_81 = arith.constant 0 : i32
      %dma_start3A_82 = tpu.memref_slice %arg12[%add3A_75, %dma_start3A_81] : memref<10240x64xf32, #tpu.memory_space<vmem_shared>> -> memref<128x64xf32, #tpu.memory_space<vmem_shared>>
      %dma_start3A_83 = arith.constant 0 : i32
      %dma_start3A_84 = tpu.memref_slice %arg12[%add3A_75, %dma_start3A_83] : memref<10240x64xf32, #tpu.memory_space<vmem_shared>> -> memref<128x64xf32, #tpu.memory_space<vmem_shared>>
      tpu.enqueue_dma source(%dma_start3A_84 : memref<128x64xf32, #tpu.memory_space<vmem_shared>>) target(%arg10 : memref<128x64xf32, #tpu.memory_space<vmem>>) target_semaphore(%run_scoped3A_80 : memref<!tpu.dma_semaphore, #tpu.memory_space<semaphore_mem>>)
      %dma_wait3A = arith.constant 0 : i32
      %dma_wait3A_85 = tpu.memref_slice %arg12[%add3A_75, %dma_wait3A] : memref<10240x64xf32, #tpu.memory_space<vmem_shared>> -> memref<128x64xf32, #tpu.memory_space<vmem_shared>>
      %dma_wait3A_86 = arith.constant 0 : i32
      %dma_wait3A_87 = tpu.memref_slice %arg12[%add3A_75, %dma_wait3A_86] : memref<10240x64xf32, #tpu.memory_space<vmem_shared>> -> memref<128x64xf32, #tpu.memory_space<vmem_shared>>
      tpu.wait_dma2 semaphore(%run_scoped3A_80 : memref<!tpu.dma_semaphore, #tpu.memory_space<semaphore_mem>>) src(%dma_wait3A_87 : memref<128x64xf32, #tpu.memory_space<vmem_shared>>) dst(%arg10 : memref<128x64xf32, #tpu.memory_space<vmem>>)
      tpu.yield
    }) : () -> ()
    "tpu.region"() ({
      %run_scoped3A_80 = tpu.sem_alloc : memref<!tpu.dma_semaphore, #tpu.memory_space<semaphore_mem>>
      %dma_start3A_81 = arith.constant 0 : i32
      %dma_start3A_82 = tpu.memref_slice %arg6[%arg0, %add3A_75, %dma_start3A_81] : memref<2x10240x64xf32, #tpu.memory_space<hbm>> -> memref<1x128x64xf32, #tpu.memory_space<hbm>>
      %dma_start3A_83 = tpu.memref_squeeze %dma_start3A_82 : memref<1x128x64xf32, #tpu.memory_space<hbm>> -> memref<128x64xf32, #tpu.memory_space<hbm>>
      %dma_start3A_84 = arith.constant 0 : i32
      %dma_start3A_85 = tpu.memref_slice %arg6[%arg0, %add3A_75, %dma_start3A_84] : memref<2x10240x64xf32, #tpu.memory_space<hbm>> -> memref<1x128x64xf32, #tpu.memory_space<hbm>>
      %dma_start3A_86 = tpu.memref_squeeze %dma_start3A_85 : memref<1x128x64xf32, #tpu.memory_space<hbm>> -> memref<128x64xf32, #tpu.memory_space<hbm>>
      tpu.enqueue_dma source(%arg10 : memref<128x64xf32, #tpu.memory_space<vmem>>) target(%dma_start3A_86 : memref<128x64xf32, #tpu.memory_space<hbm>>) target_semaphore(%run_scoped3A_80 : memref<!tpu.dma_semaphore, #tpu.memory_space<semaphore_mem>>)
      %dma_wait3A = arith.constant 0 : i32
      %dma_wait3A_87 = tpu.memref_slice %arg6[%arg0, %add3A_75, %dma_wait3A] : memref<2x10240x64xf32, #tpu.memory_space<hbm>> -> memref<1x128x64xf32, #tpu.memory_space<hbm>>
      %dma_wait3A_88 = tpu.memref_squeeze %dma_wait3A_87 : memref<1x128x64xf32, #tpu.memory_space<hbm>> -> memref<128x64xf32, #tpu.memory_space<hbm>>
      %dma_wait3A_89 = arith.constant 0 : i32
      %dma_wait3A_90 = tpu.memref_slice %arg6[%arg0, %add3A_75, %dma_wait3A_89] : memref<2x10240x64xf32, #tpu.memory_space<hbm>> -> memref<1x128x64xf32, #tpu.memory_space<hbm>>
      %dma_wait3A_91 = tpu.memref_squeeze %dma_wait3A_90 : memref<1x128x64xf32, #tpu.memory_space<hbm>> -> memref<128x64xf32, #tpu.memory_space<hbm>>
      tpu.wait_dma2 semaphore(%run_scoped3A_80 : memref<!tpu.dma_semaphore, #tpu.memory_space<semaphore_mem>>) src(%arg10 : memref<128x64xf32, #tpu.memory_space<vmem>>) dst(%dma_wait3A_91 : memref<128x64xf32, #tpu.memory_space<hbm>>)
      tpu.yield
    }) : () -> ()
    %add3A_76 = arith.constant 384 : i32
    %add3A_77 = arith.addi %mul3A_0, %add3A_76 : i32
    "tpu.region"() ({
      %run_scoped3A_80 = tpu.sem_alloc : memref<!tpu.dma_semaphore, #tpu.memory_space<semaphore_mem>>
      %dma_start3A_81 = arith.constant 0 : i32
      %dma_start3A_82 = tpu.memref_slice %arg12[%add3A_77, %dma_start3A_81] : memref<10240x64xf32, #tpu.memory_space<vmem_shared>> -> memref<128x64xf32, #tpu.memory_space<vmem_shared>>
      %dma_start3A_83 = arith.constant 0 : i32
      %dma_start3A_84 = tpu.memref_slice %arg12[%add3A_77, %dma_start3A_83] : memref<10240x64xf32, #tpu.memory_space<vmem_shared>> -> memref<128x64xf32, #tpu.memory_space<vmem_shared>>
      tpu.enqueue_dma source(%dma_start3A_84 : memref<128x64xf32, #tpu.memory_space<vmem_shared>>) target(%arg10 : memref<128x64xf32, #tpu.memory_space<vmem>>) target_semaphore(%run_scoped3A_80 : memref<!tpu.dma_semaphore, #tpu.memory_space<semaphore_mem>>)
      %dma_wait3A = arith.constant 0 : i32
      %dma_wait3A_85 = tpu.memref_slice %arg12[%add3A_77, %dma_wait3A] : memref<10240x64xf32, #tpu.memory_space<vmem_shared>> -> memref<128x64xf32, #tpu.memory_space<vmem_shared>>
      %dma_wait3A_86 = arith.constant 0 : i32
      %dma_wait3A_87 = tpu.memref_slice %arg12[%add3A_77, %dma_wait3A_86] : memref<10240x64xf32, #tpu.memory_space<vmem_shared>> -> memref<128x64xf32, #tpu.memory_space<vmem_shared>>
      tpu.wait_dma2 semaphore(%run_scoped3A_80 : memref<!tpu.dma_semaphore, #tpu.memory_space<semaphore_mem>>) src(%dma_wait3A_87 : memref<128x64xf32, #tpu.memory_space<vmem_shared>>) dst(%arg10 : memref<128x64xf32, #tpu.memory_space<vmem>>)
      tpu.yield
    }) : () -> ()
    "tpu.region"() ({
      %run_scoped3A_80 = tpu.sem_alloc : memref<!tpu.dma_semaphore, #tpu.memory_space<semaphore_mem>>
      %dma_start3A_81 = arith.constant 0 : i32
      %dma_start3A_82 = tpu.memref_slice %arg6[%arg0, %add3A_77, %dma_start3A_81] : memref<2x10240x64xf32, #tpu.memory_space<hbm>> -> memref<1x128x64xf32, #tpu.memory_space<hbm>>
      %dma_start3A_83 = tpu.memref_squeeze %dma_start3A_82 : memref<1x128x64xf32, #tpu.memory_space<hbm>> -> memref<128x64xf32, #tpu.memory_space<hbm>>
      %dma_start3A_84 = arith.constant 0 : i32
      %dma_start3A_85 = tpu.memref_slice %arg6[%arg0, %add3A_77, %dma_start3A_84] : memref<2x10240x64xf32, #tpu.memory_space<hbm>> -> memref<1x128x64xf32, #tpu.memory_space<hbm>>
      %dma_start3A_86 = tpu.memref_squeeze %dma_start3A_85 : memref<1x128x64xf32, #tpu.memory_space<hbm>> -> memref<128x64xf32, #tpu.memory_space<hbm>>
      tpu.enqueue_dma source(%arg10 : memref<128x64xf32, #tpu.memory_space<vmem>>) target(%dma_start3A_86 : memref<128x64xf32, #tpu.memory_space<hbm>>) target_semaphore(%run_scoped3A_80 : memref<!tpu.dma_semaphore, #tpu.memory_space<semaphore_mem>>)
      %dma_wait3A = arith.constant 0 : i32
      %dma_wait3A_87 = tpu.memref_slice %arg6[%arg0, %add3A_77, %dma_wait3A] : memref<2x10240x64xf32, #tpu.memory_space<hbm>> -> memref<1x128x64xf32, #tpu.memory_space<hbm>>
      %dma_wait3A_88 = tpu.memref_squeeze %dma_wait3A_87 : memref<1x128x64xf32, #tpu.memory_space<hbm>> -> memref<128x64xf32, #tpu.memory_space<hbm>>
      %dma_wait3A_89 = arith.constant 0 : i32
      %dma_wait3A_90 = tpu.memref_slice %arg6[%arg0, %add3A_77, %dma_wait3A_89] : memref<2x10240x64xf32, #tpu.memory_space<hbm>> -> memref<1x128x64xf32, #tpu.memory_space<hbm>>
      %dma_wait3A_91 = tpu.memref_squeeze %dma_wait3A_90 : memref<1x128x64xf32, #tpu.memory_space<hbm>> -> memref<128x64xf32, #tpu.memory_space<hbm>>
      tpu.wait_dma2 semaphore(%run_scoped3A_80 : memref<!tpu.dma_semaphore, #tpu.memory_space<semaphore_mem>>) src(%arg10 : memref<128x64xf32, #tpu.memory_space<vmem>>) dst(%dma_wait3A_91 : memref<128x64xf32, #tpu.memory_space<hbm>>)
      tpu.yield
    }) : () -> ()
    %add3A_78 = arith.constant 512 : i32
    %add3A_79 = arith.addi %mul3A_0, %add3A_78 : i32
    "tpu.region"() ({
      %run_scoped3A_80 = tpu.sem_alloc : memref<!tpu.dma_semaphore, #tpu.memory_space<semaphore_mem>>
      %dma_start3A_81 = arith.constant 0 : i32
      %dma_start3A_82 = tpu.memref_slice %arg12[%add3A_79, %dma_start3A_81] : memref<10240x64xf32, #tpu.memory_space<vmem_shared>> -> memref<128x64xf32, #tpu.memory_space<vmem_shared>>
      %dma_start3A_83 = arith.constant 0 : i32
      %dma_start3A_84 = tpu.memref_slice %arg12[%add3A_79, %dma_start3A_83] : memref<10240x64xf32, #tpu.memory_space<vmem_shared>> -> memref<128x64xf32, #tpu.memory_space<vmem_shared>>
      tpu.enqueue_dma source(%dma_start3A_84 : memref<128x64xf32, #tpu.memory_space<vmem_shared>>) target(%arg10 : memref<128x64xf32, #tpu.memory_space<vmem>>) target_semaphore(%run_scoped3A_80 : memref<!tpu.dma_semaphore, #tpu.memory_space<semaphore_mem>>)
      %dma_wait3A = arith.constant 0 : i32
      %dma_wait3A_85 = tpu.memref_slice %arg12[%add3A_79, %dma_wait3A] : memref<10240x64xf32, #tpu.memory_space<vmem_shared>> -> memref<128x64xf32, #tpu.memory_space<vmem_shared>>
      %dma_wait3A_86 = arith.constant 0 : i32
      %dma_wait3A_87 = tpu.memref_slice %arg12[%add3A_79, %dma_wait3A_86] : memref<10240x64xf32, #tpu.memory_space<vmem_shared>> -> memref<128x64xf32, #tpu.memory_space<vmem_shared>>
      tpu.wait_dma2 semaphore(%run_scoped3A_80 : memref<!tpu.dma_semaphore, #tpu.memory_space<semaphore_mem>>) src(%dma_wait3A_87 : memref<128x64xf32, #tpu.memory_space<vmem_shared>>) dst(%arg10 : memref<128x64xf32, #tpu.memory_space<vmem>>)
      tpu.yield
    }) : () -> ()
    "tpu.region"() ({
      %run_scoped3A_80 = tpu.sem_alloc : memref<!tpu.dma_semaphore, #tpu.memory_space<semaphore_mem>>
      %dma_start3A_81 = arith.constant 0 : i32
      %dma_start3A_82 = tpu.memref_slice %arg6[%arg0, %add3A_79, %dma_start3A_81] : memref<2x10240x64xf32, #tpu.memory_space<hbm>> -> memref<1x128x64xf32, #tpu.memory_space<hbm>>
      %dma_start3A_83 = tpu.memref_squeeze %dma_start3A_82 : memref<1x128x64xf32, #tpu.memory_space<hbm>> -> memref<128x64xf32, #tpu.memory_space<hbm>>
      %dma_start3A_84 = arith.constant 0 : i32
      %dma_start3A_85 = tpu.memref_slice %arg6[%arg0, %add3A_79, %dma_start3A_84] : memref<2x10240x64xf32, #tpu.memory_space<hbm>> -> memref<1x128x64xf32, #tpu.memory_space<hbm>>
      %dma_start3A_86 = tpu.memref_squeeze %dma_start3A_85 : memref<1x128x64xf32, #tpu.memory_space<hbm>> -> memref<128x64xf32, #tpu.memory_space<hbm>>
      tpu.enqueue_dma source(%arg10 : memref<128x64xf32, #tpu.memory_space<vmem>>) target(%dma_start3A_86 : memref<128x64xf32, #tpu.memory_space<hbm>>) target_semaphore(%run_scoped3A_80 : memref<!tpu.dma_semaphore, #tpu.memory_space<semaphore_mem>>)
      %dma_wait3A = arith.constant 0 : i32
      %dma_wait3A_87 = tpu.memref_slice %arg6[%arg0, %add3A_79, %dma_wait3A] : memref<2x10240x64xf32, #tpu.memory_space<hbm>> -> memref<1x128x64xf32, #tpu.memory_space<hbm>>
      %dma_wait3A_88 = tpu.memref_squeeze %dma_wait3A_87 : memref<1x128x64xf32, #tpu.memory_space<hbm>> -> memref<128x64xf32, #tpu.memory_space<hbm>>
      %dma_wait3A_89 = arith.constant 0 : i32
      %dma_wait3A_90 = tpu.memref_slice %arg6[%arg0, %add3A_79, %dma_wait3A_89] : memref<2x10240x64xf32, #tpu.memory_space<hbm>> -> memref<1x128x64xf32, #tpu.memory_space<hbm>>
      %dma_wait3A_91 = tpu.memref_squeeze %dma_wait3A_90 : memref<1x128x64xf32, #tpu.memory_space<hbm>> -> memref<128x64xf32, #tpu.memory_space<hbm>>
      tpu.wait_dma2 semaphore(%run_scoped3A_80 : memref<!tpu.dma_semaphore, #tpu.memory_space<semaphore_mem>>) src(%arg10 : memref<128x64xf32, #tpu.memory_space<vmem>>) dst(%dma_wait3A_91 : memref<128x64xf32, #tpu.memory_space<hbm>>)
      tpu.yield
    }) : () -> ()
    return
  }
}

#map = affine_map<(d0, d1) -> (0, 0, 0, 0)>
#map1 = affine_map<(d0, d1) -> (0, 0)>
#map2 = affine_map<(d0, d1) -> (0, 0, 0)>
module attributes {stable_mosaic.version = 14 : i64} {
  func.func @deg(%arg0: i32, %arg1: i32, %arg2: memref<2x16x40x256xi32, #tpu.memory_space<hbm>>, %arg3: memref<128x16xf32, #tpu.memory_space<hbm>>, %arg4: memref<256x16xf32, #tpu.memory_space<hbm>>, %arg5: memref<2x10240x16xf32, #tpu.memory_space<hbm>>, %arg6: memref<2x256xi32, #tpu.memory_space<vmem>>, %arg7: memref<256x16xf32, #tpu.memory_space<vmem>>, %arg8: memref<128x16xf32, #tpu.memory_space<vmem>>, %arg9: memref<10240x16xf32, #tpu.memory_space<vmem_shared>>, %arg10: memref<!tpu.dma_semaphore, #tpu.memory_space<semaphore_mem>>) attributes {dimension_semantics = [#tpu.dimension_semantics<core_parallel>, #tpu.dimension_semantics<subcore_parallel>], iteration_bounds = array<i64: 2, 16>, scalar_prefetch = 0 : i64, scratch_operands = 5 : i64, tpu.core_type = #tpu.core_type<sc_vector_subcore>, window_params = [{transform_indices = #map}, {transform_indices = #map1}, {transform_indices = #map1}, {transform_indices = #map2}]} {
    %mul3A = arith.constant 640 : i32
    %mul3A_0 = arith.muli %arg1, %mul3A : i32
    "tpu.region"() ({
      %run_scoped3A_33 = tpu.sem_alloc : memref<!tpu.dma_semaphore, #tpu.memory_space<semaphore_mem>>
      tpu.enqueue_dma source(%arg3 : memref<128x16xf32, #tpu.memory_space<hbm>>) target(%arg8 : memref<128x16xf32, #tpu.memory_space<vmem>>) target_semaphore(%run_scoped3A_33 : memref<!tpu.dma_semaphore, #tpu.memory_space<semaphore_mem>>)
      tpu.wait_dma2 semaphore(%run_scoped3A_33 : memref<!tpu.dma_semaphore, #tpu.memory_space<semaphore_mem>>) src(%arg3 : memref<128x16xf32, #tpu.memory_space<hbm>>) dst(%arg8 : memref<128x16xf32, #tpu.memory_space<vmem>>)
      tpu.yield
    }) : () -> ()
    %add3A = arith.constant 0 : i32
    %add3A_1 = arith.addi %mul3A_0, %add3A : i32
    "tpu.region"() ({
      %run_scoped3A_33 = tpu.sem_alloc : memref<!tpu.dma_semaphore, #tpu.memory_space<semaphore_mem>>
      %dma_start3A = arith.constant 0 : i32
      %dma_start3A_34 = tpu.memref_slice %arg9[%add3A_1, %dma_start3A] : memref<10240x16xf32, #tpu.memory_space<vmem_shared>> -> memref<128x16xf32, #tpu.memory_space<vmem_shared>>
      %dma_start3A_35 = arith.constant 0 : i32
      %dma_start3A_36 = tpu.memref_slice %arg9[%add3A_1, %dma_start3A_35] : memref<10240x16xf32, #tpu.memory_space<vmem_shared>> -> memref<128x16xf32, #tpu.memory_space<vmem_shared>>
      tpu.enqueue_dma source(%arg8 : memref<128x16xf32, #tpu.memory_space<vmem>>) target(%dma_start3A_36 : memref<128x16xf32, #tpu.memory_space<vmem_shared>>) target_semaphore(%run_scoped3A_33 : memref<!tpu.dma_semaphore, #tpu.memory_space<semaphore_mem>>)
      %dma_wait3A_37 = arith.constant 0 : i32
      %dma_wait3A_38 = tpu.memref_slice %arg9[%add3A_1, %dma_wait3A_37] : memref<10240x16xf32, #tpu.memory_space<vmem_shared>> -> memref<128x16xf32, #tpu.memory_space<vmem_shared>>
      %dma_wait3A_39 = arith.constant 0 : i32
      %dma_wait3A_40 = tpu.memref_slice %arg9[%add3A_1, %dma_wait3A_39] : memref<10240x16xf32, #tpu.memory_space<vmem_shared>> -> memref<128x16xf32, #tpu.memory_space<vmem_shared>>
      tpu.wait_dma2 semaphore(%run_scoped3A_33 : memref<!tpu.dma_semaphore, #tpu.memory_space<semaphore_mem>>) src(%arg8 : memref<128x16xf32, #tpu.memory_space<vmem>>) dst(%dma_wait3A_40 : memref<128x16xf32, #tpu.memory_space<vmem_shared>>)
      tpu.yield
    }) : () -> ()
    %add3A_2 = arith.constant 128 : i32
    %add3A_3 = arith.addi %mul3A_0, %add3A_2 : i32
    "tpu.region"() ({
      %run_scoped3A_33 = tpu.sem_alloc : memref<!tpu.dma_semaphore, #tpu.memory_space<semaphore_mem>>
      %dma_start3A = arith.constant 0 : i32
      %dma_start3A_34 = tpu.memref_slice %arg9[%add3A_3, %dma_start3A] : memref<10240x16xf32, #tpu.memory_space<vmem_shared>> -> memref<128x16xf32, #tpu.memory_space<vmem_shared>>
      %dma_start3A_35 = arith.constant 0 : i32
      %dma_start3A_36 = tpu.memref_slice %arg9[%add3A_3, %dma_start3A_35] : memref<10240x16xf32, #tpu.memory_space<vmem_shared>> -> memref<128x16xf32, #tpu.memory_space<vmem_shared>>
      tpu.enqueue_dma source(%arg8 : memref<128x16xf32, #tpu.memory_space<vmem>>) target(%dma_start3A_36 : memref<128x16xf32, #tpu.memory_space<vmem_shared>>) target_semaphore(%run_scoped3A_33 : memref<!tpu.dma_semaphore, #tpu.memory_space<semaphore_mem>>)
      %dma_wait3A_37 = arith.constant 0 : i32
      %dma_wait3A_38 = tpu.memref_slice %arg9[%add3A_3, %dma_wait3A_37] : memref<10240x16xf32, #tpu.memory_space<vmem_shared>> -> memref<128x16xf32, #tpu.memory_space<vmem_shared>>
      %dma_wait3A_39 = arith.constant 0 : i32
      %dma_wait3A_40 = tpu.memref_slice %arg9[%add3A_3, %dma_wait3A_39] : memref<10240x16xf32, #tpu.memory_space<vmem_shared>> -> memref<128x16xf32, #tpu.memory_space<vmem_shared>>
      tpu.wait_dma2 semaphore(%run_scoped3A_33 : memref<!tpu.dma_semaphore, #tpu.memory_space<semaphore_mem>>) src(%arg8 : memref<128x16xf32, #tpu.memory_space<vmem>>) dst(%dma_wait3A_40 : memref<128x16xf32, #tpu.memory_space<vmem_shared>>)
      tpu.yield
    }) : () -> ()
    %add3A_4 = arith.constant 256 : i32
    %add3A_5 = arith.addi %mul3A_0, %add3A_4 : i32
    "tpu.region"() ({
      %run_scoped3A_33 = tpu.sem_alloc : memref<!tpu.dma_semaphore, #tpu.memory_space<semaphore_mem>>
      %dma_start3A = arith.constant 0 : i32
      %dma_start3A_34 = tpu.memref_slice %arg9[%add3A_5, %dma_start3A] : memref<10240x16xf32, #tpu.memory_space<vmem_shared>> -> memref<128x16xf32, #tpu.memory_space<vmem_shared>>
      %dma_start3A_35 = arith.constant 0 : i32
      %dma_start3A_36 = tpu.memref_slice %arg9[%add3A_5, %dma_start3A_35] : memref<10240x16xf32, #tpu.memory_space<vmem_shared>> -> memref<128x16xf32, #tpu.memory_space<vmem_shared>>
      tpu.enqueue_dma source(%arg8 : memref<128x16xf32, #tpu.memory_space<vmem>>) target(%dma_start3A_36 : memref<128x16xf32, #tpu.memory_space<vmem_shared>>) target_semaphore(%run_scoped3A_33 : memref<!tpu.dma_semaphore, #tpu.memory_space<semaphore_mem>>)
      %dma_wait3A_37 = arith.constant 0 : i32
      %dma_wait3A_38 = tpu.memref_slice %arg9[%add3A_5, %dma_wait3A_37] : memref<10240x16xf32, #tpu.memory_space<vmem_shared>> -> memref<128x16xf32, #tpu.memory_space<vmem_shared>>
      %dma_wait3A_39 = arith.constant 0 : i32
      %dma_wait3A_40 = tpu.memref_slice %arg9[%add3A_5, %dma_wait3A_39] : memref<10240x16xf32, #tpu.memory_space<vmem_shared>> -> memref<128x16xf32, #tpu.memory_space<vmem_shared>>
      tpu.wait_dma2 semaphore(%run_scoped3A_33 : memref<!tpu.dma_semaphore, #tpu.memory_space<semaphore_mem>>) src(%arg8 : memref<128x16xf32, #tpu.memory_space<vmem>>) dst(%dma_wait3A_40 : memref<128x16xf32, #tpu.memory_space<vmem_shared>>)
      tpu.yield
    }) : () -> ()
    %add3A_6 = arith.constant 384 : i32
    %add3A_7 = arith.addi %mul3A_0, %add3A_6 : i32
    "tpu.region"() ({
      %run_scoped3A_33 = tpu.sem_alloc : memref<!tpu.dma_semaphore, #tpu.memory_space<semaphore_mem>>
      %dma_start3A = arith.constant 0 : i32
      %dma_start3A_34 = tpu.memref_slice %arg9[%add3A_7, %dma_start3A] : memref<10240x16xf32, #tpu.memory_space<vmem_shared>> -> memref<128x16xf32, #tpu.memory_space<vmem_shared>>
      %dma_start3A_35 = arith.constant 0 : i32
      %dma_start3A_36 = tpu.memref_slice %arg9[%add3A_7, %dma_start3A_35] : memref<10240x16xf32, #tpu.memory_space<vmem_shared>> -> memref<128x16xf32, #tpu.memory_space<vmem_shared>>
      tpu.enqueue_dma source(%arg8 : memref<128x16xf32, #tpu.memory_space<vmem>>) target(%dma_start3A_36 : memref<128x16xf32, #tpu.memory_space<vmem_shared>>) target_semaphore(%run_scoped3A_33 : memref<!tpu.dma_semaphore, #tpu.memory_space<semaphore_mem>>)
      %dma_wait3A_37 = arith.constant 0 : i32
      %dma_wait3A_38 = tpu.memref_slice %arg9[%add3A_7, %dma_wait3A_37] : memref<10240x16xf32, #tpu.memory_space<vmem_shared>> -> memref<128x16xf32, #tpu.memory_space<vmem_shared>>
      %dma_wait3A_39 = arith.constant 0 : i32
      %dma_wait3A_40 = tpu.memref_slice %arg9[%add3A_7, %dma_wait3A_39] : memref<10240x16xf32, #tpu.memory_space<vmem_shared>> -> memref<128x16xf32, #tpu.memory_space<vmem_shared>>
      tpu.wait_dma2 semaphore(%run_scoped3A_33 : memref<!tpu.dma_semaphore, #tpu.memory_space<semaphore_mem>>) src(%arg8 : memref<128x16xf32, #tpu.memory_space<vmem>>) dst(%dma_wait3A_40 : memref<128x16xf32, #tpu.memory_space<vmem_shared>>)
      tpu.yield
    }) : () -> ()
    %add3A_8 = arith.constant 512 : i32
    %add3A_9 = arith.addi %mul3A_0, %add3A_8 : i32
    "tpu.region"() ({
      %run_scoped3A_33 = tpu.sem_alloc : memref<!tpu.dma_semaphore, #tpu.memory_space<semaphore_mem>>
      %dma_start3A = arith.constant 0 : i32
      %dma_start3A_34 = tpu.memref_slice %arg9[%add3A_9, %dma_start3A] : memref<10240x16xf32, #tpu.memory_space<vmem_shared>> -> memref<128x16xf32, #tpu.memory_space<vmem_shared>>
      %dma_start3A_35 = arith.constant 0 : i32
      %dma_start3A_36 = tpu.memref_slice %arg9[%add3A_9, %dma_start3A_35] : memref<10240x16xf32, #tpu.memory_space<vmem_shared>> -> memref<128x16xf32, #tpu.memory_space<vmem_shared>>
      tpu.enqueue_dma source(%arg8 : memref<128x16xf32, #tpu.memory_space<vmem>>) target(%dma_start3A_36 : memref<128x16xf32, #tpu.memory_space<vmem_shared>>) target_semaphore(%run_scoped3A_33 : memref<!tpu.dma_semaphore, #tpu.memory_space<semaphore_mem>>)
      %dma_wait3A_37 = arith.constant 0 : i32
      %dma_wait3A_38 = tpu.memref_slice %arg9[%add3A_9, %dma_wait3A_37] : memref<10240x16xf32, #tpu.memory_space<vmem_shared>> -> memref<128x16xf32, #tpu.memory_space<vmem_shared>>
      %dma_wait3A_39 = arith.constant 0 : i32
      %dma_wait3A_40 = tpu.memref_slice %arg9[%add3A_9, %dma_wait3A_39] : memref<10240x16xf32, #tpu.memory_space<vmem_shared>> -> memref<128x16xf32, #tpu.memory_space<vmem_shared>>
      tpu.wait_dma2 semaphore(%run_scoped3A_33 : memref<!tpu.dma_semaphore, #tpu.memory_space<semaphore_mem>>) src(%arg8 : memref<128x16xf32, #tpu.memory_space<vmem>>) dst(%dma_wait3A_40 : memref<128x16xf32, #tpu.memory_space<vmem_shared>>)
      tpu.yield
    }) : () -> ()
    %barrier3A = arith.constant 0 : index
    tpu.barrier barrier_id(%barrier3A)
    "tpu.region"() ({
      %run_scoped3A_33 = tpu.sem_alloc : memref<!tpu.dma_semaphore, #tpu.memory_space<semaphore_mem>>
      tpu.enqueue_dma source(%arg4 : memref<256x16xf32, #tpu.memory_space<hbm>>) target(%arg7 : memref<256x16xf32, #tpu.memory_space<vmem>>) target_semaphore(%run_scoped3A_33 : memref<!tpu.dma_semaphore, #tpu.memory_space<semaphore_mem>>)
      tpu.wait_dma2 semaphore(%run_scoped3A_33 : memref<!tpu.dma_semaphore, #tpu.memory_space<semaphore_mem>>) src(%arg4 : memref<256x16xf32, #tpu.memory_space<hbm>>) dst(%arg7 : memref<256x16xf32, #tpu.memory_space<vmem>>)
      tpu.yield
    }) : () -> ()
    %run_scoped3A = arith.constant 0 : i32
    %run_scoped3A_10 = arith.constant 0 : i32
    "tpu.region"() ({
      %run_scoped3A_33 = tpu.sem_alloc : memref<!tpu.dma_semaphore, #tpu.memory_space<semaphore_mem>>
      %dma_start3A = arith.constant 0 : i32
      %dma_start3A_34 = tpu.memref_slice %arg6[%run_scoped3A_10, %dma_start3A] : memref<2x256xi32, #tpu.memory_space<vmem>> -> memref<1x256xi32, #tpu.memory_space<vmem>>
      %dma_start3A_35 = tpu.memref_squeeze %dma_start3A_34 : memref<1x256xi32, #tpu.memory_space<vmem>> -> memref<256xi32, #tpu.memory_space<vmem>>
      %dma_start3A_36 = arith.constant 0 : i32
      %dma_start3A_37 = tpu.memref_slice %arg2[%arg0, %arg1, %run_scoped3A, %dma_start3A_36] : memref<2x16x40x256xi32, #tpu.memory_space<hbm>> -> memref<1x1x1x256xi32, #tpu.memory_space<hbm>>
      %dma_start3A_38 = tpu.memref_squeeze %dma_start3A_37 : memref<1x1x1x256xi32, #tpu.memory_space<hbm>> -> memref<256xi32, #tpu.memory_space<hbm>>
      %dma_start3A_39 = arith.constant 0 : i32
      %dma_start3A_40 = tpu.memref_slice %arg6[%run_scoped3A_10, %dma_start3A_39] : memref<2x256xi32, #tpu.memory_space<vmem>> -> memref<1x256xi32, #tpu.memory_space<vmem>>
      %dma_start3A_41 = tpu.memref_squeeze %dma_start3A_40 : memref<1x256xi32, #tpu.memory_space<vmem>> -> memref<256xi32, #tpu.memory_space<vmem>>
      %dma_start3A_42 = arith.constant 0 : i32
      %dma_start3A_43 = tpu.memref_slice %arg2[%arg0, %arg1, %run_scoped3A, %dma_start3A_42] : memref<2x16x40x256xi32, #tpu.memory_space<hbm>> -> memref<1x1x1x256xi32, #tpu.memory_space<hbm>>
      %dma_start3A_44 = tpu.memref_squeeze %dma_start3A_43 : memref<1x1x1x256xi32, #tpu.memory_space<hbm>> -> memref<256xi32, #tpu.memory_space<hbm>>
      tpu.enqueue_dma source(%dma_start3A_44 : memref<256xi32, #tpu.memory_space<hbm>>) target(%dma_start3A_41 : memref<256xi32, #tpu.memory_space<vmem>>) target_semaphore(%run_scoped3A_33 : memref<!tpu.dma_semaphore, #tpu.memory_space<semaphore_mem>>)
      %dma_wait3A_45 = arith.constant 0 : i32
      %dma_wait3A_46 = tpu.memref_slice %arg6[%run_scoped3A_10, %dma_wait3A_45] : memref<2x256xi32, #tpu.memory_space<vmem>> -> memref<1x256xi32, #tpu.memory_space<vmem>>
      %dma_wait3A_47 = tpu.memref_squeeze %dma_wait3A_46 : memref<1x256xi32, #tpu.memory_space<vmem>> -> memref<256xi32, #tpu.memory_space<vmem>>
      %dma_wait3A_48 = arith.constant 0 : i32
      %dma_wait3A_49 = tpu.memref_slice %arg2[%arg0, %arg1, %run_scoped3A, %dma_wait3A_48] : memref<2x16x40x256xi32, #tpu.memory_space<hbm>> -> memref<1x1x1x256xi32, #tpu.memory_space<hbm>>
      %dma_wait3A_50 = tpu.memref_squeeze %dma_wait3A_49 : memref<1x1x1x256xi32, #tpu.memory_space<hbm>> -> memref<256xi32, #tpu.memory_space<hbm>>
      %dma_wait3A_51 = arith.constant 0 : i32
      %dma_wait3A_52 = tpu.memref_slice %arg6[%run_scoped3A_10, %dma_wait3A_51] : memref<2x256xi32, #tpu.memory_space<vmem>> -> memref<1x256xi32, #tpu.memory_space<vmem>>
      %dma_wait3A_53 = tpu.memref_squeeze %dma_wait3A_52 : memref<1x256xi32, #tpu.memory_space<vmem>> -> memref<256xi32, #tpu.memory_space<vmem>>
      %dma_wait3A_54 = arith.constant 0 : i32
      %dma_wait3A_55 = tpu.memref_slice %arg2[%arg0, %arg1, %run_scoped3A, %dma_wait3A_54] : memref<2x16x40x256xi32, #tpu.memory_space<hbm>> -> memref<1x1x1x256xi32, #tpu.memory_space<hbm>>
      %dma_wait3A_56 = tpu.memref_squeeze %dma_wait3A_55 : memref<1x1x1x256xi32, #tpu.memory_space<hbm>> -> memref<256xi32, #tpu.memory_space<hbm>>
      tpu.wait_dma2 semaphore(%run_scoped3A_33 : memref<!tpu.dma_semaphore, #tpu.memory_space<semaphore_mem>>) src(%dma_wait3A_56 : memref<256xi32, #tpu.memory_space<hbm>>) dst(%dma_wait3A_53 : memref<256xi32, #tpu.memory_space<vmem>>)
      tpu.yield
    }) : () -> ()
    %scan3A = arith.constant 0 : i32
    %scan3A_11 = arith.constant 0 : i32
    %scan3A_12 = arith.constant 40 : i32
    %scan3A_13 = arith.addi %scan3A_11, %scan3A_12 : i32
    %scan3A_14 = arith.constant 1 : i32
    scf.for %scan3A_33 = %scan3A_11 to %scan3A_13 step %scan3A_14  : i32 {
      %rem3A = arith.constant 2 : i32
      %rem3A_34 = arith.remsi %scan3A_33, %rem3A : i32
      %sub3A = arith.constant 1 : i32
      %sub3A_35 = arith.subi %sub3A, %rem3A_34 : i32
      %ge3A = arith.constant 1 : i32
      %ge3A_36 = arith.cmpi sge, %scan3A_33, %ge3A : i32
      %convert_element_type3A = arith.extui %ge3A_36 : i1 to i32
      %cond3A = arith.constant 0 : i32
      %cond3A_37 = arith.cmpi ne, %convert_element_type3A, %cond3A : i32
      scf.if %cond3A_37 {
        %dma_wait3A_49 = arith.constant 0 : i32
        %dma_wait3A_50 = tpu.memref_slice %arg6[%sub3A_35, %dma_wait3A_49] : memref<2x256xi32, #tpu.memory_space<vmem>> -> memref<1x256xi32, #tpu.memory_space<vmem>>
        %dma_wait3A_51 = tpu.memref_squeeze %dma_wait3A_50 : memref<1x256xi32, #tpu.memory_space<vmem>> -> memref<256xi32, #tpu.memory_space<vmem>>
        %dma_wait3A_52 = arith.constant 0 : i32
        %dma_wait3A_53 = arith.constant 0 : i32
        %dma_wait3A_54 = tpu.memref_slice %arg9[%dma_wait3A_52, %dma_wait3A_53] : memref<10240x16xf32, #tpu.memory_space<vmem_shared>> -> memref<10240x16xf32, #tpu.memory_space<vmem_shared>>
        tpu.wait_indirect_dma semaphore(%arg10 : memref<!tpu.dma_semaphore, #tpu.memory_space<semaphore_mem>>) src(%arg7 : memref<256x16xf32, #tpu.memory_space<vmem>>) dst(%dma_wait3A_54 : memref<10240x16xf32, #tpu.memory_space<vmem_shared>>)
      } else {
      }
      %add3A_38 = arith.constant 1 : i32
      %add3A_39 = arith.addi %scan3A_33, %add3A_38 : i32
      %lt3A = arith.constant 40 : i32
      %lt3A_40 = arith.cmpi slt, %add3A_39, %lt3A : i32
      %convert_element_type3A_41 = arith.extui %lt3A_40 : i1 to i32
      %cond3A_42 = arith.constant 0 : i32
      %cond3A_43 = arith.cmpi ne, %convert_element_type3A_41, %cond3A_42 : i32
      scf.if %cond3A_43 {
        %add3A_49 = arith.constant 1 : i32
        %add3A_50 = arith.addi %scan3A_33, %add3A_49 : i32
        "tpu.region"() ({
          %run_scoped3A_51 = tpu.sem_alloc : memref<!tpu.dma_semaphore, #tpu.memory_space<semaphore_mem>>
          %dma_start3A_52 = arith.constant 0 : i32
          %dma_start3A_53 = tpu.memref_slice %arg6[%sub3A_35, %dma_start3A_52] : memref<2x256xi32, #tpu.memory_space<vmem>> -> memref<1x256xi32, #tpu.memory_space<vmem>>
          %dma_start3A_54 = tpu.memref_squeeze %dma_start3A_53 : memref<1x256xi32, #tpu.memory_space<vmem>> -> memref<256xi32, #tpu.memory_space<vmem>>
          %dma_start3A_55 = arith.constant 0 : i32
          %dma_start3A_56 = tpu.memref_slice %arg2[%arg0, %arg1, %add3A_50, %dma_start3A_55] : memref<2x16x40x256xi32, #tpu.memory_space<hbm>> -> memref<1x1x1x256xi32, #tpu.memory_space<hbm>>
          %dma_start3A_57 = tpu.memref_squeeze %dma_start3A_56 : memref<1x1x1x256xi32, #tpu.memory_space<hbm>> -> memref<256xi32, #tpu.memory_space<hbm>>
          %dma_start3A_58 = arith.constant 0 : i32
          %dma_start3A_59 = tpu.memref_slice %arg6[%sub3A_35, %dma_start3A_58] : memref<2x256xi32, #tpu.memory_space<vmem>> -> memref<1x256xi32, #tpu.memory_space<vmem>>
          %dma_start3A_60 = tpu.memref_squeeze %dma_start3A_59 : memref<1x256xi32, #tpu.memory_space<vmem>> -> memref<256xi32, #tpu.memory_space<vmem>>
          %dma_start3A_61 = arith.constant 0 : i32
          %dma_start3A_62 = tpu.memref_slice %arg2[%arg0, %arg1, %add3A_50, %dma_start3A_61] : memref<2x16x40x256xi32, #tpu.memory_space<hbm>> -> memref<1x1x1x256xi32, #tpu.memory_space<hbm>>
          %dma_start3A_63 = tpu.memref_squeeze %dma_start3A_62 : memref<1x1x1x256xi32, #tpu.memory_space<hbm>> -> memref<256xi32, #tpu.memory_space<hbm>>
          tpu.enqueue_dma source(%dma_start3A_63 : memref<256xi32, #tpu.memory_space<hbm>>) target(%dma_start3A_60 : memref<256xi32, #tpu.memory_space<vmem>>) target_semaphore(%run_scoped3A_51 : memref<!tpu.dma_semaphore, #tpu.memory_space<semaphore_mem>>)
          %dma_wait3A_64 = arith.constant 0 : i32
          %dma_wait3A_65 = tpu.memref_slice %arg6[%sub3A_35, %dma_wait3A_64] : memref<2x256xi32, #tpu.memory_space<vmem>> -> memref<1x256xi32, #tpu.memory_space<vmem>>
          %dma_wait3A_66 = tpu.memref_squeeze %dma_wait3A_65 : memref<1x256xi32, #tpu.memory_space<vmem>> -> memref<256xi32, #tpu.memory_space<vmem>>
          %dma_wait3A_67 = arith.constant 0 : i32
          %dma_wait3A_68 = tpu.memref_slice %arg2[%arg0, %arg1, %add3A_50, %dma_wait3A_67] : memref<2x16x40x256xi32, #tpu.memory_space<hbm>> -> memref<1x1x1x256xi32, #tpu.memory_space<hbm>>
          %dma_wait3A_69 = tpu.memref_squeeze %dma_wait3A_68 : memref<1x1x1x256xi32, #tpu.memory_space<hbm>> -> memref<256xi32, #tpu.memory_space<hbm>>
          %dma_wait3A_70 = arith.constant 0 : i32
          %dma_wait3A_71 = tpu.memref_slice %arg6[%sub3A_35, %dma_wait3A_70] : memref<2x256xi32, #tpu.memory_space<vmem>> -> memref<1x256xi32, #tpu.memory_space<vmem>>
          %dma_wait3A_72 = tpu.memref_squeeze %dma_wait3A_71 : memref<1x256xi32, #tpu.memory_space<vmem>> -> memref<256xi32, #tpu.memory_space<vmem>>
          %dma_wait3A_73 = arith.constant 0 : i32
          %dma_wait3A_74 = tpu.memref_slice %arg2[%arg0, %arg1, %add3A_50, %dma_wait3A_73] : memref<2x16x40x256xi32, #tpu.memory_space<hbm>> -> memref<1x1x1x256xi32, #tpu.memory_space<hbm>>
          %dma_wait3A_75 = tpu.memref_squeeze %dma_wait3A_74 : memref<1x1x1x256xi32, #tpu.memory_space<hbm>> -> memref<256xi32, #tpu.memory_space<hbm>>
          tpu.wait_dma2 semaphore(%run_scoped3A_51 : memref<!tpu.dma_semaphore, #tpu.memory_space<semaphore_mem>>) src(%dma_wait3A_75 : memref<256xi32, #tpu.memory_space<hbm>>) dst(%dma_wait3A_72 : memref<256xi32, #tpu.memory_space<vmem>>)
          tpu.yield
        }) : () -> ()
      } else {
      }
      %dma_start3A = arith.constant 0 : i32
      %dma_start3A_44 = tpu.memref_slice %arg6[%rem3A_34, %dma_start3A] : memref<2x256xi32, #tpu.memory_space<vmem>> -> memref<1x256xi32, #tpu.memory_space<vmem>>
      %dma_start3A_45 = tpu.memref_squeeze %dma_start3A_44 : memref<1x256xi32, #tpu.memory_space<vmem>> -> memref<256xi32, #tpu.memory_space<vmem>>
      %dma_start3A_46 = arith.constant 0 : i32
      %dma_start3A_47 = arith.constant 0 : i32
      %dma_start3A_48 = tpu.memref_slice %arg9[%dma_start3A_46, %dma_start3A_47] : memref<10240x16xf32, #tpu.memory_space<vmem_shared>> -> memref<10240x16xf32, #tpu.memory_space<vmem_shared>>
      tpu.enqueue_indirect_dma source(%arg7 : memref<256x16xf32, #tpu.memory_space<vmem>>) target(%dma_start3A_48 : memref<10240x16xf32, #tpu.memory_space<vmem_shared>>) offsets(%dma_start3A_45 : memref<256xi32, #tpu.memory_space<vmem>>) semaphore(%arg10 : memref<!tpu.dma_semaphore, #tpu.memory_space<semaphore_mem>>) {add = true}
    }
    %scan3A_15 = arith.constant 40 : i32
    %dma_wait3A = arith.constant 1 : i32
    %dma_wait3A_16 = arith.constant 0 : i32
    %dma_wait3A_17 = tpu.memref_slice %arg6[%dma_wait3A, %dma_wait3A_16] : memref<2x256xi32, #tpu.memory_space<vmem>> -> memref<1x256xi32, #tpu.memory_space<vmem>>
    %dma_wait3A_18 = tpu.memref_squeeze %dma_wait3A_17 : memref<1x256xi32, #tpu.memory_space<vmem>> -> memref<256xi32, #tpu.memory_space<vmem>>
    %dma_wait3A_19 = arith.constant 0 : i32
    %dma_wait3A_20 = arith.constant 0 : i32
    %dma_wait3A_21 = tpu.memref_slice %arg9[%dma_wait3A_19, %dma_wait3A_20] : memref<10240x16xf32, #tpu.memory_space<vmem_shared>> -> memref<10240x16xf32, #tpu.memory_space<vmem_shared>>
    tpu.wait_indirect_dma semaphore(%arg10 : memref<!tpu.dma_semaphore, #tpu.memory_space<semaphore_mem>>) src(%arg7 : memref<256x16xf32, #tpu.memory_space<vmem>>) dst(%dma_wait3A_21 : memref<10240x16xf32, #tpu.memory_space<vmem_shared>>)
    %barrier3A_22 = arith.constant 0 : index
    tpu.barrier barrier_id(%barrier3A_22)
    %add3A_23 = arith.constant 0 : i32
    %add3A_24 = arith.addi %mul3A_0, %add3A_23 : i32
    "tpu.region"() ({
      %run_scoped3A_33 = tpu.sem_alloc : memref<!tpu.dma_semaphore, #tpu.memory_space<semaphore_mem>>
      %dma_start3A = arith.constant 0 : i32
      %dma_start3A_34 = tpu.memref_slice %arg9[%add3A_24, %dma_start3A] : memref<10240x16xf32, #tpu.memory_space<vmem_shared>> -> memref<128x16xf32, #tpu.memory_space<vmem_shared>>
      %dma_start3A_35 = arith.constant 0 : i32
      %dma_start3A_36 = tpu.memref_slice %arg9[%add3A_24, %dma_start3A_35] : memref<10240x16xf32, #tpu.memory_space<vmem_shared>> -> memref<128x16xf32, #tpu.memory_space<vmem_shared>>
      tpu.enqueue_dma source(%dma_start3A_36 : memref<128x16xf32, #tpu.memory_space<vmem_shared>>) target(%arg8 : memref<128x16xf32, #tpu.memory_space<vmem>>) target_semaphore(%run_scoped3A_33 : memref<!tpu.dma_semaphore, #tpu.memory_space<semaphore_mem>>)
      %dma_wait3A_37 = arith.constant 0 : i32
      %dma_wait3A_38 = tpu.memref_slice %arg9[%add3A_24, %dma_wait3A_37] : memref<10240x16xf32, #tpu.memory_space<vmem_shared>> -> memref<128x16xf32, #tpu.memory_space<vmem_shared>>
      %dma_wait3A_39 = arith.constant 0 : i32
      %dma_wait3A_40 = tpu.memref_slice %arg9[%add3A_24, %dma_wait3A_39] : memref<10240x16xf32, #tpu.memory_space<vmem_shared>> -> memref<128x16xf32, #tpu.memory_space<vmem_shared>>
      tpu.wait_dma2 semaphore(%run_scoped3A_33 : memref<!tpu.dma_semaphore, #tpu.memory_space<semaphore_mem>>) src(%dma_wait3A_40 : memref<128x16xf32, #tpu.memory_space<vmem_shared>>) dst(%arg8 : memref<128x16xf32, #tpu.memory_space<vmem>>)
      tpu.yield
    }) : () -> ()
    "tpu.region"() ({
      %run_scoped3A_33 = tpu.sem_alloc : memref<!tpu.dma_semaphore, #tpu.memory_space<semaphore_mem>>
      %dma_start3A = arith.constant 0 : i32
      %dma_start3A_34 = tpu.memref_slice %arg5[%arg0, %add3A_24, %dma_start3A] : memref<2x10240x16xf32, #tpu.memory_space<hbm>> -> memref<1x128x16xf32, #tpu.memory_space<hbm>>
      %dma_start3A_35 = tpu.memref_squeeze %dma_start3A_34 : memref<1x128x16xf32, #tpu.memory_space<hbm>> -> memref<128x16xf32, #tpu.memory_space<hbm>>
      %dma_start3A_36 = arith.constant 0 : i32
      %dma_start3A_37 = tpu.memref_slice %arg5[%arg0, %add3A_24, %dma_start3A_36] : memref<2x10240x16xf32, #tpu.memory_space<hbm>> -> memref<1x128x16xf32, #tpu.memory_space<hbm>>
      %dma_start3A_38 = tpu.memref_squeeze %dma_start3A_37 : memref<1x128x16xf32, #tpu.memory_space<hbm>> -> memref<128x16xf32, #tpu.memory_space<hbm>>
      tpu.enqueue_dma source(%arg8 : memref<128x16xf32, #tpu.memory_space<vmem>>) target(%dma_start3A_38 : memref<128x16xf32, #tpu.memory_space<hbm>>) target_semaphore(%run_scoped3A_33 : memref<!tpu.dma_semaphore, #tpu.memory_space<semaphore_mem>>)
      %dma_wait3A_39 = arith.constant 0 : i32
      %dma_wait3A_40 = tpu.memref_slice %arg5[%arg0, %add3A_24, %dma_wait3A_39] : memref<2x10240x16xf32, #tpu.memory_space<hbm>> -> memref<1x128x16xf32, #tpu.memory_space<hbm>>
      %dma_wait3A_41 = tpu.memref_squeeze %dma_wait3A_40 : memref<1x128x16xf32, #tpu.memory_space<hbm>> -> memref<128x16xf32, #tpu.memory_space<hbm>>
      %dma_wait3A_42 = arith.constant 0 : i32
      %dma_wait3A_43 = tpu.memref_slice %arg5[%arg0, %add3A_24, %dma_wait3A_42] : memref<2x10240x16xf32, #tpu.memory_space<hbm>> -> memref<1x128x16xf32, #tpu.memory_space<hbm>>
      %dma_wait3A_44 = tpu.memref_squeeze %dma_wait3A_43 : memref<1x128x16xf32, #tpu.memory_space<hbm>> -> memref<128x16xf32, #tpu.memory_space<hbm>>
      tpu.wait_dma2 semaphore(%run_scoped3A_33 : memref<!tpu.dma_semaphore, #tpu.memory_space<semaphore_mem>>) src(%arg8 : memref<128x16xf32, #tpu.memory_space<vmem>>) dst(%dma_wait3A_44 : memref<128x16xf32, #tpu.memory_space<hbm>>)
      tpu.yield
    }) : () -> ()
    %add3A_25 = arith.constant 128 : i32
    %add3A_26 = arith.addi %mul3A_0, %add3A_25 : i32
    "tpu.region"() ({
      %run_scoped3A_33 = tpu.sem_alloc : memref<!tpu.dma_semaphore, #tpu.memory_space<semaphore_mem>>
      %dma_start3A = arith.constant 0 : i32
      %dma_start3A_34 = tpu.memref_slice %arg9[%add3A_26, %dma_start3A] : memref<10240x16xf32, #tpu.memory_space<vmem_shared>> -> memref<128x16xf32, #tpu.memory_space<vmem_shared>>
      %dma_start3A_35 = arith.constant 0 : i32
      %dma_start3A_36 = tpu.memref_slice %arg9[%add3A_26, %dma_start3A_35] : memref<10240x16xf32, #tpu.memory_space<vmem_shared>> -> memref<128x16xf32, #tpu.memory_space<vmem_shared>>
      tpu.enqueue_dma source(%dma_start3A_36 : memref<128x16xf32, #tpu.memory_space<vmem_shared>>) target(%arg8 : memref<128x16xf32, #tpu.memory_space<vmem>>) target_semaphore(%run_scoped3A_33 : memref<!tpu.dma_semaphore, #tpu.memory_space<semaphore_mem>>)
      %dma_wait3A_37 = arith.constant 0 : i32
      %dma_wait3A_38 = tpu.memref_slice %arg9[%add3A_26, %dma_wait3A_37] : memref<10240x16xf32, #tpu.memory_space<vmem_shared>> -> memref<128x16xf32, #tpu.memory_space<vmem_shared>>
      %dma_wait3A_39 = arith.constant 0 : i32
      %dma_wait3A_40 = tpu.memref_slice %arg9[%add3A_26, %dma_wait3A_39] : memref<10240x16xf32, #tpu.memory_space<vmem_shared>> -> memref<128x16xf32, #tpu.memory_space<vmem_shared>>
      tpu.wait_dma2 semaphore(%run_scoped3A_33 : memref<!tpu.dma_semaphore, #tpu.memory_space<semaphore_mem>>) src(%dma_wait3A_40 : memref<128x16xf32, #tpu.memory_space<vmem_shared>>) dst(%arg8 : memref<128x16xf32, #tpu.memory_space<vmem>>)
      tpu.yield
    }) : () -> ()
    "tpu.region"() ({
      %run_scoped3A_33 = tpu.sem_alloc : memref<!tpu.dma_semaphore, #tpu.memory_space<semaphore_mem>>
      %dma_start3A = arith.constant 0 : i32
      %dma_start3A_34 = tpu.memref_slice %arg5[%arg0, %add3A_26, %dma_start3A] : memref<2x10240x16xf32, #tpu.memory_space<hbm>> -> memref<1x128x16xf32, #tpu.memory_space<hbm>>
      %dma_start3A_35 = tpu.memref_squeeze %dma_start3A_34 : memref<1x128x16xf32, #tpu.memory_space<hbm>> -> memref<128x16xf32, #tpu.memory_space<hbm>>
      %dma_start3A_36 = arith.constant 0 : i32
      %dma_start3A_37 = tpu.memref_slice %arg5[%arg0, %add3A_26, %dma_start3A_36] : memref<2x10240x16xf32, #tpu.memory_space<hbm>> -> memref<1x128x16xf32, #tpu.memory_space<hbm>>
      %dma_start3A_38 = tpu.memref_squeeze %dma_start3A_37 : memref<1x128x16xf32, #tpu.memory_space<hbm>> -> memref<128x16xf32, #tpu.memory_space<hbm>>
      tpu.enqueue_dma source(%arg8 : memref<128x16xf32, #tpu.memory_space<vmem>>) target(%dma_start3A_38 : memref<128x16xf32, #tpu.memory_space<hbm>>) target_semaphore(%run_scoped3A_33 : memref<!tpu.dma_semaphore, #tpu.memory_space<semaphore_mem>>)
      %dma_wait3A_39 = arith.constant 0 : i32
      %dma_wait3A_40 = tpu.memref_slice %arg5[%arg0, %add3A_26, %dma_wait3A_39] : memref<2x10240x16xf32, #tpu.memory_space<hbm>> -> memref<1x128x16xf32, #tpu.memory_space<hbm>>
      %dma_wait3A_41 = tpu.memref_squeeze %dma_wait3A_40 : memref<1x128x16xf32, #tpu.memory_space<hbm>> -> memref<128x16xf32, #tpu.memory_space<hbm>>
      %dma_wait3A_42 = arith.constant 0 : i32
      %dma_wait3A_43 = tpu.memref_slice %arg5[%arg0, %add3A_26, %dma_wait3A_42] : memref<2x10240x16xf32, #tpu.memory_space<hbm>> -> memref<1x128x16xf32, #tpu.memory_space<hbm>>
      %dma_wait3A_44 = tpu.memref_squeeze %dma_wait3A_43 : memref<1x128x16xf32, #tpu.memory_space<hbm>> -> memref<128x16xf32, #tpu.memory_space<hbm>>
      tpu.wait_dma2 semaphore(%run_scoped3A_33 : memref<!tpu.dma_semaphore, #tpu.memory_space<semaphore_mem>>) src(%arg8 : memref<128x16xf32, #tpu.memory_space<vmem>>) dst(%dma_wait3A_44 : memref<128x16xf32, #tpu.memory_space<hbm>>)
      tpu.yield
    }) : () -> ()
    %add3A_27 = arith.constant 256 : i32
    %add3A_28 = arith.addi %mul3A_0, %add3A_27 : i32
    "tpu.region"() ({
      %run_scoped3A_33 = tpu.sem_alloc : memref<!tpu.dma_semaphore, #tpu.memory_space<semaphore_mem>>
      %dma_start3A = arith.constant 0 : i32
      %dma_start3A_34 = tpu.memref_slice %arg9[%add3A_28, %dma_start3A] : memref<10240x16xf32, #tpu.memory_space<vmem_shared>> -> memref<128x16xf32, #tpu.memory_space<vmem_shared>>
      %dma_start3A_35 = arith.constant 0 : i32
      %dma_start3A_36 = tpu.memref_slice %arg9[%add3A_28, %dma_start3A_35] : memref<10240x16xf32, #tpu.memory_space<vmem_shared>> -> memref<128x16xf32, #tpu.memory_space<vmem_shared>>
      tpu.enqueue_dma source(%dma_start3A_36 : memref<128x16xf32, #tpu.memory_space<vmem_shared>>) target(%arg8 : memref<128x16xf32, #tpu.memory_space<vmem>>) target_semaphore(%run_scoped3A_33 : memref<!tpu.dma_semaphore, #tpu.memory_space<semaphore_mem>>)
      %dma_wait3A_37 = arith.constant 0 : i32
      %dma_wait3A_38 = tpu.memref_slice %arg9[%add3A_28, %dma_wait3A_37] : memref<10240x16xf32, #tpu.memory_space<vmem_shared>> -> memref<128x16xf32, #tpu.memory_space<vmem_shared>>
      %dma_wait3A_39 = arith.constant 0 : i32
      %dma_wait3A_40 = tpu.memref_slice %arg9[%add3A_28, %dma_wait3A_39] : memref<10240x16xf32, #tpu.memory_space<vmem_shared>> -> memref<128x16xf32, #tpu.memory_space<vmem_shared>>
      tpu.wait_dma2 semaphore(%run_scoped3A_33 : memref<!tpu.dma_semaphore, #tpu.memory_space<semaphore_mem>>) src(%dma_wait3A_40 : memref<128x16xf32, #tpu.memory_space<vmem_shared>>) dst(%arg8 : memref<128x16xf32, #tpu.memory_space<vmem>>)
      tpu.yield
    }) : () -> ()
    "tpu.region"() ({
      %run_scoped3A_33 = tpu.sem_alloc : memref<!tpu.dma_semaphore, #tpu.memory_space<semaphore_mem>>
      %dma_start3A = arith.constant 0 : i32
      %dma_start3A_34 = tpu.memref_slice %arg5[%arg0, %add3A_28, %dma_start3A] : memref<2x10240x16xf32, #tpu.memory_space<hbm>> -> memref<1x128x16xf32, #tpu.memory_space<hbm>>
      %dma_start3A_35 = tpu.memref_squeeze %dma_start3A_34 : memref<1x128x16xf32, #tpu.memory_space<hbm>> -> memref<128x16xf32, #tpu.memory_space<hbm>>
      %dma_start3A_36 = arith.constant 0 : i32
      %dma_start3A_37 = tpu.memref_slice %arg5[%arg0, %add3A_28, %dma_start3A_36] : memref<2x10240x16xf32, #tpu.memory_space<hbm>> -> memref<1x128x16xf32, #tpu.memory_space<hbm>>
      %dma_start3A_38 = tpu.memref_squeeze %dma_start3A_37 : memref<1x128x16xf32, #tpu.memory_space<hbm>> -> memref<128x16xf32, #tpu.memory_space<hbm>>
      tpu.enqueue_dma source(%arg8 : memref<128x16xf32, #tpu.memory_space<vmem>>) target(%dma_start3A_38 : memref<128x16xf32, #tpu.memory_space<hbm>>) target_semaphore(%run_scoped3A_33 : memref<!tpu.dma_semaphore, #tpu.memory_space<semaphore_mem>>)
      %dma_wait3A_39 = arith.constant 0 : i32
      %dma_wait3A_40 = tpu.memref_slice %arg5[%arg0, %add3A_28, %dma_wait3A_39] : memref<2x10240x16xf32, #tpu.memory_space<hbm>> -> memref<1x128x16xf32, #tpu.memory_space<hbm>>
      %dma_wait3A_41 = tpu.memref_squeeze %dma_wait3A_40 : memref<1x128x16xf32, #tpu.memory_space<hbm>> -> memref<128x16xf32, #tpu.memory_space<hbm>>
      %dma_wait3A_42 = arith.constant 0 : i32
      %dma_wait3A_43 = tpu.memref_slice %arg5[%arg0, %add3A_28, %dma_wait3A_42] : memref<2x10240x16xf32, #tpu.memory_space<hbm>> -> memref<1x128x16xf32, #tpu.memory_space<hbm>>
      %dma_wait3A_44 = tpu.memref_squeeze %dma_wait3A_43 : memref<1x128x16xf32, #tpu.memory_space<hbm>> -> memref<128x16xf32, #tpu.memory_space<hbm>>
      tpu.wait_dma2 semaphore(%run_scoped3A_33 : memref<!tpu.dma_semaphore, #tpu.memory_space<semaphore_mem>>) src(%arg8 : memref<128x16xf32, #tpu.memory_space<vmem>>) dst(%dma_wait3A_44 : memref<128x16xf32, #tpu.memory_space<hbm>>)
      tpu.yield
    }) : () -> ()
    %add3A_29 = arith.constant 384 : i32
    %add3A_30 = arith.addi %mul3A_0, %add3A_29 : i32
    "tpu.region"() ({
      %run_scoped3A_33 = tpu.sem_alloc : memref<!tpu.dma_semaphore, #tpu.memory_space<semaphore_mem>>
      %dma_start3A = arith.constant 0 : i32
      %dma_start3A_34 = tpu.memref_slice %arg9[%add3A_30, %dma_start3A] : memref<10240x16xf32, #tpu.memory_space<vmem_shared>> -> memref<128x16xf32, #tpu.memory_space<vmem_shared>>
      %dma_start3A_35 = arith.constant 0 : i32
      %dma_start3A_36 = tpu.memref_slice %arg9[%add3A_30, %dma_start3A_35] : memref<10240x16xf32, #tpu.memory_space<vmem_shared>> -> memref<128x16xf32, #tpu.memory_space<vmem_shared>>
      tpu.enqueue_dma source(%dma_start3A_36 : memref<128x16xf32, #tpu.memory_space<vmem_shared>>) target(%arg8 : memref<128x16xf32, #tpu.memory_space<vmem>>) target_semaphore(%run_scoped3A_33 : memref<!tpu.dma_semaphore, #tpu.memory_space<semaphore_mem>>)
      %dma_wait3A_37 = arith.constant 0 : i32
      %dma_wait3A_38 = tpu.memref_slice %arg9[%add3A_30, %dma_wait3A_37] : memref<10240x16xf32, #tpu.memory_space<vmem_shared>> -> memref<128x16xf32, #tpu.memory_space<vmem_shared>>
      %dma_wait3A_39 = arith.constant 0 : i32
      %dma_wait3A_40 = tpu.memref_slice %arg9[%add3A_30, %dma_wait3A_39] : memref<10240x16xf32, #tpu.memory_space<vmem_shared>> -> memref<128x16xf32, #tpu.memory_space<vmem_shared>>
      tpu.wait_dma2 semaphore(%run_scoped3A_33 : memref<!tpu.dma_semaphore, #tpu.memory_space<semaphore_mem>>) src(%dma_wait3A_40 : memref<128x16xf32, #tpu.memory_space<vmem_shared>>) dst(%arg8 : memref<128x16xf32, #tpu.memory_space<vmem>>)
      tpu.yield
    }) : () -> ()
    "tpu.region"() ({
      %run_scoped3A_33 = tpu.sem_alloc : memref<!tpu.dma_semaphore, #tpu.memory_space<semaphore_mem>>
      %dma_start3A = arith.constant 0 : i32
      %dma_start3A_34 = tpu.memref_slice %arg5[%arg0, %add3A_30, %dma_start3A] : memref<2x10240x16xf32, #tpu.memory_space<hbm>> -> memref<1x128x16xf32, #tpu.memory_space<hbm>>
      %dma_start3A_35 = tpu.memref_squeeze %dma_start3A_34 : memref<1x128x16xf32, #tpu.memory_space<hbm>> -> memref<128x16xf32, #tpu.memory_space<hbm>>
      %dma_start3A_36 = arith.constant 0 : i32
      %dma_start3A_37 = tpu.memref_slice %arg5[%arg0, %add3A_30, %dma_start3A_36] : memref<2x10240x16xf32, #tpu.memory_space<hbm>> -> memref<1x128x16xf32, #tpu.memory_space<hbm>>
      %dma_start3A_38 = tpu.memref_squeeze %dma_start3A_37 : memref<1x128x16xf32, #tpu.memory_space<hbm>> -> memref<128x16xf32, #tpu.memory_space<hbm>>
      tpu.enqueue_dma source(%arg8 : memref<128x16xf32, #tpu.memory_space<vmem>>) target(%dma_start3A_38 : memref<128x16xf32, #tpu.memory_space<hbm>>) target_semaphore(%run_scoped3A_33 : memref<!tpu.dma_semaphore, #tpu.memory_space<semaphore_mem>>)
      %dma_wait3A_39 = arith.constant 0 : i32
      %dma_wait3A_40 = tpu.memref_slice %arg5[%arg0, %add3A_30, %dma_wait3A_39] : memref<2x10240x16xf32, #tpu.memory_space<hbm>> -> memref<1x128x16xf32, #tpu.memory_space<hbm>>
      %dma_wait3A_41 = tpu.memref_squeeze %dma_wait3A_40 : memref<1x128x16xf32, #tpu.memory_space<hbm>> -> memref<128x16xf32, #tpu.memory_space<hbm>>
      %dma_wait3A_42 = arith.constant 0 : i32
      %dma_wait3A_43 = tpu.memref_slice %arg5[%arg0, %add3A_30, %dma_wait3A_42] : memref<2x10240x16xf32, #tpu.memory_space<hbm>> -> memref<1x128x16xf32, #tpu.memory_space<hbm>>
      %dma_wait3A_44 = tpu.memref_squeeze %dma_wait3A_43 : memref<1x128x16xf32, #tpu.memory_space<hbm>> -> memref<128x16xf32, #tpu.memory_space<hbm>>
      tpu.wait_dma2 semaphore(%run_scoped3A_33 : memref<!tpu.dma_semaphore, #tpu.memory_space<semaphore_mem>>) src(%arg8 : memref<128x16xf32, #tpu.memory_space<vmem>>) dst(%dma_wait3A_44 : memref<128x16xf32, #tpu.memory_space<hbm>>)
      tpu.yield
    }) : () -> ()
    %add3A_31 = arith.constant 512 : i32
    %add3A_32 = arith.addi %mul3A_0, %add3A_31 : i32
    "tpu.region"() ({
      %run_scoped3A_33 = tpu.sem_alloc : memref<!tpu.dma_semaphore, #tpu.memory_space<semaphore_mem>>
      %dma_start3A = arith.constant 0 : i32
      %dma_start3A_34 = tpu.memref_slice %arg9[%add3A_32, %dma_start3A] : memref<10240x16xf32, #tpu.memory_space<vmem_shared>> -> memref<128x16xf32, #tpu.memory_space<vmem_shared>>
      %dma_start3A_35 = arith.constant 0 : i32
      %dma_start3A_36 = tpu.memref_slice %arg9[%add3A_32, %dma_start3A_35] : memref<10240x16xf32, #tpu.memory_space<vmem_shared>> -> memref<128x16xf32, #tpu.memory_space<vmem_shared>>
      tpu.enqueue_dma source(%dma_start3A_36 : memref<128x16xf32, #tpu.memory_space<vmem_shared>>) target(%arg8 : memref<128x16xf32, #tpu.memory_space<vmem>>) target_semaphore(%run_scoped3A_33 : memref<!tpu.dma_semaphore, #tpu.memory_space<semaphore_mem>>)
      %dma_wait3A_37 = arith.constant 0 : i32
      %dma_wait3A_38 = tpu.memref_slice %arg9[%add3A_32, %dma_wait3A_37] : memref<10240x16xf32, #tpu.memory_space<vmem_shared>> -> memref<128x16xf32, #tpu.memory_space<vmem_shared>>
      %dma_wait3A_39 = arith.constant 0 : i32
      %dma_wait3A_40 = tpu.memref_slice %arg9[%add3A_32, %dma_wait3A_39] : memref<10240x16xf32, #tpu.memory_space<vmem_shared>> -> memref<128x16xf32, #tpu.memory_space<vmem_shared>>
      tpu.wait_dma2 semaphore(%run_scoped3A_33 : memref<!tpu.dma_semaphore, #tpu.memory_space<semaphore_mem>>) src(%dma_wait3A_40 : memref<128x16xf32, #tpu.memory_space<vmem_shared>>) dst(%arg8 : memref<128x16xf32, #tpu.memory_space<vmem>>)
      tpu.yield
    }) : () -> ()
    "tpu.region"() ({
      %run_scoped3A_33 = tpu.sem_alloc : memref<!tpu.dma_semaphore, #tpu.memory_space<semaphore_mem>>
      %dma_start3A = arith.constant 0 : i32
      %dma_start3A_34 = tpu.memref_slice %arg5[%arg0, %add3A_32, %dma_start3A] : memref<2x10240x16xf32, #tpu.memory_space<hbm>> -> memref<1x128x16xf32, #tpu.memory_space<hbm>>
      %dma_start3A_35 = tpu.memref_squeeze %dma_start3A_34 : memref<1x128x16xf32, #tpu.memory_space<hbm>> -> memref<128x16xf32, #tpu.memory_space<hbm>>
      %dma_start3A_36 = arith.constant 0 : i32
      %dma_start3A_37 = tpu.memref_slice %arg5[%arg0, %add3A_32, %dma_start3A_36] : memref<2x10240x16xf32, #tpu.memory_space<hbm>> -> memref<1x128x16xf32, #tpu.memory_space<hbm>>
      %dma_start3A_38 = tpu.memref_squeeze %dma_start3A_37 : memref<1x128x16xf32, #tpu.memory_space<hbm>> -> memref<128x16xf32, #tpu.memory_space<hbm>>
      tpu.enqueue_dma source(%arg8 : memref<128x16xf32, #tpu.memory_space<vmem>>) target(%dma_start3A_38 : memref<128x16xf32, #tpu.memory_space<hbm>>) target_semaphore(%run_scoped3A_33 : memref<!tpu.dma_semaphore, #tpu.memory_space<semaphore_mem>>)
      %dma_wait3A_39 = arith.constant 0 : i32
      %dma_wait3A_40 = tpu.memref_slice %arg5[%arg0, %add3A_32, %dma_wait3A_39] : memref<2x10240x16xf32, #tpu.memory_space<hbm>> -> memref<1x128x16xf32, #tpu.memory_space<hbm>>
      %dma_wait3A_41 = tpu.memref_squeeze %dma_wait3A_40 : memref<1x128x16xf32, #tpu.memory_space<hbm>> -> memref<128x16xf32, #tpu.memory_space<hbm>>
      %dma_wait3A_42 = arith.constant 0 : i32
      %dma_wait3A_43 = tpu.memref_slice %arg5[%arg0, %add3A_32, %dma_wait3A_42] : memref<2x10240x16xf32, #tpu.memory_space<hbm>> -> memref<1x128x16xf32, #tpu.memory_space<hbm>>
      %dma_wait3A_44 = tpu.memref_squeeze %dma_wait3A_43 : memref<1x128x16xf32, #tpu.memory_space<hbm>> -> memref<128x16xf32, #tpu.memory_space<hbm>>
      tpu.wait_dma2 semaphore(%run_scoped3A_33 : memref<!tpu.dma_semaphore, #tpu.memory_space<semaphore_mem>>) src(%arg8 : memref<128x16xf32, #tpu.memory_space<vmem>>) dst(%dma_wait3A_44 : memref<128x16xf32, #tpu.memory_space<hbm>>)
      tpu.yield
    }) : () -> ()
    return
  }
}

#map = affine_map<(d0, d1) -> (0, 0)>
#map1 = affine_map<(d0, d1) -> (0, 0, 0, 0)>
#map2 = affine_map<(d0, d1) -> (0, 0, 0)>
module attributes {stable_mosaic.version = 14 : i64} {
  func.func @agg(%arg0: i32, %arg1: i32, %arg2: memref<10240x32xf32, #tpu.memory_space<hbm>>, %arg3: memref<2x16x40x256xi32, #tpu.memory_space<hbm>>, %arg4: memref<2x16x40x256xi32, #tpu.memory_space<hbm>>, %arg5: memref<128x32xf32, #tpu.memory_space<hbm>>, %arg6: memref<2x10240x32xf32, #tpu.memory_space<hbm>>, %arg7: memref<3x256xi32, #tpu.memory_space<vmem>>, %arg8: memref<3x256xi32, #tpu.memory_space<vmem>>, %arg9: memref<2x256x32xf32, #tpu.memory_space<vmem>>, %arg10: memref<128x32xf32, #tpu.memory_space<vmem>>, %arg11: memref<10240x32xf32, #tpu.memory_space<vmem_shared>>, %arg12: memref<10240x32xf32, #tpu.memory_space<vmem_shared>>, %arg13: memref<!tpu.dma_semaphore, #tpu.memory_space<semaphore_mem>>, %arg14: memref<!tpu.dma_semaphore, #tpu.memory_space<semaphore_mem>>) attributes {dimension_semantics = [#tpu.dimension_semantics<core_parallel>, #tpu.dimension_semantics<subcore_parallel>], iteration_bounds = array<i64: 2, 16>, scalar_prefetch = 0 : i64, scratch_operands = 8 : i64, tpu.core_type = #tpu.core_type<sc_vector_subcore>, window_params = [{transform_indices = #map}, {transform_indices = #map1}, {transform_indices = #map1}, {transform_indices = #map}, {transform_indices = #map2}]} {
    %mul3A = arith.constant 640 : i32
    %mul3A_0 = arith.muli %arg1, %mul3A : i32
    "tpu.region"() ({
      %run_scoped3A_80 = tpu.sem_alloc : memref<!tpu.dma_semaphore, #tpu.memory_space<semaphore_mem>>
      tpu.enqueue_dma source(%arg5 : memref<128x32xf32, #tpu.memory_space<hbm>>) target(%arg10 : memref<128x32xf32, #tpu.memory_space<vmem>>) target_semaphore(%run_scoped3A_80 : memref<!tpu.dma_semaphore, #tpu.memory_space<semaphore_mem>>)
      tpu.wait_dma2 semaphore(%run_scoped3A_80 : memref<!tpu.dma_semaphore, #tpu.memory_space<semaphore_mem>>) src(%arg5 : memref<128x32xf32, #tpu.memory_space<hbm>>) dst(%arg10 : memref<128x32xf32, #tpu.memory_space<vmem>>)
      tpu.yield
    }) : () -> ()
    %add3A = arith.constant 0 : i32
    %add3A_1 = arith.addi %mul3A_0, %add3A : i32
    "tpu.region"() ({
      %run_scoped3A_80 = tpu.sem_alloc : memref<!tpu.dma_semaphore, #tpu.memory_space<semaphore_mem>>
      %dma_start3A_81 = arith.constant 0 : i32
      %dma_start3A_82 = tpu.memref_slice %arg12[%add3A_1, %dma_start3A_81] : memref<10240x32xf32, #tpu.memory_space<vmem_shared>> -> memref<128x32xf32, #tpu.memory_space<vmem_shared>>
      %dma_start3A_83 = arith.constant 0 : i32
      %dma_start3A_84 = tpu.memref_slice %arg12[%add3A_1, %dma_start3A_83] : memref<10240x32xf32, #tpu.memory_space<vmem_shared>> -> memref<128x32xf32, #tpu.memory_space<vmem_shared>>
      tpu.enqueue_dma source(%arg10 : memref<128x32xf32, #tpu.memory_space<vmem>>) target(%dma_start3A_84 : memref<128x32xf32, #tpu.memory_space<vmem_shared>>) target_semaphore(%run_scoped3A_80 : memref<!tpu.dma_semaphore, #tpu.memory_space<semaphore_mem>>)
      %dma_wait3A = arith.constant 0 : i32
      %dma_wait3A_85 = tpu.memref_slice %arg12[%add3A_1, %dma_wait3A] : memref<10240x32xf32, #tpu.memory_space<vmem_shared>> -> memref<128x32xf32, #tpu.memory_space<vmem_shared>>
      %dma_wait3A_86 = arith.constant 0 : i32
      %dma_wait3A_87 = tpu.memref_slice %arg12[%add3A_1, %dma_wait3A_86] : memref<10240x32xf32, #tpu.memory_space<vmem_shared>> -> memref<128x32xf32, #tpu.memory_space<vmem_shared>>
      tpu.wait_dma2 semaphore(%run_scoped3A_80 : memref<!tpu.dma_semaphore, #tpu.memory_space<semaphore_mem>>) src(%arg10 : memref<128x32xf32, #tpu.memory_space<vmem>>) dst(%dma_wait3A_87 : memref<128x32xf32, #tpu.memory_space<vmem_shared>>)
      tpu.yield
    }) : () -> ()
    %add3A_2 = arith.constant 128 : i32
    %add3A_3 = arith.addi %mul3A_0, %add3A_2 : i32
    "tpu.region"() ({
      %run_scoped3A_80 = tpu.sem_alloc : memref<!tpu.dma_semaphore, #tpu.memory_space<semaphore_mem>>
      %dma_start3A_81 = arith.constant 0 : i32
      %dma_start3A_82 = tpu.memref_slice %arg12[%add3A_3, %dma_start3A_81] : memref<10240x32xf32, #tpu.memory_space<vmem_shared>> -> memref<128x32xf32, #tpu.memory_space<vmem_shared>>
      %dma_start3A_83 = arith.constant 0 : i32
      %dma_start3A_84 = tpu.memref_slice %arg12[%add3A_3, %dma_start3A_83] : memref<10240x32xf32, #tpu.memory_space<vmem_shared>> -> memref<128x32xf32, #tpu.memory_space<vmem_shared>>
      tpu.enqueue_dma source(%arg10 : memref<128x32xf32, #tpu.memory_space<vmem>>) target(%dma_start3A_84 : memref<128x32xf32, #tpu.memory_space<vmem_shared>>) target_semaphore(%run_scoped3A_80 : memref<!tpu.dma_semaphore, #tpu.memory_space<semaphore_mem>>)
      %dma_wait3A = arith.constant 0 : i32
      %dma_wait3A_85 = tpu.memref_slice %arg12[%add3A_3, %dma_wait3A] : memref<10240x32xf32, #tpu.memory_space<vmem_shared>> -> memref<128x32xf32, #tpu.memory_space<vmem_shared>>
      %dma_wait3A_86 = arith.constant 0 : i32
      %dma_wait3A_87 = tpu.memref_slice %arg12[%add3A_3, %dma_wait3A_86] : memref<10240x32xf32, #tpu.memory_space<vmem_shared>> -> memref<128x32xf32, #tpu.memory_space<vmem_shared>>
      tpu.wait_dma2 semaphore(%run_scoped3A_80 : memref<!tpu.dma_semaphore, #tpu.memory_space<semaphore_mem>>) src(%arg10 : memref<128x32xf32, #tpu.memory_space<vmem>>) dst(%dma_wait3A_87 : memref<128x32xf32, #tpu.memory_space<vmem_shared>>)
      tpu.yield
    }) : () -> ()
    %add3A_4 = arith.constant 256 : i32
    %add3A_5 = arith.addi %mul3A_0, %add3A_4 : i32
    "tpu.region"() ({
      %run_scoped3A_80 = tpu.sem_alloc : memref<!tpu.dma_semaphore, #tpu.memory_space<semaphore_mem>>
      %dma_start3A_81 = arith.constant 0 : i32
      %dma_start3A_82 = tpu.memref_slice %arg12[%add3A_5, %dma_start3A_81] : memref<10240x32xf32, #tpu.memory_space<vmem_shared>> -> memref<128x32xf32, #tpu.memory_space<vmem_shared>>
      %dma_start3A_83 = arith.constant 0 : i32
      %dma_start3A_84 = tpu.memref_slice %arg12[%add3A_5, %dma_start3A_83] : memref<10240x32xf32, #tpu.memory_space<vmem_shared>> -> memref<128x32xf32, #tpu.memory_space<vmem_shared>>
      tpu.enqueue_dma source(%arg10 : memref<128x32xf32, #tpu.memory_space<vmem>>) target(%dma_start3A_84 : memref<128x32xf32, #tpu.memory_space<vmem_shared>>) target_semaphore(%run_scoped3A_80 : memref<!tpu.dma_semaphore, #tpu.memory_space<semaphore_mem>>)
      %dma_wait3A = arith.constant 0 : i32
      %dma_wait3A_85 = tpu.memref_slice %arg12[%add3A_5, %dma_wait3A] : memref<10240x32xf32, #tpu.memory_space<vmem_shared>> -> memref<128x32xf32, #tpu.memory_space<vmem_shared>>
      %dma_wait3A_86 = arith.constant 0 : i32
      %dma_wait3A_87 = tpu.memref_slice %arg12[%add3A_5, %dma_wait3A_86] : memref<10240x32xf32, #tpu.memory_space<vmem_shared>> -> memref<128x32xf32, #tpu.memory_space<vmem_shared>>
      tpu.wait_dma2 semaphore(%run_scoped3A_80 : memref<!tpu.dma_semaphore, #tpu.memory_space<semaphore_mem>>) src(%arg10 : memref<128x32xf32, #tpu.memory_space<vmem>>) dst(%dma_wait3A_87 : memref<128x32xf32, #tpu.memory_space<vmem_shared>>)
      tpu.yield
    }) : () -> ()
    %add3A_6 = arith.constant 384 : i32
    %add3A_7 = arith.addi %mul3A_0, %add3A_6 : i32
    "tpu.region"() ({
      %run_scoped3A_80 = tpu.sem_alloc : memref<!tpu.dma_semaphore, #tpu.memory_space<semaphore_mem>>
      %dma_start3A_81 = arith.constant 0 : i32
      %dma_start3A_82 = tpu.memref_slice %arg12[%add3A_7, %dma_start3A_81] : memref<10240x32xf32, #tpu.memory_space<vmem_shared>> -> memref<128x32xf32, #tpu.memory_space<vmem_shared>>
      %dma_start3A_83 = arith.constant 0 : i32
      %dma_start3A_84 = tpu.memref_slice %arg12[%add3A_7, %dma_start3A_83] : memref<10240x32xf32, #tpu.memory_space<vmem_shared>> -> memref<128x32xf32, #tpu.memory_space<vmem_shared>>
      tpu.enqueue_dma source(%arg10 : memref<128x32xf32, #tpu.memory_space<vmem>>) target(%dma_start3A_84 : memref<128x32xf32, #tpu.memory_space<vmem_shared>>) target_semaphore(%run_scoped3A_80 : memref<!tpu.dma_semaphore, #tpu.memory_space<semaphore_mem>>)
      %dma_wait3A = arith.constant 0 : i32
      %dma_wait3A_85 = tpu.memref_slice %arg12[%add3A_7, %dma_wait3A] : memref<10240x32xf32, #tpu.memory_space<vmem_shared>> -> memref<128x32xf32, #tpu.memory_space<vmem_shared>>
      %dma_wait3A_86 = arith.constant 0 : i32
      %dma_wait3A_87 = tpu.memref_slice %arg12[%add3A_7, %dma_wait3A_86] : memref<10240x32xf32, #tpu.memory_space<vmem_shared>> -> memref<128x32xf32, #tpu.memory_space<vmem_shared>>
      tpu.wait_dma2 semaphore(%run_scoped3A_80 : memref<!tpu.dma_semaphore, #tpu.memory_space<semaphore_mem>>) src(%arg10 : memref<128x32xf32, #tpu.memory_space<vmem>>) dst(%dma_wait3A_87 : memref<128x32xf32, #tpu.memory_space<vmem_shared>>)
      tpu.yield
    }) : () -> ()
    %add3A_8 = arith.constant 512 : i32
    %add3A_9 = arith.addi %mul3A_0, %add3A_8 : i32
    "tpu.region"() ({
      %run_scoped3A_80 = tpu.sem_alloc : memref<!tpu.dma_semaphore, #tpu.memory_space<semaphore_mem>>
      %dma_start3A_81 = arith.constant 0 : i32
      %dma_start3A_82 = tpu.memref_slice %arg12[%add3A_9, %dma_start3A_81] : memref<10240x32xf32, #tpu.memory_space<vmem_shared>> -> memref<128x32xf32, #tpu.memory_space<vmem_shared>>
      %dma_start3A_83 = arith.constant 0 : i32
      %dma_start3A_84 = tpu.memref_slice %arg12[%add3A_9, %dma_start3A_83] : memref<10240x32xf32, #tpu.memory_space<vmem_shared>> -> memref<128x32xf32, #tpu.memory_space<vmem_shared>>
      tpu.enqueue_dma source(%arg10 : memref<128x32xf32, #tpu.memory_space<vmem>>) target(%dma_start3A_84 : memref<128x32xf32, #tpu.memory_space<vmem_shared>>) target_semaphore(%run_scoped3A_80 : memref<!tpu.dma_semaphore, #tpu.memory_space<semaphore_mem>>)
      %dma_wait3A = arith.constant 0 : i32
      %dma_wait3A_85 = tpu.memref_slice %arg12[%add3A_9, %dma_wait3A] : memref<10240x32xf32, #tpu.memory_space<vmem_shared>> -> memref<128x32xf32, #tpu.memory_space<vmem_shared>>
      %dma_wait3A_86 = arith.constant 0 : i32
      %dma_wait3A_87 = tpu.memref_slice %arg12[%add3A_9, %dma_wait3A_86] : memref<10240x32xf32, #tpu.memory_space<vmem_shared>> -> memref<128x32xf32, #tpu.memory_space<vmem_shared>>
      tpu.wait_dma2 semaphore(%run_scoped3A_80 : memref<!tpu.dma_semaphore, #tpu.memory_space<semaphore_mem>>) src(%arg10 : memref<128x32xf32, #tpu.memory_space<vmem>>) dst(%dma_wait3A_87 : memref<128x32xf32, #tpu.memory_space<vmem_shared>>)
      tpu.yield
    }) : () -> ()
    %add3A_10 = arith.constant 0 : i32
    %add3A_11 = arith.addi %mul3A_0, %add3A_10 : i32
    "tpu.region"() ({
      %run_scoped3A_80 = tpu.sem_alloc : memref<!tpu.dma_semaphore, #tpu.memory_space<semaphore_mem>>
      %dma_start3A_81 = arith.constant 0 : i32
      %dma_start3A_82 = tpu.memref_slice %arg2[%add3A_11, %dma_start3A_81] : memref<10240x32xf32, #tpu.memory_space<hbm>> -> memref<128x32xf32, #tpu.memory_space<hbm>>
      %dma_start3A_83 = arith.constant 0 : i32
      %dma_start3A_84 = tpu.memref_slice %arg2[%add3A_11, %dma_start3A_83] : memref<10240x32xf32, #tpu.memory_space<hbm>> -> memref<128x32xf32, #tpu.memory_space<hbm>>
      tpu.enqueue_dma source(%dma_start3A_84 : memref<128x32xf32, #tpu.memory_space<hbm>>) target(%arg10 : memref<128x32xf32, #tpu.memory_space<vmem>>) target_semaphore(%run_scoped3A_80 : memref<!tpu.dma_semaphore, #tpu.memory_space<semaphore_mem>>)
      %dma_wait3A = arith.constant 0 : i32
      %dma_wait3A_85 = tpu.memref_slice %arg2[%add3A_11, %dma_wait3A] : memref<10240x32xf32, #tpu.memory_space<hbm>> -> memref<128x32xf32, #tpu.memory_space<hbm>>
      %dma_wait3A_86 = arith.constant 0 : i32
      %dma_wait3A_87 = tpu.memref_slice %arg2[%add3A_11, %dma_wait3A_86] : memref<10240x32xf32, #tpu.memory_space<hbm>> -> memref<128x32xf32, #tpu.memory_space<hbm>>
      tpu.wait_dma2 semaphore(%run_scoped3A_80 : memref<!tpu.dma_semaphore, #tpu.memory_space<semaphore_mem>>) src(%dma_wait3A_87 : memref<128x32xf32, #tpu.memory_space<hbm>>) dst(%arg10 : memref<128x32xf32, #tpu.memory_space<vmem>>)
      tpu.yield
    }) : () -> ()
    "tpu.region"() ({
      %run_scoped3A_80 = tpu.sem_alloc : memref<!tpu.dma_semaphore, #tpu.memory_space<semaphore_mem>>
      %dma_start3A_81 = arith.constant 0 : i32
      %dma_start3A_82 = tpu.memref_slice %arg11[%add3A_11, %dma_start3A_81] : memref<10240x32xf32, #tpu.memory_space<vmem_shared>> -> memref<128x32xf32, #tpu.memory_space<vmem_shared>>
      %dma_start3A_83 = arith.constant 0 : i32
      %dma_start3A_84 = tpu.memref_slice %arg11[%add3A_11, %dma_start3A_83] : memref<10240x32xf32, #tpu.memory_space<vmem_shared>> -> memref<128x32xf32, #tpu.memory_space<vmem_shared>>
      tpu.enqueue_dma source(%arg10 : memref<128x32xf32, #tpu.memory_space<vmem>>) target(%dma_start3A_84 : memref<128x32xf32, #tpu.memory_space<vmem_shared>>) target_semaphore(%run_scoped3A_80 : memref<!tpu.dma_semaphore, #tpu.memory_space<semaphore_mem>>)
      %dma_wait3A = arith.constant 0 : i32
      %dma_wait3A_85 = tpu.memref_slice %arg11[%add3A_11, %dma_wait3A] : memref<10240x32xf32, #tpu.memory_space<vmem_shared>> -> memref<128x32xf32, #tpu.memory_space<vmem_shared>>
      %dma_wait3A_86 = arith.constant 0 : i32
      %dma_wait3A_87 = tpu.memref_slice %arg11[%add3A_11, %dma_wait3A_86] : memref<10240x32xf32, #tpu.memory_space<vmem_shared>> -> memref<128x32xf32, #tpu.memory_space<vmem_shared>>
      tpu.wait_dma2 semaphore(%run_scoped3A_80 : memref<!tpu.dma_semaphore, #tpu.memory_space<semaphore_mem>>) src(%arg10 : memref<128x32xf32, #tpu.memory_space<vmem>>) dst(%dma_wait3A_87 : memref<128x32xf32, #tpu.memory_space<vmem_shared>>)
      tpu.yield
    }) : () -> ()
    %add3A_12 = arith.constant 128 : i32
    %add3A_13 = arith.addi %mul3A_0, %add3A_12 : i32
    "tpu.region"() ({
      %run_scoped3A_80 = tpu.sem_alloc : memref<!tpu.dma_semaphore, #tpu.memory_space<semaphore_mem>>
      %dma_start3A_81 = arith.constant 0 : i32
      %dma_start3A_82 = tpu.memref_slice %arg2[%add3A_13, %dma_start3A_81] : memref<10240x32xf32, #tpu.memory_space<hbm>> -> memref<128x32xf32, #tpu.memory_space<hbm>>
      %dma_start3A_83 = arith.constant 0 : i32
      %dma_start3A_84 = tpu.memref_slice %arg2[%add3A_13, %dma_start3A_83] : memref<10240x32xf32, #tpu.memory_space<hbm>> -> memref<128x32xf32, #tpu.memory_space<hbm>>
      tpu.enqueue_dma source(%dma_start3A_84 : memref<128x32xf32, #tpu.memory_space<hbm>>) target(%arg10 : memref<128x32xf32, #tpu.memory_space<vmem>>) target_semaphore(%run_scoped3A_80 : memref<!tpu.dma_semaphore, #tpu.memory_space<semaphore_mem>>)
      %dma_wait3A = arith.constant 0 : i32
      %dma_wait3A_85 = tpu.memref_slice %arg2[%add3A_13, %dma_wait3A] : memref<10240x32xf32, #tpu.memory_space<hbm>> -> memref<128x32xf32, #tpu.memory_space<hbm>>
      %dma_wait3A_86 = arith.constant 0 : i32
      %dma_wait3A_87 = tpu.memref_slice %arg2[%add3A_13, %dma_wait3A_86] : memref<10240x32xf32, #tpu.memory_space<hbm>> -> memref<128x32xf32, #tpu.memory_space<hbm>>
      tpu.wait_dma2 semaphore(%run_scoped3A_80 : memref<!tpu.dma_semaphore, #tpu.memory_space<semaphore_mem>>) src(%dma_wait3A_87 : memref<128x32xf32, #tpu.memory_space<hbm>>) dst(%arg10 : memref<128x32xf32, #tpu.memory_space<vmem>>)
      tpu.yield
    }) : () -> ()
    "tpu.region"() ({
      %run_scoped3A_80 = tpu.sem_alloc : memref<!tpu.dma_semaphore, #tpu.memory_space<semaphore_mem>>
      %dma_start3A_81 = arith.constant 0 : i32
      %dma_start3A_82 = tpu.memref_slice %arg11[%add3A_13, %dma_start3A_81] : memref<10240x32xf32, #tpu.memory_space<vmem_shared>> -> memref<128x32xf32, #tpu.memory_space<vmem_shared>>
      %dma_start3A_83 = arith.constant 0 : i32
      %dma_start3A_84 = tpu.memref_slice %arg11[%add3A_13, %dma_start3A_83] : memref<10240x32xf32, #tpu.memory_space<vmem_shared>> -> memref<128x32xf32, #tpu.memory_space<vmem_shared>>
      tpu.enqueue_dma source(%arg10 : memref<128x32xf32, #tpu.memory_space<vmem>>) target(%dma_start3A_84 : memref<128x32xf32, #tpu.memory_space<vmem_shared>>) target_semaphore(%run_scoped3A_80 : memref<!tpu.dma_semaphore, #tpu.memory_space<semaphore_mem>>)
      %dma_wait3A = arith.constant 0 : i32
      %dma_wait3A_85 = tpu.memref_slice %arg11[%add3A_13, %dma_wait3A] : memref<10240x32xf32, #tpu.memory_space<vmem_shared>> -> memref<128x32xf32, #tpu.memory_space<vmem_shared>>
      %dma_wait3A_86 = arith.constant 0 : i32
      %dma_wait3A_87 = tpu.memref_slice %arg11[%add3A_13, %dma_wait3A_86] : memref<10240x32xf32, #tpu.memory_space<vmem_shared>> -> memref<128x32xf32, #tpu.memory_space<vmem_shared>>
      tpu.wait_dma2 semaphore(%run_scoped3A_80 : memref<!tpu.dma_semaphore, #tpu.memory_space<semaphore_mem>>) src(%arg10 : memref<128x32xf32, #tpu.memory_space<vmem>>) dst(%dma_wait3A_87 : memref<128x32xf32, #tpu.memory_space<vmem_shared>>)
      tpu.yield
    }) : () -> ()
    %add3A_14 = arith.constant 256 : i32
    %add3A_15 = arith.addi %mul3A_0, %add3A_14 : i32
    "tpu.region"() ({
      %run_scoped3A_80 = tpu.sem_alloc : memref<!tpu.dma_semaphore, #tpu.memory_space<semaphore_mem>>
      %dma_start3A_81 = arith.constant 0 : i32
      %dma_start3A_82 = tpu.memref_slice %arg2[%add3A_15, %dma_start3A_81] : memref<10240x32xf32, #tpu.memory_space<hbm>> -> memref<128x32xf32, #tpu.memory_space<hbm>>
      %dma_start3A_83 = arith.constant 0 : i32
      %dma_start3A_84 = tpu.memref_slice %arg2[%add3A_15, %dma_start3A_83] : memref<10240x32xf32, #tpu.memory_space<hbm>> -> memref<128x32xf32, #tpu.memory_space<hbm>>
      tpu.enqueue_dma source(%dma_start3A_84 : memref<128x32xf32, #tpu.memory_space<hbm>>) target(%arg10 : memref<128x32xf32, #tpu.memory_space<vmem>>) target_semaphore(%run_scoped3A_80 : memref<!tpu.dma_semaphore, #tpu.memory_space<semaphore_mem>>)
      %dma_wait3A = arith.constant 0 : i32
      %dma_wait3A_85 = tpu.memref_slice %arg2[%add3A_15, %dma_wait3A] : memref<10240x32xf32, #tpu.memory_space<hbm>> -> memref<128x32xf32, #tpu.memory_space<hbm>>
      %dma_wait3A_86 = arith.constant 0 : i32
      %dma_wait3A_87 = tpu.memref_slice %arg2[%add3A_15, %dma_wait3A_86] : memref<10240x32xf32, #tpu.memory_space<hbm>> -> memref<128x32xf32, #tpu.memory_space<hbm>>
      tpu.wait_dma2 semaphore(%run_scoped3A_80 : memref<!tpu.dma_semaphore, #tpu.memory_space<semaphore_mem>>) src(%dma_wait3A_87 : memref<128x32xf32, #tpu.memory_space<hbm>>) dst(%arg10 : memref<128x32xf32, #tpu.memory_space<vmem>>)
      tpu.yield
    }) : () -> ()
    "tpu.region"() ({
      %run_scoped3A_80 = tpu.sem_alloc : memref<!tpu.dma_semaphore, #tpu.memory_space<semaphore_mem>>
      %dma_start3A_81 = arith.constant 0 : i32
      %dma_start3A_82 = tpu.memref_slice %arg11[%add3A_15, %dma_start3A_81] : memref<10240x32xf32, #tpu.memory_space<vmem_shared>> -> memref<128x32xf32, #tpu.memory_space<vmem_shared>>
      %dma_start3A_83 = arith.constant 0 : i32
      %dma_start3A_84 = tpu.memref_slice %arg11[%add3A_15, %dma_start3A_83] : memref<10240x32xf32, #tpu.memory_space<vmem_shared>> -> memref<128x32xf32, #tpu.memory_space<vmem_shared>>
      tpu.enqueue_dma source(%arg10 : memref<128x32xf32, #tpu.memory_space<vmem>>) target(%dma_start3A_84 : memref<128x32xf32, #tpu.memory_space<vmem_shared>>) target_semaphore(%run_scoped3A_80 : memref<!tpu.dma_semaphore, #tpu.memory_space<semaphore_mem>>)
      %dma_wait3A = arith.constant 0 : i32
      %dma_wait3A_85 = tpu.memref_slice %arg11[%add3A_15, %dma_wait3A] : memref<10240x32xf32, #tpu.memory_space<vmem_shared>> -> memref<128x32xf32, #tpu.memory_space<vmem_shared>>
      %dma_wait3A_86 = arith.constant 0 : i32
      %dma_wait3A_87 = tpu.memref_slice %arg11[%add3A_15, %dma_wait3A_86] : memref<10240x32xf32, #tpu.memory_space<vmem_shared>> -> memref<128x32xf32, #tpu.memory_space<vmem_shared>>
      tpu.wait_dma2 semaphore(%run_scoped3A_80 : memref<!tpu.dma_semaphore, #tpu.memory_space<semaphore_mem>>) src(%arg10 : memref<128x32xf32, #tpu.memory_space<vmem>>) dst(%dma_wait3A_87 : memref<128x32xf32, #tpu.memory_space<vmem_shared>>)
      tpu.yield
    }) : () -> ()
    %add3A_16 = arith.constant 384 : i32
    %add3A_17 = arith.addi %mul3A_0, %add3A_16 : i32
    "tpu.region"() ({
      %run_scoped3A_80 = tpu.sem_alloc : memref<!tpu.dma_semaphore, #tpu.memory_space<semaphore_mem>>
      %dma_start3A_81 = arith.constant 0 : i32
      %dma_start3A_82 = tpu.memref_slice %arg2[%add3A_17, %dma_start3A_81] : memref<10240x32xf32, #tpu.memory_space<hbm>> -> memref<128x32xf32, #tpu.memory_space<hbm>>
      %dma_start3A_83 = arith.constant 0 : i32
      %dma_start3A_84 = tpu.memref_slice %arg2[%add3A_17, %dma_start3A_83] : memref<10240x32xf32, #tpu.memory_space<hbm>> -> memref<128x32xf32, #tpu.memory_space<hbm>>
      tpu.enqueue_dma source(%dma_start3A_84 : memref<128x32xf32, #tpu.memory_space<hbm>>) target(%arg10 : memref<128x32xf32, #tpu.memory_space<vmem>>) target_semaphore(%run_scoped3A_80 : memref<!tpu.dma_semaphore, #tpu.memory_space<semaphore_mem>>)
      %dma_wait3A = arith.constant 0 : i32
      %dma_wait3A_85 = tpu.memref_slice %arg2[%add3A_17, %dma_wait3A] : memref<10240x32xf32, #tpu.memory_space<hbm>> -> memref<128x32xf32, #tpu.memory_space<hbm>>
      %dma_wait3A_86 = arith.constant 0 : i32
      %dma_wait3A_87 = tpu.memref_slice %arg2[%add3A_17, %dma_wait3A_86] : memref<10240x32xf32, #tpu.memory_space<hbm>> -> memref<128x32xf32, #tpu.memory_space<hbm>>
      tpu.wait_dma2 semaphore(%run_scoped3A_80 : memref<!tpu.dma_semaphore, #tpu.memory_space<semaphore_mem>>) src(%dma_wait3A_87 : memref<128x32xf32, #tpu.memory_space<hbm>>) dst(%arg10 : memref<128x32xf32, #tpu.memory_space<vmem>>)
      tpu.yield
    }) : () -> ()
    "tpu.region"() ({
      %run_scoped3A_80 = tpu.sem_alloc : memref<!tpu.dma_semaphore, #tpu.memory_space<semaphore_mem>>
      %dma_start3A_81 = arith.constant 0 : i32
      %dma_start3A_82 = tpu.memref_slice %arg11[%add3A_17, %dma_start3A_81] : memref<10240x32xf32, #tpu.memory_space<vmem_shared>> -> memref<128x32xf32, #tpu.memory_space<vmem_shared>>
      %dma_start3A_83 = arith.constant 0 : i32
      %dma_start3A_84 = tpu.memref_slice %arg11[%add3A_17, %dma_start3A_83] : memref<10240x32xf32, #tpu.memory_space<vmem_shared>> -> memref<128x32xf32, #tpu.memory_space<vmem_shared>>
      tpu.enqueue_dma source(%arg10 : memref<128x32xf32, #tpu.memory_space<vmem>>) target(%dma_start3A_84 : memref<128x32xf32, #tpu.memory_space<vmem_shared>>) target_semaphore(%run_scoped3A_80 : memref<!tpu.dma_semaphore, #tpu.memory_space<semaphore_mem>>)
      %dma_wait3A = arith.constant 0 : i32
      %dma_wait3A_85 = tpu.memref_slice %arg11[%add3A_17, %dma_wait3A] : memref<10240x32xf32, #tpu.memory_space<vmem_shared>> -> memref<128x32xf32, #tpu.memory_space<vmem_shared>>
      %dma_wait3A_86 = arith.constant 0 : i32
      %dma_wait3A_87 = tpu.memref_slice %arg11[%add3A_17, %dma_wait3A_86] : memref<10240x32xf32, #tpu.memory_space<vmem_shared>> -> memref<128x32xf32, #tpu.memory_space<vmem_shared>>
      tpu.wait_dma2 semaphore(%run_scoped3A_80 : memref<!tpu.dma_semaphore, #tpu.memory_space<semaphore_mem>>) src(%arg10 : memref<128x32xf32, #tpu.memory_space<vmem>>) dst(%dma_wait3A_87 : memref<128x32xf32, #tpu.memory_space<vmem_shared>>)
      tpu.yield
    }) : () -> ()
    %add3A_18 = arith.constant 512 : i32
    %add3A_19 = arith.addi %mul3A_0, %add3A_18 : i32
    "tpu.region"() ({
      %run_scoped3A_80 = tpu.sem_alloc : memref<!tpu.dma_semaphore, #tpu.memory_space<semaphore_mem>>
      %dma_start3A_81 = arith.constant 0 : i32
      %dma_start3A_82 = tpu.memref_slice %arg2[%add3A_19, %dma_start3A_81] : memref<10240x32xf32, #tpu.memory_space<hbm>> -> memref<128x32xf32, #tpu.memory_space<hbm>>
      %dma_start3A_83 = arith.constant 0 : i32
      %dma_start3A_84 = tpu.memref_slice %arg2[%add3A_19, %dma_start3A_83] : memref<10240x32xf32, #tpu.memory_space<hbm>> -> memref<128x32xf32, #tpu.memory_space<hbm>>
      tpu.enqueue_dma source(%dma_start3A_84 : memref<128x32xf32, #tpu.memory_space<hbm>>) target(%arg10 : memref<128x32xf32, #tpu.memory_space<vmem>>) target_semaphore(%run_scoped3A_80 : memref<!tpu.dma_semaphore, #tpu.memory_space<semaphore_mem>>)
      %dma_wait3A = arith.constant 0 : i32
      %dma_wait3A_85 = tpu.memref_slice %arg2[%add3A_19, %dma_wait3A] : memref<10240x32xf32, #tpu.memory_space<hbm>> -> memref<128x32xf32, #tpu.memory_space<hbm>>
      %dma_wait3A_86 = arith.constant 0 : i32
      %dma_wait3A_87 = tpu.memref_slice %arg2[%add3A_19, %dma_wait3A_86] : memref<10240x32xf32, #tpu.memory_space<hbm>> -> memref<128x32xf32, #tpu.memory_space<hbm>>
      tpu.wait_dma2 semaphore(%run_scoped3A_80 : memref<!tpu.dma_semaphore, #tpu.memory_space<semaphore_mem>>) src(%dma_wait3A_87 : memref<128x32xf32, #tpu.memory_space<hbm>>) dst(%arg10 : memref<128x32xf32, #tpu.memory_space<vmem>>)
      tpu.yield
    }) : () -> ()
    "tpu.region"() ({
      %run_scoped3A_80 = tpu.sem_alloc : memref<!tpu.dma_semaphore, #tpu.memory_space<semaphore_mem>>
      %dma_start3A_81 = arith.constant 0 : i32
      %dma_start3A_82 = tpu.memref_slice %arg11[%add3A_19, %dma_start3A_81] : memref<10240x32xf32, #tpu.memory_space<vmem_shared>> -> memref<128x32xf32, #tpu.memory_space<vmem_shared>>
      %dma_start3A_83 = arith.constant 0 : i32
      %dma_start3A_84 = tpu.memref_slice %arg11[%add3A_19, %dma_start3A_83] : memref<10240x32xf32, #tpu.memory_space<vmem_shared>> -> memref<128x32xf32, #tpu.memory_space<vmem_shared>>
      tpu.enqueue_dma source(%arg10 : memref<128x32xf32, #tpu.memory_space<vmem>>) target(%dma_start3A_84 : memref<128x32xf32, #tpu.memory_space<vmem_shared>>) target_semaphore(%run_scoped3A_80 : memref<!tpu.dma_semaphore, #tpu.memory_space<semaphore_mem>>)
      %dma_wait3A = arith.constant 0 : i32
      %dma_wait3A_85 = tpu.memref_slice %arg11[%add3A_19, %dma_wait3A] : memref<10240x32xf32, #tpu.memory_space<vmem_shared>> -> memref<128x32xf32, #tpu.memory_space<vmem_shared>>
      %dma_wait3A_86 = arith.constant 0 : i32
      %dma_wait3A_87 = tpu.memref_slice %arg11[%add3A_19, %dma_wait3A_86] : memref<10240x32xf32, #tpu.memory_space<vmem_shared>> -> memref<128x32xf32, #tpu.memory_space<vmem_shared>>
      tpu.wait_dma2 semaphore(%run_scoped3A_80 : memref<!tpu.dma_semaphore, #tpu.memory_space<semaphore_mem>>) src(%arg10 : memref<128x32xf32, #tpu.memory_space<vmem>>) dst(%dma_wait3A_87 : memref<128x32xf32, #tpu.memory_space<vmem_shared>>)
      tpu.yield
    }) : () -> ()
    %barrier3A = arith.constant 0 : index
    tpu.barrier barrier_id(%barrier3A)
    %run_scoped3A = arith.constant 0 : i32
    %run_scoped3A_20 = arith.constant 0 : i32
    "tpu.region"() ({
      %run_scoped3A_80 = tpu.sem_alloc : memref<!tpu.dma_semaphore, #tpu.memory_space<semaphore_mem>>
      %dma_start3A_81 = arith.constant 0 : i32
      %dma_start3A_82 = tpu.memref_slice %arg7[%run_scoped3A_20, %dma_start3A_81] : memref<3x256xi32, #tpu.memory_space<vmem>> -> memref<1x256xi32, #tpu.memory_space<vmem>>
      %dma_start3A_83 = tpu.memref_squeeze %dma_start3A_82 : memref<1x256xi32, #tpu.memory_space<vmem>> -> memref<256xi32, #tpu.memory_space<vmem>>
      %dma_start3A_84 = arith.constant 0 : i32
      %dma_start3A_85 = tpu.memref_slice %arg3[%arg0, %arg1, %run_scoped3A, %dma_start3A_84] : memref<2x16x40x256xi32, #tpu.memory_space<hbm>> -> memref<1x1x1x256xi32, #tpu.memory_space<hbm>>
      %dma_start3A_86 = tpu.memref_squeeze %dma_start3A_85 : memref<1x1x1x256xi32, #tpu.memory_space<hbm>> -> memref<256xi32, #tpu.memory_space<hbm>>
      %dma_start3A_87 = arith.constant 0 : i32
      %dma_start3A_88 = tpu.memref_slice %arg7[%run_scoped3A_20, %dma_start3A_87] : memref<3x256xi32, #tpu.memory_space<vmem>> -> memref<1x256xi32, #tpu.memory_space<vmem>>
      %dma_start3A_89 = tpu.memref_squeeze %dma_start3A_88 : memref<1x256xi32, #tpu.memory_space<vmem>> -> memref<256xi32, #tpu.memory_space<vmem>>
      %dma_start3A_90 = arith.constant 0 : i32
      %dma_start3A_91 = tpu.memref_slice %arg3[%arg0, %arg1, %run_scoped3A, %dma_start3A_90] : memref<2x16x40x256xi32, #tpu.memory_space<hbm>> -> memref<1x1x1x256xi32, #tpu.memory_space<hbm>>
      %dma_start3A_92 = tpu.memref_squeeze %dma_start3A_91 : memref<1x1x1x256xi32, #tpu.memory_space<hbm>> -> memref<256xi32, #tpu.memory_space<hbm>>
      tpu.enqueue_dma source(%dma_start3A_92 : memref<256xi32, #tpu.memory_space<hbm>>) target(%dma_start3A_89 : memref<256xi32, #tpu.memory_space<vmem>>) target_semaphore(%run_scoped3A_80 : memref<!tpu.dma_semaphore, #tpu.memory_space<semaphore_mem>>)
      %dma_wait3A = arith.constant 0 : i32
      %dma_wait3A_93 = tpu.memref_slice %arg7[%run_scoped3A_20, %dma_wait3A] : memref<3x256xi32, #tpu.memory_space<vmem>> -> memref<1x256xi32, #tpu.memory_space<vmem>>
      %dma_wait3A_94 = tpu.memref_squeeze %dma_wait3A_93 : memref<1x256xi32, #tpu.memory_space<vmem>> -> memref<256xi32, #tpu.memory_space<vmem>>
      %dma_wait3A_95 = arith.constant 0 : i32
      %dma_wait3A_96 = tpu.memref_slice %arg3[%arg0, %arg1, %run_scoped3A, %dma_wait3A_95] : memref<2x16x40x256xi32, #tpu.memory_space<hbm>> -> memref<1x1x1x256xi32, #tpu.memory_space<hbm>>
      %dma_wait3A_97 = tpu.memref_squeeze %dma_wait3A_96 : memref<1x1x1x256xi32, #tpu.memory_space<hbm>> -> memref<256xi32, #tpu.memory_space<hbm>>
      %dma_wait3A_98 = arith.constant 0 : i32
      %dma_wait3A_99 = tpu.memref_slice %arg7[%run_scoped3A_20, %dma_wait3A_98] : memref<3x256xi32, #tpu.memory_space<vmem>> -> memref<1x256xi32, #tpu.memory_space<vmem>>
      %dma_wait3A_100 = tpu.memref_squeeze %dma_wait3A_99 : memref<1x256xi32, #tpu.memory_space<vmem>> -> memref<256xi32, #tpu.memory_space<vmem>>
      %dma_wait3A_101 = arith.constant 0 : i32
      %dma_wait3A_102 = tpu.memref_slice %arg3[%arg0, %arg1, %run_scoped3A, %dma_wait3A_101] : memref<2x16x40x256xi32, #tpu.memory_space<hbm>> -> memref<1x1x1x256xi32, #tpu.memory_space<hbm>>
      %dma_wait3A_103 = tpu.memref_squeeze %dma_wait3A_102 : memref<1x1x1x256xi32, #tpu.memory_space<hbm>> -> memref<256xi32, #tpu.memory_space<hbm>>
      tpu.wait_dma2 semaphore(%run_scoped3A_80 : memref<!tpu.dma_semaphore, #tpu.memory_space<semaphore_mem>>) src(%dma_wait3A_103 : memref<256xi32, #tpu.memory_space<hbm>>) dst(%dma_wait3A_100 : memref<256xi32, #tpu.memory_space<vmem>>)
      tpu.yield
    }) : () -> ()
    %run_scoped3A_21 = arith.constant 0 : i32
    %run_scoped3A_22 = arith.constant 0 : i32
    "tpu.region"() ({
      %run_scoped3A_80 = tpu.sem_alloc : memref<!tpu.dma_semaphore, #tpu.memory_space<semaphore_mem>>
      %dma_start3A_81 = arith.constant 0 : i32
      %dma_start3A_82 = tpu.memref_slice %arg8[%run_scoped3A_22, %dma_start3A_81] : memref<3x256xi32, #tpu.memory_space<vmem>> -> memref<1x256xi32, #tpu.memory_space<vmem>>
      %dma_start3A_83 = tpu.memref_squeeze %dma_start3A_82 : memref<1x256xi32, #tpu.memory_space<vmem>> -> memref<256xi32, #tpu.memory_space<vmem>>
      %dma_start3A_84 = arith.constant 0 : i32
      %dma_start3A_85 = tpu.memref_slice %arg4[%arg0, %arg1, %run_scoped3A_21, %dma_start3A_84] : memref<2x16x40x256xi32, #tpu.memory_space<hbm>> -> memref<1x1x1x256xi32, #tpu.memory_space<hbm>>
      %dma_start3A_86 = tpu.memref_squeeze %dma_start3A_85 : memref<1x1x1x256xi32, #tpu.memory_space<hbm>> -> memref<256xi32, #tpu.memory_space<hbm>>
      %dma_start3A_87 = arith.constant 0 : i32
      %dma_start3A_88 = tpu.memref_slice %arg8[%run_scoped3A_22, %dma_start3A_87] : memref<3x256xi32, #tpu.memory_space<vmem>> -> memref<1x256xi32, #tpu.memory_space<vmem>>
      %dma_start3A_89 = tpu.memref_squeeze %dma_start3A_88 : memref<1x256xi32, #tpu.memory_space<vmem>> -> memref<256xi32, #tpu.memory_space<vmem>>
      %dma_start3A_90 = arith.constant 0 : i32
      %dma_start3A_91 = tpu.memref_slice %arg4[%arg0, %arg1, %run_scoped3A_21, %dma_start3A_90] : memref<2x16x40x256xi32, #tpu.memory_space<hbm>> -> memref<1x1x1x256xi32, #tpu.memory_space<hbm>>
      %dma_start3A_92 = tpu.memref_squeeze %dma_start3A_91 : memref<1x1x1x256xi32, #tpu.memory_space<hbm>> -> memref<256xi32, #tpu.memory_space<hbm>>
      tpu.enqueue_dma source(%dma_start3A_92 : memref<256xi32, #tpu.memory_space<hbm>>) target(%dma_start3A_89 : memref<256xi32, #tpu.memory_space<vmem>>) target_semaphore(%run_scoped3A_80 : memref<!tpu.dma_semaphore, #tpu.memory_space<semaphore_mem>>)
      %dma_wait3A = arith.constant 0 : i32
      %dma_wait3A_93 = tpu.memref_slice %arg8[%run_scoped3A_22, %dma_wait3A] : memref<3x256xi32, #tpu.memory_space<vmem>> -> memref<1x256xi32, #tpu.memory_space<vmem>>
      %dma_wait3A_94 = tpu.memref_squeeze %dma_wait3A_93 : memref<1x256xi32, #tpu.memory_space<vmem>> -> memref<256xi32, #tpu.memory_space<vmem>>
      %dma_wait3A_95 = arith.constant 0 : i32
      %dma_wait3A_96 = tpu.memref_slice %arg4[%arg0, %arg1, %run_scoped3A_21, %dma_wait3A_95] : memref<2x16x40x256xi32, #tpu.memory_space<hbm>> -> memref<1x1x1x256xi32, #tpu.memory_space<hbm>>
      %dma_wait3A_97 = tpu.memref_squeeze %dma_wait3A_96 : memref<1x1x1x256xi32, #tpu.memory_space<hbm>> -> memref<256xi32, #tpu.memory_space<hbm>>
      %dma_wait3A_98 = arith.constant 0 : i32
      %dma_wait3A_99 = tpu.memref_slice %arg8[%run_scoped3A_22, %dma_wait3A_98] : memref<3x256xi32, #tpu.memory_space<vmem>> -> memref<1x256xi32, #tpu.memory_space<vmem>>
      %dma_wait3A_100 = tpu.memref_squeeze %dma_wait3A_99 : memref<1x256xi32, #tpu.memory_space<vmem>> -> memref<256xi32, #tpu.memory_space<vmem>>
      %dma_wait3A_101 = arith.constant 0 : i32
      %dma_wait3A_102 = tpu.memref_slice %arg4[%arg0, %arg1, %run_scoped3A_21, %dma_wait3A_101] : memref<2x16x40x256xi32, #tpu.memory_space<hbm>> -> memref<1x1x1x256xi32, #tpu.memory_space<hbm>>
      %dma_wait3A_103 = tpu.memref_squeeze %dma_wait3A_102 : memref<1x1x1x256xi32, #tpu.memory_space<hbm>> -> memref<256xi32, #tpu.memory_space<hbm>>
      tpu.wait_dma2 semaphore(%run_scoped3A_80 : memref<!tpu.dma_semaphore, #tpu.memory_space<semaphore_mem>>) src(%dma_wait3A_103 : memref<256xi32, #tpu.memory_space<hbm>>) dst(%dma_wait3A_100 : memref<256xi32, #tpu.memory_space<vmem>>)
      tpu.yield
    }) : () -> ()
    %rem3A = arith.constant 1 : i32
    %rem3A_23 = arith.constant 3 : i32
    %rem3A_24 = arith.remsi %rem3A, %rem3A_23 : i32
    %dma_start3A = arith.constant 1 : i32
    %dma_start3A_25 = arith.constant 0 : i32
    %dma_start3A_26 = tpu.memref_slice %arg7[%rem3A_24, %dma_start3A_25] : memref<3x256xi32, #tpu.memory_space<vmem>> -> memref<1x256xi32, #tpu.memory_space<vmem>>
    %dma_start3A_27 = tpu.memref_squeeze %dma_start3A_26 : memref<1x256xi32, #tpu.memory_space<vmem>> -> memref<256xi32, #tpu.memory_space<vmem>>
    %dma_start3A_28 = arith.constant 0 : i32
    %dma_start3A_29 = tpu.memref_slice %arg3[%arg0, %arg1, %dma_start3A, %dma_start3A_28] : memref<2x16x40x256xi32, #tpu.memory_space<hbm>> -> memref<1x1x1x256xi32, #tpu.memory_space<hbm>>
    %dma_start3A_30 = tpu.memref_squeeze %dma_start3A_29 : memref<1x1x1x256xi32, #tpu.memory_space<hbm>> -> memref<256xi32, #tpu.memory_space<hbm>>
    %dma_start3A_31 = arith.constant 0 : i32
    %dma_start3A_32 = tpu.memref_slice %arg7[%rem3A_24, %dma_start3A_31] : memref<3x256xi32, #tpu.memory_space<vmem>> -> memref<1x256xi32, #tpu.memory_space<vmem>>
    %dma_start3A_33 = tpu.memref_squeeze %dma_start3A_32 : memref<1x256xi32, #tpu.memory_space<vmem>> -> memref<256xi32, #tpu.memory_space<vmem>>
    %dma_start3A_34 = arith.constant 0 : i32
    %dma_start3A_35 = tpu.memref_slice %arg3[%arg0, %arg1, %dma_start3A, %dma_start3A_34] : memref<2x16x40x256xi32, #tpu.memory_space<hbm>> -> memref<1x1x1x256xi32, #tpu.memory_space<hbm>>
    %dma_start3A_36 = tpu.memref_squeeze %dma_start3A_35 : memref<1x1x1x256xi32, #tpu.memory_space<hbm>> -> memref<256xi32, #tpu.memory_space<hbm>>
    tpu.enqueue_dma source(%dma_start3A_36 : memref<256xi32, #tpu.memory_space<hbm>>) target(%dma_start3A_33 : memref<256xi32, #tpu.memory_space<vmem>>) target_semaphore(%arg14 : memref<!tpu.dma_semaphore, #tpu.memory_space<semaphore_mem>>)
    %dma_start3A_37 = arith.constant 1 : i32
    %dma_start3A_38 = arith.constant 0 : i32
    %dma_start3A_39 = tpu.memref_slice %arg8[%rem3A_24, %dma_start3A_38] : memref<3x256xi32, #tpu.memory_space<vmem>> -> memref<1x256xi32, #tpu.memory_space<vmem>>
    %dma_start3A_40 = tpu.memref_squeeze %dma_start3A_39 : memref<1x256xi32, #tpu.memory_space<vmem>> -> memref<256xi32, #tpu.memory_space<vmem>>
    %dma_start3A_41 = arith.constant 0 : i32
    %dma_start3A_42 = tpu.memref_slice %arg4[%arg0, %arg1, %dma_start3A_37, %dma_start3A_41] : memref<2x16x40x256xi32, #tpu.memory_space<hbm>> -> memref<1x1x1x256xi32, #tpu.memory_space<hbm>>
    %dma_start3A_43 = tpu.memref_squeeze %dma_start3A_42 : memref<1x1x1x256xi32, #tpu.memory_space<hbm>> -> memref<256xi32, #tpu.memory_space<hbm>>
    %dma_start3A_44 = arith.constant 0 : i32
    %dma_start3A_45 = tpu.memref_slice %arg8[%rem3A_24, %dma_start3A_44] : memref<3x256xi32, #tpu.memory_space<vmem>> -> memref<1x256xi32, #tpu.memory_space<vmem>>
    %dma_start3A_46 = tpu.memref_squeeze %dma_start3A_45 : memref<1x256xi32, #tpu.memory_space<vmem>> -> memref<256xi32, #tpu.memory_space<vmem>>
    %dma_start3A_47 = arith.constant 0 : i32
    %dma_start3A_48 = tpu.memref_slice %arg4[%arg0, %arg1, %dma_start3A_37, %dma_start3A_47] : memref<2x16x40x256xi32, #tpu.memory_space<hbm>> -> memref<1x1x1x256xi32, #tpu.memory_space<hbm>>
    %dma_start3A_49 = tpu.memref_squeeze %dma_start3A_48 : memref<1x1x1x256xi32, #tpu.memory_space<hbm>> -> memref<256xi32, #tpu.memory_space<hbm>>
    tpu.enqueue_dma source(%dma_start3A_49 : memref<256xi32, #tpu.memory_space<hbm>>) target(%dma_start3A_46 : memref<256xi32, #tpu.memory_space<vmem>>) target_semaphore(%arg14 : memref<!tpu.dma_semaphore, #tpu.memory_space<semaphore_mem>>)
    %rem3A_50 = arith.constant 0 : i32
    %rem3A_51 = arith.constant 3 : i32
    %rem3A_52 = arith.remsi %rem3A_50, %rem3A_51 : i32
    %dma_start3A_53 = arith.constant 0 : i32
    %dma_start3A_54 = arith.constant 0 : i32
    %dma_start3A_55 = arith.constant 0 : i32
    %dma_start3A_56 = tpu.memref_slice %arg9[%dma_start3A_53, %dma_start3A_54, %dma_start3A_55] : memref<2x256x32xf32, #tpu.memory_space<vmem>> -> memref<1x256x32xf32, #tpu.memory_space<vmem>>
    %dma_start3A_57 = tpu.memref_squeeze %dma_start3A_56 : memref<1x256x32xf32, #tpu.memory_space<vmem>> -> memref<256x32xf32, #tpu.memory_space<vmem>>
    %dma_start3A_58 = arith.constant 0 : i32
    %dma_start3A_59 = tpu.memref_slice %arg7[%rem3A_52, %dma_start3A_58] : memref<3x256xi32, #tpu.memory_space<vmem>> -> memref<1x256xi32, #tpu.memory_space<vmem>>
    %dma_start3A_60 = tpu.memref_squeeze %dma_start3A_59 : memref<1x256xi32, #tpu.memory_space<vmem>> -> memref<256xi32, #tpu.memory_space<vmem>>
    %dma_start3A_61 = arith.constant 0 : i32
    %dma_start3A_62 = arith.constant 0 : i32
    %dma_start3A_63 = tpu.memref_slice %arg11[%dma_start3A_61, %dma_start3A_62] : memref<10240x32xf32, #tpu.memory_space<vmem_shared>> -> memref<10240x32xf32, #tpu.memory_space<vmem_shared>>
    tpu.enqueue_indirect_dma source(%dma_start3A_63 : memref<10240x32xf32, #tpu.memory_space<vmem_shared>>) target(%dma_start3A_57 : memref<256x32xf32, #tpu.memory_space<vmem>>) offsets(%dma_start3A_60 : memref<256xi32, #tpu.memory_space<vmem>>) semaphore(%arg13 : memref<!tpu.dma_semaphore, #tpu.memory_space<semaphore_mem>>)
    %scan3A = arith.constant 0 : i32
    %scan3A_64 = arith.constant 0 : i32
    %scan3A_65 = arith.constant 40 : i32
    %scan3A_66 = arith.addi %scan3A_64, %scan3A_65 : i32
    %scan3A_67 = arith.constant 1 : i32
    scf.for %scan3A_80 = %scan3A_64 to %scan3A_66 step %scan3A_67  : i32 {
      %rem3A_81 = arith.constant 2 : i32
      %rem3A_82 = arith.remsi %scan3A_80, %rem3A_81 : i32
      %sub3A = arith.constant 1 : i32
      %sub3A_83 = arith.subi %sub3A, %rem3A_82 : i32
      %add3A_84 = arith.constant 1 : i32
      %add3A_85 = arith.addi %scan3A_80, %add3A_84 : i32
      %lt3A = arith.constant 40 : i32
      %lt3A_86 = arith.cmpi slt, %add3A_85, %lt3A : i32
      %convert_element_type3A = arith.extui %lt3A_86 : i1 to i32
      %cond3A = arith.constant 0 : i32
      %cond3A_87 = arith.cmpi ne, %convert_element_type3A, %cond3A : i32
      scf.if %cond3A_87 {
        %add3A_101 = arith.constant 1 : i32
        %add3A_102 = arith.addi %scan3A_80, %add3A_101 : i32
        %rem3A_103 = arith.constant 3 : i32
        %rem3A_104 = arith.remsi %add3A_102, %rem3A_103 : i32
        %dma_wait3A_105 = arith.constant 0 : i32
        %dma_wait3A_106 = tpu.memref_slice %arg7[%rem3A_104, %dma_wait3A_105] : memref<3x256xi32, #tpu.memory_space<vmem>> -> memref<1x256xi32, #tpu.memory_space<vmem>>
        %dma_wait3A_107 = tpu.memref_squeeze %dma_wait3A_106 : memref<1x256xi32, #tpu.memory_space<vmem>> -> memref<256xi32, #tpu.memory_space<vmem>>
        %dma_wait3A_108 = arith.constant 0 : i32
        %dma_wait3A_109 = tpu.memref_slice %arg3[%arg0, %arg1, %add3A_102, %dma_wait3A_108] : memref<2x16x40x256xi32, #tpu.memory_space<hbm>> -> memref<1x1x1x256xi32, #tpu.memory_space<hbm>>
        %dma_wait3A_110 = tpu.memref_squeeze %dma_wait3A_109 : memref<1x1x1x256xi32, #tpu.memory_space<hbm>> -> memref<256xi32, #tpu.memory_space<hbm>>
        %dma_wait3A_111 = arith.constant 0 : i32
        %dma_wait3A_112 = tpu.memref_slice %arg7[%rem3A_104, %dma_wait3A_111] : memref<3x256xi32, #tpu.memory_space<vmem>> -> memref<1x256xi32, #tpu.memory_space<vmem>>
        %dma_wait3A_113 = tpu.memref_squeeze %dma_wait3A_112 : memref<1x256xi32, #tpu.memory_space<vmem>> -> memref<256xi32, #tpu.memory_space<vmem>>
        %dma_wait3A_114 = arith.constant 0 : i32
        %dma_wait3A_115 = tpu.memref_slice %arg3[%arg0, %arg1, %add3A_102, %dma_wait3A_114] : memref<2x16x40x256xi32, #tpu.memory_space<hbm>> -> memref<1x1x1x256xi32, #tpu.memory_space<hbm>>
        %dma_wait3A_116 = tpu.memref_squeeze %dma_wait3A_115 : memref<1x1x1x256xi32, #tpu.memory_space<hbm>> -> memref<256xi32, #tpu.memory_space<hbm>>
        tpu.wait_dma2 semaphore(%arg14 : memref<!tpu.dma_semaphore, #tpu.memory_space<semaphore_mem>>) src(%dma_wait3A_116 : memref<256xi32, #tpu.memory_space<hbm>>) dst(%dma_wait3A_113 : memref<256xi32, #tpu.memory_space<vmem>>)
        %dma_wait3A_117 = arith.constant 0 : i32
        %dma_wait3A_118 = tpu.memref_slice %arg8[%rem3A_104, %dma_wait3A_117] : memref<3x256xi32, #tpu.memory_space<vmem>> -> memref<1x256xi32, #tpu.memory_space<vmem>>
        %dma_wait3A_119 = tpu.memref_squeeze %dma_wait3A_118 : memref<1x256xi32, #tpu.memory_space<vmem>> -> memref<256xi32, #tpu.memory_space<vmem>>
        %dma_wait3A_120 = arith.constant 0 : i32
        %dma_wait3A_121 = tpu.memref_slice %arg4[%arg0, %arg1, %add3A_102, %dma_wait3A_120] : memref<2x16x40x256xi32, #tpu.memory_space<hbm>> -> memref<1x1x1x256xi32, #tpu.memory_space<hbm>>
        %dma_wait3A_122 = tpu.memref_squeeze %dma_wait3A_121 : memref<1x1x1x256xi32, #tpu.memory_space<hbm>> -> memref<256xi32, #tpu.memory_space<hbm>>
        %dma_wait3A_123 = arith.constant 0 : i32
        %dma_wait3A_124 = tpu.memref_slice %arg8[%rem3A_104, %dma_wait3A_123] : memref<3x256xi32, #tpu.memory_space<vmem>> -> memref<1x256xi32, #tpu.memory_space<vmem>>
        %dma_wait3A_125 = tpu.memref_squeeze %dma_wait3A_124 : memref<1x256xi32, #tpu.memory_space<vmem>> -> memref<256xi32, #tpu.memory_space<vmem>>
        %dma_wait3A_126 = arith.constant 0 : i32
        %dma_wait3A_127 = tpu.memref_slice %arg4[%arg0, %arg1, %add3A_102, %dma_wait3A_126] : memref<2x16x40x256xi32, #tpu.memory_space<hbm>> -> memref<1x1x1x256xi32, #tpu.memory_space<hbm>>
        %dma_wait3A_128 = tpu.memref_squeeze %dma_wait3A_127 : memref<1x1x1x256xi32, #tpu.memory_space<hbm>> -> memref<256xi32, #tpu.memory_space<hbm>>
        tpu.wait_dma2 semaphore(%arg14 : memref<!tpu.dma_semaphore, #tpu.memory_space<semaphore_mem>>) src(%dma_wait3A_128 : memref<256xi32, #tpu.memory_space<hbm>>) dst(%dma_wait3A_125 : memref<256xi32, #tpu.memory_space<vmem>>)
        %add3A_129 = arith.constant 2 : i32
        %add3A_130 = arith.addi %scan3A_80, %add3A_129 : i32
        %lt3A_131 = arith.constant 40 : i32
        %lt3A_132 = arith.cmpi slt, %add3A_130, %lt3A_131 : i32
        %convert_element_type3A_133 = arith.extui %lt3A_132 : i1 to i32
        %cond3A_134 = arith.constant 0 : i32
        %cond3A_135 = arith.cmpi ne, %convert_element_type3A_133, %cond3A_134 : i32
        scf.if %cond3A_135 {
          %add3A_150 = arith.constant 2 : i32
          %add3A_151 = arith.addi %scan3A_80, %add3A_150 : i32
          %rem3A_152 = arith.constant 3 : i32
          %rem3A_153 = arith.remsi %add3A_151, %rem3A_152 : i32
          %dma_start3A_154 = arith.constant 0 : i32
          %dma_start3A_155 = tpu.memref_slice %arg7[%rem3A_153, %dma_start3A_154] : memref<3x256xi32, #tpu.memory_space<vmem>> -> memref<1x256xi32, #tpu.memory_space<vmem>>
          %dma_start3A_156 = tpu.memref_squeeze %dma_start3A_155 : memref<1x256xi32, #tpu.memory_space<vmem>> -> memref<256xi32, #tpu.memory_space<vmem>>
          %dma_start3A_157 = arith.constant 0 : i32
          %dma_start3A_158 = tpu.memref_slice %arg3[%arg0, %arg1, %add3A_151, %dma_start3A_157] : memref<2x16x40x256xi32, #tpu.memory_space<hbm>> -> memref<1x1x1x256xi32, #tpu.memory_space<hbm>>
          %dma_start3A_159 = tpu.memref_squeeze %dma_start3A_158 : memref<1x1x1x256xi32, #tpu.memory_space<hbm>> -> memref<256xi32, #tpu.memory_space<hbm>>
          %dma_start3A_160 = arith.constant 0 : i32
          %dma_start3A_161 = tpu.memref_slice %arg7[%rem3A_153, %dma_start3A_160] : memref<3x256xi32, #tpu.memory_space<vmem>> -> memref<1x256xi32, #tpu.memory_space<vmem>>
          %dma_start3A_162 = tpu.memref_squeeze %dma_start3A_161 : memref<1x256xi32, #tpu.memory_space<vmem>> -> memref<256xi32, #tpu.memory_space<vmem>>
          %dma_start3A_163 = arith.constant 0 : i32
          %dma_start3A_164 = tpu.memref_slice %arg3[%arg0, %arg1, %add3A_151, %dma_start3A_163] : memref<2x16x40x256xi32, #tpu.memory_space<hbm>> -> memref<1x1x1x256xi32, #tpu.memory_space<hbm>>
          %dma_start3A_165 = tpu.memref_squeeze %dma_start3A_164 : memref<1x1x1x256xi32, #tpu.memory_space<hbm>> -> memref<256xi32, #tpu.memory_space<hbm>>
          tpu.enqueue_dma source(%dma_start3A_165 : memref<256xi32, #tpu.memory_space<hbm>>) target(%dma_start3A_162 : memref<256xi32, #tpu.memory_space<vmem>>) target_semaphore(%arg14 : memref<!tpu.dma_semaphore, #tpu.memory_space<semaphore_mem>>)
          %dma_start3A_166 = arith.constant 0 : i32
          %dma_start3A_167 = tpu.memref_slice %arg8[%rem3A_153, %dma_start3A_166] : memref<3x256xi32, #tpu.memory_space<vmem>> -> memref<1x256xi32, #tpu.memory_space<vmem>>
          %dma_start3A_168 = tpu.memref_squeeze %dma_start3A_167 : memref<1x256xi32, #tpu.memory_space<vmem>> -> memref<256xi32, #tpu.memory_space<vmem>>
          %dma_start3A_169 = arith.constant 0 : i32
          %dma_start3A_170 = tpu.memref_slice %arg4[%arg0, %arg1, %add3A_151, %dma_start3A_169] : memref<2x16x40x256xi32, #tpu.memory_space<hbm>> -> memref<1x1x1x256xi32, #tpu.memory_space<hbm>>
          %dma_start3A_171 = tpu.memref_squeeze %dma_start3A_170 : memref<1x1x1x256xi32, #tpu.memory_space<hbm>> -> memref<256xi32, #tpu.memory_space<hbm>>
          %dma_start3A_172 = arith.constant 0 : i32
          %dma_start3A_173 = tpu.memref_slice %arg8[%rem3A_153, %dma_start3A_172] : memref<3x256xi32, #tpu.memory_space<vmem>> -> memref<1x256xi32, #tpu.memory_space<vmem>>
          %dma_start3A_174 = tpu.memref_squeeze %dma_start3A_173 : memref<1x256xi32, #tpu.memory_space<vmem>> -> memref<256xi32, #tpu.memory_space<vmem>>
          %dma_start3A_175 = arith.constant 0 : i32
          %dma_start3A_176 = tpu.memref_slice %arg4[%arg0, %arg1, %add3A_151, %dma_start3A_175] : memref<2x16x40x256xi32, #tpu.memory_space<hbm>> -> memref<1x1x1x256xi32, #tpu.memory_space<hbm>>
          %dma_start3A_177 = tpu.memref_squeeze %dma_start3A_176 : memref<1x1x1x256xi32, #tpu.memory_space<hbm>> -> memref<256xi32, #tpu.memory_space<hbm>>
          tpu.enqueue_dma source(%dma_start3A_177 : memref<256xi32, #tpu.memory_space<hbm>>) target(%dma_start3A_174 : memref<256xi32, #tpu.memory_space<vmem>>) target_semaphore(%arg14 : memref<!tpu.dma_semaphore, #tpu.memory_space<semaphore_mem>>)
        } else {
        }
        %add3A_136 = arith.constant 1 : i32
        %add3A_137 = arith.addi %scan3A_80, %add3A_136 : i32
        %rem3A_138 = arith.constant 3 : i32
        %rem3A_139 = arith.remsi %add3A_137, %rem3A_138 : i32
        %dma_start3A_140 = arith.constant 0 : i32
        %dma_start3A_141 = arith.constant 0 : i32
        %dma_start3A_142 = tpu.memref_slice %arg9[%sub3A_83, %dma_start3A_140, %dma_start3A_141] : memref<2x256x32xf32, #tpu.memory_space<vmem>> -> memref<1x256x32xf32, #tpu.memory_space<vmem>>
        %dma_start3A_143 = tpu.memref_squeeze %dma_start3A_142 : memref<1x256x32xf32, #tpu.memory_space<vmem>> -> memref<256x32xf32, #tpu.memory_space<vmem>>
        %dma_start3A_144 = arith.constant 0 : i32
        %dma_start3A_145 = tpu.memref_slice %arg7[%rem3A_139, %dma_start3A_144] : memref<3x256xi32, #tpu.memory_space<vmem>> -> memref<1x256xi32, #tpu.memory_space<vmem>>
        %dma_start3A_146 = tpu.memref_squeeze %dma_start3A_145 : memref<1x256xi32, #tpu.memory_space<vmem>> -> memref<256xi32, #tpu.memory_space<vmem>>
        %dma_start3A_147 = arith.constant 0 : i32
        %dma_start3A_148 = arith.constant 0 : i32
        %dma_start3A_149 = tpu.memref_slice %arg11[%dma_start3A_147, %dma_start3A_148] : memref<10240x32xf32, #tpu.memory_space<vmem_shared>> -> memref<10240x32xf32, #tpu.memory_space<vmem_shared>>
        tpu.enqueue_indirect_dma source(%dma_start3A_149 : memref<10240x32xf32, #tpu.memory_space<vmem_shared>>) target(%dma_start3A_143 : memref<256x32xf32, #tpu.memory_space<vmem>>) offsets(%dma_start3A_146 : memref<256xi32, #tpu.memory_space<vmem>>) semaphore(%arg13 : memref<!tpu.dma_semaphore, #tpu.memory_space<semaphore_mem>>)
      } else {
      }
      %rem3A_88 = arith.constant 3 : i32
      %rem3A_89 = arith.remsi %scan3A_80, %rem3A_88 : i32
      %dma_wait3A = arith.constant 0 : i32
      %dma_wait3A_90 = arith.constant 0 : i32
      %dma_wait3A_91 = tpu.memref_slice %arg9[%rem3A_82, %dma_wait3A, %dma_wait3A_90] : memref<2x256x32xf32, #tpu.memory_space<vmem>> -> memref<1x256x32xf32, #tpu.memory_space<vmem>>
      %dma_wait3A_92 = tpu.memref_squeeze %dma_wait3A_91 : memref<1x256x32xf32, #tpu.memory_space<vmem>> -> memref<256x32xf32, #tpu.memory_space<vmem>>
      %dma_wait3A_93 = arith.constant 0 : i32
      %dma_wait3A_94 = tpu.memref_slice %arg7[%rem3A_89, %dma_wait3A_93] : memref<3x256xi32, #tpu.memory_space<vmem>> -> memref<1x256xi32, #tpu.memory_space<vmem>>
      %dma_wait3A_95 = tpu.memref_squeeze %dma_wait3A_94 : memref<1x256xi32, #tpu.memory_space<vmem>> -> memref<256xi32, #tpu.memory_space<vmem>>
      %dma_wait3A_96 = arith.constant 0 : i32
      %dma_wait3A_97 = arith.constant 0 : i32
      %dma_wait3A_98 = tpu.memref_slice %arg11[%dma_wait3A_96, %dma_wait3A_97] : memref<10240x32xf32, #tpu.memory_space<vmem_shared>> -> memref<10240x32xf32, #tpu.memory_space<vmem_shared>>
      tpu.wait_indirect_dma semaphore(%arg13 : memref<!tpu.dma_semaphore, #tpu.memory_space<semaphore_mem>>) src(%dma_wait3A_98 : memref<10240x32xf32, #tpu.memory_space<vmem_shared>>) dst(%dma_wait3A_92 : memref<256x32xf32, #tpu.memory_space<vmem>>)
      %rem3A_99 = arith.constant 3 : i32
      %rem3A_100 = arith.remsi %scan3A_80, %rem3A_99 : i32
      "tpu.region"() ({
        %run_scoped3A_101 = tpu.sem_alloc : memref<!tpu.dma_semaphore, #tpu.memory_space<semaphore_mem>>
        %dma_start3A_102 = arith.constant 0 : i32
        %dma_start3A_103 = arith.constant 0 : i32
        %dma_start3A_104 = tpu.memref_slice %arg9[%rem3A_82, %dma_start3A_102, %dma_start3A_103] : memref<2x256x32xf32, #tpu.memory_space<vmem>> -> memref<1x256x32xf32, #tpu.memory_space<vmem>>
        %dma_start3A_105 = tpu.memref_squeeze %dma_start3A_104 : memref<1x256x32xf32, #tpu.memory_space<vmem>> -> memref<256x32xf32, #tpu.memory_space<vmem>>
        %dma_start3A_106 = arith.constant 0 : i32
        %dma_start3A_107 = tpu.memref_slice %arg8[%rem3A_100, %dma_start3A_106] : memref<3x256xi32, #tpu.memory_space<vmem>> -> memref<1x256xi32, #tpu.memory_space<vmem>>
        %dma_start3A_108 = tpu.memref_squeeze %dma_start3A_107 : memref<1x256xi32, #tpu.memory_space<vmem>> -> memref<256xi32, #tpu.memory_space<vmem>>
        %dma_start3A_109 = arith.constant 0 : i32
        %dma_start3A_110 = arith.constant 0 : i32
        %dma_start3A_111 = tpu.memref_slice %arg12[%dma_start3A_109, %dma_start3A_110] : memref<10240x32xf32, #tpu.memory_space<vmem_shared>> -> memref<10240x32xf32, #tpu.memory_space<vmem_shared>>
        tpu.enqueue_indirect_dma source(%dma_start3A_105 : memref<256x32xf32, #tpu.memory_space<vmem>>) target(%dma_start3A_111 : memref<10240x32xf32, #tpu.memory_space<vmem_shared>>) offsets(%dma_start3A_108 : memref<256xi32, #tpu.memory_space<vmem>>) semaphore(%run_scoped3A_101 : memref<!tpu.dma_semaphore, #tpu.memory_space<semaphore_mem>>) {add = true}
        %dma_wait3A_112 = arith.constant 0 : i32
        %dma_wait3A_113 = arith.constant 0 : i32
        %dma_wait3A_114 = tpu.memref_slice %arg9[%rem3A_82, %dma_wait3A_112, %dma_wait3A_113] : memref<2x256x32xf32, #tpu.memory_space<vmem>> -> memref<1x256x32xf32, #tpu.memory_space<vmem>>
        %dma_wait3A_115 = tpu.memref_squeeze %dma_wait3A_114 : memref<1x256x32xf32, #tpu.memory_space<vmem>> -> memref<256x32xf32, #tpu.memory_space<vmem>>
        %dma_wait3A_116 = arith.constant 0 : i32
        %dma_wait3A_117 = tpu.memref_slice %arg8[%rem3A_100, %dma_wait3A_116] : memref<3x256xi32, #tpu.memory_space<vmem>> -> memref<1x256xi32, #tpu.memory_space<vmem>>
        %dma_wait3A_118 = tpu.memref_squeeze %dma_wait3A_117 : memref<1x256xi32, #tpu.memory_space<vmem>> -> memref<256xi32, #tpu.memory_space<vmem>>
        %dma_wait3A_119 = arith.constant 0 : i32
        %dma_wait3A_120 = arith.constant 0 : i32
        %dma_wait3A_121 = tpu.memref_slice %arg12[%dma_wait3A_119, %dma_wait3A_120] : memref<10240x32xf32, #tpu.memory_space<vmem_shared>> -> memref<10240x32xf32, #tpu.memory_space<vmem_shared>>
        tpu.wait_indirect_dma semaphore(%run_scoped3A_101 : memref<!tpu.dma_semaphore, #tpu.memory_space<semaphore_mem>>) src(%dma_wait3A_115 : memref<256x32xf32, #tpu.memory_space<vmem>>) dst(%dma_wait3A_121 : memref<10240x32xf32, #tpu.memory_space<vmem_shared>>)
        tpu.yield
      }) : () -> ()
    }
    %scan3A_68 = arith.constant 40 : i32
    %barrier3A_69 = arith.constant 0 : index
    tpu.barrier barrier_id(%barrier3A_69)
    %add3A_70 = arith.constant 0 : i32
    %add3A_71 = arith.addi %mul3A_0, %add3A_70 : i32
    "tpu.region"() ({
      %run_scoped3A_80 = tpu.sem_alloc : memref<!tpu.dma_semaphore, #tpu.memory_space<semaphore_mem>>
      %dma_start3A_81 = arith.constant 0 : i32
      %dma_start3A_82 = tpu.memref_slice %arg12[%add3A_71, %dma_start3A_81] : memref<10240x32xf32, #tpu.memory_space<vmem_shared>> -> memref<128x32xf32, #tpu.memory_space<vmem_shared>>
      %dma_start3A_83 = arith.constant 0 : i32
      %dma_start3A_84 = tpu.memref_slice %arg12[%add3A_71, %dma_start3A_83] : memref<10240x32xf32, #tpu.memory_space<vmem_shared>> -> memref<128x32xf32, #tpu.memory_space<vmem_shared>>
      tpu.enqueue_dma source(%dma_start3A_84 : memref<128x32xf32, #tpu.memory_space<vmem_shared>>) target(%arg10 : memref<128x32xf32, #tpu.memory_space<vmem>>) target_semaphore(%run_scoped3A_80 : memref<!tpu.dma_semaphore, #tpu.memory_space<semaphore_mem>>)
      %dma_wait3A = arith.constant 0 : i32
      %dma_wait3A_85 = tpu.memref_slice %arg12[%add3A_71, %dma_wait3A] : memref<10240x32xf32, #tpu.memory_space<vmem_shared>> -> memref<128x32xf32, #tpu.memory_space<vmem_shared>>
      %dma_wait3A_86 = arith.constant 0 : i32
      %dma_wait3A_87 = tpu.memref_slice %arg12[%add3A_71, %dma_wait3A_86] : memref<10240x32xf32, #tpu.memory_space<vmem_shared>> -> memref<128x32xf32, #tpu.memory_space<vmem_shared>>
      tpu.wait_dma2 semaphore(%run_scoped3A_80 : memref<!tpu.dma_semaphore, #tpu.memory_space<semaphore_mem>>) src(%dma_wait3A_87 : memref<128x32xf32, #tpu.memory_space<vmem_shared>>) dst(%arg10 : memref<128x32xf32, #tpu.memory_space<vmem>>)
      tpu.yield
    }) : () -> ()
    "tpu.region"() ({
      %run_scoped3A_80 = tpu.sem_alloc : memref<!tpu.dma_semaphore, #tpu.memory_space<semaphore_mem>>
      %dma_start3A_81 = arith.constant 0 : i32
      %dma_start3A_82 = tpu.memref_slice %arg6[%arg0, %add3A_71, %dma_start3A_81] : memref<2x10240x32xf32, #tpu.memory_space<hbm>> -> memref<1x128x32xf32, #tpu.memory_space<hbm>>
      %dma_start3A_83 = tpu.memref_squeeze %dma_start3A_82 : memref<1x128x32xf32, #tpu.memory_space<hbm>> -> memref<128x32xf32, #tpu.memory_space<hbm>>
      %dma_start3A_84 = arith.constant 0 : i32
      %dma_start3A_85 = tpu.memref_slice %arg6[%arg0, %add3A_71, %dma_start3A_84] : memref<2x10240x32xf32, #tpu.memory_space<hbm>> -> memref<1x128x32xf32, #tpu.memory_space<hbm>>
      %dma_start3A_86 = tpu.memref_squeeze %dma_start3A_85 : memref<1x128x32xf32, #tpu.memory_space<hbm>> -> memref<128x32xf32, #tpu.memory_space<hbm>>
      tpu.enqueue_dma source(%arg10 : memref<128x32xf32, #tpu.memory_space<vmem>>) target(%dma_start3A_86 : memref<128x32xf32, #tpu.memory_space<hbm>>) target_semaphore(%run_scoped3A_80 : memref<!tpu.dma_semaphore, #tpu.memory_space<semaphore_mem>>)
      %dma_wait3A = arith.constant 0 : i32
      %dma_wait3A_87 = tpu.memref_slice %arg6[%arg0, %add3A_71, %dma_wait3A] : memref<2x10240x32xf32, #tpu.memory_space<hbm>> -> memref<1x128x32xf32, #tpu.memory_space<hbm>>
      %dma_wait3A_88 = tpu.memref_squeeze %dma_wait3A_87 : memref<1x128x32xf32, #tpu.memory_space<hbm>> -> memref<128x32xf32, #tpu.memory_space<hbm>>
      %dma_wait3A_89 = arith.constant 0 : i32
      %dma_wait3A_90 = tpu.memref_slice %arg6[%arg0, %add3A_71, %dma_wait3A_89] : memref<2x10240x32xf32, #tpu.memory_space<hbm>> -> memref<1x128x32xf32, #tpu.memory_space<hbm>>
      %dma_wait3A_91 = tpu.memref_squeeze %dma_wait3A_90 : memref<1x128x32xf32, #tpu.memory_space<hbm>> -> memref<128x32xf32, #tpu.memory_space<hbm>>
      tpu.wait_dma2 semaphore(%run_scoped3A_80 : memref<!tpu.dma_semaphore, #tpu.memory_space<semaphore_mem>>) src(%arg10 : memref<128x32xf32, #tpu.memory_space<vmem>>) dst(%dma_wait3A_91 : memref<128x32xf32, #tpu.memory_space<hbm>>)
      tpu.yield
    }) : () -> ()
    %add3A_72 = arith.constant 128 : i32
    %add3A_73 = arith.addi %mul3A_0, %add3A_72 : i32
    "tpu.region"() ({
      %run_scoped3A_80 = tpu.sem_alloc : memref<!tpu.dma_semaphore, #tpu.memory_space<semaphore_mem>>
      %dma_start3A_81 = arith.constant 0 : i32
      %dma_start3A_82 = tpu.memref_slice %arg12[%add3A_73, %dma_start3A_81] : memref<10240x32xf32, #tpu.memory_space<vmem_shared>> -> memref<128x32xf32, #tpu.memory_space<vmem_shared>>
      %dma_start3A_83 = arith.constant 0 : i32
      %dma_start3A_84 = tpu.memref_slice %arg12[%add3A_73, %dma_start3A_83] : memref<10240x32xf32, #tpu.memory_space<vmem_shared>> -> memref<128x32xf32, #tpu.memory_space<vmem_shared>>
      tpu.enqueue_dma source(%dma_start3A_84 : memref<128x32xf32, #tpu.memory_space<vmem_shared>>) target(%arg10 : memref<128x32xf32, #tpu.memory_space<vmem>>) target_semaphore(%run_scoped3A_80 : memref<!tpu.dma_semaphore, #tpu.memory_space<semaphore_mem>>)
      %dma_wait3A = arith.constant 0 : i32
      %dma_wait3A_85 = tpu.memref_slice %arg12[%add3A_73, %dma_wait3A] : memref<10240x32xf32, #tpu.memory_space<vmem_shared>> -> memref<128x32xf32, #tpu.memory_space<vmem_shared>>
      %dma_wait3A_86 = arith.constant 0 : i32
      %dma_wait3A_87 = tpu.memref_slice %arg12[%add3A_73, %dma_wait3A_86] : memref<10240x32xf32, #tpu.memory_space<vmem_shared>> -> memref<128x32xf32, #tpu.memory_space<vmem_shared>>
      tpu.wait_dma2 semaphore(%run_scoped3A_80 : memref<!tpu.dma_semaphore, #tpu.memory_space<semaphore_mem>>) src(%dma_wait3A_87 : memref<128x32xf32, #tpu.memory_space<vmem_shared>>) dst(%arg10 : memref<128x32xf32, #tpu.memory_space<vmem>>)
      tpu.yield
    }) : () -> ()
    "tpu.region"() ({
      %run_scoped3A_80 = tpu.sem_alloc : memref<!tpu.dma_semaphore, #tpu.memory_space<semaphore_mem>>
      %dma_start3A_81 = arith.constant 0 : i32
      %dma_start3A_82 = tpu.memref_slice %arg6[%arg0, %add3A_73, %dma_start3A_81] : memref<2x10240x32xf32, #tpu.memory_space<hbm>> -> memref<1x128x32xf32, #tpu.memory_space<hbm>>
      %dma_start3A_83 = tpu.memref_squeeze %dma_start3A_82 : memref<1x128x32xf32, #tpu.memory_space<hbm>> -> memref<128x32xf32, #tpu.memory_space<hbm>>
      %dma_start3A_84 = arith.constant 0 : i32
      %dma_start3A_85 = tpu.memref_slice %arg6[%arg0, %add3A_73, %dma_start3A_84] : memref<2x10240x32xf32, #tpu.memory_space<hbm>> -> memref<1x128x32xf32, #tpu.memory_space<hbm>>
      %dma_start3A_86 = tpu.memref_squeeze %dma_start3A_85 : memref<1x128x32xf32, #tpu.memory_space<hbm>> -> memref<128x32xf32, #tpu.memory_space<hbm>>
      tpu.enqueue_dma source(%arg10 : memref<128x32xf32, #tpu.memory_space<vmem>>) target(%dma_start3A_86 : memref<128x32xf32, #tpu.memory_space<hbm>>) target_semaphore(%run_scoped3A_80 : memref<!tpu.dma_semaphore, #tpu.memory_space<semaphore_mem>>)
      %dma_wait3A = arith.constant 0 : i32
      %dma_wait3A_87 = tpu.memref_slice %arg6[%arg0, %add3A_73, %dma_wait3A] : memref<2x10240x32xf32, #tpu.memory_space<hbm>> -> memref<1x128x32xf32, #tpu.memory_space<hbm>>
      %dma_wait3A_88 = tpu.memref_squeeze %dma_wait3A_87 : memref<1x128x32xf32, #tpu.memory_space<hbm>> -> memref<128x32xf32, #tpu.memory_space<hbm>>
      %dma_wait3A_89 = arith.constant 0 : i32
      %dma_wait3A_90 = tpu.memref_slice %arg6[%arg0, %add3A_73, %dma_wait3A_89] : memref<2x10240x32xf32, #tpu.memory_space<hbm>> -> memref<1x128x32xf32, #tpu.memory_space<hbm>>
      %dma_wait3A_91 = tpu.memref_squeeze %dma_wait3A_90 : memref<1x128x32xf32, #tpu.memory_space<hbm>> -> memref<128x32xf32, #tpu.memory_space<hbm>>
      tpu.wait_dma2 semaphore(%run_scoped3A_80 : memref<!tpu.dma_semaphore, #tpu.memory_space<semaphore_mem>>) src(%arg10 : memref<128x32xf32, #tpu.memory_space<vmem>>) dst(%dma_wait3A_91 : memref<128x32xf32, #tpu.memory_space<hbm>>)
      tpu.yield
    }) : () -> ()
    %add3A_74 = arith.constant 256 : i32
    %add3A_75 = arith.addi %mul3A_0, %add3A_74 : i32
    "tpu.region"() ({
      %run_scoped3A_80 = tpu.sem_alloc : memref<!tpu.dma_semaphore, #tpu.memory_space<semaphore_mem>>
      %dma_start3A_81 = arith.constant 0 : i32
      %dma_start3A_82 = tpu.memref_slice %arg12[%add3A_75, %dma_start3A_81] : memref<10240x32xf32, #tpu.memory_space<vmem_shared>> -> memref<128x32xf32, #tpu.memory_space<vmem_shared>>
      %dma_start3A_83 = arith.constant 0 : i32
      %dma_start3A_84 = tpu.memref_slice %arg12[%add3A_75, %dma_start3A_83] : memref<10240x32xf32, #tpu.memory_space<vmem_shared>> -> memref<128x32xf32, #tpu.memory_space<vmem_shared>>
      tpu.enqueue_dma source(%dma_start3A_84 : memref<128x32xf32, #tpu.memory_space<vmem_shared>>) target(%arg10 : memref<128x32xf32, #tpu.memory_space<vmem>>) target_semaphore(%run_scoped3A_80 : memref<!tpu.dma_semaphore, #tpu.memory_space<semaphore_mem>>)
      %dma_wait3A = arith.constant 0 : i32
      %dma_wait3A_85 = tpu.memref_slice %arg12[%add3A_75, %dma_wait3A] : memref<10240x32xf32, #tpu.memory_space<vmem_shared>> -> memref<128x32xf32, #tpu.memory_space<vmem_shared>>
      %dma_wait3A_86 = arith.constant 0 : i32
      %dma_wait3A_87 = tpu.memref_slice %arg12[%add3A_75, %dma_wait3A_86] : memref<10240x32xf32, #tpu.memory_space<vmem_shared>> -> memref<128x32xf32, #tpu.memory_space<vmem_shared>>
      tpu.wait_dma2 semaphore(%run_scoped3A_80 : memref<!tpu.dma_semaphore, #tpu.memory_space<semaphore_mem>>) src(%dma_wait3A_87 : memref<128x32xf32, #tpu.memory_space<vmem_shared>>) dst(%arg10 : memref<128x32xf32, #tpu.memory_space<vmem>>)
      tpu.yield
    }) : () -> ()
    "tpu.region"() ({
      %run_scoped3A_80 = tpu.sem_alloc : memref<!tpu.dma_semaphore, #tpu.memory_space<semaphore_mem>>
      %dma_start3A_81 = arith.constant 0 : i32
      %dma_start3A_82 = tpu.memref_slice %arg6[%arg0, %add3A_75, %dma_start3A_81] : memref<2x10240x32xf32, #tpu.memory_space<hbm>> -> memref<1x128x32xf32, #tpu.memory_space<hbm>>
      %dma_start3A_83 = tpu.memref_squeeze %dma_start3A_82 : memref<1x128x32xf32, #tpu.memory_space<hbm>> -> memref<128x32xf32, #tpu.memory_space<hbm>>
      %dma_start3A_84 = arith.constant 0 : i32
      %dma_start3A_85 = tpu.memref_slice %arg6[%arg0, %add3A_75, %dma_start3A_84] : memref<2x10240x32xf32, #tpu.memory_space<hbm>> -> memref<1x128x32xf32, #tpu.memory_space<hbm>>
      %dma_start3A_86 = tpu.memref_squeeze %dma_start3A_85 : memref<1x128x32xf32, #tpu.memory_space<hbm>> -> memref<128x32xf32, #tpu.memory_space<hbm>>
      tpu.enqueue_dma source(%arg10 : memref<128x32xf32, #tpu.memory_space<vmem>>) target(%dma_start3A_86 : memref<128x32xf32, #tpu.memory_space<hbm>>) target_semaphore(%run_scoped3A_80 : memref<!tpu.dma_semaphore, #tpu.memory_space<semaphore_mem>>)
      %dma_wait3A = arith.constant 0 : i32
      %dma_wait3A_87 = tpu.memref_slice %arg6[%arg0, %add3A_75, %dma_wait3A] : memref<2x10240x32xf32, #tpu.memory_space<hbm>> -> memref<1x128x32xf32, #tpu.memory_space<hbm>>
      %dma_wait3A_88 = tpu.memref_squeeze %dma_wait3A_87 : memref<1x128x32xf32, #tpu.memory_space<hbm>> -> memref<128x32xf32, #tpu.memory_space<hbm>>
      %dma_wait3A_89 = arith.constant 0 : i32
      %dma_wait3A_90 = tpu.memref_slice %arg6[%arg0, %add3A_75, %dma_wait3A_89] : memref<2x10240x32xf32, #tpu.memory_space<hbm>> -> memref<1x128x32xf32, #tpu.memory_space<hbm>>
      %dma_wait3A_91 = tpu.memref_squeeze %dma_wait3A_90 : memref<1x128x32xf32, #tpu.memory_space<hbm>> -> memref<128x32xf32, #tpu.memory_space<hbm>>
      tpu.wait_dma2 semaphore(%run_scoped3A_80 : memref<!tpu.dma_semaphore, #tpu.memory_space<semaphore_mem>>) src(%arg10 : memref<128x32xf32, #tpu.memory_space<vmem>>) dst(%dma_wait3A_91 : memref<128x32xf32, #tpu.memory_space<hbm>>)
      tpu.yield
    }) : () -> ()
    %add3A_76 = arith.constant 384 : i32
    %add3A_77 = arith.addi %mul3A_0, %add3A_76 : i32
    "tpu.region"() ({
      %run_scoped3A_80 = tpu.sem_alloc : memref<!tpu.dma_semaphore, #tpu.memory_space<semaphore_mem>>
      %dma_start3A_81 = arith.constant 0 : i32
      %dma_start3A_82 = tpu.memref_slice %arg12[%add3A_77, %dma_start3A_81] : memref<10240x32xf32, #tpu.memory_space<vmem_shared>> -> memref<128x32xf32, #tpu.memory_space<vmem_shared>>
      %dma_start3A_83 = arith.constant 0 : i32
      %dma_start3A_84 = tpu.memref_slice %arg12[%add3A_77, %dma_start3A_83] : memref<10240x32xf32, #tpu.memory_space<vmem_shared>> -> memref<128x32xf32, #tpu.memory_space<vmem_shared>>
      tpu.enqueue_dma source(%dma_start3A_84 : memref<128x32xf32, #tpu.memory_space<vmem_shared>>) target(%arg10 : memref<128x32xf32, #tpu.memory_space<vmem>>) target_semaphore(%run_scoped3A_80 : memref<!tpu.dma_semaphore, #tpu.memory_space<semaphore_mem>>)
      %dma_wait3A = arith.constant 0 : i32
      %dma_wait3A_85 = tpu.memref_slice %arg12[%add3A_77, %dma_wait3A] : memref<10240x32xf32, #tpu.memory_space<vmem_shared>> -> memref<128x32xf32, #tpu.memory_space<vmem_shared>>
      %dma_wait3A_86 = arith.constant 0 : i32
      %dma_wait3A_87 = tpu.memref_slice %arg12[%add3A_77, %dma_wait3A_86] : memref<10240x32xf32, #tpu.memory_space<vmem_shared>> -> memref<128x32xf32, #tpu.memory_space<vmem_shared>>
      tpu.wait_dma2 semaphore(%run_scoped3A_80 : memref<!tpu.dma_semaphore, #tpu.memory_space<semaphore_mem>>) src(%dma_wait3A_87 : memref<128x32xf32, #tpu.memory_space<vmem_shared>>) dst(%arg10 : memref<128x32xf32, #tpu.memory_space<vmem>>)
      tpu.yield
    }) : () -> ()
    "tpu.region"() ({
      %run_scoped3A_80 = tpu.sem_alloc : memref<!tpu.dma_semaphore, #tpu.memory_space<semaphore_mem>>
      %dma_start3A_81 = arith.constant 0 : i32
      %dma_start3A_82 = tpu.memref_slice %arg6[%arg0, %add3A_77, %dma_start3A_81] : memref<2x10240x32xf32, #tpu.memory_space<hbm>> -> memref<1x128x32xf32, #tpu.memory_space<hbm>>
      %dma_start3A_83 = tpu.memref_squeeze %dma_start3A_82 : memref<1x128x32xf32, #tpu.memory_space<hbm>> -> memref<128x32xf32, #tpu.memory_space<hbm>>
      %dma_start3A_84 = arith.constant 0 : i32
      %dma_start3A_85 = tpu.memref_slice %arg6[%arg0, %add3A_77, %dma_start3A_84] : memref<2x10240x32xf32, #tpu.memory_space<hbm>> -> memref<1x128x32xf32, #tpu.memory_space<hbm>>
      %dma_start3A_86 = tpu.memref_squeeze %dma_start3A_85 : memref<1x128x32xf32, #tpu.memory_space<hbm>> -> memref<128x32xf32, #tpu.memory_space<hbm>>
      tpu.enqueue_dma source(%arg10 : memref<128x32xf32, #tpu.memory_space<vmem>>) target(%dma_start3A_86 : memref<128x32xf32, #tpu.memory_space<hbm>>) target_semaphore(%run_scoped3A_80 : memref<!tpu.dma_semaphore, #tpu.memory_space<semaphore_mem>>)
      %dma_wait3A = arith.constant 0 : i32
      %dma_wait3A_87 = tpu.memref_slice %arg6[%arg0, %add3A_77, %dma_wait3A] : memref<2x10240x32xf32, #tpu.memory_space<hbm>> -> memref<1x128x32xf32, #tpu.memory_space<hbm>>
      %dma_wait3A_88 = tpu.memref_squeeze %dma_wait3A_87 : memref<1x128x32xf32, #tpu.memory_space<hbm>> -> memref<128x32xf32, #tpu.memory_space<hbm>>
      %dma_wait3A_89 = arith.constant 0 : i32
      %dma_wait3A_90 = tpu.memref_slice %arg6[%arg0, %add3A_77, %dma_wait3A_89] : memref<2x10240x32xf32, #tpu.memory_space<hbm>> -> memref<1x128x32xf32, #tpu.memory_space<hbm>>
      %dma_wait3A_91 = tpu.memref_squeeze %dma_wait3A_90 : memref<1x128x32xf32, #tpu.memory_space<hbm>> -> memref<128x32xf32, #tpu.memory_space<hbm>>
      tpu.wait_dma2 semaphore(%run_scoped3A_80 : memref<!tpu.dma_semaphore, #tpu.memory_space<semaphore_mem>>) src(%arg10 : memref<128x32xf32, #tpu.memory_space<vmem>>) dst(%dma_wait3A_91 : memref<128x32xf32, #tpu.memory_space<hbm>>)
      tpu.yield
    }) : () -> ()
    %add3A_78 = arith.constant 512 : i32
    %add3A_79 = arith.addi %mul3A_0, %add3A_78 : i32
    "tpu.region"() ({
      %run_scoped3A_80 = tpu.sem_alloc : memref<!tpu.dma_semaphore, #tpu.memory_space<semaphore_mem>>
      %dma_start3A_81 = arith.constant 0 : i32
      %dma_start3A_82 = tpu.memref_slice %arg12[%add3A_79, %dma_start3A_81] : memref<10240x32xf32, #tpu.memory_space<vmem_shared>> -> memref<128x32xf32, #tpu.memory_space<vmem_shared>>
      %dma_start3A_83 = arith.constant 0 : i32
      %dma_start3A_84 = tpu.memref_slice %arg12[%add3A_79, %dma_start3A_83] : memref<10240x32xf32, #tpu.memory_space<vmem_shared>> -> memref<128x32xf32, #tpu.memory_space<vmem_shared>>
      tpu.enqueue_dma source(%dma_start3A_84 : memref<128x32xf32, #tpu.memory_space<vmem_shared>>) target(%arg10 : memref<128x32xf32, #tpu.memory_space<vmem>>) target_semaphore(%run_scoped3A_80 : memref<!tpu.dma_semaphore, #tpu.memory_space<semaphore_mem>>)
      %dma_wait3A = arith.constant 0 : i32
      %dma_wait3A_85 = tpu.memref_slice %arg12[%add3A_79, %dma_wait3A] : memref<10240x32xf32, #tpu.memory_space<vmem_shared>> -> memref<128x32xf32, #tpu.memory_space<vmem_shared>>
      %dma_wait3A_86 = arith.constant 0 : i32
      %dma_wait3A_87 = tpu.memref_slice %arg12[%add3A_79, %dma_wait3A_86] : memref<10240x32xf32, #tpu.memory_space<vmem_shared>> -> memref<128x32xf32, #tpu.memory_space<vmem_shared>>
      tpu.wait_dma2 semaphore(%run_scoped3A_80 : memref<!tpu.dma_semaphore, #tpu.memory_space<semaphore_mem>>) src(%dma_wait3A_87 : memref<128x32xf32, #tpu.memory_space<vmem_shared>>) dst(%arg10 : memref<128x32xf32, #tpu.memory_space<vmem>>)
      tpu.yield
    }) : () -> ()
    "tpu.region"() ({
      %run_scoped3A_80 = tpu.sem_alloc : memref<!tpu.dma_semaphore, #tpu.memory_space<semaphore_mem>>
      %dma_start3A_81 = arith.constant 0 : i32
      %dma_start3A_82 = tpu.memref_slice %arg6[%arg0, %add3A_79, %dma_start3A_81] : memref<2x10240x32xf32, #tpu.memory_space<hbm>> -> memref<1x128x32xf32, #tpu.memory_space<hbm>>
      %dma_start3A_83 = tpu.memref_squeeze %dma_start3A_82 : memref<1x128x32xf32, #tpu.memory_space<hbm>> -> memref<128x32xf32, #tpu.memory_space<hbm>>
      %dma_start3A_84 = arith.constant 0 : i32
      %dma_start3A_85 = tpu.memref_slice %arg6[%arg0, %add3A_79, %dma_start3A_84] : memref<2x10240x32xf32, #tpu.memory_space<hbm>> -> memref<1x128x32xf32, #tpu.memory_space<hbm>>
      %dma_start3A_86 = tpu.memref_squeeze %dma_start3A_85 : memref<1x128x32xf32, #tpu.memory_space<hbm>> -> memref<128x32xf32, #tpu.memory_space<hbm>>
      tpu.enqueue_dma source(%arg10 : memref<128x32xf32, #tpu.memory_space<vmem>>) target(%dma_start3A_86 : memref<128x32xf32, #tpu.memory_space<hbm>>) target_semaphore(%run_scoped3A_80 : memref<!tpu.dma_semaphore, #tpu.memory_space<semaphore_mem>>)
      %dma_wait3A = arith.constant 0 : i32
      %dma_wait3A_87 = tpu.memref_slice %arg6[%arg0, %add3A_79, %dma_wait3A] : memref<2x10240x32xf32, #tpu.memory_space<hbm>> -> memref<1x128x32xf32, #tpu.memory_space<hbm>>
      %dma_wait3A_88 = tpu.memref_squeeze %dma_wait3A_87 : memref<1x128x32xf32, #tpu.memory_space<hbm>> -> memref<128x32xf32, #tpu.memory_space<hbm>>
      %dma_wait3A_89 = arith.constant 0 : i32
      %dma_wait3A_90 = tpu.memref_slice %arg6[%arg0, %add3A_79, %dma_wait3A_89] : memref<2x10240x32xf32, #tpu.memory_space<hbm>> -> memref<1x128x32xf32, #tpu.memory_space<hbm>>
      %dma_wait3A_91 = tpu.memref_squeeze %dma_wait3A_90 : memref<1x128x32xf32, #tpu.memory_space<hbm>> -> memref<128x32xf32, #tpu.memory_space<hbm>>
      tpu.wait_dma2 semaphore(%run_scoped3A_80 : memref<!tpu.dma_semaphore, #tpu.memory_space<semaphore_mem>>) src(%arg10 : memref<128x32xf32, #tpu.memory_space<vmem>>) dst(%dma_wait3A_91 : memref<128x32xf32, #tpu.memory_space<hbm>>)
      tpu.yield
    }) : () -> ()
    return
  }
}

module attributes {stable_mosaic.version = 14 : i64} {
  func.func @_prep_body(%arg0: memref<2x10240x16xf32, #tpu.memory_space<vmem>>, %arg1: memref<10240x128xf32, #tpu.memory_space<vmem>>, %arg2: memref<128x64xf32, #tpu.memory_space<vmem>>, %arg3: memref<10240x64xf32, #tpu.memory_space<vmem>>) attributes {dimension_semantics = [], scalar_prefetch = 0 : i64, scratch_operands = 0 : i64, tpu.core_type = #tpu.core_type<tc>} {
    %get3A = arith.constant 0 : index
    %get3A_0 = arith.constant 0 : index
    %get3A_1 = arith.constant 0 : index
    %get3A_2 = vector.load %arg0[%get3A, %get3A_0, %get3A_1] : memref<2x10240x16xf32, #tpu.memory_space<vmem>>, vector<1x10240x1xf32>
    %get3A_3 = vector.shape_cast %get3A_2 : vector<1x10240x1xf32> to vector<10240x1xf32>
    %get3A_4 = arith.constant 1 : index
    %get3A_5 = arith.constant 0 : index
    %get3A_6 = arith.constant 0 : index
    %get3A_7 = vector.load %arg0[%get3A_4, %get3A_5, %get3A_6] : memref<2x10240x16xf32, #tpu.memory_space<vmem>>, vector<1x10240x1xf32>
    %get3A_8 = vector.shape_cast %get3A_7 : vector<1x10240x1xf32> to vector<10240x1xf32>
    %add3A = arith.addf %get3A_3, %get3A_8 : vector<10240x1xf32>
    %add3A_9 = arith.constant 1.000000e+00 : f32
    %add3A_10 = vector.broadcast %add3A_9 : f32 to vector<10240x1xf32>
    %add3A_11 = arith.addf %add3A, %add3A_10 : vector<10240x1xf32>
    %max3A = arith.constant 9.99999996E-13 : f32
    %max3A_12 = vector.broadcast %max3A : f32 to vector<10240x1xf32>
    %max3A_13 = arith.maximumf %add3A_11, %max3A_12 : vector<10240x1xf32>
    %rsqrt3A = math.rsqrt %max3A_13 : vector<10240x1xf32>
    %get3A_14 = arith.constant 0 : index
    %get3A_15 = arith.constant 0 : index
    %get3A_16 = vector.load %arg1[%get3A_14, %get3A_15] : memref<10240x128xf32, #tpu.memory_space<vmem>>, vector<10240x128xf32>
    %get3A_17 = arith.constant 0 : index
    %get3A_18 = arith.constant 0 : index
    %get3A_19 = vector.load %arg2[%get3A_17, %get3A_18] : memref<128x64xf32, #tpu.memory_space<vmem>>, vector<128x64xf32>
    %dot_general3A = arith.constant dense<0.000000e+00> : vector<10240x64xf32>
    %dot_general3A_20 = tpu.matmul %get3A_16, %get3A_19, %dot_general3A {dimension_numbers = #tpu.dot_dimension_numbers<[1], [0], [0], [1], [0, 0, 1, 1], [], []>, transpose_lhs_hint = false} : vector<10240x128xf32>, vector<128x64xf32>, vector<10240x64xf32> -> vector<10240x64xf32>
    %mul3A = vector.broadcast %rsqrt3A : vector<10240x1xf32> to vector<10240x64xf32>
    %mul3A_21 = arith.mulf %dot_general3A_20, %mul3A : vector<10240x64xf32>
    %swap3A = arith.constant 0 : index
    %swap3A_22 = arith.constant 0 : index
    %swap3A_23 = vector.load %arg3[%swap3A, %swap3A_22] : memref<10240x64xf32, #tpu.memory_space<vmem>>, vector<10240x64xf32>
    tpu.vector_store %arg3[%swap3A, %swap3A_22], %mul3A_21 {strides = array<i32>} : memref<10240x64xf32, #tpu.memory_space<vmem>>, vector<10240x64xf32>,
    return
  }
}

module attributes {stable_mosaic.version = 14 : i64} {
  func.func @_combine_body(%arg0: memref<2x10240x16xf32, #tpu.memory_space<vmem>>, %arg1: memref<2x10240x64xf32, #tpu.memory_space<vmem>>, %arg2: memref<10240x64xf32, #tpu.memory_space<vmem>>, %arg3: memref<1x64xf32, #tpu.memory_space<vmem>>, %arg4: memref<64x64xf32, #tpu.memory_space<vmem>>, %arg5: memref<10240x64xf32, #tpu.memory_space<vmem>>) attributes {dimension_semantics = [], scalar_prefetch = 0 : i64, scratch_operands = 0 : i64, tpu.core_type = #tpu.core_type<tc>} {
    %get3A = arith.constant 0 : index
    %get3A_0 = arith.constant 0 : index
    %get3A_1 = arith.constant 0 : index
    %get3A_2 = vector.load %arg0[%get3A, %get3A_0, %get3A_1] : memref<2x10240x16xf32, #tpu.memory_space<vmem>>, vector<1x10240x1xf32>
    %get3A_3 = vector.shape_cast %get3A_2 : vector<1x10240x1xf32> to vector<10240x1xf32>
    %get3A_4 = arith.constant 1 : index
    %get3A_5 = arith.constant 0 : index
    %get3A_6 = arith.constant 0 : index
    %get3A_7 = vector.load %arg0[%get3A_4, %get3A_5, %get3A_6] : memref<2x10240x16xf32, #tpu.memory_space<vmem>>, vector<1x10240x1xf32>
    %get3A_8 = vector.shape_cast %get3A_7 : vector<1x10240x1xf32> to vector<10240x1xf32>
    %add3A = arith.addf %get3A_3, %get3A_8 : vector<10240x1xf32>
    %add3A_9 = arith.constant 1.000000e+00 : f32
    %add3A_10 = vector.broadcast %add3A_9 : f32 to vector<10240x1xf32>
    %add3A_11 = arith.addf %add3A, %add3A_10 : vector<10240x1xf32>
    %max3A = arith.constant 9.99999996E-13 : f32
    %max3A_12 = vector.broadcast %max3A : f32 to vector<10240x1xf32>
    %max3A_13 = arith.maximumf %add3A_11, %max3A_12 : vector<10240x1xf32>
    %rsqrt3A = math.rsqrt %max3A_13 : vector<10240x1xf32>
    %get3A_14 = arith.constant 0 : index
    %get3A_15 = arith.constant 0 : index
    %get3A_16 = arith.constant 0 : index
    %get3A_17 = vector.load %arg1[%get3A_14, %get3A_15, %get3A_16] : memref<2x10240x64xf32, #tpu.memory_space<vmem>>, vector<1x10240x64xf32>
    %get3A_18 = vector.shape_cast %get3A_17 : vector<1x10240x64xf32> to vector<10240x64xf32>
    %get3A_19 = arith.constant 1 : index
    %get3A_20 = arith.constant 0 : index
    %get3A_21 = arith.constant 0 : index
    %get3A_22 = vector.load %arg1[%get3A_19, %get3A_20, %get3A_21] : memref<2x10240x64xf32, #tpu.memory_space<vmem>>, vector<1x10240x64xf32>
    %get3A_23 = vector.shape_cast %get3A_22 : vector<1x10240x64xf32> to vector<10240x64xf32>
    %add3A_24 = arith.addf %get3A_18, %get3A_23 : vector<10240x64xf32>
    %get3A_25 = arith.constant 0 : index
    %get3A_26 = arith.constant 0 : index
    %get3A_27 = vector.load %arg2[%get3A_25, %get3A_26] : memref<10240x64xf32, #tpu.memory_space<vmem>>, vector<10240x64xf32>
    %add3A_28 = arith.addf %add3A_24, %get3A_27 : vector<10240x64xf32>
    %mul3A = vector.broadcast %rsqrt3A : vector<10240x1xf32> to vector<10240x64xf32>
    %mul3A_29 = arith.mulf %mul3A, %add3A_28 : vector<10240x64xf32>
    %get3A_30 = arith.constant 0 : index
    %get3A_31 = arith.constant 0 : index
    %get3A_32 = vector.load %arg3[%get3A_30, %get3A_31] : memref<1x64xf32, #tpu.memory_space<vmem>>, vector<1x64xf32>
    %add3A_33 = vector.broadcast %get3A_32 : vector<1x64xf32> to vector<10240x64xf32>
    %add3A_34 = arith.addf %mul3A_29, %add3A_33 : vector<10240x64xf32>
    %max3A_35 = arith.constant 0.000000e+00 : f32
    %max3A_36 = vector.broadcast %max3A_35 : f32 to vector<10240x64xf32>
    %max3A_37 = arith.maximumf %add3A_34, %max3A_36 : vector<10240x64xf32>
    %get3A_38 = arith.constant 0 : index
    %get3A_39 = arith.constant 0 : index
    %get3A_40 = vector.load %arg4[%get3A_38, %get3A_39] : memref<64x64xf32, #tpu.memory_space<vmem>>, vector<64x64xf32>
    %dot_general3A = arith.constant dense<0.000000e+00> : vector<10240x64xf32>
    %dot_general3A_41 = tpu.matmul %max3A_37, %get3A_40, %dot_general3A {dimension_numbers = #tpu.dot_dimension_numbers<[1], [0], [0], [1], [0, 0, 1, 1], [], []>, transpose_lhs_hint = false} : vector<10240x64xf32>, vector<64x64xf32>, vector<10240x64xf32> -> vector<10240x64xf32>
    %mul3A_42 = vector.broadcast %rsqrt3A : vector<10240x1xf32> to vector<10240x64xf32>
    %mul3A_43 = arith.mulf %dot_general3A_41, %mul3A_42 : vector<10240x64xf32>
    %swap3A = arith.constant 0 : index
    %swap3A_44 = arith.constant 0 : index
    %swap3A_45 = vector.load %arg5[%swap3A, %swap3A_44] : memref<10240x64xf32, #tpu.memory_space<vmem>>, vector<10240x64xf32>
    tpu.vector_store %arg5[%swap3A, %swap3A_44], %mul3A_43 {strides = array<i32>} : memref<10240x64xf32, #tpu.memory_space<vmem>>, vector<10240x64xf32>,
    return
  }
}

module attributes {stable_mosaic.version = 14 : i64} {
  func.func @_combine_body(%arg0: memref<2x10240x16xf32, #tpu.memory_space<vmem>>, %arg1: memref<2x10240x64xf32, #tpu.memory_space<vmem>>, %arg2: memref<10240x64xf32, #tpu.memory_space<vmem>>, %arg3: memref<1x64xf32, #tpu.memory_space<vmem>>, %arg4: memref<64x32xf32, #tpu.memory_space<vmem>>, %arg5: memref<10240x32xf32, #tpu.memory_space<vmem>>) attributes {dimension_semantics = [], scalar_prefetch = 0 : i64, scratch_operands = 0 : i64, tpu.core_type = #tpu.core_type<tc>} {
    %get3A = arith.constant 0 : index
    %get3A_0 = arith.constant 0 : index
    %get3A_1 = arith.constant 0 : index
    %get3A_2 = vector.load %arg0[%get3A, %get3A_0, %get3A_1] : memref<2x10240x16xf32, #tpu.memory_space<vmem>>, vector<1x10240x1xf32>
    %get3A_3 = vector.shape_cast %get3A_2 : vector<1x10240x1xf32> to vector<10240x1xf32>
    %get3A_4 = arith.constant 1 : index
    %get3A_5 = arith.constant 0 : index
    %get3A_6 = arith.constant 0 : index
    %get3A_7 = vector.load %arg0[%get3A_4, %get3A_5, %get3A_6] : memref<2x10240x16xf32, #tpu.memory_space<vmem>>, vector<1x10240x1xf32>
    %get3A_8 = vector.shape_cast %get3A_7 : vector<1x10240x1xf32> to vector<10240x1xf32>
    %add3A = arith.addf %get3A_3, %get3A_8 : vector<10240x1xf32>
    %add3A_9 = arith.constant 1.000000e+00 : f32
    %add3A_10 = vector.broadcast %add3A_9 : f32 to vector<10240x1xf32>
    %add3A_11 = arith.addf %add3A, %add3A_10 : vector<10240x1xf32>
    %max3A = arith.constant 9.99999996E-13 : f32
    %max3A_12 = vector.broadcast %max3A : f32 to vector<10240x1xf32>
    %max3A_13 = arith.maximumf %add3A_11, %max3A_12 : vector<10240x1xf32>
    %rsqrt3A = math.rsqrt %max3A_13 : vector<10240x1xf32>
    %get3A_14 = arith.constant 0 : index
    %get3A_15 = arith.constant 0 : index
    %get3A_16 = arith.constant 0 : index
    %get3A_17 = vector.load %arg1[%get3A_14, %get3A_15, %get3A_16] : memref<2x10240x64xf32, #tpu.memory_space<vmem>>, vector<1x10240x64xf32>
    %get3A_18 = vector.shape_cast %get3A_17 : vector<1x10240x64xf32> to vector<10240x64xf32>
    %get3A_19 = arith.constant 1 : index
    %get3A_20 = arith.constant 0 : index
    %get3A_21 = arith.constant 0 : index
    %get3A_22 = vector.load %arg1[%get3A_19, %get3A_20, %get3A_21] : memref<2x10240x64xf32, #tpu.memory_space<vmem>>, vector<1x10240x64xf32>
    %get3A_23 = vector.shape_cast %get3A_22 : vector<1x10240x64xf32> to vector<10240x64xf32>
    %add3A_24 = arith.addf %get3A_18, %get3A_23 : vector<10240x64xf32>
    %get3A_25 = arith.constant 0 : index
    %get3A_26 = arith.constant 0 : index
    %get3A_27 = vector.load %arg2[%get3A_25, %get3A_26] : memref<10240x64xf32, #tpu.memory_space<vmem>>, vector<10240x64xf32>
    %add3A_28 = arith.addf %add3A_24, %get3A_27 : vector<10240x64xf32>
    %mul3A = vector.broadcast %rsqrt3A : vector<10240x1xf32> to vector<10240x64xf32>
    %mul3A_29 = arith.mulf %mul3A, %add3A_28 : vector<10240x64xf32>
    %get3A_30 = arith.constant 0 : index
    %get3A_31 = arith.constant 0 : index
    %get3A_32 = vector.load %arg3[%get3A_30, %get3A_31] : memref<1x64xf32, #tpu.memory_space<vmem>>, vector<1x64xf32>
    %add3A_33 = vector.broadcast %get3A_32 : vector<1x64xf32> to vector<10240x64xf32>
    %add3A_34 = arith.addf %mul3A_29, %add3A_33 : vector<10240x64xf32>
    %max3A_35 = arith.constant 0.000000e+00 : f32
    %max3A_36 = vector.broadcast %max3A_35 : f32 to vector<10240x64xf32>
    %max3A_37 = arith.maximumf %add3A_34, %max3A_36 : vector<10240x64xf32>
    %get3A_38 = arith.constant 0 : index
    %get3A_39 = arith.constant 0 : index
    %get3A_40 = vector.load %arg4[%get3A_38, %get3A_39] : memref<64x32xf32, #tpu.memory_space<vmem>>, vector<64x32xf32>
    %dot_general3A = arith.constant dense<0.000000e+00> : vector<10240x32xf32>
    %dot_general3A_41 = tpu.matmul %max3A_37, %get3A_40, %dot_general3A {dimension_numbers = #tpu.dot_dimension_numbers<[1], [0], [0], [1], [0, 0, 1, 1], [], []>, transpose_lhs_hint = false} : vector<10240x64xf32>, vector<64x32xf32>, vector<10240x32xf32> -> vector<10240x32xf32>
    %mul3A_42 = vector.broadcast %rsqrt3A : vector<10240x1xf32> to vector<10240x32xf32>
    %mul3A_43 = arith.mulf %dot_general3A_41, %mul3A_42 : vector<10240x32xf32>
    %swap3A = arith.constant 0 : index
    %swap3A_44 = arith.constant 0 : index
    %swap3A_45 = vector.load %arg5[%swap3A, %swap3A_44] : memref<10240x32xf32, #tpu.memory_space<vmem>>, vector<10240x32xf32>
    tpu.vector_store %arg5[%swap3A, %swap3A_44], %mul3A_43 {strides = array<i32>} : memref<10240x32xf32, #tpu.memory_space<vmem>>, vector<10240x32xf32>,
    return
  }
}

module attributes {stable_mosaic.version = 14 : i64} {
  func.func @_final_body(%arg0: memref<2x10240x16xf32, #tpu.memory_space<vmem>>, %arg1: memref<2x10240x32xf32, #tpu.memory_space<vmem>>, %arg2: memref<10240x32xf32, #tpu.memory_space<vmem>>, %arg3: memref<1x32xf32, #tpu.memory_space<vmem>>, %arg4: memref<32x1xf32, #tpu.memory_space<vmem>>, %arg5: memref<1x1xf32, #tpu.memory_space<vmem>>, %arg6: memref<10240x1xf32, #tpu.memory_space<vmem>>) attributes {dimension_semantics = [], scalar_prefetch = 0 : i64, scratch_operands = 0 : i64, tpu.core_type = #tpu.core_type<tc>} {
    %get3A = arith.constant 0 : index
    %get3A_0 = arith.constant 0 : index
    %get3A_1 = arith.constant 0 : index
    %get3A_2 = vector.load %arg0[%get3A, %get3A_0, %get3A_1] : memref<2x10240x16xf32, #tpu.memory_space<vmem>>, vector<1x10240x1xf32>
    %get3A_3 = vector.shape_cast %get3A_2 : vector<1x10240x1xf32> to vector<10240x1xf32>
    %get3A_4 = arith.constant 1 : index
    %get3A_5 = arith.constant 0 : index
    %get3A_6 = arith.constant 0 : index
    %get3A_7 = vector.load %arg0[%get3A_4, %get3A_5, %get3A_6] : memref<2x10240x16xf32, #tpu.memory_space<vmem>>, vector<1x10240x1xf32>
    %get3A_8 = vector.shape_cast %get3A_7 : vector<1x10240x1xf32> to vector<10240x1xf32>
    %add3A = arith.addf %get3A_3, %get3A_8 : vector<10240x1xf32>
    %add3A_9 = arith.constant 1.000000e+00 : f32
    %add3A_10 = vector.broadcast %add3A_9 : f32 to vector<10240x1xf32>
    %add3A_11 = arith.addf %add3A, %add3A_10 : vector<10240x1xf32>
    %max3A = arith.constant 9.99999996E-13 : f32
    %max3A_12 = vector.broadcast %max3A : f32 to vector<10240x1xf32>
    %max3A_13 = arith.maximumf %add3A_11, %max3A_12 : vector<10240x1xf32>
    %rsqrt3A = math.rsqrt %max3A_13 : vector<10240x1xf32>
    %get3A_14 = arith.constant 0 : index
    %get3A_15 = arith.constant 0 : index
    %get3A_16 = arith.constant 0 : index
    %get3A_17 = vector.load %arg1[%get3A_14, %get3A_15, %get3A_16] : memref<2x10240x32xf32, #tpu.memory_space<vmem>>, vector<1x10240x32xf32>
    %get3A_18 = vector.shape_cast %get3A_17 : vector<1x10240x32xf32> to vector<10240x32xf32>
    %get3A_19 = arith.constant 1 : index
    %get3A_20 = arith.constant 0 : index
    %get3A_21 = arith.constant 0 : index
    %get3A_22 = vector.load %arg1[%get3A_19, %get3A_20, %get3A_21] : memref<2x10240x32xf32, #tpu.memory_space<vmem>>, vector<1x10240x32xf32>
    %get3A_23 = vector.shape_cast %get3A_22 : vector<1x10240x32xf32> to vector<10240x32xf32>
    %add3A_24 = arith.addf %get3A_18, %get3A_23 : vector<10240x32xf32>
    %get3A_25 = arith.constant 0 : index
    %get3A_26 = arith.constant 0 : index
    %get3A_27 = vector.load %arg2[%get3A_25, %get3A_26] : memref<10240x32xf32, #tpu.memory_space<vmem>>, vector<10240x32xf32>
    %add3A_28 = arith.addf %add3A_24, %get3A_27 : vector<10240x32xf32>
    %mul3A = vector.broadcast %rsqrt3A : vector<10240x1xf32> to vector<10240x32xf32>
    %mul3A_29 = arith.mulf %mul3A, %add3A_28 : vector<10240x32xf32>
    %get3A_30 = arith.constant 0 : index
    %get3A_31 = arith.constant 0 : index
    %get3A_32 = vector.load %arg3[%get3A_30, %get3A_31] : memref<1x32xf32, #tpu.memory_space<vmem>>, vector<1x32xf32>
    %add3A_33 = vector.broadcast %get3A_32 : vector<1x32xf32> to vector<10240x32xf32>
    %add3A_34 = arith.addf %mul3A_29, %add3A_33 : vector<10240x32xf32>
    %max3A_35 = arith.constant 0.000000e+00 : f32
    %max3A_36 = vector.broadcast %max3A_35 : f32 to vector<10240x32xf32>
    %max3A_37 = arith.maximumf %add3A_34, %max3A_36 : vector<10240x32xf32>
    %get3A_38 = arith.constant 0 : index
    %get3A_39 = arith.constant 0 : index
    %get3A_40 = vector.load %arg4[%get3A_38, %get3A_39] : memref<32x1xf32, #tpu.memory_space<vmem>>, vector<32x1xf32>
    %dot_general3A = arith.constant dense<0.000000e+00> : vector<10240x1xf32>
    %dot_general3A_41 = tpu.matmul %max3A_37, %get3A_40, %dot_general3A {dimension_numbers = #tpu.dot_dimension_numbers<[1], [0], [0], [1], [0, 0, 1, 1], [], []>, transpose_lhs_hint = false} : vector<10240x32xf32>, vector<32x1xf32>, vector<10240x1xf32> -> vector<10240x1xf32>
    %get3A_42 = arith.constant 0 : index
    %get3A_43 = arith.constant 0 : index
    %get3A_44 = vector.load %arg5[%get3A_42, %get3A_43] : memref<1x1xf32, #tpu.memory_space<vmem>>, vector<1x1xf32>
    %add3A_45 = vector.broadcast %get3A_44 : vector<1x1xf32> to vector<10240x1xf32>
    %add3A_46 = arith.addf %dot_general3A_41, %add3A_45 : vector<10240x1xf32>
    %swap3A = arith.constant 0 : index
    %swap3A_47 = arith.constant 0 : index
    %swap3A_48 = vector.load %arg6[%swap3A, %swap3A_47] : memref<10240x1xf32, #tpu.memory_space<vmem>>, vector<10240x1xf32>
    tpu.vector_store %arg6[%swap3A, %swap3A_47], %add3A_46 {strides = array<i32>} : memref<10240x1xf32, #tpu.memory_space<vmem>>, vector<10240x1xf32>,
    return
  }
}

</mosaic_0001>

<sc_bundles>
// kernel: kernel.10.cloned.1.call-start
scs
__scs_entry_jumppad:
0x0: {  	(pc) =	sbr.rel $0x88, $3  }
0x1: {  	(tag) =	ssettag $0x0;
	lr =	simm.s32 $0x1  }
0x2: {  	[smem:$0x3F97] =	sst lr;
	_ =	strace $0xD0000000  }
0x3: {  	_ = 	snop  }
0x4: {  	_ = 	snop  }
0x5: {  	_ = 	snop  }
0x6: {  	_ = 	snop  }
0x7: {  	_ = 	snop  }
__scs_overlays_trampoline_lowered:
0x8: {  	[smem:$0x3FA6] =	sst s0  }
0x9: {  	[smem:$0x3FA7] =	sst s1  }
0xa: {  	[smem:$0x3FA8] =	sst s2  }
0xb: {  	[smem:$0x3FA9] =	sst s3  }
0xc: {  	[smem:$0x3FAA] =	sst s4  }
0xd: {  	[smem:$0x3FAB] =	sst s5  }
0xe: {  	[smem:$0x3FAC] =	sst s6  }
0xf: {  	[smem:$0x3FAD] =	sst s7  }
0x10: {  	[smem:$0x3FAE] =	sst s8  }
0x11: {  	[smem:$0x3FAF] =	sst s9;
	s0 =	simm.s32 @!p0 $0x0  }
0x12: {  	s1 =	sld [smem:$0x3F95];
	s0 =	simm.s32 @p0 $0x1  }
0x13: {  	[smem:$0x3FB0] =	sst s0;
	s0 =	simm.s32 @!p1 $0x0  }
0x14: {  	s2 =	sld [smem:$0x3F94];
	s0 =	simm.s32 @p1 $0x1  }
0x15: {  	[smem:$0x3FB1] =	sst s0;
	s0 =	simm.s32 @!p2 $0x0  }
0x16: {  	s3 =	sld [smem:$0x3FDB];
	s0 =	simm.s32 @p2 $0x1  }
0x17: {  	s4 =	simm.s32 $0x1BF5;
	[smem:$0x3FB3] =	sst s0  }
0x18: {  	s0 =	sld [smem:$0x3F96];
	_ =	swait.ge [sflag:s4], $0x0  }
0x19: {  	s7 =	sld [smem:$0x3F97]  }
0x1a: {  	s8 =	sadd.s32 $0xFFFFE003, lr  }
0x1b: {  	s9 =	sadd.s32 $0xFFFFFEF7, lr;
	s5 =	simm.s32 $0xFFFFFFFF;
	p2 =	slt.u32 s8, $0xFFFFF086  }
0x1c: {  	p1 =	slt.u32 s9, $0xF7A;
	s5 =	simm.s32 @!p2 $0x0  }
0x1d: {  	s5 =	simm.s32 @p1 $0x1;
	p0 =	seq.s32 s7, s2  }
0x1e: {  	s7 =	smul.u32 @!p0 $0xF7A, s2;
	p2 =	seq.s32 @!p0 s5, $0x0  }
0x1f: {  	s9 =	smul.u32 $0xF7A, s1;
	s8 =	simm.s32 @!p0 $0x1BF5;
	p2 =	por !p2, p0  }
0x20: {  	[sflag:s8] =	ssyncset.s32 @!p0 $0xFFFFF086;
	s6 =	sadd.s32 @!p0 s3, s7;
	s7 =	simm.s32 @!p0 $0x108  }
0x21: {  	s3 =	sadd.s32 s3, s9;
	s6 =	sadd.s32 @!p0 $0x88, s6;
	s7 =	simm.s32 @p2 $0x1082  }
0x22: {  	[simem:s7], [sflag:s8] =	dma.local @!p0 [hbm:s6], $0xF7A  }
0x23: {  	s9 =	sor.u32 $0xD0000000, s2;
	s6 =	simm.s32 $0x108;
	_ =	swait.ge @!p0 [sflag:s8], $0x0  }
0x24: {  	s3 =	sadd.s32 $0x88, s3;
	s6 =	simm.s32 @!p1 $0x1082;
	[sflag:s4] =	ssyncset.s32 $0xFFFFF086  }
0x25: {  	[simem:s6], [sflag:s4] =	dma.local [hbm:s3], $0xF7A  }
0x26: {  	[smem:$0x3F97] =	sst s1;
	(tag) =	ssettag s2;
	_ =	strace s9  }
0x27: {  	s1 =	sld [smem:$0x3FA7]  }
0x28: {  	s2 =	sld [smem:$0x3FA8]  }
0x29: {  	s4 =	sld [smem:$0x3FAA]  }
0x2a: {  	p0 =	seq.s32 s5, $0x0;
	s5 =	sld [smem:$0x3FAB]  }
0x2b: {  	s6 =	sld [smem:$0x3FAC]  }
0x2c: {  	s7 =	sld [smem:$0x3FAD]  }
0x2d: {  	s3 =	simm.s32 $0x108;
	s8 =	sld [smem:$0x3FAE]  }
0x2e: {  	s3 =	simm.s32 @!p0 $0x1082;
	s9 =	sld [smem:$0x3FAF]  }
0x2f: {  	lr =	sadd.s32 s0, s3;
	s0 =	sld [smem:$0x3FA6]  }
0x30: {  	s3 =	sld [smem:$0x3FA9]  }
0x31: {  	[smem:$0x3FB2] =	sst s10  }
0x32: {  	s10 =	sld [smem:$0x3FB0];
	_ =	sdelay $0x3  }
0x33: {  	p0 =	seq.s32 s10, $0x1;
	s10 =	sld [smem:$0x3FB2];
	_ =	sdelay $0x3  }
0x34: {  	[smem:$0x3FB2] =	sst s10  }
0x35: {  	s10 =	sld [smem:$0x3FB1];
	_ =	sdelay $0x3  }
0x36: {  	p1 =	seq.s32 s10, $0x1;
	s10 =	sld [smem:$0x3FB2];
	_ =	sdelay $0x3  }
0x37: {  	[smem:$0x3FB2] =	sst s10  }
0x38: {  	s10 =	sld [smem:$0x3FB3]  }
0x39: {  	_ = 	snop;
	(pc) =	sbr.ind lr, $3  }
0x3a: {  	_ = 	snop  }
0x3b: {  	_ = 	snop  }
0x3c: {  	p2 =	seq.s32 s10, $0x1;
	s10 =	sld [smem:$0x3FB2]  }
0x3d: {  	_ =	shalt  }
0x3e: {  	_ =	shalt  }
0x3f: {  	_ =	shalt  }
0x40: {  	_ =	shalt  }
0x41: {  	_ =	shalt  }
0x42: {  	_ =	shalt  }
0x43: {  	_ =	shalt  }
0x44: {  	_ =	shalt  }
0x45: {  	_ =	shalt  }
0x46: {  	_ =	shalt  }
0x47: {  	_ =	shalt  }
0x48: {  	_ =	shalt  }
0x49: {  	_ =	shalt  }
0x4a: {  	_ =	shalt  }
0x4b: {  	_ =	shalt  }
0x4c: {  	_ =	shalt  }
0x4d: {  	_ =	shalt  }
0x4e: {  	_ =	shalt  }
0x4f: {  	_ =	shalt  }
0x50: {  	_ =	shalt  }
0x51: {  	_ =	shalt  }
0x52: {  	_ =	shalt  }
0x53: {  	_ =	shalt  }
0x54: {  	_ =	shalt  }
0x55: {  	_ =	shalt  }
0x56: {  	_ =	shalt  }
0x57: {  	_ =	shalt  }
0x58: {  	_ =	shalt  }
0x59: {  	_ =	shalt  }
0x5a: {  	_ =	shalt  }
0x5b: {  	_ =	shalt  }
0x5c: {  	_ =	shalt  }
0x5d: {  	_ =	shalt  }
0x5e: {  	_ =	shalt  }
0x5f: {  	_ =	shalt  }
0x60: {  	_ =	shalt  }
0x61: {  	_ =	shalt  }
0x62: {  	_ =	shalt  }
0x63: {  	_ =	shalt  }
0x64: {  	_ =	shalt  }
0x65: {  	_ =	shalt  }
0x66: {  	_ =	shalt  }
0x67: {  	_ =	shalt  }
0x68: {  	_ =	shalt  }
0x69: {  	_ =	shalt  }
0x6a: {  	_ =	shalt  }
0x6b: {  	_ =	shalt  }
0x6c: {  	_ =	shalt  }
0x6d: {  	_ =	shalt  }
0x6e: {  	_ =	shalt  }
0x6f: {  	_ =	shalt  }
0x70: {  	_ =	shalt  }
0x71: {  	_ =	shalt  }
0x72: {  	_ =	shalt  }
0x73: {  	_ =	shalt  }
0x74: {  	_ =	shalt  }
0x75: {  	_ =	shalt  }
0x76: {  	_ =	shalt  }
0x77: {  	_ =	shalt  }
0x78: {  	_ =	shalt  }
0x79: {  	_ =	shalt  }
0x7a: {  	_ =	shalt  }
0x7b: {  	_ =	shalt  }
0x7c: {  	_ =	shalt  }
0x7d: {  	_ =	shalt  }
0x7e: {  	_ =	shalt  }
0x7f: {  	_ =	shalt  }
0x80: {  	_ =	shalt  }
0x81: {  	_ =	shalt  }
0x82: {  	_ =	shalt  }
0x83: {  	_ =	shalt  }
0x84: {  	_ =	shalt  }
0x85: {  	_ =	shalt  }
0x86: {  	_ =	shalt  }
0x87: {  	_ =	shalt  }
.Lfunc_end0:
.L_simem_size_0:
called_computation_lowered:
.L_overlay_start_0:
0x88: {  	s2 =	sld [smem:$0x3FD9]  }
0x89: {  	s3 =	sld [smem:$0x3FFE];
	_ =	sdelay $0x1  }
0x8a: {  	s1 =	srdreg.scid  }
0x8b: {  	s0 =	sand.u32 $0x1, s1  }
0x8c: {  	s17 =	sshll.u32 s0, $0xA;
	s2 =	sadd.s32 s3, s2  }
0x8d: {  	s2 =	sadd.s32 s2, s17  }
0x8e: {  	[smem:$0x3FBE] =	sst s2  }
0x8f: {  	_ = 	snop  }
0x90: {  	s2 =	sld [smem:$0x3FD0];
	(tm) =	ssettm $0x1  }
0x91: {  	s18 =	sld [smem:$0x3FFB];
	_ =	sdelay $0x3  }
0x92: {  	_ =	strace s18  }
0x93: {  	s3 =	sld [smem:$0x3FFC];
	_ =	sdelay $0x3  }
0x94: {  	_ =	strace s3  }
0x95: {  	s3 =	sld [smem:$0x3FFD];
	_ =	sdelay $0x3  }
0x96: {  	_ =	strace s3  }
0x97: {  	_ =	strace $0x8FFFFFFF  }
0x98: {  	s19 =	sld [smem:$0x3FDB];
	_ =	sdelay $0x1  }
0x99: {  	s4 =	simm.s32 $_scs_section_size  }
0x9a: {  	s5 =	simm.s32 $_size__tile_overlayer_lowered;
	s6 =	simm.s32 $_tile_overlayer_lowered  }
0x9b: {  	s22 =	simm.s32 $0x1BFF;
	s21 =	sshll.u32 s6, $0x1;
	s3 =	sadd.s32 s4, s19  }
0x9c: {  	s7 =	simm.s32 $0x0;
	s20 =	sshll.u32 s5, $0x1;
	s5 =	sadd.s32 s21, s3  }
0x9d: {  	[timem:s7], [sflag:s22] =	dma.local [hbm:s5], s20  }
0x9e: {  	_ =	swait.ge [sflag:s22], s20  }
0x9f: {  	s4 =	ssub.s32 $0x0, s20;
	[sflag:s22] =	ssyncset.done $0x0  }
0xa0: {  	[sflag:s22] =	ssyncadd.s32 s4;
	_ =	sdelay $0x1  }
0xa1: {  	s23 =	simm.s32 $0x1B8B  }
0xa2: {  	_ =	swait.ge [sflag:s23], $0x1  }
0xa3: {  	[sflag:s23] =	ssyncset.done $0x0  }
0xa4: {  	s25 =	simm.s32 $0x1B8E;
	s24 =	sld [smem:$0x3FFE];
	[sflag:s23] =	ssyncadd.s32 $0xFFFFFFFF  }
0xa5: {  	s26 =	simm.s32 $execute0_lowered;
	[smem:$0x3FD2] =	sst s25  }
0xa6: {  	s5 =	sshll.u32 s26, $0x1;
	_ =	strace $0x80000046;
	[dreg:$0x1] =	wrdreg $0xFFFFFFFF  }
0xa7: {  	s28 =	simm.s32 $_size_execute0_lowered;
	s3 =	sadd.s32 s3, s5;
	[dreg:$0x0] =	wrdreg $0x0  }
0xa8: {  	s5 =	sshll.u32 s28, $0x1;
	[dreg:$0x2] =	wrdreg s3  }
0xa9: {  	[dreg:$0x3] =	wrdreg s5  }
0xaa: {  	[dreg:$0x4] =	wrdreg $0xC0  }
0xab: {  	_ =	task [dreg:s7], $0x5FFFF  }
0xac: {  	[dreg:$0x1] =	wrdreg $0xFFFFFFFF  }
0xad: {  	[dreg:$0x0] =	wrdreg $0x60  }
0xae: {  	[dreg:$0x2] =	wrdreg s24  }
0xaf: {  	[dreg:$0x3] =	wrdreg s2  }
0xb0: {  	[dreg:$0x4] =	wrdreg $0x1A000  }
0xb1: {  	[dreg:$0x5] =	wrdreg $0x9  }
0xb2: {  	_ =	task.clear_ibuf [dreg:s7], $0x6FFFF;
	_ =	strace $0x90000046  }
0xb3: {  	s29 =	simm.s32 $0x9;
	_ =	strace $0x80000048  }
0xb4: {  	_ =	swait.ge [sflag:s29], $0x1  }
0xb5: {  	[sflag:s29] =	ssyncadd.s32 $0xFFFFFFFF  }
0xb6: {  	_ =	strace $0x90000048  }
0xb7: {  	_ =	sfence  }
0xb8: {  	s30 =	sld [smem:$0x0];
	_ =	sdelay $0x2  }
0xb9: {  	s31 =	sshll.u32 s1, $0xD;
	s1 =	sshrl.u32 s1, $0x2  }
0xba: {  	s3 =	sand.u32 $0x4000, s31;
	s1 =	sadd.s32 s1, s30  }
0xbb: {  	s0 =	sor.u32 s3, s0;
	s1 =	sshll.u32 s1, $0x11  }
0xbc: {  	s0 =	sor.u32 s1, s0  }
0xbd: {  	s0 =	sadd.s32 $0x8F2B, s0  }
0xbe: {  	[sflag:s0] =	ssyncadd.remote.s32 $0x1  }
0xbf: {  	_ =	sfence.sel $0xFFFF  }
0xc0: {  	[dreg:$0x0] =	wrdreg $0xFFFFFFFF;
	(pc) =	sbr.abs _section_cstart, $3  }
0xc1: {  	[dreg:$0x1] =	wrdreg $0xFFFFFFFF  }
0xc2: {  	_ =	task.clear_ibuf [dreg:s7], $0x2FFFF;
	_ =	strace $0x9FFFFFFF  }
0xc3: {  	(tm) =	ssettm $0x7FFFFFFF  }
tec
execute0_lowered:
.L_overlay_start_1:
0x0: {  	(tag) =	ssettag $0x1  }
0x1: {  	s7 =	rddreg [dreg:$0x0]  }
0x2: {  	s1 =	rddreg [dreg:$0x1]  }
0x3: {  	s2 =	rddreg [dreg:$0x2]  }
0x4: {  	s0 =	rddreg [dreg:$0x3]  }
0x5: {  	s4 =	simm.s32 $0x0;
	s5 =	srdreg.scid;
	s3 =	stileid.u32  }
0x6: {  	s22 =	simm.s32 $0x200;
	s23 =	simm.s32 $0x100;
	s24 =	simm.s32 $0x1  }
0x7: {  	s25 =	simm.s32 $0x0;
	[smem:$0x7FF] =	sst s4;
	s8 =	sand.u32 $0x1, s5  }
0x8: {  	s11 =	smul.u32 $0x2800, s3;
	s5 =	sadd.s32 $0x1E00, s7;
	s6 =	sadd.s32 $0xBE00, s7  }
0x9: {  	s17 =	sadd.s32 $0xC000, s7;
	_ =	strace $0x80000047;
	s9 =	ssub.s32 $0x2, s8  }
0xa: {  	s16 =	smul.u32 $0x28000, s8;
	s10 =	sshrl.u32 s9, $0x1;
	s7 =	sadd.s32 s11, s2  }
0xb: {  	s12 =	sadd.s32 $0x800, s11;
	s15 =	sadd.s32 $0x1000, s11;
	s19 =	sadd.s32 $0x1800, s11  }
0xc: {  	s20 =	sadd.s32 $0x2000, s11;
	s18 =	ssub.s32 s9, s10;
	s8 =	sadd.s32 s12, s2  }
0xd: {  	s9 =	sadd.s32 s15, s2;
	s10 =	sadd.s32 s19, s2;
	s21 =	sadd.s32 s11, s16  }
0xe: {  	s11 =	sadd.s32 s20, s2;
	s14 =	sadd.s32 s16, s12;
	s15 =	sadd.s32 s16, s15  }
0xf: {  	s19 =	sadd.s32 s16, s19;
	s20 =	sadd.s32 s16, s20;
	s13 =	sshrl.u32 s21, $0x3  }
.Ltmp0:
0x10: {  	s14 =	sshrl.u32 s14, $0x3;
	s15 =	sshrl.u32 s15, $0x3;
	(pc) =	sbr.rel .LBB2_1-.Ltmp0, $4  }
0x11: {  	s19 =	sshrl.u32 s19, $0x3;
	s31 =	sshrl.u32 s20, $0x3;
	s18 =	smax.u32 s18, $0x1  }
0x12: {  	s20 =	simm.s32 $0x1200;
	s12 =	sadd.s32 s5, s13;
	s13 =	sadd.s32 s17, s13  }
0x13: {  	s14 =	sadd.s32 s17, s14;
	s15 =	sadd.s32 s17, s15;
	s16 =	sadd.s32 s17, s19  }
0x14: {  	s17 =	sadd.s32 s17, s31;
	s19 =	sor.u32 $0x100, s21;
	s21 =	simm.s32 $0x2  }
.LBB2_4:
0x15: {  	[spmem:s2] =	stream.indirect.scatter.add.f32 [tilespmem:s22], [sflag:$0x1], $0x10, s23, s23, $0xb8;
	[tilespmem:$0x4200] =	vst v63  }
0x16: {  	_ =	swait.ge [sflag:s24], $0x1000  }
0x17: {  	[sflag:s24] =	ssyncset.done $0x0  }
0x18: {  	[sflag:s24] =	ssyncadd.s32 $0xFFFFF000  }
0x19: {  	[bflag:$0x0] =	sbarrier.arrive $0xFFFF  }
0x1a: {  	[tilespmem:s20], [sflag:$0x2] =	stream.linear.gather [spmem:s7], $0x800, $0x38;
	[tilespmem:$0x4200] =	vst v63  }
0x1b: {  	_ =	swait.ge [sflag:s21], $0x800  }
0x1c: {  	[sflag:s21] =	ssyncset.done $0x0  }
0x1d: {  	[sflag:s21] =	ssyncadd.s32 $0xFFFFF800  }
0x1e: {  	[hbm4b:s13+s4] =	stream.linear.scatter [tilespmem:s20], [sflag:$0x2], $0x800, $0x38;
	[tilespmem:$0x4200] =	vst v63  }
0x1f: {  	_ =	swait.ge [sflag:s21], $0x800  }
0x20: {  	[sflag:s21] =	ssyncset.done $0x0  }
0x21: {  	[sflag:s21] =	ssyncadd.s32 $0xFFFFF800  }
0x22: {  	[tilespmem:s20], [sflag:$0x2] =	stream.linear.gather [spmem:s8], $0x800, $0x38;
	[tilespmem:$0x4200] =	vst v63  }
0x23: {  	_ =	swait.ge [sflag:s21], $0x800  }
0x24: {  	[sflag:s21] =	ssyncset.done $0x0  }
0x25: {  	[sflag:s21] =	ssyncadd.s32 $0xFFFFF800  }
0x26: {  	[hbm4b:s14+s4] =	stream.linear.scatter [tilespmem:s20], [sflag:$0x2], $0x800, $0x38;
	[tilespmem:$0x4200] =	vst v63  }
0x27: {  	_ =	swait.ge [sflag:s21], $0x800  }
0x28: {  	[sflag:s21] =	ssyncset.done $0x0  }
0x29: {  	[sflag:s21] =	ssyncadd.s32 $0xFFFFF800  }
0x2a: {  	[tilespmem:s20], [sflag:$0x2] =	stream.linear.gather [spmem:s9], $0x800, $0x38;
	[tilespmem:$0x4200] =	vst v63  }
0x2b: {  	_ =	swait.ge [sflag:s21], $0x800  }
0x2c: {  	[sflag:s21] =	ssyncset.done $0x0  }
0x2d: {  	[sflag:s21] =	ssyncadd.s32 $0xFFFFF800  }
0x2e: {  	[hbm4b:s15+s4] =	stream.linear.scatter [tilespmem:s20], [sflag:$0x2], $0x800, $0x38;
	[tilespmem:$0x4200] =	vst v63  }
0x2f: {  	_ =	swait.ge [sflag:s21], $0x800  }
0x30: {  	[sflag:s21] =	ssyncset.done $0x0  }
0x31: {  	[sflag:s21] =	ssyncadd.s32 $0xFFFFF800  }
0x32: {  	[tilespmem:s20], [sflag:$0x2] =	stream.linear.gather [spmem:s10], $0x800, $0x38;
	[tilespmem:$0x4200] =	vst v63  }
0x33: {  	_ =	swait.ge [sflag:s21], $0x800  }
0x34: {  	[sflag:s21] =	ssyncset.done $0x0  }
0x35: {  	[sflag:s21] =	ssyncadd.s32 $0xFFFFF800  }
0x36: {  	[hbm4b:s16+s4] =	stream.linear.scatter [tilespmem:s20], [sflag:$0x2], $0x800, $0x38;
	[tilespmem:$0x4200] =	vst v63  }
0x37: {  	_ =	swait.ge [sflag:s21], $0x800  }
0x38: {  	[sflag:s21] =	ssyncset.done $0x0  }
0x39: {  	[sflag:s21] =	ssyncadd.s32 $0xFFFFF800  }
0x3a: {  	[tilespmem:s20], [sflag:$0x2] =	stream.linear.gather [spmem:s11], $0x800, $0x38;
	[tilespmem:$0x4200] =	vst v63  }
0x3b: {  	s25 =	sadd.s32 $0x1, s25;
	_ =	swait.ge [sflag:s21], $0x800  }
0x3c: {  	p0 =	sne.s32 s25, s18;
	[sflag:s21] =	ssyncset.done $0x0  }
.Ltmp1:
0x3d: {  	[sflag:s21] =	ssyncadd.s32 $0xFFFFF800;
	(pc) =	sbr.rel @!p0 .LBB2_5-.Ltmp1, $4  }
0x3e: {  	[hbm4b:s17+s4] =	stream.linear.scatter [tilespmem:s20], [sflag:$0x2], $0x800, $0x38;
	[tilespmem:$0x4200] =	vst v63  }
0x3f: {  	_ =	swait.ge [sflag:s21], $0x800  }
0x40: {  	[sflag:s21] =	ssyncset.done $0x0  }
0x41: {  	[sflag:s21] =	ssyncadd.s32 $0xFFFFF800  }
.LBB2_1:
0x42: {  	[tilespmem:s20], [sflag:$0x2] =	stream.linear.gather [hbm4b:s6+s4], $0x800, $0x38;
	[tilespmem:$0x4200] =	vst v63  }
0x43: {  	_ =	swait.ge [sflag:s21], $0x800  }
0x44: {  	[sflag:s21] =	ssyncset.done $0x0  }
0x45: {  	[sflag:s21] =	ssyncadd.s32 $0xFFFFF800  }
0x46: {  	[spmem:s7] =	stream.linear.scatter [tilespmem:s20], [sflag:$0x2], $0x800, $0x38;
	[tilespmem:$0x4200] =	vst v63  }
0x47: {  	_ =	swait.ge [sflag:s21], $0x800  }
0x48: {  	[sflag:s21] =	ssyncset.done $0x0  }
0x49: {  	[sflag:s21] =	ssyncadd.s32 $0xFFFFF800  }
0x4a: {  	[spmem:s8] =	stream.linear.scatter [tilespmem:s20], [sflag:$0x2], $0x800, $0x38;
	[tilespmem:$0x4200] =	vst v63  }
0x4b: {  	_ =	swait.ge [sflag:s21], $0x800  }
0x4c: {  	[sflag:s21] =	ssyncset.done $0x0  }
0x4d: {  	[sflag:s21] =	ssyncadd.s32 $0xFFFFF800  }
0x4e: {  	[spmem:s9] =	stream.linear.scatter [tilespmem:s20], [sflag:$0x2], $0x800, $0x38;
	[tilespmem:$0x4200] =	vst v63  }
0x4f: {  	_ =	swait.ge [sflag:s21], $0x800  }
0x50: {  	[sflag:s21] =	ssyncset.done $0x0  }
0x51: {  	[sflag:s21] =	ssyncadd.s32 $0xFFFFF800  }
0x52: {  	[spmem:s10] =	stream.linear.scatter [tilespmem:s20], [sflag:$0x2], $0x800, $0x38;
	[tilespmem:$0x4200] =	vst v63  }
0x53: {  	_ =	swait.ge [sflag:s21], $0x800  }
0x54: {  	[sflag:s21] =	ssyncset.done $0x0  }
0x55: {  	[sflag:s21] =	ssyncadd.s32 $0xFFFFF800  }
0x56: {  	[spmem:s11] =	stream.linear.scatter [tilespmem:s20], [sflag:$0x2], $0x800, $0x38;
	[tilespmem:$0x4200] =	vst v63  }
0x57: {  	_ =	swait.ge [sflag:s21], $0x800  }
0x58: {  	[sflag:s21] =	ssyncset.done $0x0  }
0x59: {  	[sflag:s21] =	ssyncadd.s32 $0xFFFFF800  }
0x5a: {  	[bflag:$0x0] =	sbarrier.arrive $0xFFFF  }
0x5b: {  	[tilespmem:s22], [sflag:$0x2] =	stream.linear.gather [hbm4b:s1+s4], $0x1000, $0x38;
	[tilespmem:$0x4200] =	vst v63  }
0x5c: {  	_ =	swait.ge [sflag:s21], $0x1000  }
0x5d: {  	[sflag:s21] =	ssyncset.done $0x0  }
0x5e: {  	[sflag:s21] =	ssyncadd.s32 $0xFFFFF000  }
0x5f: {  	[tilespmem:s4], [sflag:$0x2] =	stream.linear.gather [hbm4b:s12+s4], $0x100, $0x38;
	[tilespmem:$0x4200] =	vst v63  }
0x60: {  	_ =	swait.ge [sflag:s21], $0x100  }
0x61: {  	[sflag:s21] =	ssyncset.done $0x0  }
0x62: {  	s26 =	simm.s32 $0x0;
	s28 =	smov.u32 s19;
	[sflag:s21] =	ssyncadd.s32 $0xFFFFFF00  }
.LBB2_2:
0x63: {  	p0 =	seq.s32 s26, $0x0  }
0x64: {  	p1 =	seq.s32 @!p0 s26, $0x27  }
0x65: {  	p1 =	por p0, !p1  }
.Ltmp2:
0x66: {  	_ = 	snop;
	(pc) =	sbr.rel @!p1 .LBB2_4-.Ltmp2, $4  }
0x67: {  	s29 =	simm.s32 @!p0 $0x1  }
0x68: {  	_ =	swait.ge @!p0 [sflag:s29], $0x1000  }
0x69: {  	[sflag:s29] =	ssyncset.done @!p0 $0x0  }
0x6a: {  	[sflag:s29] =	ssyncadd.s32 @!p0 $0xFFFFF000  }
0x6b: {  	s29 =	sand.u32 $0x1, s26  }
0x6c: {  	s30 =	sshrl.u32 s28, $0x3;
	s29 =	sshll.u32 s29, $0x8  }
0x6d: {  	s30 =	sadd.s32 s5, s30;
	s31 =	sxor.u32 $0x100, s29  }
0x6e: {  	[tilespmem:s31], [sflag:$0x2] =	stream.linear.gather [hbm4b:s30+s4], $0x100, $0x38;
	[tilespmem:$0x4200] =	vst v63  }
.Ltmp3:
0x6f: {  	_ = 	snop;
	(pc) =	sbr.rel .LBB2_2-.Ltmp3, $4  }
0x70: {  	_ =	swait.ge [sflag:s21], $0x100  }
0x71: {  	[sflag:s21] =	ssyncset.done $0x0  }
0x72: {  	s28 =	sadd.s32 $0x100, s28;
	s26 =	sadd.s32 $0x1, s26;
	[sflag:s21] =	ssyncadd.s32 $0xFFFFFF00  }
0x73: {  	[spmem:s2] =	stream.indirect.scatter.add.f32 [tilespmem:s22], [sflag:$0x1], $0x10, s29, s23, $0xb8;
	[tilespmem:$0x4200] =	vst v63  }
.LBB2_5:
0x74: {  	_ =	sfence.sel $0x180000  }
0x75: {  	[bflag:$0x0] =	sbarrier.arrive $0xFFFF  }
0x76: {  	p0 =	sne.s32 s3, $0x0;
	_ =	strace $0x90000047  }
0x77: {  	s0 =	sadd.s32 @!p0 $0x100000, s0;
	[bflag:$0x2] =	sbarrier.arrive $0xFFFF  }
0x78: {  	[sflag:s0] =	ssyncadd.tile.s32 @!p0 $0x1;
	_ =	shalt  }
.Lfunc_end2:
_tile_overlayer_lowered:
.L_overlay_start_2:
0x79: {  	(tag) =	ssettag $0x2  }
0x7a: {  	s0 =	rddreg [dreg:$0x0];
	s2 =	stileid.u32  }
0x7b: {  	s1 =	rddreg [dreg:$0x1];
	p0 =	sne.s32 s2, $0x0  }
0x7c: {  	s3 =	rddreg [dreg:$0x2];
	[bflag:$0x3] =	sbarrier.arrive $0xFFFF;
	s2 =	simm.s32 @!p0 $0x1C02  }
0x7d: {  	[timem:s3], [sflag:s2] =	dma.local @!p0 [hbm:s0], s1  }
0x7e: {  	s0 =	simm.s32 @!p0 $0x2  }
0x7f: {  	_ =	swait.ge @!p0 [sflag:s0], s1  }
0x80: {  	s1 =	ssub.s32 @!p0 $0x0, s1;
	[sflag:s0] =	ssyncset.done @!p0 $0x0  }
0x81: {  	[sflag:s0] =	ssyncadd.s32 @!p0 s1  }
0x82: {  	[bflag:$0x3] =	sbarrier.arrive $0xFFFF  }
0x83: {  	_ =	shalt  }

// kernel: kernel.13.cloned.1.call-start
scs
__scs_entry_jumppad:
0x0: {  	(pc) =	sbr.rel $0x88, $3  }
0x1: {  	(tag) =	ssettag $0x0;
	lr =	simm.s32 $0x1  }
0x2: {  	[smem:$0x3F97] =	sst lr;
	_ =	strace $0xD0000000  }
0x3: {  	_ = 	snop  }
0x4: {  	_ = 	snop  }
0x5: {  	_ = 	snop  }
0x6: {  	_ = 	snop  }
0x7: {  	_ = 	snop  }
__scs_overlays_trampoline_lowered:
0x8: {  	[smem:$0x3FA6] =	sst s0  }
0x9: {  	[smem:$0x3FA7] =	sst s1  }
0xa: {  	[smem:$0x3FA8] =	sst s2  }
0xb: {  	[smem:$0x3FA9] =	sst s3  }
0xc: {  	[smem:$0x3FAA] =	sst s4  }
0xd: {  	[smem:$0x3FAB] =	sst s5  }
0xe: {  	[smem:$0x3FAC] =	sst s6  }
0xf: {  	[smem:$0x3FAD] =	sst s7  }
0x10: {  	[smem:$0x3FAE] =	sst s8  }
0x11: {  	[smem:$0x3FAF] =	sst s9;
	s0 =	simm.s32 @!p0 $0x0  }
0x12: {  	s1 =	sld [smem:$0x3F95];
	s0 =	simm.s32 @p0 $0x1  }
0x13: {  	[smem:$0x3FB0] =	sst s0;
	s0 =	simm.s32 @!p1 $0x0  }
0x14: {  	s2 =	sld [smem:$0x3F94];
	s0 =	simm.s32 @p1 $0x1  }
0x15: {  	[smem:$0x3FB1] =	sst s0;
	s0 =	simm.s32 @!p2 $0x0  }
0x16: {  	s3 =	sld [smem:$0x3FDB];
	s0 =	simm.s32 @p2 $0x1  }
0x17: {  	s4 =	simm.s32 $0x1BF5;
	[smem:$0x3FB3] =	sst s0  }
0x18: {  	s0 =	sld [smem:$0x3F96];
	_ =	swait.ge [sflag:s4], $0x0  }
0x19: {  	s7 =	sld [smem:$0x3F97]  }
0x1a: {  	s8 =	sadd.s32 $0xFFFFE003, lr  }
0x1b: {  	s9 =	sadd.s32 $0xFFFFFEF7, lr;
	s5 =	simm.s32 $0xFFFFFFFF;
	p2 =	slt.u32 s8, $0xFFFFF086  }
0x1c: {  	p1 =	slt.u32 s9, $0xF7A;
	s5 =	simm.s32 @!p2 $0x0  }
0x1d: {  	s5 =	simm.s32 @p1 $0x1;
	p0 =	seq.s32 s7, s2  }
0x1e: {  	s7 =	smul.u32 @!p0 $0xF7A, s2;
	p2 =	seq.s32 @!p0 s5, $0x0  }
0x1f: {  	s9 =	smul.u32 $0xF7A, s1;
	s8 =	simm.s32 @!p0 $0x1BF5;
	p2 =	por !p2, p0  }
0x20: {  	[sflag:s8] =	ssyncset.s32 @!p0 $0xFFFFF086;
	s6 =	sadd.s32 @!p0 s3, s7;
	s7 =	simm.s32 @!p0 $0x108  }
0x21: {  	s3 =	sadd.s32 s3, s9;
	s6 =	sadd.s32 @!p0 $0x88, s6;
	s7 =	simm.s32 @p2 $0x1082  }
0x22: {  	[simem:s7], [sflag:s8] =	dma.local @!p0 [hbm:s6], $0xF7A  }
0x23: {  	s9 =	sor.u32 $0xD0000000, s2;
	s6 =	simm.s32 $0x108;
	_ =	swait.ge @!p0 [sflag:s8], $0x0  }
0x24: {  	s3 =	sadd.s32 $0x88, s3;
	s6 =	simm.s32 @!p1 $0x1082;
	[sflag:s4] =	ssyncset.s32 $0xFFFFF086  }
0x25: {  	[simem:s6], [sflag:s4] =	dma.local [hbm:s3], $0xF7A  }
0x26: {  	[smem:$0x3F97] =	sst s1;
	(tag) =	ssettag s2;
	_ =	strace s9  }
0x27: {  	s1 =	sld [smem:$0x3FA7]  }
0x28: {  	s2 =	sld [smem:$0x3FA8]  }
0x29: {  	s4 =	sld [smem:$0x3FAA]  }
0x2a: {  	p0 =	seq.s32 s5, $0x0;
	s5 =	sld [smem:$0x3FAB]  }
0x2b: {  	s6 =	sld [smem:$0x3FAC]  }
0x2c: {  	s7 =	sld [smem:$0x3FAD]  }
0x2d: {  	s3 =	simm.s32 $0x108;
	s8 =	sld [smem:$0x3FAE]  }
0x2e: {  	s3 =	simm.s32 @!p0 $0x1082;
	s9 =	sld [smem:$0x3FAF]  }
0x2f: {  	lr =	sadd.s32 s0, s3;
	s0 =	sld [smem:$0x3FA6]  }
0x30: {  	s3 =	sld [smem:$0x3FA9]  }
0x31: {  	[smem:$0x3FB2] =	sst s10  }
0x32: {  	s10 =	sld [smem:$0x3FB0];
	_ =	sdelay $0x3  }
0x33: {  	p0 =	seq.s32 s10, $0x1;
	s10 =	sld [smem:$0x3FB2];
	_ =	sdelay $0x3  }
0x34: {  	[smem:$0x3FB2] =	sst s10  }
0x35: {  	s10 =	sld [smem:$0x3FB1];
	_ =	sdelay $0x3  }
0x36: {  	p1 =	seq.s32 s10, $0x1;
	s10 =	sld [smem:$0x3FB2];
	_ =	sdelay $0x3  }
0x37: {  	[smem:$0x3FB2] =	sst s10  }
0x38: {  	s10 =	sld [smem:$0x3FB3]  }
0x39: {  	_ = 	snop;
	(pc) =	sbr.ind lr, $3  }
0x3a: {  	_ = 	snop  }
0x3b: {  	_ = 	snop  }
0x3c: {  	p2 =	seq.s32 s10, $0x1;
	s10 =	sld [smem:$0x3FB2]  }
0x3d: {  	_ =	shalt  }
0x3e: {  	_ =	shalt  }
0x3f: {  	_ =	shalt  }
0x40: {  	_ =	shalt  }
0x41: {  	_ =	shalt  }
0x42: {  	_ =	shalt  }
0x43: {  	_ =	shalt  }
0x44: {  	_ =	shalt  }
0x45: {  	_ =	shalt  }
0x46: {  	_ =	shalt  }
0x47: {  	_ =	shalt  }
0x48: {  	_ =	shalt  }
0x49: {  	_ =	shalt  }
0x4a: {  	_ =	shalt  }
0x4b: {  	_ =	shalt  }
0x4c: {  	_ =	shalt  }
0x4d: {  	_ =	shalt  }
0x4e: {  	_ =	shalt  }
0x4f: {  	_ =	shalt  }
0x50: {  	_ =	shalt  }
0x51: {  	_ =	shalt  }
0x52: {  	_ =	shalt  }
0x53: {  	_ =	shalt  }
0x54: {  	_ =	shalt  }
0x55: {  	_ =	shalt  }
0x56: {  	_ =	shalt  }
0x57: {  	_ =	shalt  }
0x58: {  	_ =	shalt  }
0x59: {  	_ =	shalt  }
0x5a: {  	_ =	shalt  }
0x5b: {  	_ =	shalt  }
0x5c: {  	_ =	shalt  }
0x5d: {  	_ =	shalt  }
0x5e: {  	_ =	shalt  }
0x5f: {  	_ =	shalt  }
0x60: {  	_ =	shalt  }
0x61: {  	_ =	shalt  }
0x62: {  	_ =	shalt  }
0x63: {  	_ =	shalt  }
0x64: {  	_ =	shalt  }
0x65: {  	_ =	shalt  }
0x66: {  	_ =	shalt  }
0x67: {  	_ =	shalt  }
0x68: {  	_ =	shalt  }
0x69: {  	_ =	shalt  }
0x6a: {  	_ =	shalt  }
0x6b: {  	_ =	shalt  }
0x6c: {  	_ =	shalt  }
0x6d: {  	_ =	shalt  }
0x6e: {  	_ =	shalt  }
0x6f: {  	_ =	shalt  }
0x70: {  	_ =	shalt  }
0x71: {  	_ =	shalt  }
0x72: {  	_ =	shalt  }
0x73: {  	_ =	shalt  }
0x74: {  	_ =	shalt  }
0x75: {  	_ =	shalt  }
0x76: {  	_ =	shalt  }
0x77: {  	_ =	shalt  }
0x78: {  	_ =	shalt  }
0x79: {  	_ =	shalt  }
0x7a: {  	_ =	shalt  }
0x7b: {  	_ =	shalt  }
0x7c: {  	_ =	shalt  }
0x7d: {  	_ =	shalt  }
0x7e: {  	_ =	shalt  }
0x7f: {  	_ =	shalt  }
0x80: {  	_ =	shalt  }
0x81: {  	_ =	shalt  }
0x82: {  	_ =	shalt  }
0x83: {  	_ =	shalt  }
0x84: {  	_ =	shalt  }
0x85: {  	_ =	shalt  }
0x86: {  	_ =	shalt  }
0x87: {  	_ =	shalt  }
.Lfunc_end0:
.L_simem_size_0:
called_computation.1_lowered:
.L_overlay_start_0:
0x88: {  	s2 =	sld [smem:$0x3FD9]  }
0x89: {  	s3 =	sld [smem:$0x3FFE];
	_ =	sdelay $0x1  }
0x8a: {  	s1 =	srdreg.scid  }
0x8b: {  	s0 =	sand.u32 $0x1, s1  }
0x8c: {  	s17 =	sshll.u32 s0, $0xA;
	s2 =	sadd.s32 s3, s2  }
0x8d: {  	s2 =	sadd.s32 s2, s17  }
0x8e: {  	[smem:$0x3FBE] =	sst s2  }
0x8f: {  	_ = 	snop  }
0x90: {  	s2 =	sld [smem:$0x3FD0];
	(tm) =	ssettm $0x1  }
0x91: {  	s18 =	sld [smem:$0x3FFB];
	_ =	sdelay $0x3  }
0x92: {  	_ =	strace s18  }
0x93: {  	s3 =	sld [smem:$0x3FFC];
	_ =	sdelay $0x3  }
0x94: {  	_ =	strace s3  }
0x95: {  	s3 =	sld [smem:$0x3FFD];
	_ =	sdelay $0x3  }
0x96: {  	_ =	strace s3  }
0x97: {  	_ =	strace $0x8FFFFFFF  }
0x98: {  	s19 =	sld [smem:$0x3FDB];
	_ =	sdelay $0x1  }
0x99: {  	s4 =	simm.s32 $_scs_section_size  }
0x9a: {  	s5 =	simm.s32 $_size__tile_overlayer_lowered;
	s6 =	simm.s32 $_tile_overlayer_lowered  }
0x9b: {  	s22 =	simm.s32 $0x1BFF;
	s21 =	sshll.u32 s6, $0x1;
	s3 =	sadd.s32 s4, s19  }
0x9c: {  	s7 =	simm.s32 $0x0;
	s20 =	sshll.u32 s5, $0x1;
	s5 =	sadd.s32 s21, s3  }
0x9d: {  	[timem:s7], [sflag:s22] =	dma.local [hbm:s5], s20  }
0x9e: {  	_ =	swait.ge [sflag:s22], s20  }
0x9f: {  	s4 =	ssub.s32 $0x0, s20;
	[sflag:s22] =	ssyncset.done $0x0  }
0xa0: {  	[sflag:s22] =	ssyncadd.s32 s4;
	_ =	sdelay $0x1  }
0xa1: {  	s23 =	simm.s32 $0x1B8B  }
0xa2: {  	_ =	swait.ge [sflag:s23], $0x1  }
0xa3: {  	[sflag:s23] =	ssyncset.done $0x0  }
0xa4: {  	s25 =	simm.s32 $0x1B8E;
	s24 =	sld [smem:$0x3FFE];
	[sflag:s23] =	ssyncadd.s32 $0xFFFFFFFF  }
0xa5: {  	s26 =	simm.s32 $execute0_lowered;
	[smem:$0x3FD2] =	sst s25  }
0xa6: {  	s5 =	sshll.u32 s26, $0x1;
	_ =	strace $0x80000049;
	[dreg:$0x1] =	wrdreg $0xFFFFFFFF  }
0xa7: {  	s28 =	simm.s32 $_size_execute0_lowered;
	s3 =	sadd.s32 s3, s5;
	[dreg:$0x0] =	wrdreg $0x0  }
0xa8: {  	s5 =	sshll.u32 s28, $0x1;
	[dreg:$0x2] =	wrdreg s3  }
0xa9: {  	[dreg:$0x3] =	wrdreg s5  }
0xaa: {  	[dreg:$0x4] =	wrdreg $0xC0  }
0xab: {  	_ =	task [dreg:s7], $0x5FFFF  }
0xac: {  	[dreg:$0x1] =	wrdreg $0xFFFFFFFF  }
0xad: {  	[dreg:$0x0] =	wrdreg $0x60  }
0xae: {  	[dreg:$0x2] =	wrdreg s24  }
0xaf: {  	[dreg:$0x3] =	wrdreg s2  }
0xb0: {  	[dreg:$0x4] =	wrdreg $0x146000  }
0xb1: {  	[dreg:$0x5] =	wrdreg $0xA6000  }
0xb2: {  	[dreg:$0x6] =	wrdreg $0x9  }
0xb3: {  	_ =	task.clear_ibuf [dreg:s7], $0x7FFFF;
	_ =	strace $0x90000049  }
0xb4: {  	s29 =	simm.s32 $0x9;
	_ =	strace $0x8000004B  }
0xb5: {  	_ =	swait.ge [sflag:s29], $0x1  }
0xb6: {  	[sflag:s29] =	ssyncadd.s32 $0xFFFFFFFF  }
0xb7: {  	_ =	strace $0x9000004B  }
0xb8: {  	_ =	sfence  }
0xb9: {  	s30 =	sld [smem:$0x0];
	_ =	sdelay $0x2  }
0xba: {  	s31 =	sshll.u32 s1, $0xD;
	s1 =	sshrl.u32 s1, $0x2  }
0xbb: {  	s3 =	sand.u32 $0x4000, s31;
	s1 =	sadd.s32 s1, s30  }
0xbc: {  	s0 =	sor.u32 s3, s0;
	s1 =	sshll.u32 s1, $0x11  }
0xbd: {  	s0 =	sor.u32 s1, s0  }
0xbe: {  	s0 =	sadd.s32 $0x8F2B, s0  }
0xbf: {  	[sflag:s0] =	ssyncadd.remote.s32 $0x1  }
0xc0: {  	_ =	sfence.sel $0xFFFF  }
0xc1: {  	[dreg:$0x0] =	wrdreg $0xFFFFFFFF;
	(pc) =	sbr.abs _section_cstart, $3  }
0xc2: {  	[dreg:$0x1] =	wrdreg $0xFFFFFFFF  }
0xc3: {  	_ =	task.clear_ibuf [dreg:s7], $0x2FFFF;
	_ =	strace $0x9FFFFFFF  }
0xc4: {  	(tm) =	ssettm $0x7FFFFFFF  }
0xc5: {  	_ =	shalt  }
tec
execute0_lowered:
.L_overlay_start_1:
0x0: {  	(tag) =	ssettag $0x1  }
0x1: {  	s0 =	rddreg [dreg:$0x0]  }
0x2: {  	s1 =	rddreg [dreg:$0x2]  }
0x3: {  	s3 =	simm.s32 $0x0;
	s2 =	srdreg.scid;
	s15 =	stileid.u32  }
0x4: {  	[smem:$0x7FF] =	sst s3;
	s7 =	smul.u32 $0xA000, s15  }
0x5: {  	s4 =	sadd.s32 $0x20000, s0;
	s2 =	sand.u32 $0x1, s2;
	s15 =	smul.u32 $0x2800, s15  }
0x6: {  	s5 =	sadd.s32 $0x16000, s0;
	s8 =	sadd.s32 $0x1E00, s0;
	s14 =	smul.u32 $0x28000, s2  }
0x7: {  	s0 =	sadd.s32 $0x34000, s0;
	s6 =	ssub.s32 $0x2, s2;
	s2 =	smul.u32 $0xA0000, s2  }
0x8: {  	s9 =	sshrl.u32 s6, $0x1;
	s10 =	sadd.s32 $0x4000, s7;
	s11 =	sadd.s32 $0x6000, s7  }
0x9: {  	s12 =	sadd.s32 $0x8000, s7;
	s13 =	sshrl.u32 s7, $0x3;
	s6 =	ssub.s32 s6, s9  }
0xa: {  	s9 =	sadd.s32 $0x2000, s7;
	s13 =	sadd.s32 s4, s13;
	s22 =	sshrl.u32 s10, $0x3  }
0xb: {  	s16 =	sshrl.u32 s11, $0x3;
	s17 =	sshrl.u32 s12, $0x3;
	s24 =	sadd.s32 s15, s14  }
0xc: {  	s25 =	sadd.s32 s7, s2;
	s18 =	sadd.s32 s2, s10;
	s19 =	sadd.s32 s2, s11  }
0xd: {  	s29 =	sadd.s32 s11, s1;
	s31 =	sadd.s32 s12, s1;
	[dreg:$0x5] =	wrdreg s13  }
0xe: {  	s21 =	sshrl.u32 s9, $0x3;
	s23 =	sadd.s32 s4, s16;
	s26 =	sadd.s32 s2, s9  }
0xf: {  	s28 =	sshrl.u32 s24, $0x3;
	s13 =	sadd.s32 s4, s21;
	[dreg:$0x8] =	wrdreg s23  }
0x10: {  	s2 =	sadd.s32 s2, s12;
	s30 =	sadd.s32 s5, s28;
	[dreg:$0x6] =	wrdreg s13  }
0x11: {  	s14 =	sshrl.u32 s26, $0x3;
	s21 =	sadd.s32 s8, s28;
	[dreg:$0xa] =	wrdreg s30  }
0x12: {  	s2 =	sshrl.u32 s2, $0x3;
	s13 =	sadd.s32 s4, s22;
	[dreg:$0x10] =	wrdreg s21  }
0x13: {  	s23 =	sor.u32 $0x200, s24;
	s4 =	sadd.s32 s4, s17;
	[dreg:$0x7] =	wrdreg s13  }
0x14: {  	s17 =	sadd.s32 s0, s14;
	s14 =	sshrl.u32 s19, $0x3;
	[dreg:$0x9] =	wrdreg s4  }
0x15: {  	s22 =	sor.u32 $0x20, s28;
	s13 =	sshrl.u32 s25, $0x3;
	[dreg:$0xc] =	wrdreg s17  }
0x16: {  	s20 =	sadd.s32 s0, s14;
	s17 =	rddreg [dreg:$0x3];
	s24 =	sadd.s32 s5, s22  }
0x17: {  	s4 =	simm.s32 $0x3;
	s13 =	sadd.s32 s0, s13;
	[dreg:$0xe] =	wrdreg s20  }
0x18: {  	[dreg:$0x11] =	wrdreg s24;
	s25 =	sadd.s32 s7, s17;
	s24 =	sadd.s32 s9, s1  }
0x19: {  	s26 =	sadd.s32 s9, s17;
	[dreg:$0xb] =	wrdreg s13;
	s13 =	sshrl.u32 s18, $0x3  }
0x1a: {  	s28 =	sadd.s32 s10, s17;
	s30 =	sadd.s32 s11, s17;
	s13 =	sadd.s32 s0, s13  }
0x1b: {  	s16 =	sadd.s32 s12, s17;
	s0 =	sadd.s32 s0, s2;
	[dreg:$0xd] =	wrdreg s13  }
0x1c: {  	s2 =	sshrl.u32 s23, $0x3;
	[dreg:$0xf] =	wrdreg s0;
	s0 =	sadd.s32 s8, s22  }
0x1d: {  	s20 =	sadd.s32 s2, s8;
	s21 =	sadd.s32 s2, s5;
	[dreg:$0x12] =	wrdreg s0  }
0x1e: {  	s22 =	sadd.s32 s7, s1;
	_ =	strace $0x8000004A;
	[dreg:$0x13] =	wrdreg s25  }
0x1f: {  	s2 =	smax.u32 s6, $0x1;
	s5 =	simm.s32 $0x100;
	[dreg:$0x14] =	wrdreg s26  }
0x20: {  	s6 =	simm.s32 $0x1;
	s7 =	simm.s32 $0x0;
	[dreg:$0x15] =	wrdreg s28  }
0x21: {  	s0 =	simm.s32 $0x8600;
	s26 =	sadd.s32 s10, s1;
	[dreg:$0x16] =	wrdreg s30  }
.LBB2_1:
0x22: {  	s8 =	rddreg [dreg:$0x1]  }
0x23: {  	[tilespmem:s0], [sflag:$0x3] =	stream.linear.gather [hbm4b:s8+s3], $0x2000, $0x38;
	[tilespmem:$0x1E600] =	vst v63  }
0x24: {  	_ =	swait.ge [sflag:s4], $0x2000  }
0x25: {  	[sflag:s4] =	ssyncset.done $0x0  }
0x26: {  	[sflag:s4] =	ssyncadd.s32 $0xFFFFE000  }
0x27: {  	[spmem:s22] =	stream.linear.scatter [tilespmem:s0], [sflag:$0x3], $0x2000, $0x38;
	[tilespmem:$0x1E600] =	vst v63  }
0x28: {  	_ =	swait.ge [sflag:s4], $0x2000  }
0x29: {  	[sflag:s4] =	ssyncset.done $0x0  }
0x2a: {  	[sflag:s4] =	ssyncadd.s32 $0xFFFFE000  }
0x2b: {  	[spmem:s24] =	stream.linear.scatter [tilespmem:s0], [sflag:$0x3], $0x2000, $0x38;
	[tilespmem:$0x1E600] =	vst v63  }
0x2c: {  	_ =	swait.ge [sflag:s4], $0x2000  }
0x2d: {  	[sflag:s4] =	ssyncset.done $0x0  }
0x2e: {  	[sflag:s4] =	ssyncadd.s32 $0xFFFFE000  }
0x2f: {  	[spmem:s26] =	stream.linear.scatter [tilespmem:s0], [sflag:$0x3], $0x2000, $0x38;
	[tilespmem:$0x1E600] =	vst v63  }
0x30: {  	_ =	swait.ge [sflag:s4], $0x2000  }
0x31: {  	[sflag:s4] =	ssyncset.done $0x0  }
0x32: {  	[sflag:s4] =	ssyncadd.s32 $0xFFFFE000  }
0x33: {  	[spmem:s29] =	stream.linear.scatter [tilespmem:s0], [sflag:$0x3], $0x2000, $0x38;
	[tilespmem:$0x1E600] =	vst v63  }
0x34: {  	_ =	swait.ge [sflag:s4], $0x2000  }
0x35: {  	[sflag:s4] =	ssyncset.done $0x0  }
0x36: {  	[sflag:s4] =	ssyncadd.s32 $0xFFFFE000  }
0x37: {  	[spmem:s31] =	stream.linear.scatter [tilespmem:s0], [sflag:$0x3], $0x2000, $0x38;
	[tilespmem:$0x1E600] =	vst v63  }
0x38: {  	_ =	swait.ge [sflag:s4], $0x2000  }
0x39: {  	[sflag:s4] =	ssyncset.done $0x0  }
0x3a: {  	s28 =	rddreg [dreg:$0x5];
	[sflag:s4] =	ssyncadd.s32 $0xFFFFE000  }
0x3b: {  	[tilespmem:s0], [sflag:$0x3] =	stream.linear.gather [hbm4b:s28+s3], $0x2000, $0x38;
	[tilespmem:$0x1E600] =	vst v63  }
0x3c: {  	_ =	swait.ge [sflag:s4], $0x2000  }
0x3d: {  	[sflag:s4] =	ssyncset.done $0x0  }
0x3e: {  	s30 =	rddreg [dreg:$0x13];
	[sflag:s4] =	ssyncadd.s32 $0xFFFFE000  }
0x3f: {  	[spmem:s30] =	stream.linear.scatter [tilespmem:s0], [sflag:$0x3], $0x2000, $0x38;
	[tilespmem:$0x1E600] =	vst v63  }
0x40: {  	_ =	swait.ge [sflag:s4], $0x2000  }
0x41: {  	[sflag:s4] =	ssyncset.done $0x0  }
0x42: {  	s9 =	rddreg [dreg:$0x6];
	[sflag:s4] =	ssyncadd.s32 $0xFFFFE000  }
0x43: {  	[tilespmem:s0], [sflag:$0x3] =	stream.linear.gather [hbm4b:s9+s3], $0x2000, $0x38;
	[tilespmem:$0x1E600] =	vst v63  }
0x44: {  	_ =	swait.ge [sflag:s4], $0x2000  }
0x45: {  	[sflag:s4] =	ssyncset.done $0x0  }
0x46: {  	s10 =	rddreg [dreg:$0x14];
	[sflag:s4] =	ssyncadd.s32 $0xFFFFE000  }
0x47: {  	[spmem:s10] =	stream.linear.scatter [tilespmem:s0], [sflag:$0x3], $0x2000, $0x38;
	[tilespmem:$0x1E600] =	vst v63  }
0x48: {  	_ =	swait.ge [sflag:s4], $0x2000  }
0x49: {  	[sflag:s4] =	ssyncset.done $0x0  }
0x4a: {  	s11 =	rddreg [dreg:$0x7];
	[sflag:s4] =	ssyncadd.s32 $0xFFFFE000  }
0x4b: {  	[tilespmem:s0], [sflag:$0x3] =	stream.linear.gather [hbm4b:s11+s3], $0x2000, $0x38;
	[tilespmem:$0x1E600] =	vst v63  }
0x4c: {  	_ =	swait.ge [sflag:s4], $0x2000  }
0x4d: {  	[sflag:s4] =	ssyncset.done $0x0  }
0x4e: {  	s12 =	rddreg [dreg:$0x15];
	[sflag:s4] =	ssyncadd.s32 $0xFFFFE000  }
0x4f: {  	[spmem:s12] =	stream.linear.scatter [tilespmem:s0], [sflag:$0x3], $0x2000, $0x38;
	[tilespmem:$0x1E600] =	vst v63  }
0x50: {  	_ =	swait.ge [sflag:s4], $0x2000  }
0x51: {  	[sflag:s4] =	ssyncset.done $0x0  }
0x52: {  	s13 =	rddreg [dreg:$0x8];
	[sflag:s4] =	ssyncadd.s32 $0xFFFFE000  }
0x53: {  	[tilespmem:s0], [sflag:$0x3] =	stream.linear.gather [hbm4b:s13+s3], $0x2000, $0x38;
	[tilespmem:$0x1E600] =	vst v63  }
0x54: {  	_ =	swait.ge [sflag:s4], $0x2000  }
0x55: {  	[sflag:s4] =	ssyncset.done $0x0  }
0x56: {  	s14 =	rddreg [dreg:$0x16];
	[sflag:s4] =	ssyncadd.s32 $0xFFFFE000  }
0x57: {  	[spmem:s14] =	stream.linear.scatter [tilespmem:s0], [sflag:$0x3], $0x2000, $0x38;
	[tilespmem:$0x1E600] =	vst v63  }
0x58: {  	_ =	swait.ge [sflag:s4], $0x2000  }
0x59: {  	[sflag:s4] =	ssyncset.done $0x0  }
0x5a: {  	s15 =	rddreg [dreg:$0x9];
	[sflag:s4] =	ssyncadd.s32 $0xFFFFE000  }
0x5b: {  	[tilespmem:s0], [sflag:$0x3] =	stream.linear.gather [hbm4b:s15+s3], $0x2000, $0x38;
	[tilespmem:$0x1E600] =	vst v63  }
0x5c: {  	_ =	swait.ge [sflag:s4], $0x2000  }
0x5d: {  	[sflag:s4] =	ssyncset.done $0x0  }
0x5e: {  	[sflag:s4] =	ssyncadd.s32 $0xFFFFE000  }
0x5f: {  	[spmem:s16] =	stream.linear.scatter [tilespmem:s0], [sflag:$0x3], $0x2000, $0x38;
	[tilespmem:$0x1E600] =	vst v63  }
0x60: {  	_ =	swait.ge [sflag:s4], $0x2000  }
0x61: {  	[sflag:s4] =	ssyncset.done $0x0  }
0x62: {  	p0 =	por $0x0, $0x0;
	[sflag:s4] =	ssyncadd.s32 $0xFFFFE000  }
0x63: {  	s8 =	simm.s32 $0x2;
	p1 =	por @!p0 $0x0, $0x0;
	[bflag:$0x0] =	sbarrier.arrive $0xFFFF  }
0x64: {  	p1 =	por p1, p0;
	s28 =	simm.s32 $0x400;
	s18 =	rddreg [dreg:$0xa]  }
0x65: {  	[tilespmem:s3], [sflag:$0x3] =	stream.linear.gather [hbm4b:s18+s3], $0x100, $0x38;
	[tilespmem:$0x1E600] =	vst v63  }
0x66: {  	s30 =	simm.s32 $0x600;
	s11 =	smul.u32 @!p1 $0xAB, s8;
	_ =	swait.ge [sflag:s4], $0x100  }
0x67: {  	s9 =	simm.s32 $0x300;
	s10 =	simm.s32 $0x0;
	[sflag:s4] =	ssyncset.done $0x0  }
0x68: {  	s11 =	sshrl.u32 @!p1 s11, $0x9;
	s19 =	rddreg [dreg:$0x10];
	[sflag:s4] =	ssyncadd.s32 $0xFFFFFF00  }
0x69: {  	[tilespmem:s9], [sflag:$0x3] =	stream.linear.gather [hbm4b:s19+s3], $0x100, $0x38;
	[tilespmem:$0x1E600] =	vst v63  }
0x6a: {  	s8 =	simm.s32 $0x3;
	s11 =	sand.u32 @!p1 $0x7F, s11;
	_ =	swait.ge [sflag:s4], $0x100  }
0x6b: {  	s12 =	sand.u32 $0x1, s10;
	s10 =	smul.u32 $0xAB, s10;
	[sflag:s4] =	ssyncset.done $0x0  }
0x6c: {  	s11 =	smul.u32 @!p1 $0x3, s11;
	s23 =	rddreg [dreg:$0x11];
	[sflag:s4] =	ssyncadd.s32 $0xFFFFFF00  }
0x6d: {  	[tilespmem:s5], [sflag:$0x2] =	stream.linear.gather [hbm4b:s23+s3], $0x100, $0x38;
	[tilespmem:$0x1E600] =	vst v63  }
0x6e: {  	s10 =	sshrl.u32 s10, $0x9;
	s9 =	simm.s32 $0x1;
	s25 =	rddreg [dreg:$0x12]  }
0x6f: {  	[tilespmem:s28], [sflag:$0x2] =	stream.linear.gather [hbm4b:s25+s3], $0x100, $0x38;
	[tilespmem:$0x1E600] =	vst v63  }
0x70: {  	s11 =	ssub.s32 @!p1 $0x2, s11;
	s14 =	simm.s32 @!p0 $0x2;
	s9 =	smul.u32 @!p0 $0xAB, s9  }
0x71: {  	[tilespmem:s30], [sflag:$0x1] =	stream.indirect.gather [spmem:s17], $0x40, s3, s5, $0xb8;
	[tilespmem:$0x1E600] =	vst v63  }
0x72: {  	s11 =	sand.u32 @!p1 $0xFF, s11;
	s10 =	sand.u32 $0x7F, s10;
	_ =	swait.ge @!p0 [sflag:s14], $0x100  }
0x73: {  	s13 =	sshll.u32 @!p0 s12, $0xE;
	s9 =	sshrl.u32 @!p0 s9, $0x9;
	[sflag:s14] =	ssyncset.done @!p0 $0x0  }
0x74: {  	s10 =	smul.u32 $0x3, s10;
	s9 =	sand.u32 @!p0 $0x7F, s9;
	[sflag:s14] =	ssyncadd.s32 @!p0 $0xFFFFFF00  }
0x75: {  	s11 =	sshll.u32 @!p1 s11, $0x8;
	s9 =	smul.u32 @!p0 $0x3, s9;
	_ =	swait.ge @!p0 [sflag:s14], $0x100  }
0x76: {  	s12 =	sshll.u32 s12, $0xE;
	s13 =	sxor.u32 @!p0 $0x4600, s13;
	[sflag:s14] =	ssyncset.done @!p0 $0x0  }
0x77: {  	s9 =	ssub.s32 @!p0 $0x1, s9;
	[sflag:s14] =	ssyncadd.s32 @!p0 $0xFFFFFF00;
	s14 =	simm.s32 @!p1 $0x0  }
0x78: {  	[tilespmem:s11], [sflag:$0x2] =	stream.linear.gather @!p1 [hbm4b:s21+s14], $0x100, $0x38;
	[tilespmem:$0x1E600] =	vst v63  }
0x79: {  	s10 =	ssub.s32 $0x0, s10;
	s9 =	sand.u32 @!p0 $0xFF, s9;
	s11 =	sadd.s32 @!p1 $0x300, s11  }
0x7a: {  	[tilespmem:s11], [sflag:$0x2] =	stream.linear.gather @!p1 [hbm4b:s20+s14], $0x100, $0x38;
	[tilespmem:$0x1E600] =	vst v63  }
0x7b: {  	s10 =	sand.u32 $0xFF, s10;
	s9 =	sshll.u32 @!p0 s9, $0x8;
	s11 =	simm.s32 @!p0 $0x100  }
0x7c: {  	[tilespmem:s13], [sflag:$0x1] =	stream.indirect.gather @!p0 [spmem:s17], $0x40, s9, s11, $0xb8;
	[tilespmem:$0x1E600] =	vst v63  }
0x7d: {  	s12 =	sor.u32 $0x600, s12;
	s10 =	sshll.u32 s10, $0x8;
	_ =	swait.ge [sflag:s6], $0x4000  }
0x7e: {  	s10 =	sadd.s32 $0x300, s10;
	s14 =	simm.s32 $0x4;
	[sflag:s6] =	ssyncset.done $0x0  }
0x7f: {  	s11 =	simm.s32 $0x2;
	s9 =	sadd.s32 $0x20, s21;
	[sflag:s6] =	ssyncadd.s32 $0xFFFFC000  }
0x80: {  	[spmem:s1] =	stream.indirect.scatter.add.f32 [tilespmem:s12], [sflag:$0x3], $0x40, s10, s5, $0xb8;
	[tilespmem:$0x1E600] =	vst v63  }
0x81: {  	s13 =	simm.s32 $0x1;
	p0 =	por $0x0, $0x0;
	_ =	swait.ge [sflag:s4], $0x4000  }
0x82: {  	s10 =	sadd.s32 $0x20, s20;
	s12 =	sand.u32 $0x1, s13;
	[sflag:s4] =	ssyncset.done $0x0  }
.LBB2_2:
0x83: {  	p1 =	sgt.u32 @!p0 s13, $0x25;
	s15 =	sshll.u32 @!p0 s12, $0xE  }
0x84: {  	[sflag:s4] =	ssyncadd.s32 $0xFFFFC000;
	s18 =	smov.u32 s8;
	s8 =	smov.u32 s14  }
0x85: {  	s19 =	smul.u32 @!p0 $0xAB, s11;
	p2 =	por p1, p0;
	s15 =	sxor.u32 @!p0 $0x4600, s15  }
0x86: {  	s14 =	sadd.s32 $0x1, s14;
	s23 =	sadd.s32 $0xFFFFFFFF, s8;
	s25 =	smul.u32 @!p2 $0xAB, s18  }
0x87: {  	s28 =	smul.u32 $0xAB, s13;
	p1 =	sne.s32 s14, $0x2A;
	s19 =	sshrl.u32 @!p0 s19, $0x9  }
0x88: {  	s30 =	simm.s32 @!p0 $0x2;
	s19 =	sand.u32 @!p0 $0x7F, s19;
	s25 =	sshrl.u32 @!p2 s25, $0x9  }
0x89: {  	s19 =	smul.u32 @!p0 $0x3, s19;
	_ =	swait.ge @!p0 [sflag:s30], $0x100;
	s25 =	sand.u32 @!p2 $0x7F, s25  }
0x8a: {  	s28 =	sshrl.u32 s28, $0x9;
	[sflag:s30] =	ssyncset.done @!p0 $0x0;
	s25 =	smul.u32 @!p2 $0x3, s25  }
0x8b: {  	s11 =	ssub.s32 @!p0 s11, s19;
	s19 =	sand.u32 $0x7F, s28;
	[sflag:s30] =	ssyncadd.s32 @!p0 $0xFFFFFF00  }
0x8c: {  	s11 =	sand.u32 @!p0 $0xFF, s11;
	_ =	swait.ge @!p0 [sflag:s30], $0x100;
	s18 =	ssub.s32 @!p2 s18, s25  }
0x8d: {  	s25 =	sshll.u32 @!p0 s11, $0x8;
	[sflag:s30] =	ssyncset.done @!p0 $0x0;
	s11 =	sand.u32 @!p2 $0xFF, s18  }
0x8e: {  	s18 =	simm.s32 @!p2 $0x0;
	[sflag:s30] =	ssyncadd.s32 @!p0 $0xFFFFFF00;
	s11 =	sshll.u32 @!p2 s11, $0x8  }
0x8f: {  	[tilespmem:s11], [sflag:$0x2] =	stream.linear.gather @!p2 [hbm4b:s9+s18], $0x100, $0x38;
	[tilespmem:$0x1E600] =	vst v63  }
0x90: {  	s19 =	smul.u32 $0x3, s19;
	s28 =	sadd.s32 @!p2 $0x300, s11;
	s11 =	smov.u32 s23  }
0x91: {  	[tilespmem:s28], [sflag:$0x2] =	stream.linear.gather @!p2 [hbm4b:s10+s18], $0x100, $0x38;
	[tilespmem:$0x1E600] =	vst v63  }
0x92: {  	s13 =	ssub.s32 s13, s19;
	s9 =	sadd.s32 $0x20, s9;
	s18 =	simm.s32 @!p0 $0x100  }
0x93: {  	[tilespmem:s15], [sflag:$0x1] =	stream.indirect.gather @!p0 [spmem:s17], $0x40, s25, s18, $0xb8;
	[tilespmem:$0x1E600] =	vst v63  }
0x94: {  	s12 =	sshll.u32 s12, $0xE;
	s13 =	sand.u32 $0xFF, s13;
	_ =	swait.ge [sflag:s6], $0x4000  }
.Ltmp0:
0x95: {  	s13 =	sshll.u32 s13, $0x8;
	[sflag:s6] =	ssyncset.done $0x0;
	(pc) =	sbr.rel @p1 .LBB2_2-.Ltmp0, $4  }
0x96: {  	s12 =	sor.u32 $0x600, s12;
	s13 =	sadd.s32 $0x300, s13;
	[sflag:s6] =	ssyncadd.s32 $0xFFFFC000  }
0x97: {  	[spmem:s1] =	stream.indirect.scatter.add.f32 [tilespmem:s12], [sflag:$0x3], $0x40, s13, s5, $0xb8;
	[tilespmem:$0x1E600] =	vst v63  }
0x98: {  	s10 =	sadd.s32 $0x20, s10;
	s13 =	sadd.s32 $0xFFFFFFFE, s8;
	_ =	swait.ge [sflag:s4], $0x4000  }
0x99: {  	p0 =	seq.s32 s8, $0x29;
	s12 =	sand.u32 $0x1, s13;
	[sflag:s4] =	ssyncset.done $0x0  }
0x9a: {  	p1 =	sgt.u32 @!p0 s13, $0x25  }
0x9b: {  	p1 =	por p1, p0  }
0x9c: {  	s14 =	smul.u32 @!p1 $0xAB, s8  }
0x9d: {  	[sflag:s4] =	ssyncadd.s32 $0xFFFFC000;
	s15 =	simm.s32 @!p0 $0x2  }
0x9e: {  	_ =	swait.ge @!p0 [sflag:s15], $0x100;
	s14 =	sshrl.u32 @!p1 s14, $0x9  }
0x9f: {  	[sflag:s15] =	ssyncset.done @!p0 $0x0;
	s14 =	sand.u32 @!p1 $0x7F, s14  }
0xa0: {  	[sflag:s15] =	ssyncadd.s32 @!p0 $0xFFFFFF00;
	s14 =	smul.u32 @!p1 $0x3, s14  }
0xa1: {  	_ =	swait.ge @!p0 [sflag:s15], $0x100  }
0xa2: {  	s18 =	smul.u32 @!p0 $0xAB, s11;
	[sflag:s15] =	ssyncset.done @!p0 $0x0;
	s8 =	ssub.s32 @!p1 s8, s14  }
0xa3: {  	s30 =	smul.u32 $0xAB, s13;
	[sflag:s15] =	ssyncadd.s32 @!p0 $0xFFFFFF00;
	s8 =	sand.u32 @!p1 $0xFF, s8  }
0xa4: {  	s15 =	simm.s32 @!p1 $0x0;
	s14 =	sshrl.u32 @!p0 s18, $0x9;
	s8 =	sshll.u32 @!p1 s8, $0x8  }
0xa5: {  	[tilespmem:s8], [sflag:$0x2] =	stream.linear.gather @!p1 [hbm4b:s9+s15], $0x100, $0x38;
	[tilespmem:$0x1E600] =	vst v63  }
0xa6: {  	s14 =	sand.u32 @!p0 $0x7F, s14;
	s9 =	sshrl.u32 s30, $0x9  }
0xa7: {  	s14 =	smul.u32 @!p0 $0x3, s14;
	s8 =	sadd.s32 @!p1 $0x300, s8;
	s9 =	sand.u32 $0x7F, s9  }
0xa8: {  	[tilespmem:s8], [sflag:$0x2] =	stream.linear.gather @!p1 [hbm4b:s10+s15], $0x100, $0x38;
	[tilespmem:$0x1E600] =	vst v63  }
0xa9: {  	s10 =	ssub.s32 @!p0 s11, s14;
	s9 =	smul.u32 $0x3, s9  }
0xaa: {  	s8 =	sshll.u32 @!p0 s12, $0xE;
	s11 =	simm.s32 @!p0 $0x100;
	s10 =	sand.u32 @!p0 $0xFF, s10  }
0xab: {  	s8 =	sxor.u32 @!p0 $0x4600, s8;
	s10 =	sshll.u32 @!p0 s10, $0x8;
	s15 =	ssub.s32 s13, s9  }
0xac: {  	[tilespmem:s8], [sflag:$0x1] =	stream.indirect.gather @!p0 [spmem:s17], $0x40, s10, s11, $0xb8;
	[tilespmem:$0x1E600] =	vst v63  }
0xad: {  	s8 =	sand.u32 $0xFF, s15;
	_ =	swait.ge [sflag:s6], $0x4000  }
0xae: {  	s18 =	sshll.u32 s12, $0xE;
	s8 =	sshll.u32 s8, $0x8;
	[sflag:s6] =	ssyncset.done $0x0  }
0xaf: {  	s9 =	sor.u32 $0x600, s18;
	s8 =	sadd.s32 $0x300, s8;
	[sflag:s6] =	ssyncadd.s32 $0xFFFFC000  }
0xb0: {  	[spmem:s1] =	stream.indirect.scatter.add.f32 [tilespmem:s9], [sflag:$0x3], $0x40, s8, s5, $0xb8;
	[tilespmem:$0x1E600] =	vst v63  }
0xb1: {  	_ =	swait.ge [sflag:s4], $0x4000  }
0xb2: {  	[sflag:s4] =	ssyncset.done $0x0  }
0xb3: {  	[sflag:s4] =	ssyncadd.s32 $0xFFFFC000  }
0xb4: {  	[bflag:$0x0] =	sbarrier.arrive $0xFFFF  }
0xb5: {  	[tilespmem:s0], [sflag:$0x3] =	stream.linear.gather [spmem:s22], $0x2000, $0x38;
	[tilespmem:$0x1E600] =	vst v63  }
0xb6: {  	_ =	swait.ge [sflag:s4], $0x2000  }
0xb7: {  	[sflag:s4] =	ssyncset.done $0x0  }
0xb8: {  	s19 =	rddreg [dreg:$0xb];
	[sflag:s4] =	ssyncadd.s32 $0xFFFFE000  }
0xb9: {  	[hbm4b:s19+s3] =	stream.linear.scatter [tilespmem:s0], [sflag:$0x3], $0x2000, $0x38;
	[tilespmem:$0x1E600] =	vst v63  }
0xba: {  	_ =	swait.ge [sflag:s4], $0x2000  }
0xbb: {  	[sflag:s4] =	ssyncset.done $0x0  }
0xbc: {  	[sflag:s4] =	ssyncadd.s32 $0xFFFFE000  }
0xbd: {  	[tilespmem:s0], [sflag:$0x3] =	stream.linear.gather [spmem:s24], $0x2000, $0x38;
	[tilespmem:$0x1E600] =	vst v63  }
0xbe: {  	_ =	swait.ge [sflag:s4], $0x2000  }
0xbf: {  	[sflag:s4] =	ssyncset.done $0x0  }
0xc0: {  	s23 =	rddreg [dreg:$0xc];
	[sflag:s4] =	ssyncadd.s32 $0xFFFFE000  }
0xc1: {  	[hbm4b:s23+s3] =	stream.linear.scatter [tilespmem:s0], [sflag:$0x3], $0x2000, $0x38;
	[tilespmem:$0x1E600] =	vst v63  }
0xc2: {  	_ =	swait.ge [sflag:s4], $0x2000  }
0xc3: {  	[sflag:s4] =	ssyncset.done $0x0  }
0xc4: {  	[sflag:s4] =	ssyncadd.s32 $0xFFFFE000  }
0xc5: {  	[tilespmem:s0], [sflag:$0x3] =	stream.linear.gather [spmem:s26], $0x2000, $0x38;
	[tilespmem:$0x1E600] =	vst v63  }
0xc6: {  	_ =	swait.ge [sflag:s4], $0x2000  }
0xc7: {  	[sflag:s4] =	ssyncset.done $0x0  }
0xc8: {  	s25 =	rddreg [dreg:$0xd];
	[sflag:s4] =	ssyncadd.s32 $0xFFFFE000  }
0xc9: {  	[hbm4b:s25+s3] =	stream.linear.scatter [tilespmem:s0], [sflag:$0x3], $0x2000, $0x38;
	[tilespmem:$0x1E600] =	vst v63  }
0xca: {  	_ =	swait.ge [sflag:s4], $0x2000  }
0xcb: {  	[sflag:s4] =	ssyncset.done $0x0  }
0xcc: {  	[sflag:s4] =	ssyncadd.s32 $0xFFFFE000  }
0xcd: {  	[tilespmem:s0], [sflag:$0x3] =	stream.linear.gather [spmem:s29], $0x2000, $0x38;
	[tilespmem:$0x1E600] =	vst v63  }
0xce: {  	_ =	swait.ge [sflag:s4], $0x2000  }
0xcf: {  	[sflag:s4] =	ssyncset.done $0x0  }
0xd0: {  	s28 =	rddreg [dreg:$0xe];
	[sflag:s4] =	ssyncadd.s32 $0xFFFFE000  }
0xd1: {  	[hbm4b:s28+s3] =	stream.linear.scatter [tilespmem:s0], [sflag:$0x3], $0x2000, $0x38;
	[tilespmem:$0x1E600] =	vst v63  }
0xd2: {  	_ =	swait.ge [sflag:s4], $0x2000  }
0xd3: {  	[sflag:s4] =	ssyncset.done $0x0  }
0xd4: {  	[sflag:s4] =	ssyncadd.s32 $0xFFFFE000  }
0xd5: {  	[tilespmem:s0], [sflag:$0x3] =	stream.linear.gather [spmem:s31], $0x2000, $0x38;
	[tilespmem:$0x1E600] =	vst v63  }
0xd6: {  	s7 =	sadd.s32 $0x1, s7;
	_ =	swait.ge [sflag:s4], $0x2000  }
0xd7: {  	p0 =	sne.s32 s7, s2;
	[sflag:s4] =	ssyncset.done $0x0  }
.Ltmp1:
0xd8: {  	s30 =	rddreg [dreg:$0xf];
	[sflag:s4] =	ssyncadd.s32 $0xFFFFE000;
	(pc) =	sbr.rel @p0 .LBB2_1-.Ltmp1, $4  }
0xd9: {  	[hbm4b:s30+s3] =	stream.linear.scatter [tilespmem:s0], [sflag:$0x3], $0x2000, $0x38;
	[tilespmem:$0x1E600] =	vst v63  }
0xda: {  	_ =	swait.ge [sflag:s4], $0x2000  }
0xdb: {  	[sflag:s4] =	ssyncset.done $0x0  }
0xdc: {  	[sflag:s4] =	ssyncadd.s32 $0xFFFFE000  }
0xdd: {  	_ =	sfence.sel $0x180000  }
0xde: {  	[bflag:$0x0] =	sbarrier.arrive $0xFFFF  }
0xdf: {  	_ =	strace $0x9000004A  }
0xe0: {  	s0 =	stileid.u32;
	[bflag:$0x2] =	sbarrier.arrive $0xFFFF  }
0xe1: {  	p0 =	sne.s32 s0, $0x0;
	s0 =	rddreg [dreg:$0x4]  }
0xe2: {  	s0 =	sadd.s32 @!p0 $0x100000, s0  }
0xe3: {  	[sflag:s0] =	ssyncadd.tile.s32 @!p0 $0x1;
	_ =	shalt  }
.Lfunc_end2:
_tile_overlayer_lowered:
.L_overlay_start_2:
0xe4: {  	(tag) =	ssettag $0x2  }
0xe5: {  	s0 =	rddreg [dreg:$0x0];
	s2 =	stileid.u32  }
0xe6: {  	s1 =	rddreg [dreg:$0x1];
	p0 =	sne.s32 s2, $0x0  }
0xe7: {  	s3 =	rddreg [dreg:$0x2];
	[bflag:$0x3] =	sbarrier.arrive $0xFFFF;
	s2 =	simm.s32 @!p0 $0x1C03  }
0xe8: {  	[timem:s3], [sflag:s2] =	dma.local @!p0 [hbm:s0], s1  }
0xe9: {  	s0 =	simm.s32 @!p0 $0x3  }
0xea: {  	_ =	swait.ge @!p0 [sflag:s0], s1  }
0xeb: {  	s1 =	ssub.s32 @!p0 $0x0, s1;
	[sflag:s0] =	ssyncset.done @!p0 $0x0  }
0xec: {  	[sflag:s0] =	ssyncadd.s32 @!p0 s1  }
0xed: {  	[bflag:$0x3] =	sbarrier.arrive $0xFFFF  }
0xee: {  	_ =	shalt  }

// kernel: kernel.16.cloned.1.call-start
scs
__scs_entry_jumppad:
0x0: {  	(pc) =	sbr.rel $0x88, $3  }
0x1: {  	(tag) =	ssettag $0x0;
	lr =	simm.s32 $0x1  }
0x2: {  	[smem:$0x3F97] =	sst lr;
	_ =	strace $0xD0000000  }
0x3: {  	_ = 	snop  }
0x4: {  	_ = 	snop  }
0x5: {  	_ = 	snop  }
0x6: {  	_ = 	snop  }
0x7: {  	_ = 	snop  }
__scs_overlays_trampoline_lowered:
0x8: {  	[smem:$0x3FA6] =	sst s0  }
0x9: {  	[smem:$0x3FA7] =	sst s1  }
0xa: {  	[smem:$0x3FA8] =	sst s2  }
0xb: {  	[smem:$0x3FA9] =	sst s3  }
0xc: {  	[smem:$0x3FAA] =	sst s4  }
0xd: {  	[smem:$0x3FAB] =	sst s5  }
0xe: {  	[smem:$0x3FAC] =	sst s6  }
0xf: {  	[smem:$0x3FAD] =	sst s7  }
0x10: {  	[smem:$0x3FAE] =	sst s8  }
0x11: {  	[smem:$0x3FAF] =	sst s9;
	s0 =	simm.s32 @!p0 $0x0  }
0x12: {  	s1 =	sld [smem:$0x3F95];
	s0 =	simm.s32 @p0 $0x1  }
0x13: {  	[smem:$0x3FB0] =	sst s0;
	s0 =	simm.s32 @!p1 $0x0  }
0x14: {  	s2 =	sld [smem:$0x3F94];
	s0 =	simm.s32 @p1 $0x1  }
0x15: {  	[smem:$0x3FB1] =	sst s0;
	s0 =	simm.s32 @!p2 $0x0  }
0x16: {  	s3 =	sld [smem:$0x3FDB];
	s0 =	simm.s32 @p2 $0x1  }
0x17: {  	s4 =	simm.s32 $0x1BF5;
	[smem:$0x3FB3] =	sst s0  }
0x18: {  	s0 =	sld [smem:$0x3F96];
	_ =	swait.ge [sflag:s4], $0x0  }
0x19: {  	s7 =	sld [smem:$0x3F97]  }
0x1a: {  	s8 =	sadd.s32 $0xFFFFE003, lr  }
0x1b: {  	s9 =	sadd.s32 $0xFFFFFEF7, lr;
	s5 =	simm.s32 $0xFFFFFFFF;
	p2 =	slt.u32 s8, $0xFFFFF086  }
0x1c: {  	p1 =	slt.u32 s9, $0xF7A;
	s5 =	simm.s32 @!p2 $0x0  }
0x1d: {  	s5 =	simm.s32 @p1 $0x1;
	p0 =	seq.s32 s7, s2  }
0x1e: {  	s7 =	smul.u32 @!p0 $0xF7A, s2;
	p2 =	seq.s32 @!p0 s5, $0x0  }
0x1f: {  	s9 =	smul.u32 $0xF7A, s1;
	s8 =	simm.s32 @!p0 $0x1BF5;
	p2 =	por !p2, p0  }
0x20: {  	[sflag:s8] =	ssyncset.s32 @!p0 $0xFFFFF086;
	s6 =	sadd.s32 @!p0 s3, s7;
	s7 =	simm.s32 @!p0 $0x108  }
0x21: {  	s3 =	sadd.s32 s3, s9;
	s6 =	sadd.s32 @!p0 $0x88, s6;
	s7 =	simm.s32 @p2 $0x1082  }
0x22: {  	[simem:s7], [sflag:s8] =	dma.local @!p0 [hbm:s6], $0xF7A  }
0x23: {  	s9 =	sor.u32 $0xD0000000, s2;
	s6 =	simm.s32 $0x108;
	_ =	swait.ge @!p0 [sflag:s8], $0x0  }
0x24: {  	s3 =	sadd.s32 $0x88, s3;
	s6 =	simm.s32 @!p1 $0x1082;
	[sflag:s4] =	ssyncset.s32 $0xFFFFF086  }
0x25: {  	[simem:s6], [sflag:s4] =	dma.local [hbm:s3], $0xF7A  }
0x26: {  	[smem:$0x3F97] =	sst s1;
	(tag) =	ssettag s2;
	_ =	strace s9  }
0x27: {  	s1 =	sld [smem:$0x3FA7]  }
0x28: {  	s2 =	sld [smem:$0x3FA8]  }
0x29: {  	s4 =	sld [smem:$0x3FAA]  }
0x2a: {  	p0 =	seq.s32 s5, $0x0;
	s5 =	sld [smem:$0x3FAB]  }
0x2b: {  	s6 =	sld [smem:$0x3FAC]  }
0x2c: {  	s7 =	sld [smem:$0x3FAD]  }
0x2d: {  	s3 =	simm.s32 $0x108;
	s8 =	sld [smem:$0x3FAE]  }
0x2e: {  	s3 =	simm.s32 @!p0 $0x1082;
	s9 =	sld [smem:$0x3FAF]  }
0x2f: {  	lr =	sadd.s32 s0, s3;
	s0 =	sld [smem:$0x3FA6]  }
0x30: {  	s3 =	sld [smem:$0x3FA9]  }
0x31: {  	[smem:$0x3FB2] =	sst s10  }
0x32: {  	s10 =	sld [smem:$0x3FB0];
	_ =	sdelay $0x3  }
0x33: {  	p0 =	seq.s32 s10, $0x1;
	s10 =	sld [smem:$0x3FB2];
	_ =	sdelay $0x3  }
0x34: {  	[smem:$0x3FB2] =	sst s10  }
0x35: {  	s10 =	sld [smem:$0x3FB1];
	_ =	sdelay $0x3  }
0x36: {  	p1 =	seq.s32 s10, $0x1;
	s10 =	sld [smem:$0x3FB2];
	_ =	sdelay $0x3  }
0x37: {  	[smem:$0x3FB2] =	sst s10  }
0x38: {  	s10 =	sld [smem:$0x3FB3]  }
0x39: {  	_ = 	snop;
	(pc) =	sbr.ind lr, $3  }
0x3a: {  	_ = 	snop  }
0x3b: {  	_ = 	snop  }
0x3c: {  	p2 =	seq.s32 s10, $0x1;
	s10 =	sld [smem:$0x3FB2]  }
0x3d: {  	_ =	shalt  }
0x3e: {  	_ =	shalt  }
0x3f: {  	_ =	shalt  }
0x40: {  	_ =	shalt  }
0x41: {  	_ =	shalt  }
0x42: {  	_ =	shalt  }
0x43: {  	_ =	shalt  }
0x44: {  	_ =	shalt  }
0x45: {  	_ =	shalt  }
0x46: {  	_ =	shalt  }
0x47: {  	_ =	shalt  }
0x48: {  	_ =	shalt  }
0x49: {  	_ =	shalt  }
0x4a: {  	_ =	shalt  }
0x4b: {  	_ =	shalt  }
0x4c: {  	_ =	shalt  }
0x4d: {  	_ =	shalt  }
0x4e: {  	_ =	shalt  }
0x4f: {  	_ =	shalt  }
0x50: {  	_ =	shalt  }
0x51: {  	_ =	shalt  }
0x52: {  	_ =	shalt  }
0x53: {  	_ =	shalt  }
0x54: {  	_ =	shalt  }
0x55: {  	_ =	shalt  }
0x56: {  	_ =	shalt  }
0x57: {  	_ =	shalt  }
0x58: {  	_ =	shalt  }
0x59: {  	_ =	shalt  }
0x5a: {  	_ =	shalt  }
0x5b: {  	_ =	shalt  }
0x5c: {  	_ =	shalt  }
0x5d: {  	_ =	shalt  }
0x5e: {  	_ =	shalt  }
0x5f: {  	_ =	shalt  }
0x60: {  	_ =	shalt  }
0x61: {  	_ =	shalt  }
0x62: {  	_ =	shalt  }
0x63: {  	_ =	shalt  }
0x64: {  	_ =	shalt  }
0x65: {  	_ =	shalt  }
0x66: {  	_ =	shalt  }
0x67: {  	_ =	shalt  }
0x68: {  	_ =	shalt  }
0x69: {  	_ =	shalt  }
0x6a: {  	_ =	shalt  }
0x6b: {  	_ =	shalt  }
0x6c: {  	_ =	shalt  }
0x6d: {  	_ =	shalt  }
0x6e: {  	_ =	shalt  }
0x6f: {  	_ =	shalt  }
0x70: {  	_ =	shalt  }
0x71: {  	_ =	shalt  }
0x72: {  	_ =	shalt  }
0x73: {  	_ =	shalt  }
0x74: {  	_ =	shalt  }
0x75: {  	_ =	shalt  }
0x76: {  	_ =	shalt  }
0x77: {  	_ =	shalt  }
0x78: {  	_ =	shalt  }
0x79: {  	_ =	shalt  }
0x7a: {  	_ =	shalt  }
0x7b: {  	_ =	shalt  }
0x7c: {  	_ =	shalt  }
0x7d: {  	_ =	shalt  }
0x7e: {  	_ =	shalt  }
0x7f: {  	_ =	shalt  }
0x80: {  	_ =	shalt  }
0x81: {  	_ =	shalt  }
0x82: {  	_ =	shalt  }
0x83: {  	_ =	shalt  }
0x84: {  	_ =	shalt  }
0x85: {  	_ =	shalt  }
0x86: {  	_ =	shalt  }
0x87: {  	_ =	shalt  }
.Lfunc_end0:
.L_simem_size_0:
called_computation.2_lowered:
.L_overlay_start_0:
0x88: {  	s2 =	sld [smem:$0x3FD9]  }
0x89: {  	s3 =	sld [smem:$0x3FFE];
	_ =	sdelay $0x1  }
0x8a: {  	s1 =	srdreg.scid  }
0x8b: {  	s0 =	sand.u32 $0x1, s1  }
0x8c: {  	s17 =	sshll.u32 s0, $0xA;
	s2 =	sadd.s32 s3, s2  }
0x8d: {  	s2 =	sadd.s32 s2, s17  }
0x8e: {  	[smem:$0x3FBE] =	sst s2  }
0x8f: {  	_ = 	snop  }
0x90: {  	s2 =	sld [smem:$0x3FD0];
	(tm) =	ssettm $0x1  }
0x91: {  	s18 =	sld [smem:$0x3FFB];
	_ =	sdelay $0x3  }
0x92: {  	_ =	strace s18  }
0x93: {  	s3 =	sld [smem:$0x3FFC];
	_ =	sdelay $0x3  }
0x94: {  	_ =	strace s3  }
0x95: {  	s3 =	sld [smem:$0x3FFD];
	_ =	sdelay $0x3  }
0x96: {  	_ =	strace s3  }
0x97: {  	_ =	strace $0x8FFFFFFF  }
0x98: {  	s19 =	sld [smem:$0x3FDB];
	_ =	sdelay $0x1  }
0x99: {  	s4 =	simm.s32 $_scs_section_size  }
0x9a: {  	s5 =	simm.s32 $_size__tile_overlayer_lowered;
	s6 =	simm.s32 $_tile_overlayer_lowered  }
0x9b: {  	s22 =	simm.s32 $0x1BFF;
	s21 =	sshll.u32 s6, $0x1;
	s3 =	sadd.s32 s4, s19  }
0x9c: {  	s7 =	simm.s32 $0x0;
	s20 =	sshll.u32 s5, $0x1;
	s5 =	sadd.s32 s21, s3  }
0x9d: {  	[timem:s7], [sflag:s22] =	dma.local [hbm:s5], s20  }
0x9e: {  	_ =	swait.ge [sflag:s22], s20  }
0x9f: {  	s4 =	ssub.s32 $0x0, s20;
	[sflag:s22] =	ssyncset.done $0x0  }
0xa0: {  	[sflag:s22] =	ssyncadd.s32 s4;
	_ =	sdelay $0x1  }
0xa1: {  	s23 =	simm.s32 $0x1B8B  }
0xa2: {  	_ =	swait.ge [sflag:s23], $0x1  }
0xa3: {  	[sflag:s23] =	ssyncset.done $0x0  }
0xa4: {  	s25 =	simm.s32 $0x1B8E;
	s24 =	sld [smem:$0x3FFE];
	[sflag:s23] =	ssyncadd.s32 $0xFFFFFFFF  }
0xa5: {  	s26 =	simm.s32 $execute0_lowered;
	[smem:$0x3FD2] =	sst s25  }
0xa6: {  	s5 =	sshll.u32 s26, $0x1;
	_ =	strace $0x8000004C;
	[dreg:$0x1] =	wrdreg $0xFFFFFFFF  }
0xa7: {  	s28 =	simm.s32 $_size_execute0_lowered;
	s3 =	sadd.s32 s3, s5;
	[dreg:$0x0] =	wrdreg $0x0  }
0xa8: {  	s5 =	sshll.u32 s28, $0x1;
	[dreg:$0x2] =	wrdreg s3  }
0xa9: {  	[dreg:$0x3] =	wrdreg s5  }
0xaa: {  	[dreg:$0x4] =	wrdreg $0xC0  }
0xab: {  	_ =	task [dreg:s7], $0x5FFFF  }
0xac: {  	[dreg:$0x1] =	wrdreg $0xFFFFFFFF  }
0xad: {  	[dreg:$0x0] =	wrdreg $0x60  }
0xae: {  	[dreg:$0x2] =	wrdreg s24  }
0xaf: {  	[dreg:$0x3] =	wrdreg s2  }
0xb0: {  	[dreg:$0x4] =	wrdreg $0x146000  }
0xb1: {  	[dreg:$0x5] =	wrdreg $0xA6000  }
0xb2: {  	[dreg:$0x6] =	wrdreg $0x9  }
0xb3: {  	_ =	task.clear_ibuf [dreg:s7], $0x7FFFF;
	_ =	strace $0x9000004C  }
0xb4: {  	s29 =	simm.s32 $0x9;
	_ =	strace $0x8000004E  }
0xb5: {  	_ =	swait.ge [sflag:s29], $0x1  }
0xb6: {  	[sflag:s29] =	ssyncadd.s32 $0xFFFFFFFF  }
0xb7: {  	_ =	strace $0x9000004E  }
0xb8: {  	_ =	sfence  }
0xb9: {  	s30 =	sld [smem:$0x0];
	_ =	sdelay $0x2  }
0xba: {  	s31 =	sshll.u32 s1, $0xD;
	s1 =	sshrl.u32 s1, $0x2  }
0xbb: {  	s3 =	sand.u32 $0x4000, s31;
	s1 =	sadd.s32 s1, s30  }
0xbc: {  	s0 =	sor.u32 s3, s0;
	s1 =	sshll.u32 s1, $0x11  }
0xbd: {  	s0 =	sor.u32 s1, s0  }
0xbe: {  	s0 =	sadd.s32 $0x8F2B, s0  }
0xbf: {  	[sflag:s0] =	ssyncadd.remote.s32 $0x1  }
0xc0: {  	_ =	sfence.sel $0xFFFF  }
0xc1: {  	[dreg:$0x0] =	wrdreg $0xFFFFFFFF;
	(pc) =	sbr.abs _section_cstart, $3  }
0xc2: {  	[dreg:$0x1] =	wrdreg $0xFFFFFFFF  }
0xc3: {  	_ =	task.clear_ibuf [dreg:s7], $0x2FFFF;
	_ =	strace $0x9FFFFFFF  }
0xc4: {  	(tm) =	ssettm $0x7FFFFFFF  }
0xc5: {  	_ =	shalt  }
tec
execute0_lowered:
.L_overlay_start_1:
0x0: {  	(tag) =	ssettag $0x1  }
0x1: {  	s0 =	rddreg [dreg:$0x0]  }
0x2: {  	s1 =	rddreg [dreg:$0x2]  }
0x3: {  	s3 =	simm.s32 $0x0;
	s2 =	srdreg.scid;
	s15 =	stileid.u32  }
0x4: {  	[smem:$0x7FF] =	sst s3;
	s7 =	smul.u32 $0xA000, s15  }
0x5: {  	s4 =	sadd.s32 $0x20000, s0;
	s2 =	sand.u32 $0x1, s2;
	s15 =	smul.u32 $0x2800, s15  }
0x6: {  	s5 =	sadd.s32 $0x16000, s0;
	s8 =	sadd.s32 $0x1E00, s0;
	s14 =	smul.u32 $0x28000, s2  }
0x7: {  	s0 =	sadd.s32 $0x34000, s0;
	s6 =	ssub.s32 $0x2, s2;
	s2 =	smul.u32 $0xA0000, s2  }
0x8: {  	s9 =	sshrl.u32 s6, $0x1;
	s10 =	sadd.s32 $0x4000, s7;
	s11 =	sadd.s32 $0x6000, s7  }
0x9: {  	s12 =	sadd.s32 $0x8000, s7;
	s13 =	sshrl.u32 s7, $0x3;
	s6 =	ssub.s32 s6, s9  }
0xa: {  	s9 =	sadd.s32 $0x2000, s7;
	s13 =	sadd.s32 s4, s13;
	s22 =	sshrl.u32 s10, $0x3  }
0xb: {  	s16 =	sshrl.u32 s11, $0x3;
	s17 =	sshrl.u32 s12, $0x3;
	s24 =	sadd.s32 s15, s14  }
0xc: {  	s25 =	sadd.s32 s7, s2;
	s18 =	sadd.s32 s2, s10;
	s19 =	sadd.s32 s2, s11  }
0xd: {  	s29 =	sadd.s32 s11, s1;
	s31 =	sadd.s32 s12, s1;
	[dreg:$0x5] =	wrdreg s13  }
0xe: {  	s21 =	sshrl.u32 s9, $0x3;
	s23 =	sadd.s32 s4, s16;
	s26 =	sadd.s32 s2, s9  }
0xf: {  	s28 =	sshrl.u32 s24, $0x3;
	s13 =	sadd.s32 s4, s21;
	[dreg:$0x8] =	wrdreg s23  }
0x10: {  	s2 =	sadd.s32 s2, s12;
	s30 =	sadd.s32 s5, s28;
	[dreg:$0x6] =	wrdreg s13  }
0x11: {  	s14 =	sshrl.u32 s26, $0x3;
	s21 =	sadd.s32 s8, s28;
	[dreg:$0xa] =	wrdreg s30  }
0x12: {  	s2 =	sshrl.u32 s2, $0x3;
	s13 =	sadd.s32 s4, s22;
	[dreg:$0x10] =	wrdreg s21  }
0x13: {  	s23 =	sor.u32 $0x200, s24;
	s4 =	sadd.s32 s4, s17;
	[dreg:$0x7] =	wrdreg s13  }
0x14: {  	s17 =	sadd.s32 s0, s14;
	s14 =	sshrl.u32 s19, $0x3;
	[dreg:$0x9] =	wrdreg s4  }
0x15: {  	s22 =	sor.u32 $0x20, s28;
	s13 =	sshrl.u32 s25, $0x3;
	[dreg:$0xc] =	wrdreg s17  }
0x16: {  	s20 =	sadd.s32 s0, s14;
	s17 =	rddreg [dreg:$0x3];
	s24 =	sadd.s32 s5, s22  }
0x17: {  	s4 =	simm.s32 $0x3;
	s13 =	sadd.s32 s0, s13;
	[dreg:$0xe] =	wrdreg s20  }
0x18: {  	[dreg:$0x11] =	wrdreg s24;
	s25 =	sadd.s32 s7, s17;
	s24 =	sadd.s32 s9, s1  }
0x19: {  	s26 =	sadd.s32 s9, s17;
	[dreg:$0xb] =	wrdreg s13;
	s13 =	sshrl.u32 s18, $0x3  }
0x1a: {  	s28 =	sadd.s32 s10, s17;
	s30 =	sadd.s32 s11, s17;
	s13 =	sadd.s32 s0, s13  }
0x1b: {  	s16 =	sadd.s32 s12, s17;
	s0 =	sadd.s32 s0, s2;
	[dreg:$0xd] =	wrdreg s13  }
0x1c: {  	s2 =	sshrl.u32 s23, $0x3;
	[dreg:$0xf] =	wrdreg s0;
	s0 =	sadd.s32 s8, s22  }
0x1d: {  	s20 =	sadd.s32 s2, s8;
	s21 =	sadd.s32 s2, s5;
	[dreg:$0x12] =	wrdreg s0  }
0x1e: {  	s22 =	sadd.s32 s7, s1;
	_ =	strace $0x8000004D;
	[dreg:$0x13] =	wrdreg s25  }
0x1f: {  	s2 =	smax.u32 s6, $0x1;
	s5 =	simm.s32 $0x100;
	[dreg:$0x14] =	wrdreg s26  }
0x20: {  	s6 =	simm.s32 $0x1;
	s7 =	simm.s32 $0x0;
	[dreg:$0x15] =	wrdreg s28  }
0x21: {  	s0 =	simm.s32 $0x8600;
	s26 =	sadd.s32 s10, s1;
	[dreg:$0x16] =	wrdreg s30  }
.LBB2_1:
0x22: {  	s8 =	rddreg [dreg:$0x1]  }
0x23: {  	[tilespmem:s0], [sflag:$0x3] =	stream.linear.gather [hbm4b:s8+s3], $0x2000, $0x38;
	[tilespmem:$0x1E600] =	vst v63  }
0x24: {  	_ =	swait.ge [sflag:s4], $0x2000  }
0x25: {  	[sflag:s4] =	ssyncset.done $0x0  }
0x26: {  	[sflag:s4] =	ssyncadd.s32 $0xFFFFE000  }
0x27: {  	[spmem:s22] =	stream.linear.scatter [tilespmem:s0], [sflag:$0x3], $0x2000, $0x38;
	[tilespmem:$0x1E600] =	vst v63  }
0x28: {  	_ =	swait.ge [sflag:s4], $0x2000  }
0x29: {  	[sflag:s4] =	ssyncset.done $0x0  }
0x2a: {  	[sflag:s4] =	ssyncadd.s32 $0xFFFFE000  }
0x2b: {  	[spmem:s24] =	stream.linear.scatter [tilespmem:s0], [sflag:$0x3], $0x2000, $0x38;
	[tilespmem:$0x1E600] =	vst v63  }
0x2c: {  	_ =	swait.ge [sflag:s4], $0x2000  }
0x2d: {  	[sflag:s4] =	ssyncset.done $0x0  }
0x2e: {  	[sflag:s4] =	ssyncadd.s32 $0xFFFFE000  }
0x2f: {  	[spmem:s26] =	stream.linear.scatter [tilespmem:s0], [sflag:$0x3], $0x2000, $0x38;
	[tilespmem:$0x1E600] =	vst v63  }
0x30: {  	_ =	swait.ge [sflag:s4], $0x2000  }
0x31: {  	[sflag:s4] =	ssyncset.done $0x0  }
0x32: {  	[sflag:s4] =	ssyncadd.s32 $0xFFFFE000  }
0x33: {  	[spmem:s29] =	stream.linear.scatter [tilespmem:s0], [sflag:$0x3], $0x2000, $0x38;
	[tilespmem:$0x1E600] =	vst v63  }
0x34: {  	_ =	swait.ge [sflag:s4], $0x2000  }
0x35: {  	[sflag:s4] =	ssyncset.done $0x0  }
0x36: {  	[sflag:s4] =	ssyncadd.s32 $0xFFFFE000  }
0x37: {  	[spmem:s31] =	stream.linear.scatter [tilespmem:s0], [sflag:$0x3], $0x2000, $0x38;
	[tilespmem:$0x1E600] =	vst v63  }
0x38: {  	_ =	swait.ge [sflag:s4], $0x2000  }
0x39: {  	[sflag:s4] =	ssyncset.done $0x0  }
0x3a: {  	s28 =	rddreg [dreg:$0x5];
	[sflag:s4] =	ssyncadd.s32 $0xFFFFE000  }
0x3b: {  	[tilespmem:s0], [sflag:$0x3] =	stream.linear.gather [hbm4b:s28+s3], $0x2000, $0x38;
	[tilespmem:$0x1E600] =	vst v63  }
0x3c: {  	_ =	swait.ge [sflag:s4], $0x2000  }
0x3d: {  	[sflag:s4] =	ssyncset.done $0x0  }
0x3e: {  	s30 =	rddreg [dreg:$0x13];
	[sflag:s4] =	ssyncadd.s32 $0xFFFFE000  }
0x3f: {  	[spmem:s30] =	stream.linear.scatter [tilespmem:s0], [sflag:$0x3], $0x2000, $0x38;
	[tilespmem:$0x1E600] =	vst v63  }
0x40: {  	_ =	swait.ge [sflag:s4], $0x2000  }
0x41: {  	[sflag:s4] =	ssyncset.done $0x0  }
0x42: {  	s9 =	rddreg [dreg:$0x6];
	[sflag:s4] =	ssyncadd.s32 $0xFFFFE000  }
0x43: {  	[tilespmem:s0], [sflag:$0x3] =	stream.linear.gather [hbm4b:s9+s3], $0x2000, $0x38;
	[tilespmem:$0x1E600] =	vst v63  }
0x44: {  	_ =	swait.ge [sflag:s4], $0x2000  }
0x45: {  	[sflag:s4] =	ssyncset.done $0x0  }
0x46: {  	s10 =	rddreg [dreg:$0x14];
	[sflag:s4] =	ssyncadd.s32 $0xFFFFE000  }
0x47: {  	[spmem:s10] =	stream.linear.scatter [tilespmem:s0], [sflag:$0x3], $0x2000, $0x38;
	[tilespmem:$0x1E600] =	vst v63  }
0x48: {  	_ =	swait.ge [sflag:s4], $0x2000  }
0x49: {  	[sflag:s4] =	ssyncset.done $0x0  }
0x4a: {  	s11 =	rddreg [dreg:$0x7];
	[sflag:s4] =	ssyncadd.s32 $0xFFFFE000  }
0x4b: {  	[tilespmem:s0], [sflag:$0x3] =	stream.linear.gather [hbm4b:s11+s3], $0x2000, $0x38;
	[tilespmem:$0x1E600] =	vst v63  }
0x4c: {  	_ =	swait.ge [sflag:s4], $0x2000  }
0x4d: {  	[sflag:s4] =	ssyncset.done $0x0  }
0x4e: {  	s12 =	rddreg [dreg:$0x15];
	[sflag:s4] =	ssyncadd.s32 $0xFFFFE000  }
0x4f: {  	[spmem:s12] =	stream.linear.scatter [tilespmem:s0], [sflag:$0x3], $0x2000, $0x38;
	[tilespmem:$0x1E600] =	vst v63  }
0x50: {  	_ =	swait.ge [sflag:s4], $0x2000  }
0x51: {  	[sflag:s4] =	ssyncset.done $0x0  }
0x52: {  	s13 =	rddreg [dreg:$0x8];
	[sflag:s4] =	ssyncadd.s32 $0xFFFFE000  }
0x53: {  	[tilespmem:s0], [sflag:$0x3] =	stream.linear.gather [hbm4b:s13+s3], $0x2000, $0x38;
	[tilespmem:$0x1E600] =	vst v63  }
0x54: {  	_ =	swait.ge [sflag:s4], $0x2000  }
0x55: {  	[sflag:s4] =	ssyncset.done $0x0  }
0x56: {  	s14 =	rddreg [dreg:$0x16];
	[sflag:s4] =	ssyncadd.s32 $0xFFFFE000  }
0x57: {  	[spmem:s14] =	stream.linear.scatter [tilespmem:s0], [sflag:$0x3], $0x2000, $0x38;
	[tilespmem:$0x1E600] =	vst v63  }
0x58: {  	_ =	swait.ge [sflag:s4], $0x2000  }
0x59: {  	[sflag:s4] =	ssyncset.done $0x0  }
0x5a: {  	s15 =	rddreg [dreg:$0x9];
	[sflag:s4] =	ssyncadd.s32 $0xFFFFE000  }
0x5b: {  	[tilespmem:s0], [sflag:$0x3] =	stream.linear.gather [hbm4b:s15+s3], $0x2000, $0x38;
	[tilespmem:$0x1E600] =	vst v63  }
0x5c: {  	_ =	swait.ge [sflag:s4], $0x2000  }
0x5d: {  	[sflag:s4] =	ssyncset.done $0x0  }
0x5e: {  	[sflag:s4] =	ssyncadd.s32 $0xFFFFE000  }
0x5f: {  	[spmem:s16] =	stream.linear.scatter [tilespmem:s0], [sflag:$0x3], $0x2000, $0x38;
	[tilespmem:$0x1E600] =	vst v63  }
0x60: {  	_ =	swait.ge [sflag:s4], $0x2000  }
0x61: {  	[sflag:s4] =	ssyncset.done $0x0  }
0x62: {  	p0 =	por $0x0, $0x0;
	[sflag:s4] =	ssyncadd.s32 $0xFFFFE000  }
0x63: {  	s8 =	simm.s32 $0x2;
	p1 =	por @!p0 $0x0, $0x0;
	[bflag:$0x0] =	sbarrier.arrive $0xFFFF  }
0x64: {  	p1 =	por p1, p0;
	s28 =	simm.s32 $0x400;
	s18 =	rddreg [dreg:$0xa]  }
0x65: {  	[tilespmem:s3], [sflag:$0x3] =	stream.linear.gather [hbm4b:s18+s3], $0x100, $0x38;
	[tilespmem:$0x1E600] =	vst v63  }
0x66: {  	s30 =	simm.s32 $0x600;
	s11 =	smul.u32 @!p1 $0xAB, s8;
	_ =	swait.ge [sflag:s4], $0x100  }
0x67: {  	s9 =	simm.s32 $0x300;
	s10 =	simm.s32 $0x0;
	[sflag:s4] =	ssyncset.done $0x0  }
0x68: {  	s11 =	sshrl.u32 @!p1 s11, $0x9;
	s19 =	rddreg [dreg:$0x10];
	[sflag:s4] =	ssyncadd.s32 $0xFFFFFF00  }
0x69: {  	[tilespmem:s9], [sflag:$0x3] =	stream.linear.gather [hbm4b:s19+s3], $0x100, $0x38;
	[tilespmem:$0x1E600] =	vst v63  }
0x6a: {  	s8 =	simm.s32 $0x3;
	s11 =	sand.u32 @!p1 $0x7F, s11;
	_ =	swait.ge [sflag:s4], $0x100  }
0x6b: {  	s12 =	sand.u32 $0x1, s10;
	s10 =	smul.u32 $0xAB, s10;
	[sflag:s4] =	ssyncset.done $0x0  }
0x6c: {  	s11 =	smul.u32 @!p1 $0x3, s11;
	s23 =	rddreg [dreg:$0x11];
	[sflag:s4] =	ssyncadd.s32 $0xFFFFFF00  }
0x6d: {  	[tilespmem:s5], [sflag:$0x2] =	stream.linear.gather [hbm4b:s23+s3], $0x100, $0x38;
	[tilespmem:$0x1E600] =	vst v63  }
0x6e: {  	s10 =	sshrl.u32 s10, $0x9;
	s9 =	simm.s32 $0x1;
	s25 =	rddreg [dreg:$0x12]  }
0x6f: {  	[tilespmem:s28], [sflag:$0x2] =	stream.linear.gather [hbm4b:s25+s3], $0x100, $0x38;
	[tilespmem:$0x1E600] =	vst v63  }
0x70: {  	s11 =	ssub.s32 @!p1 $0x2, s11;
	s14 =	simm.s32 @!p0 $0x2;
	s9 =	smul.u32 @!p0 $0xAB, s9  }
0x71: {  	[tilespmem:s30], [sflag:$0x1] =	stream.indirect.gather [spmem:s17], $0x40, s3, s5, $0xb8;
	[tilespmem:$0x1E600] =	vst v63  }
0x72: {  	s11 =	sand.u32 @!p1 $0xFF, s11;
	s10 =	sand.u32 $0x7F, s10;
	_ =	swait.ge @!p0 [sflag:s14], $0x100  }
0x73: {  	s13 =	sshll.u32 @!p0 s12, $0xE;
	s9 =	sshrl.u32 @!p0 s9, $0x9;
	[sflag:s14] =	ssyncset.done @!p0 $0x0  }
0x74: {  	s10 =	smul.u32 $0x3, s10;
	s9 =	sand.u32 @!p0 $0x7F, s9;
	[sflag:s14] =	ssyncadd.s32 @!p0 $0xFFFFFF00  }
0x75: {  	s11 =	sshll.u32 @!p1 s11, $0x8;
	s9 =	smul.u32 @!p0 $0x3, s9;
	_ =	swait.ge @!p0 [sflag:s14], $0x100  }
0x76: {  	s12 =	sshll.u32 s12, $0xE;
	s13 =	sxor.u32 @!p0 $0x4600, s13;
	[sflag:s14] =	ssyncset.done @!p0 $0x0  }
0x77: {  	s9 =	ssub.s32 @!p0 $0x1, s9;
	[sflag:s14] =	ssyncadd.s32 @!p0 $0xFFFFFF00;
	s14 =	simm.s32 @!p1 $0x0  }
0x78: {  	[tilespmem:s11], [sflag:$0x2] =	stream.linear.gather @!p1 [hbm4b:s21+s14], $0x100, $0x38;
	[tilespmem:$0x1E600] =	vst v63  }
0x79: {  	s10 =	ssub.s32 $0x0, s10;
	s9 =	sand.u32 @!p0 $0xFF, s9;
	s11 =	sadd.s32 @!p1 $0x300, s11  }
0x7a: {  	[tilespmem:s11], [sflag:$0x2] =	stream.linear.gather @!p1 [hbm4b:s20+s14], $0x100, $0x38;
	[tilespmem:$0x1E600] =	vst v63  }
0x7b: {  	s10 =	sand.u32 $0xFF, s10;
	s9 =	sshll.u32 @!p0 s9, $0x8;
	s11 =	simm.s32 @!p0 $0x100  }
0x7c: {  	[tilespmem:s13], [sflag:$0x1] =	stream.indirect.gather @!p0 [spmem:s17], $0x40, s9, s11, $0xb8;
	[tilespmem:$0x1E600] =	vst v63  }
0x7d: {  	s12 =	sor.u32 $0x600, s12;
	s10 =	sshll.u32 s10, $0x8;
	_ =	swait.ge [sflag:s6], $0x4000  }
0x7e: {  	s10 =	sadd.s32 $0x300, s10;
	s14 =	simm.s32 $0x4;
	[sflag:s6] =	ssyncset.done $0x0  }
0x7f: {  	s11 =	simm.s32 $0x2;
	s9 =	sadd.s32 $0x20, s21;
	[sflag:s6] =	ssyncadd.s32 $0xFFFFC000  }
0x80: {  	[spmem:s1] =	stream.indirect.scatter.add.f32 [tilespmem:s12], [sflag:$0x3], $0x40, s10, s5, $0xb8;
	[tilespmem:$0x1E600] =	vst v63  }
0x81: {  	s13 =	simm.s32 $0x1;
	p0 =	por $0x0, $0x0;
	_ =	swait.ge [sflag:s4], $0x4000  }
0x82: {  	s10 =	sadd.s32 $0x20, s20;
	s12 =	sand.u32 $0x1, s13;
	[sflag:s4] =	ssyncset.done $0x0  }
.LBB2_2:
0x83: {  	p1 =	sgt.u32 @!p0 s13, $0x25;
	s15 =	sshll.u32 @!p0 s12, $0xE  }
0x84: {  	[sflag:s4] =	ssyncadd.s32 $0xFFFFC000;
	s18 =	smov.u32 s8;
	s8 =	smov.u32 s14  }
0x85: {  	s19 =	smul.u32 @!p0 $0xAB, s11;
	p2 =	por p1, p0;
	s15 =	sxor.u32 @!p0 $0x4600, s15  }
0x86: {  	s14 =	sadd.s32 $0x1, s14;
	s23 =	sadd.s32 $0xFFFFFFFF, s8;
	s25 =	smul.u32 @!p2 $0xAB, s18  }
0x87: {  	s28 =	smul.u32 $0xAB, s13;
	p1 =	sne.s32 s14, $0x2A;
	s19 =	sshrl.u32 @!p0 s19, $0x9  }
0x88: {  	s30 =	simm.s32 @!p0 $0x2;
	s19 =	sand.u32 @!p0 $0x7F, s19;
	s25 =	sshrl.u32 @!p2 s25, $0x9  }
0x89: {  	s19 =	smul.u32 @!p0 $0x3, s19;
	_ =	swait.ge @!p0 [sflag:s30], $0x100;
	s25 =	sand.u32 @!p2 $0x7F, s25  }
0x8a: {  	s28 =	sshrl.u32 s28, $0x9;
	[sflag:s30] =	ssyncset.done @!p0 $0x0;
	s25 =	smul.u32 @!p2 $0x3, s25  }
0x8b: {  	s11 =	ssub.s32 @!p0 s11, s19;
	s19 =	sand.u32 $0x7F, s28;
	[sflag:s30] =	ssyncadd.s32 @!p0 $0xFFFFFF00  }
0x8c: {  	s11 =	sand.u32 @!p0 $0xFF, s11;
	_ =	swait.ge @!p0 [sflag:s30], $0x100;
	s18 =	ssub.s32 @!p2 s18, s25  }
0x8d: {  	s25 =	sshll.u32 @!p0 s11, $0x8;
	[sflag:s30] =	ssyncset.done @!p0 $0x0;
	s11 =	sand.u32 @!p2 $0xFF, s18  }
0x8e: {  	s18 =	simm.s32 @!p2 $0x0;
	[sflag:s30] =	ssyncadd.s32 @!p0 $0xFFFFFF00;
	s11 =	sshll.u32 @!p2 s11, $0x8  }
0x8f: {  	[tilespmem:s11], [sflag:$0x2] =	stream.linear.gather @!p2 [hbm4b:s9+s18], $0x100, $0x38;
	[tilespmem:$0x1E600] =	vst v63  }
0x90: {  	s19 =	smul.u32 $0x3, s19;
	s28 =	sadd.s32 @!p2 $0x300, s11;
	s11 =	smov.u32 s23  }
0x91: {  	[tilespmem:s28], [sflag:$0x2] =	stream.linear.gather @!p2 [hbm4b:s10+s18], $0x100, $0x38;
	[tilespmem:$0x1E600] =	vst v63  }
0x92: {  	s13 =	ssub.s32 s13, s19;
	s9 =	sadd.s32 $0x20, s9;
	s18 =	simm.s32 @!p0 $0x100  }
0x93: {  	[tilespmem:s15], [sflag:$0x1] =	stream.indirect.gather @!p0 [spmem:s17], $0x40, s25, s18, $0xb8;
	[tilespmem:$0x1E600] =	vst v63  }
0x94: {  	s12 =	sshll.u32 s12, $0xE;
	s13 =	sand.u32 $0xFF, s13;
	_ =	swait.ge [sflag:s6], $0x4000  }
.Ltmp0:
0x95: {  	s13 =	sshll.u32 s13, $0x8;
	[sflag:s6] =	ssyncset.done $0x0;
	(pc) =	sbr.rel @p1 .LBB2_2-.Ltmp0, $4  }
0x96: {  	s12 =	sor.u32 $0x600, s12;
	s13 =	sadd.s32 $0x300, s13;
	[sflag:s6] =	ssyncadd.s32 $0xFFFFC000  }
0x97: {  	[spmem:s1] =	stream.indirect.scatter.add.f32 [tilespmem:s12], [sflag:$0x3], $0x40, s13, s5, $0xb8;
	[tilespmem:$0x1E600] =	vst v63  }
0x98: {  	s10 =	sadd.s32 $0x20, s10;
	s13 =	sadd.s32 $0xFFFFFFFE, s8;
	_ =	swait.ge [sflag:s4], $0x4000  }
0x99: {  	p0 =	seq.s32 s8, $0x29;
	s12 =	sand.u32 $0x1, s13;
	[sflag:s4] =	ssyncset.done $0x0  }
0x9a: {  	p1 =	sgt.u32 @!p0 s13, $0x25  }
0x9b: {  	p1 =	por p1, p0  }
0x9c: {  	s14 =	smul.u32 @!p1 $0xAB, s8  }
0x9d: {  	[sflag:s4] =	ssyncadd.s32 $0xFFFFC000;
	s15 =	simm.s32 @!p0 $0x2  }
0x9e: {  	_ =	swait.ge @!p0 [sflag:s15], $0x100;
	s14 =	sshrl.u32 @!p1 s14, $0x9  }
0x9f: {  	[sflag:s15] =	ssyncset.done @!p0 $0x0;
	s14 =	sand.u32 @!p1 $0x7F, s14  }
0xa0: {  	[sflag:s15] =	ssyncadd.s32 @!p0 $0xFFFFFF00;
	s14 =	smul.u32 @!p1 $0x3, s14  }
0xa1: {  	_ =	swait.ge @!p0 [sflag:s15], $0x100  }
0xa2: {  	s18 =	smul.u32 @!p0 $0xAB, s11;
	[sflag:s15] =	ssyncset.done @!p0 $0x0;
	s8 =	ssub.s32 @!p1 s8, s14  }
0xa3: {  	s30 =	smul.u32 $0xAB, s13;
	[sflag:s15] =	ssyncadd.s32 @!p0 $0xFFFFFF00;
	s8 =	sand.u32 @!p1 $0xFF, s8  }
0xa4: {  	s15 =	simm.s32 @!p1 $0x0;
	s14 =	sshrl.u32 @!p0 s18, $0x9;
	s8 =	sshll.u32 @!p1 s8, $0x8  }
0xa5: {  	[tilespmem:s8], [sflag:$0x2] =	stream.linear.gather @!p1 [hbm4b:s9+s15], $0x100, $0x38;
	[tilespmem:$0x1E600] =	vst v63  }
0xa6: {  	s14 =	sand.u32 @!p0 $0x7F, s14;
	s9 =	sshrl.u32 s30, $0x9  }
0xa7: {  	s14 =	smul.u32 @!p0 $0x3, s14;
	s8 =	sadd.s32 @!p1 $0x300, s8;
	s9 =	sand.u32 $0x7F, s9  }
0xa8: {  	[tilespmem:s8], [sflag:$0x2] =	stream.linear.gather @!p1 [hbm4b:s10+s15], $0x100, $0x38;
	[tilespmem:$0x1E600] =	vst v63  }
0xa9: {  	s10 =	ssub.s32 @!p0 s11, s14;
	s9 =	smul.u32 $0x3, s9  }
0xaa: {  	s8 =	sshll.u32 @!p0 s12, $0xE;
	s11 =	simm.s32 @!p0 $0x100;
	s10 =	sand.u32 @!p0 $0xFF, s10  }
0xab: {  	s8 =	sxor.u32 @!p0 $0x4600, s8;
	s10 =	sshll.u32 @!p0 s10, $0x8;
	s15 =	ssub.s32 s13, s9  }
0xac: {  	[tilespmem:s8], [sflag:$0x1] =	stream.indirect.gather @!p0 [spmem:s17], $0x40, s10, s11, $0xb8;
	[tilespmem:$0x1E600] =	vst v63  }
0xad: {  	s8 =	sand.u32 $0xFF, s15;
	_ =	swait.ge [sflag:s6], $0x4000  }
0xae: {  	s18 =	sshll.u32 s12, $0xE;
	s8 =	sshll.u32 s8, $0x8;
	[sflag:s6] =	ssyncset.done $0x0  }
0xaf: {  	s9 =	sor.u32 $0x600, s18;
	s8 =	sadd.s32 $0x300, s8;
	[sflag:s6] =	ssyncadd.s32 $0xFFFFC000  }
0xb0: {  	[spmem:s1] =	stream.indirect.scatter.add.f32 [tilespmem:s9], [sflag:$0x3], $0x40, s8, s5, $0xb8;
	[tilespmem:$0x1E600] =	vst v63  }
0xb1: {  	_ =	swait.ge [sflag:s4], $0x4000  }
0xb2: {  	[sflag:s4] =	ssyncset.done $0x0  }
0xb3: {  	[sflag:s4] =	ssyncadd.s32 $0xFFFFC000  }
0xb4: {  	[bflag:$0x0] =	sbarrier.arrive $0xFFFF  }
0xb5: {  	[tilespmem:s0], [sflag:$0x3] =	stream.linear.gather [spmem:s22], $0x2000, $0x38;
	[tilespmem:$0x1E600] =	vst v63  }
0xb6: {  	_ =	swait.ge [sflag:s4], $0x2000  }
0xb7: {  	[sflag:s4] =	ssyncset.done $0x0  }
0xb8: {  	s19 =	rddreg [dreg:$0xb];
	[sflag:s4] =	ssyncadd.s32 $0xFFFFE000  }
0xb9: {  	[hbm4b:s19+s3] =	stream.linear.scatter [tilespmem:s0], [sflag:$0x3], $0x2000, $0x38;
	[tilespmem:$0x1E600] =	vst v63  }
0xba: {  	_ =	swait.ge [sflag:s4], $0x2000  }
0xbb: {  	[sflag:s4] =	ssyncset.done $0x0  }
0xbc: {  	[sflag:s4] =	ssyncadd.s32 $0xFFFFE000  }
0xbd: {  	[tilespmem:s0], [sflag:$0x3] =	stream.linear.gather [spmem:s24], $0x2000, $0x38;
	[tilespmem:$0x1E600] =	vst v63  }
0xbe: {  	_ =	swait.ge [sflag:s4], $0x2000  }
0xbf: {  	[sflag:s4] =	ssyncset.done $0x0  }
0xc0: {  	s23 =	rddreg [dreg:$0xc];
	[sflag:s4] =	ssyncadd.s32 $0xFFFFE000  }
0xc1: {  	[hbm4b:s23+s3] =	stream.linear.scatter [tilespmem:s0], [sflag:$0x3], $0x2000, $0x38;
	[tilespmem:$0x1E600] =	vst v63  }
0xc2: {  	_ =	swait.ge [sflag:s4], $0x2000  }
0xc3: {  	[sflag:s4] =	ssyncset.done $0x0  }
0xc4: {  	[sflag:s4] =	ssyncadd.s32 $0xFFFFE000  }
0xc5: {  	[tilespmem:s0], [sflag:$0x3] =	stream.linear.gather [spmem:s26], $0x2000, $0x38;
	[tilespmem:$0x1E600] =	vst v63  }
0xc6: {  	_ =	swait.ge [sflag:s4], $0x2000  }
0xc7: {  	[sflag:s4] =	ssyncset.done $0x0  }
0xc8: {  	s25 =	rddreg [dreg:$0xd];
	[sflag:s4] =	ssyncadd.s32 $0xFFFFE000  }
0xc9: {  	[hbm4b:s25+s3] =	stream.linear.scatter [tilespmem:s0], [sflag:$0x3], $0x2000, $0x38;
	[tilespmem:$0x1E600] =	vst v63  }
0xca: {  	_ =	swait.ge [sflag:s4], $0x2000  }
0xcb: {  	[sflag:s4] =	ssyncset.done $0x0  }
0xcc: {  	[sflag:s4] =	ssyncadd.s32 $0xFFFFE000  }
0xcd: {  	[tilespmem:s0], [sflag:$0x3] =	stream.linear.gather [spmem:s29], $0x2000, $0x38;
	[tilespmem:$0x1E600] =	vst v63  }
0xce: {  	_ =	swait.ge [sflag:s4], $0x2000  }
0xcf: {  	[sflag:s4] =	ssyncset.done $0x0  }
0xd0: {  	s28 =	rddreg [dreg:$0xe];
	[sflag:s4] =	ssyncadd.s32 $0xFFFFE000  }
0xd1: {  	[hbm4b:s28+s3] =	stream.linear.scatter [tilespmem:s0], [sflag:$0x3], $0x2000, $0x38;
	[tilespmem:$0x1E600] =	vst v63  }
0xd2: {  	_ =	swait.ge [sflag:s4], $0x2000  }
0xd3: {  	[sflag:s4] =	ssyncset.done $0x0  }
0xd4: {  	[sflag:s4] =	ssyncadd.s32 $0xFFFFE000  }
0xd5: {  	[tilespmem:s0], [sflag:$0x3] =	stream.linear.gather [spmem:s31], $0x2000, $0x38;
	[tilespmem:$0x1E600] =	vst v63  }
0xd6: {  	s7 =	sadd.s32 $0x1, s7;
	_ =	swait.ge [sflag:s4], $0x2000  }
0xd7: {  	p0 =	sne.s32 s7, s2;
	[sflag:s4] =	ssyncset.done $0x0  }
.Ltmp1:
0xd8: {  	s30 =	rddreg [dreg:$0xf];
	[sflag:s4] =	ssyncadd.s32 $0xFFFFE000;
	(pc) =	sbr.rel @p0 .LBB2_1-.Ltmp1, $4  }
0xd9: {  	[hbm4b:s30+s3] =	stream.linear.scatter [tilespmem:s0], [sflag:$0x3], $0x2000, $0x38;
	[tilespmem:$0x1E600] =	vst v63  }
0xda: {  	_ =	swait.ge [sflag:s4], $0x2000  }
0xdb: {  	[sflag:s4] =	ssyncset.done $0x0  }
0xdc: {  	[sflag:s4] =	ssyncadd.s32 $0xFFFFE000  }
0xdd: {  	_ =	sfence.sel $0x180000  }
0xde: {  	[bflag:$0x0] =	sbarrier.arrive $0xFFFF  }
0xdf: {  	_ =	strace $0x9000004D  }
0xe0: {  	s0 =	stileid.u32;
	[bflag:$0x2] =	sbarrier.arrive $0xFFFF  }
0xe1: {  	p0 =	sne.s32 s0, $0x0;
	s0 =	rddreg [dreg:$0x4]  }
0xe2: {  	s0 =	sadd.s32 @!p0 $0x100000, s0  }
0xe3: {  	[sflag:s0] =	ssyncadd.tile.s32 @!p0 $0x1;
	_ =	shalt  }
.Lfunc_end2:
_tile_overlayer_lowered:
.L_overlay_start_2:
0xe4: {  	(tag) =	ssettag $0x2  }
0xe5: {  	s0 =	rddreg [dreg:$0x0];
	s2 =	stileid.u32  }
0xe6: {  	s1 =	rddreg [dreg:$0x1];
	p0 =	sne.s32 s2, $0x0  }
0xe7: {  	s3 =	rddreg [dreg:$0x2];
	[bflag:$0x3] =	sbarrier.arrive $0xFFFF;
	s2 =	simm.s32 @!p0 $0x1C03  }
0xe8: {  	[timem:s3], [sflag:s2] =	dma.local @!p0 [hbm:s0], s1  }
0xe9: {  	s0 =	simm.s32 @!p0 $0x3  }
0xea: {  	_ =	swait.ge @!p0 [sflag:s0], s1  }
0xeb: {  	s1 =	ssub.s32 @!p0 $0x0, s1;
	[sflag:s0] =	ssyncset.done @!p0 $0x0  }
0xec: {  	[sflag:s0] =	ssyncadd.s32 @!p0 s1  }
0xed: {  	[bflag:$0x3] =	sbarrier.arrive $0xFFFF  }
0xee: {  	_ =	shalt  }

// kernel: kernel.19.cloned.1.call-start
scs
__scs_entry_jumppad:
0x0: {  	(pc) =	sbr.rel $0x88, $3  }
0x1: {  	(tag) =	ssettag $0x0;
	lr =	simm.s32 $0x1  }
0x2: {  	[smem:$0x3F97] =	sst lr;
	_ =	strace $0xD0000000  }
0x3: {  	_ = 	snop  }
0x4: {  	_ = 	snop  }
0x5: {  	_ = 	snop  }
0x6: {  	_ = 	snop  }
0x7: {  	_ = 	snop  }
__scs_overlays_trampoline_lowered:
0x8: {  	[smem:$0x3FA6] =	sst s0  }
0x9: {  	[smem:$0x3FA7] =	sst s1  }
0xa: {  	[smem:$0x3FA8] =	sst s2  }
0xb: {  	[smem:$0x3FA9] =	sst s3  }
0xc: {  	[smem:$0x3FAA] =	sst s4  }
0xd: {  	[smem:$0x3FAB] =	sst s5  }
0xe: {  	[smem:$0x3FAC] =	sst s6  }
0xf: {  	[smem:$0x3FAD] =	sst s7  }
0x10: {  	[smem:$0x3FAE] =	sst s8  }
0x11: {  	[smem:$0x3FAF] =	sst s9;
	s0 =	simm.s32 @!p0 $0x0  }
0x12: {  	s1 =	sld [smem:$0x3F95];
	s0 =	simm.s32 @p0 $0x1  }
0x13: {  	[smem:$0x3FB0] =	sst s0;
	s0 =	simm.s32 @!p1 $0x0  }
0x14: {  	s2 =	sld [smem:$0x3F94];
	s0 =	simm.s32 @p1 $0x1  }
0x15: {  	[smem:$0x3FB1] =	sst s0;
	s0 =	simm.s32 @!p2 $0x0  }
0x16: {  	s3 =	sld [smem:$0x3FDB];
	s0 =	simm.s32 @p2 $0x1  }
0x17: {  	s4 =	simm.s32 $0x1BF5;
	[smem:$0x3FB3] =	sst s0  }
0x18: {  	s0 =	sld [smem:$0x3F96];
	_ =	swait.ge [sflag:s4], $0x0  }
0x19: {  	s7 =	sld [smem:$0x3F97]  }
0x1a: {  	s8 =	sadd.s32 $0xFFFFE003, lr  }
0x1b: {  	s9 =	sadd.s32 $0xFFFFFEF7, lr;
	s5 =	simm.s32 $0xFFFFFFFF;
	p2 =	slt.u32 s8, $0xFFFFF086  }
0x1c: {  	p1 =	slt.u32 s9, $0xF7A;
	s5 =	simm.s32 @!p2 $0x0  }
0x1d: {  	s5 =	simm.s32 @p1 $0x1;
	p0 =	seq.s32 s7, s2  }
0x1e: {  	s7 =	smul.u32 @!p0 $0xF7A, s2;
	p2 =	seq.s32 @!p0 s5, $0x0  }
0x1f: {  	s9 =	smul.u32 $0xF7A, s1;
	s8 =	simm.s32 @!p0 $0x1BF5;
	p2 =	por !p2, p0  }
0x20: {  	[sflag:s8] =	ssyncset.s32 @!p0 $0xFFFFF086;
	s6 =	sadd.s32 @!p0 s3, s7;
	s7 =	simm.s32 @!p0 $0x108  }
0x21: {  	s3 =	sadd.s32 s3, s9;
	s6 =	sadd.s32 @!p0 $0x88, s6;
	s7 =	simm.s32 @p2 $0x1082  }
0x22: {  	[simem:s7], [sflag:s8] =	dma.local @!p0 [hbm:s6], $0xF7A  }
0x23: {  	s9 =	sor.u32 $0xD0000000, s2;
	s6 =	simm.s32 $0x108;
	_ =	swait.ge @!p0 [sflag:s8], $0x0  }
0x24: {  	s3 =	sadd.s32 $0x88, s3;
	s6 =	simm.s32 @!p1 $0x1082;
	[sflag:s4] =	ssyncset.s32 $0xFFFFF086  }
0x25: {  	[simem:s6], [sflag:s4] =	dma.local [hbm:s3], $0xF7A  }
0x26: {  	[smem:$0x3F97] =	sst s1;
	(tag) =	ssettag s2;
	_ =	strace s9  }
0x27: {  	s1 =	sld [smem:$0x3FA7]  }
0x28: {  	s2 =	sld [smem:$0x3FA8]  }
0x29: {  	s4 =	sld [smem:$0x3FAA]  }
0x2a: {  	p0 =	seq.s32 s5, $0x0;
	s5 =	sld [smem:$0x3FAB]  }
0x2b: {  	s6 =	sld [smem:$0x3FAC]  }
0x2c: {  	s7 =	sld [smem:$0x3FAD]  }
0x2d: {  	s3 =	simm.s32 $0x108;
	s8 =	sld [smem:$0x3FAE]  }
0x2e: {  	s3 =	simm.s32 @!p0 $0x1082;
	s9 =	sld [smem:$0x3FAF]  }
0x2f: {  	lr =	sadd.s32 s0, s3;
	s0 =	sld [smem:$0x3FA6]  }
0x30: {  	s3 =	sld [smem:$0x3FA9]  }
0x31: {  	[smem:$0x3FB2] =	sst s10  }
0x32: {  	s10 =	sld [smem:$0x3FB0];
	_ =	sdelay $0x3  }
0x33: {  	p0 =	seq.s32 s10, $0x1;
	s10 =	sld [smem:$0x3FB2];
	_ =	sdelay $0x3  }
0x34: {  	[smem:$0x3FB2] =	sst s10  }
0x35: {  	s10 =	sld [smem:$0x3FB1];
	_ =	sdelay $0x3  }
0x36: {  	p1 =	seq.s32 s10, $0x1;
	s10 =	sld [smem:$0x3FB2];
	_ =	sdelay $0x3  }
0x37: {  	[smem:$0x3FB2] =	sst s10  }
0x38: {  	s10 =	sld [smem:$0x3FB3]  }
0x39: {  	_ = 	snop;
	(pc) =	sbr.ind lr, $3  }
0x3a: {  	_ = 	snop  }
0x3b: {  	_ = 	snop  }
0x3c: {  	p2 =	seq.s32 s10, $0x1;
	s10 =	sld [smem:$0x3FB2]  }
0x3d: {  	_ =	shalt  }
0x3e: {  	_ =	shalt  }
0x3f: {  	_ =	shalt  }
0x40: {  	_ =	shalt  }
0x41: {  	_ =	shalt  }
0x42: {  	_ =	shalt  }
0x43: {  	_ =	shalt  }
0x44: {  	_ =	shalt  }
0x45: {  	_ =	shalt  }
0x46: {  	_ =	shalt  }
0x47: {  	_ =	shalt  }
0x48: {  	_ =	shalt  }
0x49: {  	_ =	shalt  }
0x4a: {  	_ =	shalt  }
0x4b: {  	_ =	shalt  }
0x4c: {  	_ =	shalt  }
0x4d: {  	_ =	shalt  }
0x4e: {  	_ =	shalt  }
0x4f: {  	_ =	shalt  }
0x50: {  	_ =	shalt  }
0x51: {  	_ =	shalt  }
0x52: {  	_ =	shalt  }
0x53: {  	_ =	shalt  }
0x54: {  	_ =	shalt  }
0x55: {  	_ =	shalt  }
0x56: {  	_ =	shalt  }
0x57: {  	_ =	shalt  }
0x58: {  	_ =	shalt  }
0x59: {  	_ =	shalt  }
0x5a: {  	_ =	shalt  }
0x5b: {  	_ =	shalt  }
0x5c: {  	_ =	shalt  }
0x5d: {  	_ =	shalt  }
0x5e: {  	_ =	shalt  }
0x5f: {  	_ =	shalt  }
0x60: {  	_ =	shalt  }
0x61: {  	_ =	shalt  }
0x62: {  	_ =	shalt  }
0x63: {  	_ =	shalt  }
0x64: {  	_ =	shalt  }
0x65: {  	_ =	shalt  }
0x66: {  	_ =	shalt  }
0x67: {  	_ =	shalt  }
0x68: {  	_ =	shalt  }
0x69: {  	_ =	shalt  }
0x6a: {  	_ =	shalt  }
0x6b: {  	_ =	shalt  }
0x6c: {  	_ =	shalt  }
0x6d: {  	_ =	shalt  }
0x6e: {  	_ =	shalt  }
0x6f: {  	_ =	shalt  }
0x70: {  	_ =	shalt  }
0x71: {  	_ =	shalt  }
0x72: {  	_ =	shalt  }
0x73: {  	_ =	shalt  }
0x74: {  	_ =	shalt  }
0x75: {  	_ =	shalt  }
0x76: {  	_ =	shalt  }
0x77: {  	_ =	shalt  }
0x78: {  	_ =	shalt  }
0x79: {  	_ =	shalt  }
0x7a: {  	_ =	shalt  }
0x7b: {  	_ =	shalt  }
0x7c: {  	_ =	shalt  }
0x7d: {  	_ =	shalt  }
0x7e: {  	_ =	shalt  }
0x7f: {  	_ =	shalt  }
0x80: {  	_ =	shalt  }
0x81: {  	_ =	shalt  }
0x82: {  	_ =	shalt  }
0x83: {  	_ =	shalt  }
0x84: {  	_ =	shalt  }
0x85: {  	_ =	shalt  }
0x86: {  	_ =	shalt  }
0x87: {  	_ =	shalt  }
.Lfunc_end0:
.L_simem_size_0:
called_computation.3_lowered:
.L_overlay_start_0:
0x88: {  	s2 =	sld [smem:$0x3FD9]  }
0x89: {  	s3 =	sld [smem:$0x3FFE];
	_ =	sdelay $0x1  }
0x8a: {  	s1 =	srdreg.scid  }
0x8b: {  	s0 =	sand.u32 $0x1, s1  }
0x8c: {  	s17 =	sshll.u32 s0, $0xA;
	s2 =	sadd.s32 s3, s2  }
0x8d: {  	s2 =	sadd.s32 s2, s17  }
0x8e: {  	[smem:$0x3FBE] =	sst s2  }
0x8f: {  	_ = 	snop  }
0x90: {  	s2 =	sld [smem:$0x3FD0];
	(tm) =	ssettm $0x1  }
0x91: {  	s18 =	sld [smem:$0x3FFB];
	_ =	sdelay $0x3  }
0x92: {  	_ =	strace s18  }
0x93: {  	s3 =	sld [smem:$0x3FFC];
	_ =	sdelay $0x3  }
0x94: {  	_ =	strace s3  }
0x95: {  	s3 =	sld [smem:$0x3FFD];
	_ =	sdelay $0x3  }
0x96: {  	_ =	strace s3  }
0x97: {  	_ =	strace $0x8FFFFFFF  }
0x98: {  	s19 =	sld [smem:$0x3FDB];
	_ =	sdelay $0x1  }
0x99: {  	s4 =	simm.s32 $_scs_section_size  }
0x9a: {  	s5 =	simm.s32 $_size__tile_overlayer_lowered;
	s6 =	simm.s32 $_tile_overlayer_lowered  }
0x9b: {  	s22 =	simm.s32 $0x1BFF;
	s21 =	sshll.u32 s6, $0x1;
	s3 =	sadd.s32 s4, s19  }
0x9c: {  	s7 =	simm.s32 $0x0;
	s20 =	sshll.u32 s5, $0x1;
	s5 =	sadd.s32 s21, s3  }
0x9d: {  	[timem:s7], [sflag:s22] =	dma.local [hbm:s5], s20  }
0x9e: {  	_ =	swait.ge [sflag:s22], s20  }
0x9f: {  	s4 =	ssub.s32 $0x0, s20;
	[sflag:s22] =	ssyncset.done $0x0  }
0xa0: {  	[sflag:s22] =	ssyncadd.s32 s4;
	_ =	sdelay $0x1  }
0xa1: {  	s23 =	simm.s32 $0x1B8B  }
0xa2: {  	_ =	swait.ge [sflag:s23], $0x1  }
0xa3: {  	[sflag:s23] =	ssyncset.done $0x0  }
0xa4: {  	s25 =	simm.s32 $0x1B8E;
	s24 =	sld [smem:$0x3FFE];
	[sflag:s23] =	ssyncadd.s32 $0xFFFFFFFF  }
0xa5: {  	s26 =	simm.s32 $execute0_lowered;
	[smem:$0x3FD2] =	sst s25  }
0xa6: {  	s5 =	sshll.u32 s26, $0x1;
	_ =	strace $0x8000004F;
	[dreg:$0x1] =	wrdreg $0xFFFFFFFF  }
0xa7: {  	s28 =	simm.s32 $_size_execute0_lowered;
	s3 =	sadd.s32 s3, s5;
	[dreg:$0x0] =	wrdreg $0x0  }
0xa8: {  	s5 =	sshll.u32 s28, $0x1;
	[dreg:$0x2] =	wrdreg s3  }
0xa9: {  	[dreg:$0x3] =	wrdreg s5  }
0xaa: {  	[dreg:$0x4] =	wrdreg $0xC0  }
0xab: {  	_ =	task [dreg:s7], $0x5FFFF  }
0xac: {  	[dreg:$0x1] =	wrdreg $0xFFFFFFFF  }
0xad: {  	[dreg:$0x0] =	wrdreg $0x60  }
0xae: {  	[dreg:$0x2] =	wrdreg s24  }
0xaf: {  	[dreg:$0x3] =	wrdreg s2  }
0xb0: {  	[dreg:$0x4] =	wrdreg $0xA6000  }
0xb1: {  	[dreg:$0x5] =	wrdreg $0x56000  }
0xb2: {  	[dreg:$0x6] =	wrdreg $0x9  }
0xb3: {  	_ =	task.clear_ibuf [dreg:s7], $0x7FFFF;
	_ =	strace $0x9000004F  }
0xb4: {  	s29 =	simm.s32 $0x9;
	_ =	strace $0x80000051  }
0xb5: {  	_ =	swait.ge [sflag:s29], $0x1  }
0xb6: {  	[sflag:s29] =	ssyncadd.s32 $0xFFFFFFFF  }
0xb7: {  	_ =	strace $0x90000051  }
0xb8: {  	_ =	sfence  }
0xb9: {  	s30 =	sld [smem:$0x0];
	_ =	sdelay $0x2  }
0xba: {  	s31 =	sshll.u32 s1, $0xD;
	s1 =	sshrl.u32 s1, $0x2  }
0xbb: {  	s3 =	sand.u32 $0x4000, s31;
	s1 =	sadd.s32 s1, s30  }
0xbc: {  	s0 =	sor.u32 s3, s0;
	s1 =	sshll.u32 s1, $0x11  }
0xbd: {  	s0 =	sor.u32 s1, s0  }
0xbe: {  	s0 =	sadd.s32 $0x8F2B, s0  }
0xbf: {  	[sflag:s0] =	ssyncadd.remote.s32 $0x1  }
0xc0: {  	_ =	sfence.sel $0xFFFF  }
0xc1: {  	[dreg:$0x0] =	wrdreg $0xFFFFFFFF;
	(pc) =	sbr.abs _section_cstart, $3  }
0xc2: {  	[dreg:$0x1] =	wrdreg $0xFFFFFFFF  }
0xc3: {  	_ =	task.clear_ibuf [dreg:s7], $0x2FFFF;
	_ =	strace $0x9FFFFFFF  }
0xc4: {  	(tm) =	ssettm $0x7FFFFFFF  }
0xc5: {  	_ =	shalt  }
tec
execute0_lowered:
.L_overlay_start_1:
0x0: {  	(tag) =	ssettag $0x1  }
0x1: {  	s0 =	rddreg [dreg:$0x0]  }
0x2: {  	s1 =	rddreg [dreg:$0x2]  }
0x3: {  	s3 =	simm.s32 $0x0;
	s2 =	srdreg.scid;
	s15 =	stileid.u32  }
0x4: {  	[smem:$0x7FF] =	sst s3;
	s7 =	smul.u32 $0x5000, s15  }
0x5: {  	s4 =	sadd.s32 $0xBE00, s0;
	s2 =	sand.u32 $0x1, s2;
	s15 =	smul.u32 $0x2800, s15  }
0x6: {  	s5 =	sadd.s32 $0x16000, s0;
	s8 =	sadd.s32 $0x1E00, s0;
	s14 =	smul.u32 $0x28000, s2  }
0x7: {  	s0 =	sadd.s32 $0x20000, s0;
	s6 =	ssub.s32 $0x2, s2;
	s2 =	smul.u32 $0x50000, s2  }
0x8: {  	s9 =	sshrl.u32 s6, $0x1;
	s10 =	sadd.s32 $0x2000, s7;
	s11 =	sadd.s32 $0x3000, s7  }
0x9: {  	s12 =	sadd.s32 $0x4000, s7;
	s13 =	sshrl.u32 s7, $0x3;
	s6 =	ssub.s32 s6, s9  }
0xa: {  	s9 =	sadd.s32 $0x1000, s7;
	s13 =	sadd.s32 s4, s13;
	s22 =	sshrl.u32 s10, $0x3  }
0xb: {  	s16 =	sshrl.u32 s11, $0x3;
	s17 =	sshrl.u32 s12, $0x3;
	s24 =	sadd.s32 s15, s14  }
0xc: {  	s25 =	sadd.s32 s7, s2;
	s18 =	sadd.s32 s2, s10;
	s19 =	sadd.s32 s2, s11  }
0xd: {  	s29 =	sadd.s32 s11, s1;
	s31 =	sadd.s32 s12, s1;
	[dreg:$0x5] =	wrdreg s13  }
0xe: {  	s21 =	sshrl.u32 s9, $0x3;
	s23 =	sadd.s32 s4, s16;
	s26 =	sadd.s32 s2, s9  }
0xf: {  	s28 =	sshrl.u32 s24, $0x3;
	s13 =	sadd.s32 s4, s21;
	[dreg:$0x8] =	wrdreg s23  }
0x10: {  	s2 =	sadd.s32 s2, s12;
	s30 =	sadd.s32 s5, s28;
	[dreg:$0x6] =	wrdreg s13  }
0x11: {  	s14 =	sshrl.u32 s26, $0x3;
	s21 =	sadd.s32 s8, s28;
	[dreg:$0xa] =	wrdreg s30  }
0x12: {  	s2 =	sshrl.u32 s2, $0x3;
	s13 =	sadd.s32 s4, s22;
	[dreg:$0x10] =	wrdreg s21  }
0x13: {  	s23 =	sor.u32 $0x200, s24;
	s4 =	sadd.s32 s4, s17;
	[dreg:$0x7] =	wrdreg s13  }
0x14: {  	s17 =	sadd.s32 s0, s14;
	s14 =	sshrl.u32 s19, $0x3;
	[dreg:$0x9] =	wrdreg s4  }
0x15: {  	s22 =	sor.u32 $0x20, s28;
	s13 =	sshrl.u32 s25, $0x3;
	[dreg:$0xc] =	wrdreg s17  }
0x16: {  	s20 =	sadd.s32 s0, s14;
	s17 =	rddreg [dreg:$0x3];
	s24 =	sadd.s32 s5, s22  }
0x17: {  	s4 =	simm.s32 $0x3;
	s13 =	sadd.s32 s0, s13;
	[dreg:$0xe] =	wrdreg s20  }
0x18: {  	[dreg:$0x11] =	wrdreg s24;
	s25 =	sadd.s32 s7, s17;
	s24 =	sadd.s32 s9, s1  }
0x19: {  	s26 =	sadd.s32 s9, s17;
	[dreg:$0xb] =	wrdreg s13;
	s13 =	sshrl.u32 s18, $0x3  }
0x1a: {  	s28 =	sadd.s32 s10, s17;
	s30 =	sadd.s32 s11, s17;
	s13 =	sadd.s32 s0, s13  }
0x1b: {  	s16 =	sadd.s32 s12, s17;
	s0 =	sadd.s32 s0, s2;
	[dreg:$0xd] =	wrdreg s13  }
0x1c: {  	s2 =	sshrl.u32 s23, $0x3;
	[dreg:$0xf] =	wrdreg s0;
	s0 =	sadd.s32 s8, s22  }
0x1d: {  	s20 =	sadd.s32 s2, s8;
	s21 =	sadd.s32 s2, s5;
	[dreg:$0x12] =	wrdreg s0  }
0x1e: {  	s22 =	sadd.s32 s7, s1;
	_ =	strace $0x80000050;
	[dreg:$0x13] =	wrdreg s25  }
0x1f: {  	s2 =	smax.u32 s6, $0x1;
	s5 =	simm.s32 $0x100;
	[dreg:$0x14] =	wrdreg s26  }
0x20: {  	s6 =	simm.s32 $0x1;
	s7 =	simm.s32 $0x0;
	[dreg:$0x15] =	wrdreg s28  }
0x21: {  	s0 =	simm.s32 $0x4600;
	s26 =	sadd.s32 s10, s1;
	[dreg:$0x16] =	wrdreg s30  }
.LBB2_1:
0x22: {  	s8 =	rddreg [dreg:$0x1]  }
0x23: {  	[tilespmem:s0], [sflag:$0x3] =	stream.linear.gather [hbm4b:s8+s3], $0x1000, $0x38;
	[tilespmem:$0xF600] =	vst v63  }
0x24: {  	_ =	swait.ge [sflag:s4], $0x1000  }
0x25: {  	[sflag:s4] =	ssyncset.done $0x0  }
0x26: {  	[sflag:s4] =	ssyncadd.s32 $0xFFFFF000  }
0x27: {  	[spmem:s22] =	stream.linear.scatter [tilespmem:s0], [sflag:$0x3], $0x1000, $0x38;
	[tilespmem:$0xF600] =	vst v63  }
0x28: {  	_ =	swait.ge [sflag:s4], $0x1000  }
0x29: {  	[sflag:s4] =	ssyncset.done $0x0  }
0x2a: {  	[sflag:s4] =	ssyncadd.s32 $0xFFFFF000  }
0x2b: {  	[spmem:s24] =	stream.linear.scatter [tilespmem:s0], [sflag:$0x3], $0x1000, $0x38;
	[tilespmem:$0xF600] =	vst v63  }
0x2c: {  	_ =	swait.ge [sflag:s4], $0x1000  }
0x2d: {  	[sflag:s4] =	ssyncset.done $0x0  }
0x2e: {  	[sflag:s4] =	ssyncadd.s32 $0xFFFFF000  }
0x2f: {  	[spmem:s26] =	stream.linear.scatter [tilespmem:s0], [sflag:$0x3], $0x1000, $0x38;
	[tilespmem:$0xF600] =	vst v63  }
0x30: {  	_ =	swait.ge [sflag:s4], $0x1000  }
0x31: {  	[sflag:s4] =	ssyncset.done $0x0  }
0x32: {  	[sflag:s4] =	ssyncadd.s32 $0xFFFFF000  }
0x33: {  	[spmem:s29] =	stream.linear.scatter [tilespmem:s0], [sflag:$0x3], $0x1000, $0x38;
	[tilespmem:$0xF600] =	vst v63  }
0x34: {  	_ =	swait.ge [sflag:s4], $0x1000  }
0x35: {  	[sflag:s4] =	ssyncset.done $0x0  }
0x36: {  	[sflag:s4] =	ssyncadd.s32 $0xFFFFF000  }
0x37: {  	[spmem:s31] =	stream.linear.scatter [tilespmem:s0], [sflag:$0x3], $0x1000, $0x38;
	[tilespmem:$0xF600] =	vst v63  }
0x38: {  	_ =	swait.ge [sflag:s4], $0x1000  }
0x39: {  	[sflag:s4] =	ssyncset.done $0x0  }
0x3a: {  	s28 =	rddreg [dreg:$0x5];
	[sflag:s4] =	ssyncadd.s32 $0xFFFFF000  }
0x3b: {  	[tilespmem:s0], [sflag:$0x3] =	stream.linear.gather [hbm4b:s28+s3], $0x1000, $0x38;
	[tilespmem:$0xF600] =	vst v63  }
0x3c: {  	_ =	swait.ge [sflag:s4], $0x1000  }
0x3d: {  	[sflag:s4] =	ssyncset.done $0x0  }
0x3e: {  	s30 =	rddreg [dreg:$0x13];
	[sflag:s4] =	ssyncadd.s32 $0xFFFFF000  }
0x3f: {  	[spmem:s30] =	stream.linear.scatter [tilespmem:s0], [sflag:$0x3], $0x1000, $0x38;
	[tilespmem:$0xF600] =	vst v63  }
0x40: {  	_ =	swait.ge [sflag:s4], $0x1000  }
0x41: {  	[sflag:s4] =	ssyncset.done $0x0  }
0x42: {  	s9 =	rddreg [dreg:$0x6];
	[sflag:s4] =	ssyncadd.s32 $0xFFFFF000  }
0x43: {  	[tilespmem:s0], [sflag:$0x3] =	stream.linear.gather [hbm4b:s9+s3], $0x1000, $0x38;
	[tilespmem:$0xF600] =	vst v63  }
0x44: {  	_ =	swait.ge [sflag:s4], $0x1000  }
0x45: {  	[sflag:s4] =	ssyncset.done $0x0  }
0x46: {  	s10 =	rddreg [dreg:$0x14];
	[sflag:s4] =	ssyncadd.s32 $0xFFFFF000  }
0x47: {  	[spmem:s10] =	stream.linear.scatter [tilespmem:s0], [sflag:$0x3], $0x1000, $0x38;
	[tilespmem:$0xF600] =	vst v63  }
0x48: {  	_ =	swait.ge [sflag:s4], $0x1000  }
0x49: {  	[sflag:s4] =	ssyncset.done $0x0  }
0x4a: {  	s11 =	rddreg [dreg:$0x7];
	[sflag:s4] =	ssyncadd.s32 $0xFFFFF000  }
0x4b: {  	[tilespmem:s0], [sflag:$0x3] =	stream.linear.gather [hbm4b:s11+s3], $0x1000, $0x38;
	[tilespmem:$0xF600] =	vst v63  }
0x4c: {  	_ =	swait.ge [sflag:s4], $0x1000  }
0x4d: {  	[sflag:s4] =	ssyncset.done $0x0  }
0x4e: {  	s12 =	rddreg [dreg:$0x15];
	[sflag:s4] =	ssyncadd.s32 $0xFFFFF000  }
0x4f: {  	[spmem:s12] =	stream.linear.scatter [tilespmem:s0], [sflag:$0x3], $0x1000, $0x38;
	[tilespmem:$0xF600] =	vst v63  }
0x50: {  	_ =	swait.ge [sflag:s4], $0x1000  }
0x51: {  	[sflag:s4] =	ssyncset.done $0x0  }
0x52: {  	s13 =	rddreg [dreg:$0x8];
	[sflag:s4] =	ssyncadd.s32 $0xFFFFF000  }
0x53: {  	[tilespmem:s0], [sflag:$0x3] =	stream.linear.gather [hbm4b:s13+s3], $0x1000, $0x38;
	[tilespmem:$0xF600] =	vst v63  }
0x54: {  	_ =	swait.ge [sflag:s4], $0x1000  }
0x55: {  	[sflag:s4] =	ssyncset.done $0x0  }
0x56: {  	s14 =	rddreg [dreg:$0x16];
	[sflag:s4] =	ssyncadd.s32 $0xFFFFF000  }
0x57: {  	[spmem:s14] =	stream.linear.scatter [tilespmem:s0], [sflag:$0x3], $0x1000, $0x38;
	[tilespmem:$0xF600] =	vst v63  }
0x58: {  	_ =	swait.ge [sflag:s4], $0x1000  }
0x59: {  	[sflag:s4] =	ssyncset.done $0x0  }
0x5a: {  	s15 =	rddreg [dreg:$0x9];
	[sflag:s4] =	ssyncadd.s32 $0xFFFFF000  }
0x5b: {  	[tilespmem:s0], [sflag:$0x3] =	stream.linear.gather [hbm4b:s15+s3], $0x1000, $0x38;
	[tilespmem:$0xF600] =	vst v63  }
0x5c: {  	_ =	swait.ge [sflag:s4], $0x1000  }
0x5d: {  	[sflag:s4] =	ssyncset.done $0x0  }
0x5e: {  	[sflag:s4] =	ssyncadd.s32 $0xFFFFF000  }
0x5f: {  	[spmem:s16] =	stream.linear.scatter [tilespmem:s0], [sflag:$0x3], $0x1000, $0x38;
	[tilespmem:$0xF600] =	vst v63  }
0x60: {  	_ =	swait.ge [sflag:s4], $0x1000  }
0x61: {  	[sflag:s4] =	ssyncset.done $0x0  }
0x62: {  	p0 =	por $0x0, $0x0;
	[sflag:s4] =	ssyncadd.s32 $0xFFFFF000  }
0x63: {  	s8 =	simm.s32 $0x2;
	p1 =	por @!p0 $0x0, $0x0;
	[bflag:$0x0] =	sbarrier.arrive $0xFFFF  }
0x64: {  	p1 =	por p1, p0;
	s28 =	simm.s32 $0x400;
	s18 =	rddreg [dreg:$0xa]  }
0x65: {  	[tilespmem:s3], [sflag:$0x3] =	stream.linear.gather [hbm4b:s18+s3], $0x100, $0x38;
	[tilespmem:$0xF600] =	vst v63  }
0x66: {  	s30 =	simm.s32 $0x600;
	s11 =	smul.u32 @!p1 $0xAB, s8;
	_ =	swait.ge [sflag:s4], $0x100  }
0x67: {  	s9 =	simm.s32 $0x300;
	s10 =	simm.s32 $0x0;
	[sflag:s4] =	ssyncset.done $0x0  }
0x68: {  	s11 =	sshrl.u32 @!p1 s11, $0x9;
	s19 =	rddreg [dreg:$0x10];
	[sflag:s4] =	ssyncadd.s32 $0xFFFFFF00  }
0x69: {  	[tilespmem:s9], [sflag:$0x3] =	stream.linear.gather [hbm4b:s19+s3], $0x100, $0x38;
	[tilespmem:$0xF600] =	vst v63  }
0x6a: {  	s8 =	simm.s32 $0x3;
	s11 =	sand.u32 @!p1 $0x7F, s11;
	_ =	swait.ge [sflag:s4], $0x100  }
0x6b: {  	s12 =	sand.u32 $0x1, s10;
	s10 =	smul.u32 $0xAB, s10;
	[sflag:s4] =	ssyncset.done $0x0  }
0x6c: {  	s11 =	smul.u32 @!p1 $0x3, s11;
	s23 =	rddreg [dreg:$0x11];
	[sflag:s4] =	ssyncadd.s32 $0xFFFFFF00  }
0x6d: {  	[tilespmem:s5], [sflag:$0x2] =	stream.linear.gather [hbm4b:s23+s3], $0x100, $0x38;
	[tilespmem:$0xF600] =	vst v63  }
0x6e: {  	s10 =	sshrl.u32 s10, $0x9;
	s9 =	simm.s32 $0x1;
	s25 =	rddreg [dreg:$0x12]  }
0x6f: {  	[tilespmem:s28], [sflag:$0x2] =	stream.linear.gather [hbm4b:s25+s3], $0x100, $0x38;
	[tilespmem:$0xF600] =	vst v63  }
0x70: {  	s11 =	ssub.s32 @!p1 $0x2, s11;
	s14 =	simm.s32 @!p0 $0x2;
	s9 =	smul.u32 @!p0 $0xAB, s9  }
0x71: {  	[tilespmem:s30], [sflag:$0x1] =	stream.indirect.gather [spmem:s17], $0x20, s3, s5, $0xb8;
	[tilespmem:$0xF600] =	vst v63  }
0x72: {  	s11 =	sand.u32 @!p1 $0xFF, s11;
	s10 =	sand.u32 $0x7F, s10;
	_ =	swait.ge @!p0 [sflag:s14], $0x100  }
0x73: {  	s13 =	sshll.u32 @!p0 s12, $0xD;
	s9 =	sshrl.u32 @!p0 s9, $0x9;
	[sflag:s14] =	ssyncset.done @!p0 $0x0  }
0x74: {  	s10 =	smul.u32 $0x3, s10;
	s9 =	sand.u32 @!p0 $0x7F, s9;
	[sflag:s14] =	ssyncadd.s32 @!p0 $0xFFFFFF00  }
0x75: {  	s11 =	sshll.u32 @!p1 s11, $0x8;
	s9 =	smul.u32 @!p0 $0x3, s9;
	_ =	swait.ge @!p0 [sflag:s14], $0x100  }
0x76: {  	s12 =	sshll.u32 s12, $0xD;
	s13 =	sxor.u32 @!p0 $0x2600, s13;
	[sflag:s14] =	ssyncset.done @!p0 $0x0  }
0x77: {  	s9 =	ssub.s32 @!p0 $0x1, s9;
	[sflag:s14] =	ssyncadd.s32 @!p0 $0xFFFFFF00;
	s14 =	simm.s32 @!p1 $0x0  }
0x78: {  	[tilespmem:s11], [sflag:$0x2] =	stream.linear.gather @!p1 [hbm4b:s21+s14], $0x100, $0x38;
	[tilespmem:$0xF600] =	vst v63  }
0x79: {  	s10 =	ssub.s32 $0x0, s10;
	s9 =	sand.u32 @!p0 $0xFF, s9;
	s11 =	sadd.s32 @!p1 $0x300, s11  }
0x7a: {  	[tilespmem:s11], [sflag:$0x2] =	stream.linear.gather @!p1 [hbm4b:s20+s14], $0x100, $0x38;
	[tilespmem:$0xF600] =	vst v63  }
0x7b: {  	s10 =	sand.u32 $0xFF, s10;
	s9 =	sshll.u32 @!p0 s9, $0x8;
	s11 =	simm.s32 @!p0 $0x100  }
0x7c: {  	[tilespmem:s13], [sflag:$0x1] =	stream.indirect.gather @!p0 [spmem:s17], $0x20, s9, s11, $0xb8;
	[tilespmem:$0xF600] =	vst v63  }
0x7d: {  	s12 =	sor.u32 $0x600, s12;
	s10 =	sshll.u32 s10, $0x8;
	_ =	swait.ge [sflag:s6], $0x2000  }
0x7e: {  	s10 =	sadd.s32 $0x300, s10;
	s14 =	simm.s32 $0x4;
	[sflag:s6] =	ssyncset.done $0x0  }
0x7f: {  	s11 =	simm.s32 $0x2;
	s9 =	sadd.s32 $0x20, s21;
	[sflag:s6] =	ssyncadd.s32 $0xFFFFE000  }
0x80: {  	[spmem:s1] =	stream.indirect.scatter.add.f32 [tilespmem:s12], [sflag:$0x3], $0x20, s10, s5, $0xb8;
	[tilespmem:$0xF600] =	vst v63  }
0x81: {  	s13 =	simm.s32 $0x1;
	p0 =	por $0x0, $0x0;
	_ =	swait.ge [sflag:s4], $0x2000  }
0x82: {  	s10 =	sadd.s32 $0x20, s20;
	s12 =	sand.u32 $0x1, s13;
	[sflag:s4] =	ssyncset.done $0x0  }
.LBB2_2:
0x83: {  	p1 =	sgt.u32 @!p0 s13, $0x25;
	s15 =	sshll.u32 @!p0 s12, $0xD  }
0x84: {  	[sflag:s4] =	ssyncadd.s32 $0xFFFFE000;
	s18 =	smov.u32 s8;
	s8 =	smov.u32 s14  }
0x85: {  	s19 =	smul.u32 @!p0 $0xAB, s11;
	p2 =	por p1, p0;
	s15 =	sxor.u32 @!p0 $0x2600, s15  }
0x86: {  	s14 =	sadd.s32 $0x1, s14;
	s23 =	sadd.s32 $0xFFFFFFFF, s8;
	s25 =	smul.u32 @!p2 $0xAB, s18  }
0x87: {  	s28 =	smul.u32 $0xAB, s13;
	p1 =	sne.s32 s14, $0x2A;
	s19 =	sshrl.u32 @!p0 s19, $0x9  }
0x88: {  	s30 =	simm.s32 @!p0 $0x2;
	s19 =	sand.u32 @!p0 $0x7F, s19;
	s25 =	sshrl.u32 @!p2 s25, $0x9  }
0x89: {  	s19 =	smul.u32 @!p0 $0x3, s19;
	_ =	swait.ge @!p0 [sflag:s30], $0x100;
	s25 =	sand.u32 @!p2 $0x7F, s25  }
0x8a: {  	s28 =	sshrl.u32 s28, $0x9;
	[sflag:s30] =	ssyncset.done @!p0 $0x0;
	s25 =	smul.u32 @!p2 $0x3, s25  }
0x8b: {  	s11 =	ssub.s32 @!p0 s11, s19;
	s19 =	sand.u32 $0x7F, s28;
	[sflag:s30] =	ssyncadd.s32 @!p0 $0xFFFFFF00  }
0x8c: {  	s11 =	sand.u32 @!p0 $0xFF, s11;
	_ =	swait.ge @!p0 [sflag:s30], $0x100;
	s18 =	ssub.s32 @!p2 s18, s25  }
0x8d: {  	s25 =	sshll.u32 @!p0 s11, $0x8;
	[sflag:s30] =	ssyncset.done @!p0 $0x0;
	s11 =	sand.u32 @!p2 $0xFF, s18  }
0x8e: {  	s18 =	simm.s32 @!p2 $0x0;
	[sflag:s30] =	ssyncadd.s32 @!p0 $0xFFFFFF00;
	s11 =	sshll.u32 @!p2 s11, $0x8  }
0x8f: {  	[tilespmem:s11], [sflag:$0x2] =	stream.linear.gather @!p2 [hbm4b:s9+s18], $0x100, $0x38;
	[tilespmem:$0xF600] =	vst v63  }
0x90: {  	s19 =	smul.u32 $0x3, s19;
	s28 =	sadd.s32 @!p2 $0x300, s11;
	s11 =	smov.u32 s23  }
0x91: {  	[tilespmem:s28], [sflag:$0x2] =	stream.linear.gather @!p2 [hbm4b:s10+s18], $0x100, $0x38;
	[tilespmem:$0xF600] =	vst v63  }
0x92: {  	s13 =	ssub.s32 s13, s19;
	s9 =	sadd.s32 $0x20, s9;
	s18 =	simm.s32 @!p0 $0x100  }
0x93: {  	[tilespmem:s15], [sflag:$0x1] =	stream.indirect.gather @!p0 [spmem:s17], $0x20, s25, s18, $0xb8;
	[tilespmem:$0xF600] =	vst v63  }
0x94: {  	s12 =	sshll.u32 s12, $0xD;
	s13 =	sand.u32 $0xFF, s13;
	_ =	swait.ge [sflag:s6], $0x2000  }
.Ltmp0:
0x95: {  	s13 =	sshll.u32 s13, $0x8;
	[sflag:s6] =	ssyncset.done $0x0;
	(pc) =	sbr.rel @p1 .LBB2_2-.Ltmp0, $4  }
0x96: {  	s12 =	sor.u32 $0x600, s12;
	s13 =	sadd.s32 $0x300, s13;
	[sflag:s6] =	ssyncadd.s32 $0xFFFFE000  }
0x97: {  	[spmem:s1] =	stream.indirect.scatter.add.f32 [tilespmem:s12], [sflag:$0x3], $0x20, s13, s5, $0xb8;
	[tilespmem:$0xF600] =	vst v63  }
0x98: {  	s10 =	sadd.s32 $0x20, s10;
	s13 =	sadd.s32 $0xFFFFFFFE, s8;
	_ =	swait.ge [sflag:s4], $0x2000  }
0x99: {  	p0 =	seq.s32 s8, $0x29;
	s12 =	sand.u32 $0x1, s13;
	[sflag:s4] =	ssyncset.done $0x0  }
0x9a: {  	p1 =	sgt.u32 @!p0 s13, $0x25  }
0x9b: {  	p1 =	por p1, p0  }
0x9c: {  	s14 =	smul.u32 @!p1 $0xAB, s8  }
0x9d: {  	[sflag:s4] =	ssyncadd.s32 $0xFFFFE000;
	s15 =	simm.s32 @!p0 $0x2  }
0x9e: {  	_ =	swait.ge @!p0 [sflag:s15], $0x100;
	s14 =	sshrl.u32 @!p1 s14, $0x9  }
0x9f: {  	[sflag:s15] =	ssyncset.done @!p0 $0x0;
	s14 =	sand.u32 @!p1 $0x7F, s14  }
0xa0: {  	[sflag:s15] =	ssyncadd.s32 @!p0 $0xFFFFFF00;
	s14 =	smul.u32 @!p1 $0x3, s14  }
0xa1: {  	_ =	swait.ge @!p0 [sflag:s15], $0x100  }
0xa2: {  	s18 =	smul.u32 @!p0 $0xAB, s11;
	[sflag:s15] =	ssyncset.done @!p0 $0x0;
	s8 =	ssub.s32 @!p1 s8, s14  }
0xa3: {  	s30 =	smul.u32 $0xAB, s13;
	[sflag:s15] =	ssyncadd.s32 @!p0 $0xFFFFFF00;
	s8 =	sand.u32 @!p1 $0xFF, s8  }
0xa4: {  	s15 =	simm.s32 @!p1 $0x0;
	s14 =	sshrl.u32 @!p0 s18, $0x9;
	s8 =	sshll.u32 @!p1 s8, $0x8  }
0xa5: {  	[tilespmem:s8], [sflag:$0x2] =	stream.linear.gather @!p1 [hbm4b:s9+s15], $0x100, $0x38;
	[tilespmem:$0xF600] =	vst v63  }
0xa6: {  	s14 =	sand.u32 @!p0 $0x7F, s14;
	s9 =	sshrl.u32 s30, $0x9  }
0xa7: {  	s14 =	smul.u32 @!p0 $0x3, s14;
	s8 =	sadd.s32 @!p1 $0x300, s8;
	s9 =	sand.u32 $0x7F, s9  }
0xa8: {  	[tilespmem:s8], [sflag:$0x2] =	stream.linear.gather @!p1 [hbm4b:s10+s15], $0x100, $0x38;
	[tilespmem:$0xF600] =	vst v63  }
0xa9: {  	s10 =	ssub.s32 @!p0 s11, s14;
	s9 =	smul.u32 $0x3, s9  }
0xaa: {  	s8 =	sshll.u32 @!p0 s12, $0xD;
	s11 =	simm.s32 @!p0 $0x100;
	s10 =	sand.u32 @!p0 $0xFF, s10  }
0xab: {  	s8 =	sxor.u32 @!p0 $0x2600, s8;
	s10 =	sshll.u32 @!p0 s10, $0x8;
	s15 =	ssub.s32 s13, s9  }
0xac: {  	[tilespmem:s8], [sflag:$0x1] =	stream.indirect.gather @!p0 [spmem:s17], $0x20, s10, s11, $0xb8;
	[tilespmem:$0xF600] =	vst v63  }
0xad: {  	s8 =	sand.u32 $0xFF, s15;
	_ =	swait.ge [sflag:s6], $0x2000  }
0xae: {  	s18 =	sshll.u32 s12, $0xD;
	s8 =	sshll.u32 s8, $0x8;
	[sflag:s6] =	ssyncset.done $0x0  }
0xaf: {  	s9 =	sor.u32 $0x600, s18;
	s8 =	sadd.s32 $0x300, s8;
	[sflag:s6] =	ssyncadd.s32 $0xFFFFE000  }
0xb0: {  	[spmem:s1] =	stream.indirect.scatter.add.f32 [tilespmem:s9], [sflag:$0x3], $0x20, s8, s5, $0xb8;
	[tilespmem:$0xF600] =	vst v63  }
0xb1: {  	_ =	swait.ge [sflag:s4], $0x2000  }
0xb2: {  	[sflag:s4] =	ssyncset.done $0x0  }
0xb3: {  	[sflag:s4] =	ssyncadd.s32 $0xFFFFE000  }
0xb4: {  	[bflag:$0x0] =	sbarrier.arrive $0xFFFF  }
0xb5: {  	[tilespmem:s0], [sflag:$0x3] =	stream.linear.gather [spmem:s22], $0x1000, $0x38;
	[tilespmem:$0xF600] =	vst v63  }
0xb6: {  	_ =	swait.ge [sflag:s4], $0x1000  }
0xb7: {  	[sflag:s4] =	ssyncset.done $0x0  }
0xb8: {  	s19 =	rddreg [dreg:$0xb];
	[sflag:s4] =	ssyncadd.s32 $0xFFFFF000  }
0xb9: {  	[hbm4b:s19+s3] =	stream.linear.scatter [tilespmem:s0], [sflag:$0x3], $0x1000, $0x38;
	[tilespmem:$0xF600] =	vst v63  }
0xba: {  	_ =	swait.ge [sflag:s4], $0x1000  }
0xbb: {  	[sflag:s4] =	ssyncset.done $0x0  }
0xbc: {  	[sflag:s4] =	ssyncadd.s32 $0xFFFFF000  }
0xbd: {  	[tilespmem:s0], [sflag:$0x3] =	stream.linear.gather [spmem:s24], $0x1000, $0x38;
	[tilespmem:$0xF600] =	vst v63  }
0xbe: {  	_ =	swait.ge [sflag:s4], $0x1000  }
0xbf: {  	[sflag:s4] =	ssyncset.done $0x0  }
0xc0: {  	s23 =	rddreg [dreg:$0xc];
	[sflag:s4] =	ssyncadd.s32 $0xFFFFF000  }
0xc1: {  	[hbm4b:s23+s3] =	stream.linear.scatter [tilespmem:s0], [sflag:$0x3], $0x1000, $0x38;
	[tilespmem:$0xF600] =	vst v63  }
0xc2: {  	_ =	swait.ge [sflag:s4], $0x1000  }
0xc3: {  	[sflag:s4] =	ssyncset.done $0x0  }
0xc4: {  	[sflag:s4] =	ssyncadd.s32 $0xFFFFF000  }
0xc5: {  	[tilespmem:s0], [sflag:$0x3] =	stream.linear.gather [spmem:s26], $0x1000, $0x38;
	[tilespmem:$0xF600] =	vst v63  }
0xc6: {  	_ =	swait.ge [sflag:s4], $0x1000  }
0xc7: {  	[sflag:s4] =	ssyncset.done $0x0  }
0xc8: {  	s25 =	rddreg [dreg:$0xd];
	[sflag:s4] =	ssyncadd.s32 $0xFFFFF000  }
0xc9: {  	[hbm4b:s25+s3] =	stream.linear.scatter [tilespmem:s0], [sflag:$0x3], $0x1000, $0x38;
	[tilespmem:$0xF600] =	vst v63  }
0xca: {  	_ =	swait.ge [sflag:s4], $0x1000  }
0xcb: {  	[sflag:s4] =	ssyncset.done $0x0  }
0xcc: {  	[sflag:s4] =	ssyncadd.s32 $0xFFFFF000  }
0xcd: {  	[tilespmem:s0], [sflag:$0x3] =	stream.linear.gather [spmem:s29], $0x1000, $0x38;
	[tilespmem:$0xF600] =	vst v63  }
0xce: {  	_ =	swait.ge [sflag:s4], $0x1000  }
0xcf: {  	[sflag:s4] =	ssyncset.done $0x0  }
0xd0: {  	s28 =	rddreg [dreg:$0xe];
	[sflag:s4] =	ssyncadd.s32 $0xFFFFF000  }
0xd1: {  	[hbm4b:s28+s3] =	stream.linear.scatter [tilespmem:s0], [sflag:$0x3], $0x1000, $0x38;
	[tilespmem:$0xF600] =	vst v63  }
0xd2: {  	_ =	swait.ge [sflag:s4], $0x1000  }
0xd3: {  	[sflag:s4] =	ssyncset.done $0x0  }
0xd4: {  	[sflag:s4] =	ssyncadd.s32 $0xFFFFF000  }
0xd5: {  	[tilespmem:s0], [sflag:$0x3] =	stream.linear.gather [spmem:s31], $0x1000, $0x38;
	[tilespmem:$0xF600] =	vst v63  }
0xd6: {  	s7 =	sadd.s32 $0x1, s7;
	_ =	swait.ge [sflag:s4], $0x1000  }
0xd7: {  	p0 =	sne.s32 s7, s2;
	[sflag:s4] =	ssyncset.done $0x0  }
.Ltmp1:
0xd8: {  	s30 =	rddreg [dreg:$0xf];
	[sflag:s4] =	ssyncadd.s32 $0xFFFFF000;
	(pc) =	sbr.rel @p0 .LBB2_1-.Ltmp1, $4  }
0xd9: {  	[hbm4b:s30+s3] =	stream.linear.scatter [tilespmem:s0], [sflag:$0x3], $0x1000, $0x38;
	[tilespmem:$0xF600] =	vst v63  }
0xda: {  	_ =	swait.ge [sflag:s4], $0x1000  }
0xdb: {  	[sflag:s4] =	ssyncset.done $0x0  }
0xdc: {  	[sflag:s4] =	ssyncadd.s32 $0xFFFFF000  }
0xdd: {  	_ =	sfence.sel $0x180000  }
0xde: {  	[bflag:$0x0] =	sbarrier.arrive $0xFFFF  }
0xdf: {  	_ =	strace $0x90000050  }
0xe0: {  	s0 =	stileid.u32;
	[bflag:$0x2] =	sbarrier.arrive $0xFFFF  }
0xe1: {  	p0 =	sne.s32 s0, $0x0;
	s0 =	rddreg [dreg:$0x4]  }
0xe2: {  	s0 =	sadd.s32 @!p0 $0x100000, s0  }
0xe3: {  	[sflag:s0] =	ssyncadd.tile.s32 @!p0 $0x1;
	_ =	shalt  }
.Lfunc_end2:
_tile_overlayer_lowered:
.L_overlay_start_2:
0xe4: {  	(tag) =	ssettag $0x2  }
0xe5: {  	s0 =	rddreg [dreg:$0x0];
	s2 =	stileid.u32  }
0xe6: {  	s1 =	rddreg [dreg:$0x1];
	p0 =	sne.s32 s2, $0x0  }
0xe7: {  	s3 =	rddreg [dreg:$0x2];
	[bflag:$0x3] =	sbarrier.arrive $0xFFFF;
	s2 =	simm.s32 @!p0 $0x1C03  }
0xe8: {  	[timem:s3], [sflag:s2] =	dma.local @!p0 [hbm:s0], s1  }
0xe9: {  	s0 =	simm.s32 @!p0 $0x3  }
0xea: {  	_ =	swait.ge @!p0 [sflag:s0], s1  }
0xeb: {  	s1 =	ssub.s32 @!p0 $0x0, s1;
	[sflag:s0] =	ssyncset.done @!p0 $0x0  }
0xec: {  	[sflag:s0] =	ssyncadd.s32 @!p0 s1  }
0xed: {  	[bflag:$0x3] =	sbarrier.arrive $0xFFFF  }
0xee: {  	_ =	shalt  }

</sc_bundles>
